<compile_context>
chip_gen: v7x
topology: tpu7x:2x2x1
jax: 0.10.2.dev20260603
libtpu: 0.0.44.dev20260713+nightly
codegen_flags: <defaults>
</compile_context>

<pallas_src>
import functools
import math

import jax
import jax.numpy as jnp
import numpy as np
from jax import lax
from jax.experimental import pallas as pl
from jax.experimental.pallas import tpu as pltpu
from jax.experimental.pallas import tpu_sc as plsc

_MAX_LEN = 1500
_NC = 2
_NS = 16
_SPLIT = 104
_CHUNK = 32


def _pe_np(max_len: int, d: int) -> np.ndarray:
    position = np.arange(0, max_len, dtype=np.float32)[:, None]
    div_term = np.exp(
        np.arange(0, d, 2, dtype=np.float32) * -(math.log(10000.0) / d)
    )
    pe = np.zeros((max_len, d), dtype=np.float32)
    pe[:, 0::2] = np.sin(position * div_term)
    pe[:, 1::2] = np.cos(position * div_term)
    return pe


def _sc_kernel(idx_flat, table, pe3, bsz, l):
    v, d = table.shape
    la, lb = _SPLIT, l - _SPLIT
    half_rows = la * v
    per_w = bsz // _NS
    nb = 4
    n4 = per_w // nb
    nch = per_w // _CHUNK
    cw = _CHUNK * l
    mesh = plsc.VectorSubcoreMesh(core_axis_name="c", subcore_axis_name="s")

    @functools.partial(
        pl.kernel,
        mesh=mesh,
        out_type=jax.ShapeDtypeStruct((bsz, l, d), jnp.float32),
        scratch_types=[
            pltpu.VMEM((per_w * la + 16,), jnp.int32),
            pltpu.VMEM((2 * cw,), jnp.int32),
            pltpu.VMEM((2 * v, d), jnp.float32),
            pltpu.VMEM((8, 1, d), jnp.float32),
            pltpu.VMEM((v, d), jnp.float32),
            pltpu.VMEM((nb, la, d), jnp.float32),
            pltpu.VMEM_SHARED((half_rows, d), jnp.float32),
        ]
        + [pltpu.SemaphoreType.DMA] * (2 * nb + 1),
    )
    def k(idx_hbm, tab_hbm, pe_hbm, out_hbm, flat_v, ichunk, build_v,
          pe_t, tab_t, rows_v, fused_sp, *sems):
        gsems, wsems, isem = sems[:nb], sems[nb:2 * nb], sems[2 * nb]
        cid = lax.axis_index("c")
        sid = lax.axis_index("s")
        b0 = sid * per_w
        iota = lax.iota(jnp.int32, 16)

        def ichunk_load(c, parity):
            return pltpu.make_async_copy(
                idx_hbm.at[pl.ds((b0 + c * _CHUNK) * l, cw)],
                ichunk.at[pl.ds(parity * cw, cw)],
                isem,
            )

        def run(n_pos, col0, pos0, npb):
            ichunk_load(0, 0).start()

            @pl.when(sid * npb < n_pos)
            def _():
                pltpu.sync_copy(pe_hbm.at[pl.ds(pos0 + sid * npb, 8)], pe_t)
                pltpu.sync_copy(tab_hbm, tab_t)

                for jj in range(npb // 2):
                    for k2 in range(2):
                        pev = [
                            pe_t[jj * 2 + k2, 0, pl.ds(q * 16, 16)]
                            for q in range(d // 16)
                        ]

                        def brow(vv, carry, pev=pev, k2=k2):
                            for q in range(d // 16):
                                build_v[k2 * v + vv, pl.ds(q * 16, 16)] = (
                                    pev[q] + tab_t[vv, pl.ds(q * 16, 16)]
                                )
                            return carry

                        lax.fori_loop(0, v, brow, 0)
                    pltpu.sync_copy(
                        build_v,
                        fused_sp.at[pl.ds((sid * npb + jj * 2) * v, 2 * v)],
                    )

            def flatten(c):
                ib = lax.rem(c, 2) * cw

                def row(r, carry):
                    src = ib + r * l + col0
                    dst = (c * _CHUNK + r) * n_pos
                    for t in range((n_pos + 15) // 16):
                        x = ichunk[pl.ds(src + 16 * t, 16)]
                        flat_v[pl.ds(dst + 16 * t, 16)] = (
                            x + (iota + 16 * t) * v
                        )
                    return carry

                lax.fori_loop(0, _CHUNK, row, 0)

            ichunk_load(0, 0).wait()
            flatten(0)
            ichunk_load(1, 1).start()
            plsc.subcore_barrier()

            def gather(i, b):
                return pltpu.make_async_copy(
                    fused_sp.at[flat_v.at[pl.ds(i * n_pos, n_pos)]],
                    rows_v.at[b, pl.ds(0, n_pos)],
                    gsems[b],
                )

            def write(i, b):
                return pltpu.make_async_copy(
                    rows_v.at[b, pl.ds(0, n_pos)],
                    out_hbm.at[b0 + i, pl.ds(pos0, n_pos)],
                    wsems[b],
                )

            for b in range(nb - 1):
                gather(b, b).start()

            def body(i4, carry):
                @pl.when(lax.rem(i4, _CHUNK // nb) == 0)
                def _():
                    c1 = i4 // (_CHUNK // nb) + 1

                    @pl.when(c1 < nch)
                    def _():
                        ichunk_load(c1, lax.rem(c1, 2)).wait()

                        @pl.when(c1 + 1 < nch)
                        def _():
                            ichunk_load(c1 + 1, lax.rem(c1 + 1, 2)).start()

                @pl.when(i4 + _CHUNK // nb < n4)
                def _():
                    j4 = i4 + _CHUNK // nb
                    par = lax.rem(j4 // (_CHUNK // nb), 2) * cw
                    rl = lax.rem(j4, _CHUNK // nb) * nb
                    for b in range(nb):
                        src = par + (rl + b) * l + col0
                        dst = (j4 * nb + b) * n_pos
                        for t in range((n_pos + 15) // 16):
                            x = ichunk[pl.ds(src + 16 * t, 16)]
                            flat_v[pl.ds(dst + 16 * t, 16)] = (
                                x + (iota + 16 * t) * v
                            )

                for b in range(nb):
                    i = i4 * nb + b
                    gather(i, b).wait()
                    write(i, b).start()
                    bm1 = (b - 1) % nb
                    if b == 0:

                        @pl.when(i4 > 0)
                        def _():
                            write(i - 1, bm1).wait()

                        gather(i + nb - 1, bm1).start()
                    else:
                        write(i - 1, bm1).wait()

                        @pl.when(i4 < n4 - 1)
                        def _():
                            gather(i + nb - 1, bm1).start()

                return carry

            lax.fori_loop(0, n4, body, 0)
            write(per_w - 1, (per_w - 1) % nb).wait()

        @pl.when(cid == 0)
        def _():
            run(la, 0, 0, 8)

        @pl.when(cid == 1)
        def _():
            run(lb, _SPLIT, _SPLIT, 6)

    return k(idx_flat, table, pe3)


def kernel(indices, table):
    b, l = indices.shape
    v, d = table.shape
    pe = jnp.asarray(_pe_np(_MAX_LEN, d)[: l + 8])
    return _sc_kernel(
        indices.reshape(b * l),
        table,
        pe.reshape(l + 8, 1, d),
        b,
        l,
    )

# --- scband reference (transcript-rebuilt; emitter-appended) ---
"""Pipeline reference for scband-seq-encoding-38697655337168 (READ-ONLY COPY).

The authoritative reference and input builder live on the scoring server;
editing this copy changes nothing except your own understanding.
"""

import math
import jax, jax.numpy as jnp
import numpy as np

VOCAB = 28
D = 128
MAX_LEN = 1500
PAD_IDX = 25


def _make_pe(max_len, d_model):
    position = np.arange(0, max_len, dtype=np.float32)[:, None]
    div_term = np.exp(np.arange(0, d_model, 2, dtype=np.float32) * -(math.log(10000.0) / d_model))
    pe = np.zeros((max_len, d_model), dtype=np.float32)
    pe[:, 0::2] = np.sin(position * div_term)
    pe[:, 1::2] = np.cos(position * div_term)
    return jnp.asarray(pe)


PE = _make_pe(MAX_LEN, D)


def setup_inputs(seed: int = 0) -> dict:
    key = jax.random.key(seed)
    k1, k2 = jax.random.split(key)
    indices = jax.random.randint(k1, (4096, 200), 0, VOCAB)
    table = jax.random.normal(k2, (VOCAB, D), dtype=jnp.float32)
    # padding_idx row is zero in nn.Embedding
    table = table.at[PAD_IDX].set(0.0)
    return {"indices": indices.astype(jnp.int32), "table": table}


def reference(indices, table):
    # Token embedding lookup (nn.Embedding gather)
    x = jnp.take(table, indices, axis=0)  # [B, L, D]
    # PositionalEncoding: add fixed sinusoidal PE (no grad), dropout = identity in eval
    L = x.shape[1]
    x = x + PE[:L][None, :, :]
    # final dropout = identity in eval mode
    return x

if __name__ == "__main__":
    import jax
    _d = setup_inputs()
    print(jax.jit(kernel)(*tuple(_d.values())))

</pallas_src>

<mosaic_0001>
#map = affine_map<(d0, d1) -> (0)>
#map1 = affine_map<(d0, d1) -> (0, 0)>
#map2 = affine_map<(d0, d1) -> (0, 0, 0)>
module attributes {stable_mosaic.version = 14 : i64} {
  func.func @k(%arg0: i32, %arg1: i32, %arg2: memref<819200xi32, #tpu.memory_space<hbm>>, %arg3: memref<28x128xf32, #tpu.memory_space<hbm>>, %arg4: memref<208x1x128xf32, #tpu.memory_space<hbm>>, %arg5: memref<4096x200x128xf32, #tpu.memory_space<hbm>>, %arg6: memref<26640xi32, #tpu.memory_space<vmem>>, %arg7: memref<12800xi32, #tpu.memory_space<vmem>>, %arg8: memref<56x128xf32, #tpu.memory_space<vmem>>, %arg9: memref<8x1x128xf32, #tpu.memory_space<vmem>>, %arg10: memref<28x128xf32, #tpu.memory_space<vmem>>, %arg11: memref<4x104x128xf32, #tpu.memory_space<vmem>>, %arg12: memref<2912x128xf32, #tpu.memory_space<vmem_shared>>, %arg13: memref<!tpu.dma_semaphore, #tpu.memory_space<semaphore_mem>>, %arg14: memref<!tpu.dma_semaphore, #tpu.memory_space<semaphore_mem>>, %arg15: memref<!tpu.dma_semaphore, #tpu.memory_space<semaphore_mem>>, %arg16: memref<!tpu.dma_semaphore, #tpu.memory_space<semaphore_mem>>, %arg17: memref<!tpu.dma_semaphore, #tpu.memory_space<semaphore_mem>>, %arg18: memref<!tpu.dma_semaphore, #tpu.memory_space<semaphore_mem>>, %arg19: memref<!tpu.dma_semaphore, #tpu.memory_space<semaphore_mem>>, %arg20: memref<!tpu.dma_semaphore, #tpu.memory_space<semaphore_mem>>, %arg21: memref<!tpu.dma_semaphore, #tpu.memory_space<semaphore_mem>>) attributes {dimension_semantics = [#tpu.dimension_semantics<core_parallel>, #tpu.dimension_semantics<subcore_parallel>], iteration_bounds = array<i64: 2, 16>, scalar_prefetch = 0 : i64, scratch_operands = 16 : i64, tpu.core_type = #tpu.core_type<sc_vector_subcore>, window_params = [{transform_indices = #map}, {transform_indices = #map1}, {transform_indices = #map2}, {transform_indices = #map2}]} {
    %mul3A = arith.constant 256 : i32
    %mul3A_0 = arith.muli %arg1, %mul3A : i32
    %iota3A = tpu.iota {dimensions = array<i32: 0>} : vector<16xi32>
    %eq3A = arith.constant 0 : i32
    %eq3A_1 = arith.cmpi eq, %arg0, %eq3A : i32
    %convert_element_type3A = arith.extui %eq3A_1 : i1 to i32
    %cond3A = arith.constant 0 : i32
    %cond3A_2 = arith.cmpi ne, %convert_element_type3A, %cond3A : i32
    scf.if %cond3A_2 {
      %add3A = arith.constant 0 : i32
      %add3A_8 = arith.addi %mul3A_0, %add3A : i32
      %mul3A_9 = arith.constant 200 : i32
      %mul3A_10 = arith.muli %add3A_8, %mul3A_9 : i32
      %dma_start3A = arith.constant 0 : i32
      %dma_start3A_11 = tpu.memref_slice %arg7[%dma_start3A] : memref<12800xi32, #tpu.memory_space<vmem>> -> memref<6400xi32, #tpu.memory_space<vmem>>
      %dma_start3A_12 = tpu.memref_slice %arg2[%mul3A_10] : memref<819200xi32, #tpu.memory_space<hbm>> -> memref<6400xi32, #tpu.memory_space<hbm>>
      %dma_start3A_13 = arith.constant 0 : i32
      %dma_start3A_14 = tpu.memref_slice %arg7[%dma_start3A_13] : memref<12800xi32, #tpu.memory_space<vmem>> -> memref<6400xi32, #tpu.memory_space<vmem>>
      %dma_start3A_15 = tpu.memref_slice %arg2[%mul3A_10] : memref<819200xi32, #tpu.memory_space<hbm>> -> memref<6400xi32, #tpu.memory_space<hbm>>
      tpu.enqueue_dma source(%dma_start3A_15 : memref<6400xi32, #tpu.memory_space<hbm>>) target(%dma_start3A_14 : memref<6400xi32, #tpu.memory_space<vmem>>) target_semaphore(%arg21 : memref<!tpu.dma_semaphore, #tpu.memory_space<semaphore_mem>>)
      %mul3A_16 = arith.constant 8 : i32
      %mul3A_17 = arith.muli %arg1, %mul3A_16 : i32
      %lt3A = arith.constant 104 : i32
      %lt3A_18 = arith.cmpi slt, %mul3A_17, %lt3A : i32
      %convert_element_type3A_19 = arith.extui %lt3A_18 : i1 to i32
      %cond3A_20 = arith.constant 0 : i32
      %cond3A_21 = arith.cmpi ne, %convert_element_type3A_19, %cond3A_20 : i32
      scf.if %cond3A_21 {
        %mul3A_105 = arith.constant 8 : i32
        %mul3A_106 = arith.muli %arg1, %mul3A_105 : i32
        %add3A_107 = arith.constant 0 : i32
        %add3A_108 = arith.addi %add3A_107, %mul3A_106 : i32
        "tpu.region"() ({
          %run_scoped3A = tpu.sem_alloc : memref<!tpu.dma_semaphore, #tpu.memory_space<semaphore_mem>>
          %dma_start3A_628 = arith.constant 0 : i32
          %dma_start3A_629 = arith.constant 0 : i32
          %dma_start3A_630 = tpu.memref_slice %arg4[%add3A_108, %dma_start3A_628, %dma_start3A_629] : memref<208x1x128xf32, #tpu.memory_space<hbm>> -> memref<8x1x128xf32, #tpu.memory_space<hbm>>
          %dma_start3A_631 = arith.constant 0 : i32
          %dma_start3A_632 = arith.constant 0 : i32
          %dma_start3A_633 = tpu.memref_slice %arg4[%add3A_108, %dma_start3A_631, %dma_start3A_632] : memref<208x1x128xf32, #tpu.memory_space<hbm>> -> memref<8x1x128xf32, #tpu.memory_space<hbm>>
          tpu.enqueue_dma source(%dma_start3A_633 : memref<8x1x128xf32, #tpu.memory_space<hbm>>) target(%arg9 : memref<8x1x128xf32, #tpu.memory_space<vmem>>) target_semaphore(%run_scoped3A : memref<!tpu.dma_semaphore, #tpu.memory_space<semaphore_mem>>)
          %dma_wait3A_634 = arith.constant 0 : i32
          %dma_wait3A_635 = arith.constant 0 : i32
          %dma_wait3A_636 = tpu.memref_slice %arg4[%add3A_108, %dma_wait3A_634, %dma_wait3A_635] : memref<208x1x128xf32, #tpu.memory_space<hbm>> -> memref<8x1x128xf32, #tpu.memory_space<hbm>>
          %dma_wait3A_637 = arith.constant 0 : i32
          %dma_wait3A_638 = arith.constant 0 : i32
          %dma_wait3A_639 = tpu.memref_slice %arg4[%add3A_108, %dma_wait3A_637, %dma_wait3A_638] : memref<208x1x128xf32, #tpu.memory_space<hbm>> -> memref<8x1x128xf32, #tpu.memory_space<hbm>>
          tpu.wait_dma2 semaphore(%run_scoped3A : memref<!tpu.dma_semaphore, #tpu.memory_space<semaphore_mem>>) src(%dma_wait3A_639 : memref<8x1x128xf32, #tpu.memory_space<hbm>>) dst(%arg9 : memref<8x1x128xf32, #tpu.memory_space<vmem>>)
          tpu.yield
        }) : () -> ()
        "tpu.region"() ({
          %run_scoped3A = tpu.sem_alloc : memref<!tpu.dma_semaphore, #tpu.memory_space<semaphore_mem>>
          tpu.enqueue_dma source(%arg3 : memref<28x128xf32, #tpu.memory_space<hbm>>) target(%arg10 : memref<28x128xf32, #tpu.memory_space<vmem>>) target_semaphore(%run_scoped3A : memref<!tpu.dma_semaphore, #tpu.memory_space<semaphore_mem>>)
          tpu.wait_dma2 semaphore(%run_scoped3A : memref<!tpu.dma_semaphore, #tpu.memory_space<semaphore_mem>>) src(%arg3 : memref<28x128xf32, #tpu.memory_space<hbm>>) dst(%arg10 : memref<28x128xf32, #tpu.memory_space<vmem>>)
          tpu.yield
        }) : () -> ()
        %get3A = arith.constant 0 : i32
        %get3A_109 = arith.constant 0 : i32
        %get3A_110 = arith.index_cast %get3A : i32 to index
        %get3A_111 = arith.index_cast %get3A_109 : i32 to index
        %get3A_112 = arith.constant 0 : index
        %get3A_113 = tpu.vector_load %arg9[%get3A_110, %get3A_111, %get3A_112] {strides = array<i32>} : memref<8x1x128xf32, #tpu.memory_space<vmem>>, vector<1x1x16xf32>,
        %get3A_114 = vector.shape_cast %get3A_113 : vector<1x1x16xf32> to vector<16xf32>
        %get3A_115 = arith.constant 0 : i32
        %get3A_116 = arith.constant 0 : i32
        %get3A_117 = arith.index_cast %get3A_115 : i32 to index
        %get3A_118 = arith.index_cast %get3A_116 : i32 to index
        %get3A_119 = arith.constant 16 : index
        %get3A_120 = tpu.vector_load %arg9[%get3A_117, %get3A_118, %get3A_119] {strides = array<i32>} : memref<8x1x128xf32, #tpu.memory_space<vmem>>, vector<1x1x16xf32>,
        %get3A_121 = vector.shape_cast %get3A_120 : vector<1x1x16xf32> to vector<16xf32>
        %get3A_122 = arith.constant 0 : i32
        %get3A_123 = arith.constant 0 : i32
        %get3A_124 = arith.index_cast %get3A_122 : i32 to index
        %get3A_125 = arith.index_cast %get3A_123 : i32 to index
        %get3A_126 = arith.constant 32 : index
        %get3A_127 = tpu.vector_load %arg9[%get3A_124, %get3A_125, %get3A_126] {strides = array<i32>} : memref<8x1x128xf32, #tpu.memory_space<vmem>>, vector<1x1x16xf32>,
        %get3A_128 = vector.shape_cast %get3A_127 : vector<1x1x16xf32> to vector<16xf32>
        %get3A_129 = arith.constant 0 : i32
        %get3A_130 = arith.constant 0 : i32
        %get3A_131 = arith.index_cast %get3A_129 : i32 to index
        %get3A_132 = arith.index_cast %get3A_130 : i32 to index
        %get3A_133 = arith.constant 48 : index
        %get3A_134 = tpu.vector_load %arg9[%get3A_131, %get3A_132, %get3A_133] {strides = array<i32>} : memref<8x1x128xf32, #tpu.memory_space<vmem>>, vector<1x1x16xf32>,
        %get3A_135 = vector.shape_cast %get3A_134 : vector<1x1x16xf32> to vector<16xf32>
        %get3A_136 = arith.constant 0 : i32
        %get3A_137 = arith.constant 0 : i32
        %get3A_138 = arith.index_cast %get3A_136 : i32 to index
        %get3A_139 = arith.index_cast %get3A_137 : i32 to index
        %get3A_140 = arith.constant 64 : index
        %get3A_141 = tpu.vector_load %arg9[%get3A_138, %get3A_139, %get3A_140] {strides = array<i32>} : memref<8x1x128xf32, #tpu.memory_space<vmem>>, vector<1x1x16xf32>,
        %get3A_142 = vector.shape_cast %get3A_141 : vector<1x1x16xf32> to vector<16xf32>
        %get3A_143 = arith.constant 0 : i32
        %get3A_144 = arith.constant 0 : i32
        %get3A_145 = arith.index_cast %get3A_143 : i32 to index
        %get3A_146 = arith.index_cast %get3A_144 : i32 to index
        %get3A_147 = arith.constant 80 : index
        %get3A_148 = tpu.vector_load %arg9[%get3A_145, %get3A_146, %get3A_147] {strides = array<i32>} : memref<8x1x128xf32, #tpu.memory_space<vmem>>, vector<1x1x16xf32>,
        %get3A_149 = vector.shape_cast %get3A_148 : vector<1x1x16xf32> to vector<16xf32>
        %get3A_150 = arith.constant 0 : i32
        %get3A_151 = arith.constant 0 : i32
        %get3A_152 = arith.index_cast %get3A_150 : i32 to index
        %get3A_153 = arith.index_cast %get3A_151 : i32 to index
        %get3A_154 = arith.constant 96 : index
        %get3A_155 = tpu.vector_load %arg9[%get3A_152, %get3A_153, %get3A_154] {strides = array<i32>} : memref<8x1x128xf32, #tpu.memory_space<vmem>>, vector<1x1x16xf32>,
        %get3A_156 = vector.shape_cast %get3A_155 : vector<1x1x16xf32> to vector<16xf32>
        %get3A_157 = arith.constant 0 : i32
        %get3A_158 = arith.constant 0 : i32
        %get3A_159 = arith.index_cast %get3A_157 : i32 to index
        %get3A_160 = arith.index_cast %get3A_158 : i32 to index
        %get3A_161 = arith.constant 112 : index
        %get3A_162 = tpu.vector_load %arg9[%get3A_159, %get3A_160, %get3A_161] {strides = array<i32>} : memref<8x1x128xf32, #tpu.memory_space<vmem>>, vector<1x1x16xf32>,
        %get3A_163 = vector.shape_cast %get3A_162 : vector<1x1x16xf32> to vector<16xf32>
        %scan3A_164 = arith.constant 0 : i32
        %scan3A_165 = arith.constant 0 : i32
        %scan3A_166 = arith.constant 28 : i32
        %scan3A_167 = arith.addi %scan3A_165, %scan3A_166 : i32
        %scan3A_168 = arith.constant 1 : i32
        scf.for %scan3A_628 = %scan3A_165 to %scan3A_167 step %scan3A_168  : i32 {
          %get3A_629 = arith.index_cast %scan3A_628 : i32 to index
          %get3A_630 = arith.constant 0 : index
          %get3A_631 = tpu.vector_load %arg10[%get3A_629, %get3A_630] {strides = array<i32>} : memref<28x128xf32, #tpu.memory_space<vmem>>, vector<1x16xf32>,
          %get3A_632 = vector.shape_cast %get3A_631 : vector<1x16xf32> to vector<16xf32>
          %add3A_633 = arith.addf %get3A_114, %get3A_632 : vector<16xf32>
          %add3A_634 = arith.constant 0 : i32
          %add3A_635 = arith.addi %add3A_634, %scan3A_628 : i32
          %swap3A = arith.index_cast %add3A_635 : i32 to index
          %swap3A_636 = arith.constant 0 : index
          %swap3A_637 = tpu.vector_load %arg8[%swap3A, %swap3A_636] {strides = array<i32>} : memref<56x128xf32, #tpu.memory_space<vmem>>, vector<1x16xf32>,
          %swap3A_638 = vector.shape_cast %swap3A_637 : vector<1x16xf32> to vector<16xf32>
          %swap3A_639 = vector.shape_cast %add3A_633 : vector<16xf32> to vector<1x16xf32>
          tpu.vector_store %arg8[%swap3A, %swap3A_636], %swap3A_639 {strides = array<i32>} : memref<56x128xf32, #tpu.memory_space<vmem>>, vector<1x16xf32>,
          %get3A_640 = arith.index_cast %scan3A_628 : i32 to index
          %get3A_641 = arith.constant 16 : index
          %get3A_642 = tpu.vector_load %arg10[%get3A_640, %get3A_641] {strides = array<i32>} : memref<28x128xf32, #tpu.memory_space<vmem>>, vector<1x16xf32>,
          %get3A_643 = vector.shape_cast %get3A_642 : vector<1x16xf32> to vector<16xf32>
          %add3A_644 = arith.addf %get3A_121, %get3A_643 : vector<16xf32>
          %add3A_645 = arith.constant 0 : i32
          %add3A_646 = arith.addi %add3A_645, %scan3A_628 : i32
          %swap3A_647 = arith.index_cast %add3A_646 : i32 to index
          %swap3A_648 = arith.constant 16 : index
          %swap3A_649 = tpu.vector_load %arg8[%swap3A_647, %swap3A_648] {strides = array<i32>} : memref<56x128xf32, #tpu.memory_space<vmem>>, vector<1x16xf32>,
          %swap3A_650 = vector.shape_cast %swap3A_649 : vector<1x16xf32> to vector<16xf32>
          %swap3A_651 = vector.shape_cast %add3A_644 : vector<16xf32> to vector<1x16xf32>
          tpu.vector_store %arg8[%swap3A_647, %swap3A_648], %swap3A_651 {strides = array<i32>} : memref<56x128xf32, #tpu.memory_space<vmem>>, vector<1x16xf32>,
          %get3A_652 = arith.index_cast %scan3A_628 : i32 to index
          %get3A_653 = arith.constant 32 : index
          %get3A_654 = tpu.vector_load %arg10[%get3A_652, %get3A_653] {strides = array<i32>} : memref<28x128xf32, #tpu.memory_space<vmem>>, vector<1x16xf32>,
          %get3A_655 = vector.shape_cast %get3A_654 : vector<1x16xf32> to vector<16xf32>
          %add3A_656 = arith.addf %get3A_128, %get3A_655 : vector<16xf32>
          %add3A_657 = arith.constant 0 : i32
          %add3A_658 = arith.addi %add3A_657, %scan3A_628 : i32
          %swap3A_659 = arith.index_cast %add3A_658 : i32 to index
          %swap3A_660 = arith.constant 32 : index
          %swap3A_661 = tpu.vector_load %arg8[%swap3A_659, %swap3A_660] {strides = array<i32>} : memref<56x128xf32, #tpu.memory_space<vmem>>, vector<1x16xf32>,
          %swap3A_662 = vector.shape_cast %swap3A_661 : vector<1x16xf32> to vector<16xf32>
          %swap3A_663 = vector.shape_cast %add3A_656 : vector<16xf32> to vector<1x16xf32>
          tpu.vector_store %arg8[%swap3A_659, %swap3A_660], %swap3A_663 {strides = array<i32>} : memref<56x128xf32, #tpu.memory_space<vmem>>, vector<1x16xf32>,
          %get3A_664 = arith.index_cast %scan3A_628 : i32 to index
          %get3A_665 = arith.constant 48 : index
          %get3A_666 = tpu.vector_load %arg10[%get3A_664, %get3A_665] {strides = array<i32>} : memref<28x128xf32, #tpu.memory_space<vmem>>, vector<1x16xf32>,
          %get3A_667 = vector.shape_cast %get3A_666 : vector<1x16xf32> to vector<16xf32>
          %add3A_668 = arith.addf %get3A_135, %get3A_667 : vector<16xf32>
          %add3A_669 = arith.constant 0 : i32
          %add3A_670 = arith.addi %add3A_669, %scan3A_628 : i32
          %swap3A_671 = arith.index_cast %add3A_670 : i32 to index
          %swap3A_672 = arith.constant 48 : index
          %swap3A_673 = tpu.vector_load %arg8[%swap3A_671, %swap3A_672] {strides = array<i32>} : memref<56x128xf32, #tpu.memory_space<vmem>>, vector<1x16xf32>,
          %swap3A_674 = vector.shape_cast %swap3A_673 : vector<1x16xf32> to vector<16xf32>
          %swap3A_675 = vector.shape_cast %add3A_668 : vector<16xf32> to vector<1x16xf32>
          tpu.vector_store %arg8[%swap3A_671, %swap3A_672], %swap3A_675 {strides = array<i32>} : memref<56x128xf32, #tpu.memory_space<vmem>>, vector<1x16xf32>,
          %get3A_676 = arith.index_cast %scan3A_628 : i32 to index
          %get3A_677 = arith.constant 64 : index
          %get3A_678 = tpu.vector_load %arg10[%get3A_676, %get3A_677] {strides = array<i32>} : memref<28x128xf32, #tpu.memory_space<vmem>>, vector<1x16xf32>,
          %get3A_679 = vector.shape_cast %get3A_678 : vector<1x16xf32> to vector<16xf32>
          %add3A_680 = arith.addf %get3A_142, %get3A_679 : vector<16xf32>
          %add3A_681 = arith.constant 0 : i32
          %add3A_682 = arith.addi %add3A_681, %scan3A_628 : i32
          %swap3A_683 = arith.index_cast %add3A_682 : i32 to index
          %swap3A_684 = arith.constant 64 : index
          %swap3A_685 = tpu.vector_load %arg8[%swap3A_683, %swap3A_684] {strides = array<i32>} : memref<56x128xf32, #tpu.memory_space<vmem>>, vector<1x16xf32>,
          %swap3A_686 = vector.shape_cast %swap3A_685 : vector<1x16xf32> to vector<16xf32>
          %swap3A_687 = vector.shape_cast %add3A_680 : vector<16xf32> to vector<1x16xf32>
          tpu.vector_store %arg8[%swap3A_683, %swap3A_684], %swap3A_687 {strides = array<i32>} : memref<56x128xf32, #tpu.memory_space<vmem>>, vector<1x16xf32>,
          %get3A_688 = arith.index_cast %scan3A_628 : i32 to index
          %get3A_689 = arith.constant 80 : index
          %get3A_690 = tpu.vector_load %arg10[%get3A_688, %get3A_689] {strides = array<i32>} : memref<28x128xf32, #tpu.memory_space<vmem>>, vector<1x16xf32>,
          %get3A_691 = vector.shape_cast %get3A_690 : vector<1x16xf32> to vector<16xf32>
          %add3A_692 = arith.addf %get3A_149, %get3A_691 : vector<16xf32>
          %add3A_693 = arith.constant 0 : i32
          %add3A_694 = arith.addi %add3A_693, %scan3A_628 : i32
          %swap3A_695 = arith.index_cast %add3A_694 : i32 to index
          %swap3A_696 = arith.constant 80 : index
          %swap3A_697 = tpu.vector_load %arg8[%swap3A_695, %swap3A_696] {strides = array<i32>} : memref<56x128xf32, #tpu.memory_space<vmem>>, vector<1x16xf32>,
          %swap3A_698 = vector.shape_cast %swap3A_697 : vector<1x16xf32> to vector<16xf32>
          %swap3A_699 = vector.shape_cast %add3A_692 : vector<16xf32> to vector<1x16xf32>
          tpu.vector_store %arg8[%swap3A_695, %swap3A_696], %swap3A_699 {strides = array<i32>} : memref<56x128xf32, #tpu.memory_space<vmem>>, vector<1x16xf32>,
          %get3A_700 = arith.index_cast %scan3A_628 : i32 to index
          %get3A_701 = arith.constant 96 : index
          %get3A_702 = tpu.vector_load %arg10[%get3A_700, %get3A_701] {strides = array<i32>} : memref<28x128xf32, #tpu.memory_space<vmem>>, vector<1x16xf32>,
          %get3A_703 = vector.shape_cast %get3A_702 : vector<1x16xf32> to vector<16xf32>
          %add3A_704 = arith.addf %get3A_156, %get3A_703 : vector<16xf32>
          %add3A_705 = arith.constant 0 : i32
          %add3A_706 = arith.addi %add3A_705, %scan3A_628 : i32
          %swap3A_707 = arith.index_cast %add3A_706 : i32 to index
          %swap3A_708 = arith.constant 96 : index
          %swap3A_709 = tpu.vector_load %arg8[%swap3A_707, %swap3A_708] {strides = array<i32>} : memref<56x128xf32, #tpu.memory_space<vmem>>, vector<1x16xf32>,
          %swap3A_710 = vector.shape_cast %swap3A_709 : vector<1x16xf32> to vector<16xf32>
          %swap3A_711 = vector.shape_cast %add3A_704 : vector<16xf32> to vector<1x16xf32>
          tpu.vector_store %arg8[%swap3A_707, %swap3A_708], %swap3A_711 {strides = array<i32>} : memref<56x128xf32, #tpu.memory_space<vmem>>, vector<1x16xf32>,
          %get3A_712 = arith.index_cast %scan3A_628 : i32 to index
          %get3A_713 = arith.constant 112 : index
          %get3A_714 = tpu.vector_load %arg10[%get3A_712, %get3A_713] {strides = array<i32>} : memref<28x128xf32, #tpu.memory_space<vmem>>, vector<1x16xf32>,
          %get3A_715 = vector.shape_cast %get3A_714 : vector<1x16xf32> to vector<16xf32>
          %add3A_716 = arith.addf %get3A_163, %get3A_715 : vector<16xf32>
          %add3A_717 = arith.constant 0 : i32
          %add3A_718 = arith.addi %add3A_717, %scan3A_628 : i32
          %swap3A_719 = arith.index_cast %add3A_718 : i32 to index
          %swap3A_720 = arith.constant 112 : index
          %swap3A_721 = tpu.vector_load %arg8[%swap3A_719, %swap3A_720] {strides = array<i32>} : memref<56x128xf32, #tpu.memory_space<vmem>>, vector<1x16xf32>,
          %swap3A_722 = vector.shape_cast %swap3A_721 : vector<1x16xf32> to vector<16xf32>
          %swap3A_723 = vector.shape_cast %add3A_716 : vector<16xf32> to vector<1x16xf32>
          tpu.vector_store %arg8[%swap3A_719, %swap3A_720], %swap3A_723 {strides = array<i32>} : memref<56x128xf32, #tpu.memory_space<vmem>>, vector<1x16xf32>,
        }
        %scan3A_169 = arith.constant 28 : i32
        %get3A_170 = arith.constant 1 : i32
        %get3A_171 = arith.constant 0 : i32
        %get3A_172 = arith.index_cast %get3A_170 : i32 to index
        %get3A_173 = arith.index_cast %get3A_171 : i32 to index
        %get3A_174 = arith.constant 0 : index
        %get3A_175 = tpu.vector_load %arg9[%get3A_172, %get3A_173, %get3A_174] {strides = array<i32>} : memref<8x1x128xf32, #tpu.memory_space<vmem>>, vector<1x1x16xf32>,
        %get3A_176 = vector.shape_cast %get3A_175 : vector<1x1x16xf32> to vector<16xf32>
        %get3A_177 = arith.constant 1 : i32
        %get3A_178 = arith.constant 0 : i32
        %get3A_179 = arith.index_cast %get3A_177 : i32 to index
        %get3A_180 = arith.index_cast %get3A_178 : i32 to index
        %get3A_181 = arith.constant 16 : index
        %get3A_182 = tpu.vector_load %arg9[%get3A_179, %get3A_180, %get3A_181] {strides = array<i32>} : memref<8x1x128xf32, #tpu.memory_space<vmem>>, vector<1x1x16xf32>,
        %get3A_183 = vector.shape_cast %get3A_182 : vector<1x1x16xf32> to vector<16xf32>
        %get3A_184 = arith.constant 1 : i32
        %get3A_185 = arith.constant 0 : i32
        %get3A_186 = arith.index_cast %get3A_184 : i32 to index
        %get3A_187 = arith.index_cast %get3A_185 : i32 to index
        %get3A_188 = arith.constant 32 : index
        %get3A_189 = tpu.vector_load %arg9[%get3A_186, %get3A_187, %get3A_188] {strides = array<i32>} : memref<8x1x128xf32, #tpu.memory_space<vmem>>, vector<1x1x16xf32>,
        %get3A_190 = vector.shape_cast %get3A_189 : vector<1x1x16xf32> to vector<16xf32>
        %get3A_191 = arith.constant 1 : i32
        %get3A_192 = arith.constant 0 : i32
        %get3A_193 = arith.index_cast %get3A_191 : i32 to index
        %get3A_194 = arith.index_cast %get3A_192 : i32 to index
        %get3A_195 = arith.constant 48 : index
        %get3A_196 = tpu.vector_load %arg9[%get3A_193, %get3A_194, %get3A_195] {strides = array<i32>} : memref<8x1x128xf32, #tpu.memory_space<vmem>>, vector<1x1x16xf32>,
        %get3A_197 = vector.shape_cast %get3A_196 : vector<1x1x16xf32> to vector<16xf32>
        %get3A_198 = arith.constant 1 : i32
        %get3A_199 = arith.constant 0 : i32
        %get3A_200 = arith.index_cast %get3A_198 : i32 to index
        %get3A_201 = arith.index_cast %get3A_199 : i32 to index
        %get3A_202 = arith.constant 64 : index
        %get3A_203 = tpu.vector_load %arg9[%get3A_200, %get3A_201, %get3A_202] {strides = array<i32>} : memref<8x1x128xf32, #tpu.memory_space<vmem>>, vector<1x1x16xf32>,
        %get3A_204 = vector.shape_cast %get3A_203 : vector<1x1x16xf32> to vector<16xf32>
        %get3A_205 = arith.constant 1 : i32
        %get3A_206 = arith.constant 0 : i32
        %get3A_207 = arith.index_cast %get3A_205 : i32 to index
        %get3A_208 = arith.index_cast %get3A_206 : i32 to index
        %get3A_209 = arith.constant 80 : index
        %get3A_210 = tpu.vector_load %arg9[%get3A_207, %get3A_208, %get3A_209] {strides = array<i32>} : memref<8x1x128xf32, #tpu.memory_space<vmem>>, vector<1x1x16xf32>,
        %get3A_211 = vector.shape_cast %get3A_210 : vector<1x1x16xf32> to vector<16xf32>
        %get3A_212 = arith.constant 1 : i32
        %get3A_213 = arith.constant 0 : i32
        %get3A_214 = arith.index_cast %get3A_212 : i32 to index
        %get3A_215 = arith.index_cast %get3A_213 : i32 to index
        %get3A_216 = arith.constant 96 : index
        %get3A_217 = tpu.vector_load %arg9[%get3A_214, %get3A_215, %get3A_216] {strides = array<i32>} : memref<8x1x128xf32, #tpu.memory_space<vmem>>, vector<1x1x16xf32>,
        %get3A_218 = vector.shape_cast %get3A_217 : vector<1x1x16xf32> to vector<16xf32>
        %get3A_219 = arith.constant 1 : i32
        %get3A_220 = arith.constant 0 : i32
        %get3A_221 = arith.index_cast %get3A_219 : i32 to index
        %get3A_222 = arith.index_cast %get3A_220 : i32 to index
        %get3A_223 = arith.constant 112 : index
        %get3A_224 = tpu.vector_load %arg9[%get3A_221, %get3A_222, %get3A_223] {strides = array<i32>} : memref<8x1x128xf32, #tpu.memory_space<vmem>>, vector<1x1x16xf32>,
        %get3A_225 = vector.shape_cast %get3A_224 : vector<1x1x16xf32> to vector<16xf32>
        %scan3A_226 = arith.constant 0 : i32
        %scan3A_227 = arith.constant 0 : i32
        %scan3A_228 = arith.constant 28 : i32
        %scan3A_229 = arith.addi %scan3A_227, %scan3A_228 : i32
        %scan3A_230 = arith.constant 1 : i32
        scf.for %scan3A_628 = %scan3A_227 to %scan3A_229 step %scan3A_230  : i32 {
          %get3A_629 = arith.index_cast %scan3A_628 : i32 to index
          %get3A_630 = arith.constant 0 : index
          %get3A_631 = tpu.vector_load %arg10[%get3A_629, %get3A_630] {strides = array<i32>} : memref<28x128xf32, #tpu.memory_space<vmem>>, vector<1x16xf32>,
          %get3A_632 = vector.shape_cast %get3A_631 : vector<1x16xf32> to vector<16xf32>
          %add3A_633 = arith.addf %get3A_176, %get3A_632 : vector<16xf32>
          %add3A_634 = arith.constant 28 : i32
          %add3A_635 = arith.addi %add3A_634, %scan3A_628 : i32
          %swap3A = arith.index_cast %add3A_635 : i32 to index
          %swap3A_636 = arith.constant 0 : index
          %swap3A_637 = tpu.vector_load %arg8[%swap3A, %swap3A_636] {strides = array<i32>} : memref<56x128xf32, #tpu.memory_space<vmem>>, vector<1x16xf32>,
          %swap3A_638 = vector.shape_cast %swap3A_637 : vector<1x16xf32> to vector<16xf32>
          %swap3A_639 = vector.shape_cast %add3A_633 : vector<16xf32> to vector<1x16xf32>
          tpu.vector_store %arg8[%swap3A, %swap3A_636], %swap3A_639 {strides = array<i32>} : memref<56x128xf32, #tpu.memory_space<vmem>>, vector<1x16xf32>,
          %get3A_640 = arith.index_cast %scan3A_628 : i32 to index
          %get3A_641 = arith.constant 16 : index
          %get3A_642 = tpu.vector_load %arg10[%get3A_640, %get3A_641] {strides = array<i32>} : memref<28x128xf32, #tpu.memory_space<vmem>>, vector<1x16xf32>,
          %get3A_643 = vector.shape_cast %get3A_642 : vector<1x16xf32> to vector<16xf32>
          %add3A_644 = arith.addf %get3A_183, %get3A_643 : vector<16xf32>
          %add3A_645 = arith.constant 28 : i32
          %add3A_646 = arith.addi %add3A_645, %scan3A_628 : i32
          %swap3A_647 = arith.index_cast %add3A_646 : i32 to index
          %swap3A_648 = arith.constant 16 : index
          %swap3A_649 = tpu.vector_load %arg8[%swap3A_647, %swap3A_648] {strides = array<i32>} : memref<56x128xf32, #tpu.memory_space<vmem>>, vector<1x16xf32>,
          %swap3A_650 = vector.shape_cast %swap3A_649 : vector<1x16xf32> to vector<16xf32>
          %swap3A_651 = vector.shape_cast %add3A_644 : vector<16xf32> to vector<1x16xf32>
          tpu.vector_store %arg8[%swap3A_647, %swap3A_648], %swap3A_651 {strides = array<i32>} : memref<56x128xf32, #tpu.memory_space<vmem>>, vector<1x16xf32>,
          %get3A_652 = arith.index_cast %scan3A_628 : i32 to index
          %get3A_653 = arith.constant 32 : index
          %get3A_654 = tpu.vector_load %arg10[%get3A_652, %get3A_653] {strides = array<i32>} : memref<28x128xf32, #tpu.memory_space<vmem>>, vector<1x16xf32>,
          %get3A_655 = vector.shape_cast %get3A_654 : vector<1x16xf32> to vector<16xf32>
          %add3A_656 = arith.addf %get3A_190, %get3A_655 : vector<16xf32>
          %add3A_657 = arith.constant 28 : i32
          %add3A_658 = arith.addi %add3A_657, %scan3A_628 : i32
          %swap3A_659 = arith.index_cast %add3A_658 : i32 to index
          %swap3A_660 = arith.constant 32 : index
          %swap3A_661 = tpu.vector_load %arg8[%swap3A_659, %swap3A_660] {strides = array<i32>} : memref<56x128xf32, #tpu.memory_space<vmem>>, vector<1x16xf32>,
          %swap3A_662 = vector.shape_cast %swap3A_661 : vector<1x16xf32> to vector<16xf32>
          %swap3A_663 = vector.shape_cast %add3A_656 : vector<16xf32> to vector<1x16xf32>
          tpu.vector_store %arg8[%swap3A_659, %swap3A_660], %swap3A_663 {strides = array<i32>} : memref<56x128xf32, #tpu.memory_space<vmem>>, vector<1x16xf32>,
          %get3A_664 = arith.index_cast %scan3A_628 : i32 to index
          %get3A_665 = arith.constant 48 : index
          %get3A_666 = tpu.vector_load %arg10[%get3A_664, %get3A_665] {strides = array<i32>} : memref<28x128xf32, #tpu.memory_space<vmem>>, vector<1x16xf32>,
          %get3A_667 = vector.shape_cast %get3A_666 : vector<1x16xf32> to vector<16xf32>
          %add3A_668 = arith.addf %get3A_197, %get3A_667 : vector<16xf32>
          %add3A_669 = arith.constant 28 : i32
          %add3A_670 = arith.addi %add3A_669, %scan3A_628 : i32
          %swap3A_671 = arith.index_cast %add3A_670 : i32 to index
          %swap3A_672 = arith.constant 48 : index
          %swap3A_673 = tpu.vector_load %arg8[%swap3A_671, %swap3A_672] {strides = array<i32>} : memref<56x128xf32, #tpu.memory_space<vmem>>, vector<1x16xf32>,
          %swap3A_674 = vector.shape_cast %swap3A_673 : vector<1x16xf32> to vector<16xf32>
          %swap3A_675 = vector.shape_cast %add3A_668 : vector<16xf32> to vector<1x16xf32>
          tpu.vector_store %arg8[%swap3A_671, %swap3A_672], %swap3A_675 {strides = array<i32>} : memref<56x128xf32, #tpu.memory_space<vmem>>, vector<1x16xf32>,
          %get3A_676 = arith.index_cast %scan3A_628 : i32 to index
          %get3A_677 = arith.constant 64 : index
          %get3A_678 = tpu.vector_load %arg10[%get3A_676, %get3A_677] {strides = array<i32>} : memref<28x128xf32, #tpu.memory_space<vmem>>, vector<1x16xf32>,
          %get3A_679 = vector.shape_cast %get3A_678 : vector<1x16xf32> to vector<16xf32>
          %add3A_680 = arith.addf %get3A_204, %get3A_679 : vector<16xf32>
          %add3A_681 = arith.constant 28 : i32
          %add3A_682 = arith.addi %add3A_681, %scan3A_628 : i32
          %swap3A_683 = arith.index_cast %add3A_682 : i32 to index
          %swap3A_684 = arith.constant 64 : index
          %swap3A_685 = tpu.vector_load %arg8[%swap3A_683, %swap3A_684] {strides = array<i32>} : memref<56x128xf32, #tpu.memory_space<vmem>>, vector<1x16xf32>,
          %swap3A_686 = vector.shape_cast %swap3A_685 : vector<1x16xf32> to vector<16xf32>
          %swap3A_687 = vector.shape_cast %add3A_680 : vector<16xf32> to vector<1x16xf32>
          tpu.vector_store %arg8[%swap3A_683, %swap3A_684], %swap3A_687 {strides = array<i32>} : memref<56x128xf32, #tpu.memory_space<vmem>>, vector<1x16xf32>,
          %get3A_688 = arith.index_cast %scan3A_628 : i32 to index
          %get3A_689 = arith.constant 80 : index
          %get3A_690 = tpu.vector_load %arg10[%get3A_688, %get3A_689] {strides = array<i32>} : memref<28x128xf32, #tpu.memory_space<vmem>>, vector<1x16xf32>,
          %get3A_691 = vector.shape_cast %get3A_690 : vector<1x16xf32> to vector<16xf32>
          %add3A_692 = arith.addf %get3A_211, %get3A_691 : vector<16xf32>
          %add3A_693 = arith.constant 28 : i32
          %add3A_694 = arith.addi %add3A_693, %scan3A_628 : i32
          %swap3A_695 = arith.index_cast %add3A_694 : i32 to index
          %swap3A_696 = arith.constant 80 : index
          %swap3A_697 = tpu.vector_load %arg8[%swap3A_695, %swap3A_696] {strides = array<i32>} : memref<56x128xf32, #tpu.memory_space<vmem>>, vector<1x16xf32>,
          %swap3A_698 = vector.shape_cast %swap3A_697 : vector<1x16xf32> to vector<16xf32>
          %swap3A_699 = vector.shape_cast %add3A_692 : vector<16xf32> to vector<1x16xf32>
          tpu.vector_store %arg8[%swap3A_695, %swap3A_696], %swap3A_699 {strides = array<i32>} : memref<56x128xf32, #tpu.memory_space<vmem>>, vector<1x16xf32>,
          %get3A_700 = arith.index_cast %scan3A_628 : i32 to index
          %get3A_701 = arith.constant 96 : index
          %get3A_702 = tpu.vector_load %arg10[%get3A_700, %get3A_701] {strides = array<i32>} : memref<28x128xf32, #tpu.memory_space<vmem>>, vector<1x16xf32>,
          %get3A_703 = vector.shape_cast %get3A_702 : vector<1x16xf32> to vector<16xf32>
          %add3A_704 = arith.addf %get3A_218, %get3A_703 : vector<16xf32>
          %add3A_705 = arith.constant 28 : i32
          %add3A_706 = arith.addi %add3A_705, %scan3A_628 : i32
          %swap3A_707 = arith.index_cast %add3A_706 : i32 to index
          %swap3A_708 = arith.constant 96 : index
          %swap3A_709 = tpu.vector_load %arg8[%swap3A_707, %swap3A_708] {strides = array<i32>} : memref<56x128xf32, #tpu.memory_space<vmem>>, vector<1x16xf32>,
          %swap3A_710 = vector.shape_cast %swap3A_709 : vector<1x16xf32> to vector<16xf32>
          %swap3A_711 = vector.shape_cast %add3A_704 : vector<16xf32> to vector<1x16xf32>
          tpu.vector_store %arg8[%swap3A_707, %swap3A_708], %swap3A_711 {strides = array<i32>} : memref<56x128xf32, #tpu.memory_space<vmem>>, vector<1x16xf32>,
          %get3A_712 = arith.index_cast %scan3A_628 : i32 to index
          %get3A_713 = arith.constant 112 : index
          %get3A_714 = tpu.vector_load %arg10[%get3A_712, %get3A_713] {strides = array<i32>} : memref<28x128xf32, #tpu.memory_space<vmem>>, vector<1x16xf32>,
          %get3A_715 = vector.shape_cast %get3A_714 : vector<1x16xf32> to vector<16xf32>
          %add3A_716 = arith.addf %get3A_225, %get3A_715 : vector<16xf32>
          %add3A_717 = arith.constant 28 : i32
          %add3A_718 = arith.addi %add3A_717, %scan3A_628 : i32
          %swap3A_719 = arith.index_cast %add3A_718 : i32 to index
          %swap3A_720 = arith.constant 112 : index
          %swap3A_721 = tpu.vector_load %arg8[%swap3A_719, %swap3A_720] {strides = array<i32>} : memref<56x128xf32, #tpu.memory_space<vmem>>, vector<1x16xf32>,
          %swap3A_722 = vector.shape_cast %swap3A_721 : vector<1x16xf32> to vector<16xf32>
          %swap3A_723 = vector.shape_cast %add3A_716 : vector<16xf32> to vector<1x16xf32>
          tpu.vector_store %arg8[%swap3A_719, %swap3A_720], %swap3A_723 {strides = array<i32>} : memref<56x128xf32, #tpu.memory_space<vmem>>, vector<1x16xf32>,
        }
        %scan3A_231 = arith.constant 28 : i32
        %mul3A_232 = arith.constant 8 : i32
        %mul3A_233 = arith.muli %arg1, %mul3A_232 : i32
        %add3A_234 = arith.constant 0 : i32
        %add3A_235 = arith.addi %mul3A_233, %add3A_234 : i32
        %mul3A_236 = arith.constant 28 : i32
        %mul3A_237 = arith.muli %add3A_235, %mul3A_236 : i32
        "tpu.region"() ({
          %run_scoped3A = tpu.sem_alloc : memref<!tpu.dma_semaphore, #tpu.memory_space<semaphore_mem>>
          %dma_start3A_628 = arith.constant 0 : i32
          %dma_start3A_629 = tpu.memref_slice %arg12[%mul3A_237, %dma_start3A_628] : memref<2912x128xf32, #tpu.memory_space<vmem_shared>> -> memref<56x128xf32, #tpu.memory_space<vmem_shared>>
          %dma_start3A_630 = arith.constant 0 : i32
          %dma_start3A_631 = tpu.memref_slice %arg12[%mul3A_237, %dma_start3A_630] : memref<2912x128xf32, #tpu.memory_space<vmem_shared>> -> memref<56x128xf32, #tpu.memory_space<vmem_shared>>
          tpu.enqueue_dma source(%arg8 : memref<56x128xf32, #tpu.memory_space<vmem>>) target(%dma_start3A_631 : memref<56x128xf32, #tpu.memory_space<vmem_shared>>) target_semaphore(%run_scoped3A : memref<!tpu.dma_semaphore, #tpu.memory_space<semaphore_mem>>)
          %dma_wait3A_632 = arith.constant 0 : i32
          %dma_wait3A_633 = tpu.memref_slice %arg12[%mul3A_237, %dma_wait3A_632] : memref<2912x128xf32, #tpu.memory_space<vmem_shared>> -> memref<56x128xf32, #tpu.memory_space<vmem_shared>>
          %dma_wait3A_634 = arith.constant 0 : i32
          %dma_wait3A_635 = tpu.memref_slice %arg12[%mul3A_237, %dma_wait3A_634] : memref<2912x128xf32, #tpu.memory_space<vmem_shared>> -> memref<56x128xf32, #tpu.memory_space<vmem_shared>>
          tpu.wait_dma2 semaphore(%run_scoped3A : memref<!tpu.dma_semaphore, #tpu.memory_space<semaphore_mem>>) src(%arg8 : memref<56x128xf32, #tpu.memory_space<vmem>>) dst(%dma_wait3A_635 : memref<56x128xf32, #tpu.memory_space<vmem_shared>>)
          tpu.yield
        }) : () -> ()
        %get3A_238 = arith.constant 2 : i32
        %get3A_239 = arith.constant 0 : i32
        %get3A_240 = arith.index_cast %get3A_238 : i32 to index
        %get3A_241 = arith.index_cast %get3A_239 : i32 to index
        %get3A_242 = arith.constant 0 : index
        %get3A_243 = tpu.vector_load %arg9[%get3A_240, %get3A_241, %get3A_242] {strides = array<i32>} : memref<8x1x128xf32, #tpu.memory_space<vmem>>, vector<1x1x16xf32>,
        %get3A_244 = vector.shape_cast %get3A_243 : vector<1x1x16xf32> to vector<16xf32>
        %get3A_245 = arith.constant 2 : i32
        %get3A_246 = arith.constant 0 : i32
        %get3A_247 = arith.index_cast %get3A_245 : i32 to index
        %get3A_248 = arith.index_cast %get3A_246 : i32 to index
        %get3A_249 = arith.constant 16 : index
        %get3A_250 = tpu.vector_load %arg9[%get3A_247, %get3A_248, %get3A_249] {strides = array<i32>} : memref<8x1x128xf32, #tpu.memory_space<vmem>>, vector<1x1x16xf32>,
        %get3A_251 = vector.shape_cast %get3A_250 : vector<1x1x16xf32> to vector<16xf32>
        %get3A_252 = arith.constant 2 : i32
        %get3A_253 = arith.constant 0 : i32
        %get3A_254 = arith.index_cast %get3A_252 : i32 to index
        %get3A_255 = arith.index_cast %get3A_253 : i32 to index
        %get3A_256 = arith.constant 32 : index
        %get3A_257 = tpu.vector_load %arg9[%get3A_254, %get3A_255, %get3A_256] {strides = array<i32>} : memref<8x1x128xf32, #tpu.memory_space<vmem>>, vector<1x1x16xf32>,
        %get3A_258 = vector.shape_cast %get3A_257 : vector<1x1x16xf32> to vector<16xf32>
        %get3A_259 = arith.constant 2 : i32
        %get3A_260 = arith.constant 0 : i32
        %get3A_261 = arith.index_cast %get3A_259 : i32 to index
        %get3A_262 = arith.index_cast %get3A_260 : i32 to index
        %get3A_263 = arith.constant 48 : index
        %get3A_264 = tpu.vector_load %arg9[%get3A_261, %get3A_262, %get3A_263] {strides = array<i32>} : memref<8x1x128xf32, #tpu.memory_space<vmem>>, vector<1x1x16xf32>,
        %get3A_265 = vector.shape_cast %get3A_264 : vector<1x1x16xf32> to vector<16xf32>
        %get3A_266 = arith.constant 2 : i32
        %get3A_267 = arith.constant 0 : i32
        %get3A_268 = arith.index_cast %get3A_266 : i32 to index
        %get3A_269 = arith.index_cast %get3A_267 : i32 to index
        %get3A_270 = arith.constant 64 : index
        %get3A_271 = tpu.vector_load %arg9[%get3A_268, %get3A_269, %get3A_270] {strides = array<i32>} : memref<8x1x128xf32, #tpu.memory_space<vmem>>, vector<1x1x16xf32>,
        %get3A_272 = vector.shape_cast %get3A_271 : vector<1x1x16xf32> to vector<16xf32>
        %get3A_273 = arith.constant 2 : i32
        %get3A_274 = arith.constant 0 : i32
        %get3A_275 = arith.index_cast %get3A_273 : i32 to index
        %get3A_276 = arith.index_cast %get3A_274 : i32 to index
        %get3A_277 = arith.constant 80 : index
        %get3A_278 = tpu.vector_load %arg9[%get3A_275, %get3A_276, %get3A_277] {strides = array<i32>} : memref<8x1x128xf32, #tpu.memory_space<vmem>>, vector<1x1x16xf32>,
        %get3A_279 = vector.shape_cast %get3A_278 : vector<1x1x16xf32> to vector<16xf32>
        %get3A_280 = arith.constant 2 : i32
        %get3A_281 = arith.constant 0 : i32
        %get3A_282 = arith.index_cast %get3A_280 : i32 to index
        %get3A_283 = arith.index_cast %get3A_281 : i32 to index
        %get3A_284 = arith.constant 96 : index
        %get3A_285 = tpu.vector_load %arg9[%get3A_282, %get3A_283, %get3A_284] {strides = array<i32>} : memref<8x1x128xf32, #tpu.memory_space<vmem>>, vector<1x1x16xf32>,
        %get3A_286 = vector.shape_cast %get3A_285 : vector<1x1x16xf32> to vector<16xf32>
        %get3A_287 = arith.constant 2 : i32
        %get3A_288 = arith.constant 0 : i32
        %get3A_289 = arith.index_cast %get3A_287 : i32 to index
        %get3A_290 = arith.index_cast %get3A_288 : i32 to index
        %get3A_291 = arith.constant 112 : index
        %get3A_292 = tpu.vector_load %arg9[%get3A_289, %get3A_290, %get3A_291] {strides = array<i32>} : memref<8x1x128xf32, #tpu.memory_space<vmem>>, vector<1x1x16xf32>,
        %get3A_293 = vector.shape_cast %get3A_292 : vector<1x1x16xf32> to vector<16xf32>
        %scan3A_294 = arith.constant 0 : i32
        %scan3A_295 = arith.constant 0 : i32
        %scan3A_296 = arith.constant 28 : i32
        %scan3A_297 = arith.addi %scan3A_295, %scan3A_296 : i32
        %scan3A_298 = arith.constant 1 : i32
        scf.for %scan3A_628 = %scan3A_295 to %scan3A_297 step %scan3A_298  : i32 {
          %get3A_629 = arith.index_cast %scan3A_628 : i32 to index
          %get3A_630 = arith.constant 0 : index
          %get3A_631 = tpu.vector_load %arg10[%get3A_629, %get3A_630] {strides = array<i32>} : memref<28x128xf32, #tpu.memory_space<vmem>>, vector<1x16xf32>,
          %get3A_632 = vector.shape_cast %get3A_631 : vector<1x16xf32> to vector<16xf32>
          %add3A_633 = arith.addf %get3A_244, %get3A_632 : vector<16xf32>
          %add3A_634 = arith.constant 0 : i32
          %add3A_635 = arith.addi %add3A_634, %scan3A_628 : i32
          %swap3A = arith.index_cast %add3A_635 : i32 to index
          %swap3A_636 = arith.constant 0 : index
          %swap3A_637 = tpu.vector_load %arg8[%swap3A, %swap3A_636] {strides = array<i32>} : memref<56x128xf32, #tpu.memory_space<vmem>>, vector<1x16xf32>,
          %swap3A_638 = vector.shape_cast %swap3A_637 : vector<1x16xf32> to vector<16xf32>
          %swap3A_639 = vector.shape_cast %add3A_633 : vector<16xf32> to vector<1x16xf32>
          tpu.vector_store %arg8[%swap3A, %swap3A_636], %swap3A_639 {strides = array<i32>} : memref<56x128xf32, #tpu.memory_space<vmem>>, vector<1x16xf32>,
          %get3A_640 = arith.index_cast %scan3A_628 : i32 to index
          %get3A_641 = arith.constant 16 : index
          %get3A_642 = tpu.vector_load %arg10[%get3A_640, %get3A_641] {strides = array<i32>} : memref<28x128xf32, #tpu.memory_space<vmem>>, vector<1x16xf32>,
          %get3A_643 = vector.shape_cast %get3A_642 : vector<1x16xf32> to vector<16xf32>
          %add3A_644 = arith.addf %get3A_251, %get3A_643 : vector<16xf32>
          %add3A_645 = arith.constant 0 : i32
          %add3A_646 = arith.addi %add3A_645, %scan3A_628 : i32
          %swap3A_647 = arith.index_cast %add3A_646 : i32 to index
          %swap3A_648 = arith.constant 16 : index
          %swap3A_649 = tpu.vector_load %arg8[%swap3A_647, %swap3A_648] {strides = array<i32>} : memref<56x128xf32, #tpu.memory_space<vmem>>, vector<1x16xf32>,
          %swap3A_650 = vector.shape_cast %swap3A_649 : vector<1x16xf32> to vector<16xf32>
          %swap3A_651 = vector.shape_cast %add3A_644 : vector<16xf32> to vector<1x16xf32>
          tpu.vector_store %arg8[%swap3A_647, %swap3A_648], %swap3A_651 {strides = array<i32>} : memref<56x128xf32, #tpu.memory_space<vmem>>, vector<1x16xf32>,
          %get3A_652 = arith.index_cast %scan3A_628 : i32 to index
          %get3A_653 = arith.constant 32 : index
          %get3A_654 = tpu.vector_load %arg10[%get3A_652, %get3A_653] {strides = array<i32>} : memref<28x128xf32, #tpu.memory_space<vmem>>, vector<1x16xf32>,
          %get3A_655 = vector.shape_cast %get3A_654 : vector<1x16xf32> to vector<16xf32>
          %add3A_656 = arith.addf %get3A_258, %get3A_655 : vector<16xf32>
          %add3A_657 = arith.constant 0 : i32
          %add3A_658 = arith.addi %add3A_657, %scan3A_628 : i32
          %swap3A_659 = arith.index_cast %add3A_658 : i32 to index
          %swap3A_660 = arith.constant 32 : index
          %swap3A_661 = tpu.vector_load %arg8[%swap3A_659, %swap3A_660] {strides = array<i32>} : memref<56x128xf32, #tpu.memory_space<vmem>>, vector<1x16xf32>,
          %swap3A_662 = vector.shape_cast %swap3A_661 : vector<1x16xf32> to vector<16xf32>
          %swap3A_663 = vector.shape_cast %add3A_656 : vector<16xf32> to vector<1x16xf32>
          tpu.vector_store %arg8[%swap3A_659, %swap3A_660], %swap3A_663 {strides = array<i32>} : memref<56x128xf32, #tpu.memory_space<vmem>>, vector<1x16xf32>,
          %get3A_664 = arith.index_cast %scan3A_628 : i32 to index
          %get3A_665 = arith.constant 48 : index
          %get3A_666 = tpu.vector_load %arg10[%get3A_664, %get3A_665] {strides = array<i32>} : memref<28x128xf32, #tpu.memory_space<vmem>>, vector<1x16xf32>,
          %get3A_667 = vector.shape_cast %get3A_666 : vector<1x16xf32> to vector<16xf32>
          %add3A_668 = arith.addf %get3A_265, %get3A_667 : vector<16xf32>
          %add3A_669 = arith.constant 0 : i32
          %add3A_670 = arith.addi %add3A_669, %scan3A_628 : i32
          %swap3A_671 = arith.index_cast %add3A_670 : i32 to index
          %swap3A_672 = arith.constant 48 : index
          %swap3A_673 = tpu.vector_load %arg8[%swap3A_671, %swap3A_672] {strides = array<i32>} : memref<56x128xf32, #tpu.memory_space<vmem>>, vector<1x16xf32>,
          %swap3A_674 = vector.shape_cast %swap3A_673 : vector<1x16xf32> to vector<16xf32>
          %swap3A_675 = vector.shape_cast %add3A_668 : vector<16xf32> to vector<1x16xf32>
          tpu.vector_store %arg8[%swap3A_671, %swap3A_672], %swap3A_675 {strides = array<i32>} : memref<56x128xf32, #tpu.memory_space<vmem>>, vector<1x16xf32>,
          %get3A_676 = arith.index_cast %scan3A_628 : i32 to index
          %get3A_677 = arith.constant 64 : index
          %get3A_678 = tpu.vector_load %arg10[%get3A_676, %get3A_677] {strides = array<i32>} : memref<28x128xf32, #tpu.memory_space<vmem>>, vector<1x16xf32>,
          %get3A_679 = vector.shape_cast %get3A_678 : vector<1x16xf32> to vector<16xf32>
          %add3A_680 = arith.addf %get3A_272, %get3A_679 : vector<16xf32>
          %add3A_681 = arith.constant 0 : i32
          %add3A_682 = arith.addi %add3A_681, %scan3A_628 : i32
          %swap3A_683 = arith.index_cast %add3A_682 : i32 to index
          %swap3A_684 = arith.constant 64 : index
          %swap3A_685 = tpu.vector_load %arg8[%swap3A_683, %swap3A_684] {strides = array<i32>} : memref<56x128xf32, #tpu.memory_space<vmem>>, vector<1x16xf32>,
          %swap3A_686 = vector.shape_cast %swap3A_685 : vector<1x16xf32> to vector<16xf32>
          %swap3A_687 = vector.shape_cast %add3A_680 : vector<16xf32> to vector<1x16xf32>
          tpu.vector_store %arg8[%swap3A_683, %swap3A_684], %swap3A_687 {strides = array<i32>} : memref<56x128xf32, #tpu.memory_space<vmem>>, vector<1x16xf32>,
          %get3A_688 = arith.index_cast %scan3A_628 : i32 to index
          %get3A_689 = arith.constant 80 : index
          %get3A_690 = tpu.vector_load %arg10[%get3A_688, %get3A_689] {strides = array<i32>} : memref<28x128xf32, #tpu.memory_space<vmem>>, vector<1x16xf32>,
          %get3A_691 = vector.shape_cast %get3A_690 : vector<1x16xf32> to vector<16xf32>
          %add3A_692 = arith.addf %get3A_279, %get3A_691 : vector<16xf32>
          %add3A_693 = arith.constant 0 : i32
          %add3A_694 = arith.addi %add3A_693, %scan3A_628 : i32
          %swap3A_695 = arith.index_cast %add3A_694 : i32 to index
          %swap3A_696 = arith.constant 80 : index
          %swap3A_697 = tpu.vector_load %arg8[%swap3A_695, %swap3A_696] {strides = array<i32>} : memref<56x128xf32, #tpu.memory_space<vmem>>, vector<1x16xf32>,
          %swap3A_698 = vector.shape_cast %swap3A_697 : vector<1x16xf32> to vector<16xf32>
          %swap3A_699 = vector.shape_cast %add3A_692 : vector<16xf32> to vector<1x16xf32>
          tpu.vector_store %arg8[%swap3A_695, %swap3A_696], %swap3A_699 {strides = array<i32>} : memref<56x128xf32, #tpu.memory_space<vmem>>, vector<1x16xf32>,
          %get3A_700 = arith.index_cast %scan3A_628 : i32 to index
          %get3A_701 = arith.constant 96 : index
          %get3A_702 = tpu.vector_load %arg10[%get3A_700, %get3A_701] {strides = array<i32>} : memref<28x128xf32, #tpu.memory_space<vmem>>, vector<1x16xf32>,
          %get3A_703 = vector.shape_cast %get3A_702 : vector<1x16xf32> to vector<16xf32>
          %add3A_704 = arith.addf %get3A_286, %get3A_703 : vector<16xf32>
          %add3A_705 = arith.constant 0 : i32
          %add3A_706 = arith.addi %add3A_705, %scan3A_628 : i32
          %swap3A_707 = arith.index_cast %add3A_706 : i32 to index
          %swap3A_708 = arith.constant 96 : index
          %swap3A_709 = tpu.vector_load %arg8[%swap3A_707, %swap3A_708] {strides = array<i32>} : memref<56x128xf32, #tpu.memory_space<vmem>>, vector<1x16xf32>,
          %swap3A_710 = vector.shape_cast %swap3A_709 : vector<1x16xf32> to vector<16xf32>
          %swap3A_711 = vector.shape_cast %add3A_704 : vector<16xf32> to vector<1x16xf32>
          tpu.vector_store %arg8[%swap3A_707, %swap3A_708], %swap3A_711 {strides = array<i32>} : memref<56x128xf32, #tpu.memory_space<vmem>>, vector<1x16xf32>,
          %get3A_712 = arith.index_cast %scan3A_628 : i32 to index
          %get3A_713 = arith.constant 112 : index
          %get3A_714 = tpu.vector_load %arg10[%get3A_712, %get3A_713] {strides = array<i32>} : memref<28x128xf32, #tpu.memory_space<vmem>>, vector<1x16xf32>,
          %get3A_715 = vector.shape_cast %get3A_714 : vector<1x16xf32> to vector<16xf32>
          %add3A_716 = arith.addf %get3A_293, %get3A_715 : vector<16xf32>
          %add3A_717 = arith.constant 0 : i32
          %add3A_718 = arith.addi %add3A_717, %scan3A_628 : i32
          %swap3A_719 = arith.index_cast %add3A_718 : i32 to index
          %swap3A_720 = arith.constant 112 : index
          %swap3A_721 = tpu.vector_load %arg8[%swap3A_719, %swap3A_720] {strides = array<i32>} : memref<56x128xf32, #tpu.memory_space<vmem>>, vector<1x16xf32>,
          %swap3A_722 = vector.shape_cast %swap3A_721 : vector<1x16xf32> to vector<16xf32>
          %swap3A_723 = vector.shape_cast %add3A_716 : vector<16xf32> to vector<1x16xf32>
          tpu.vector_store %arg8[%swap3A_719, %swap3A_720], %swap3A_723 {strides = array<i32>} : memref<56x128xf32, #tpu.memory_space<vmem>>, vector<1x16xf32>,
        }
        %scan3A_299 = arith.constant 28 : i32
        %get3A_300 = arith.constant 3 : i32
        %get3A_301 = arith.constant 0 : i32
        %get3A_302 = arith.index_cast %get3A_300 : i32 to index
        %get3A_303 = arith.index_cast %get3A_301 : i32 to index
        %get3A_304 = arith.constant 0 : index
        %get3A_305 = tpu.vector_load %arg9[%get3A_302, %get3A_303, %get3A_304] {strides = array<i32>} : memref<8x1x128xf32, #tpu.memory_space<vmem>>, vector<1x1x16xf32>,
        %get3A_306 = vector.shape_cast %get3A_305 : vector<1x1x16xf32> to vector<16xf32>
        %get3A_307 = arith.constant 3 : i32
        %get3A_308 = arith.constant 0 : i32
        %get3A_309 = arith.index_cast %get3A_307 : i32 to index
        %get3A_310 = arith.index_cast %get3A_308 : i32 to index
        %get3A_311 = arith.constant 16 : index
        %get3A_312 = tpu.vector_load %arg9[%get3A_309, %get3A_310, %get3A_311] {strides = array<i32>} : memref<8x1x128xf32, #tpu.memory_space<vmem>>, vector<1x1x16xf32>,
        %get3A_313 = vector.shape_cast %get3A_312 : vector<1x1x16xf32> to vector<16xf32>
        %get3A_314 = arith.constant 3 : i32
        %get3A_315 = arith.constant 0 : i32
        %get3A_316 = arith.index_cast %get3A_314 : i32 to index
        %get3A_317 = arith.index_cast %get3A_315 : i32 to index
        %get3A_318 = arith.constant 32 : index
        %get3A_319 = tpu.vector_load %arg9[%get3A_316, %get3A_317, %get3A_318] {strides = array<i32>} : memref<8x1x128xf32, #tpu.memory_space<vmem>>, vector<1x1x16xf32>,
        %get3A_320 = vector.shape_cast %get3A_319 : vector<1x1x16xf32> to vector<16xf32>
        %get3A_321 = arith.constant 3 : i32
        %get3A_322 = arith.constant 0 : i32
        %get3A_323 = arith.index_cast %get3A_321 : i32 to index
        %get3A_324 = arith.index_cast %get3A_322 : i32 to index
        %get3A_325 = arith.constant 48 : index
        %get3A_326 = tpu.vector_load %arg9[%get3A_323, %get3A_324, %get3A_325] {strides = array<i32>} : memref<8x1x128xf32, #tpu.memory_space<vmem>>, vector<1x1x16xf32>,
        %get3A_327 = vector.shape_cast %get3A_326 : vector<1x1x16xf32> to vector<16xf32>
        %get3A_328 = arith.constant 3 : i32
        %get3A_329 = arith.constant 0 : i32
        %get3A_330 = arith.index_cast %get3A_328 : i32 to index
        %get3A_331 = arith.index_cast %get3A_329 : i32 to index
        %get3A_332 = arith.constant 64 : index
        %get3A_333 = tpu.vector_load %arg9[%get3A_330, %get3A_331, %get3A_332] {strides = array<i32>} : memref<8x1x128xf32, #tpu.memory_space<vmem>>, vector<1x1x16xf32>,
        %get3A_334 = vector.shape_cast %get3A_333 : vector<1x1x16xf32> to vector<16xf32>
        %get3A_335 = arith.constant 3 : i32
        %get3A_336 = arith.constant 0 : i32
        %get3A_337 = arith.index_cast %get3A_335 : i32 to index
        %get3A_338 = arith.index_cast %get3A_336 : i32 to index
        %get3A_339 = arith.constant 80 : index
        %get3A_340 = tpu.vector_load %arg9[%get3A_337, %get3A_338, %get3A_339] {strides = array<i32>} : memref<8x1x128xf32, #tpu.memory_space<vmem>>, vector<1x1x16xf32>,
        %get3A_341 = vector.shape_cast %get3A_340 : vector<1x1x16xf32> to vector<16xf32>
        %get3A_342 = arith.constant 3 : i32
        %get3A_343 = arith.constant 0 : i32
        %get3A_344 = arith.index_cast %get3A_342 : i32 to index
        %get3A_345 = arith.index_cast %get3A_343 : i32 to index
        %get3A_346 = arith.constant 96 : index
        %get3A_347 = tpu.vector_load %arg9[%get3A_344, %get3A_345, %get3A_346] {strides = array<i32>} : memref<8x1x128xf32, #tpu.memory_space<vmem>>, vector<1x1x16xf32>,
        %get3A_348 = vector.shape_cast %get3A_347 : vector<1x1x16xf32> to vector<16xf32>
        %get3A_349 = arith.constant 3 : i32
        %get3A_350 = arith.constant 0 : i32
        %get3A_351 = arith.index_cast %get3A_349 : i32 to index
        %get3A_352 = arith.index_cast %get3A_350 : i32 to index
        %get3A_353 = arith.constant 112 : index
        %get3A_354 = tpu.vector_load %arg9[%get3A_351, %get3A_352, %get3A_353] {strides = array<i32>} : memref<8x1x128xf32, #tpu.memory_space<vmem>>, vector<1x1x16xf32>,
        %get3A_355 = vector.shape_cast %get3A_354 : vector<1x1x16xf32> to vector<16xf32>
        %scan3A_356 = arith.constant 0 : i32
        %scan3A_357 = arith.constant 0 : i32
        %scan3A_358 = arith.constant 28 : i32
        %scan3A_359 = arith.addi %scan3A_357, %scan3A_358 : i32
        %scan3A_360 = arith.constant 1 : i32
        scf.for %scan3A_628 = %scan3A_357 to %scan3A_359 step %scan3A_360  : i32 {
          %get3A_629 = arith.index_cast %scan3A_628 : i32 to index
          %get3A_630 = arith.constant 0 : index
          %get3A_631 = tpu.vector_load %arg10[%get3A_629, %get3A_630] {strides = array<i32>} : memref<28x128xf32, #tpu.memory_space<vmem>>, vector<1x16xf32>,
          %get3A_632 = vector.shape_cast %get3A_631 : vector<1x16xf32> to vector<16xf32>
          %add3A_633 = arith.addf %get3A_306, %get3A_632 : vector<16xf32>
          %add3A_634 = arith.constant 28 : i32
          %add3A_635 = arith.addi %add3A_634, %scan3A_628 : i32
          %swap3A = arith.index_cast %add3A_635 : i32 to index
          %swap3A_636 = arith.constant 0 : index
          %swap3A_637 = tpu.vector_load %arg8[%swap3A, %swap3A_636] {strides = array<i32>} : memref<56x128xf32, #tpu.memory_space<vmem>>, vector<1x16xf32>,
          %swap3A_638 = vector.shape_cast %swap3A_637 : vector<1x16xf32> to vector<16xf32>
          %swap3A_639 = vector.shape_cast %add3A_633 : vector<16xf32> to vector<1x16xf32>
          tpu.vector_store %arg8[%swap3A, %swap3A_636], %swap3A_639 {strides = array<i32>} : memref<56x128xf32, #tpu.memory_space<vmem>>, vector<1x16xf32>,
          %get3A_640 = arith.index_cast %scan3A_628 : i32 to index
          %get3A_641 = arith.constant 16 : index
          %get3A_642 = tpu.vector_load %arg10[%get3A_640, %get3A_641] {strides = array<i32>} : memref<28x128xf32, #tpu.memory_space<vmem>>, vector<1x16xf32>,
          %get3A_643 = vector.shape_cast %get3A_642 : vector<1x16xf32> to vector<16xf32>
          %add3A_644 = arith.addf %get3A_313, %get3A_643 : vector<16xf32>
          %add3A_645 = arith.constant 28 : i32
          %add3A_646 = arith.addi %add3A_645, %scan3A_628 : i32
          %swap3A_647 = arith.index_cast %add3A_646 : i32 to index
          %swap3A_648 = arith.constant 16 : index
          %swap3A_649 = tpu.vector_load %arg8[%swap3A_647, %swap3A_648] {strides = array<i32>} : memref<56x128xf32, #tpu.memory_space<vmem>>, vector<1x16xf32>,
          %swap3A_650 = vector.shape_cast %swap3A_649 : vector<1x16xf32> to vector<16xf32>
          %swap3A_651 = vector.shape_cast %add3A_644 : vector<16xf32> to vector<1x16xf32>
          tpu.vector_store %arg8[%swap3A_647, %swap3A_648], %swap3A_651 {strides = array<i32>} : memref<56x128xf32, #tpu.memory_space<vmem>>, vector<1x16xf32>,
          %get3A_652 = arith.index_cast %scan3A_628 : i32 to index
          %get3A_653 = arith.constant 32 : index
          %get3A_654 = tpu.vector_load %arg10[%get3A_652, %get3A_653] {strides = array<i32>} : memref<28x128xf32, #tpu.memory_space<vmem>>, vector<1x16xf32>,
          %get3A_655 = vector.shape_cast %get3A_654 : vector<1x16xf32> to vector<16xf32>
          %add3A_656 = arith.addf %get3A_320, %get3A_655 : vector<16xf32>
          %add3A_657 = arith.constant 28 : i32
          %add3A_658 = arith.addi %add3A_657, %scan3A_628 : i32
          %swap3A_659 = arith.index_cast %add3A_658 : i32 to index
          %swap3A_660 = arith.constant 32 : index
          %swap3A_661 = tpu.vector_load %arg8[%swap3A_659, %swap3A_660] {strides = array<i32>} : memref<56x128xf32, #tpu.memory_space<vmem>>, vector<1x16xf32>,
          %swap3A_662 = vector.shape_cast %swap3A_661 : vector<1x16xf32> to vector<16xf32>
          %swap3A_663 = vector.shape_cast %add3A_656 : vector<16xf32> to vector<1x16xf32>
          tpu.vector_store %arg8[%swap3A_659, %swap3A_660], %swap3A_663 {strides = array<i32>} : memref<56x128xf32, #tpu.memory_space<vmem>>, vector<1x16xf32>,
          %get3A_664 = arith.index_cast %scan3A_628 : i32 to index
          %get3A_665 = arith.constant 48 : index
          %get3A_666 = tpu.vector_load %arg10[%get3A_664, %get3A_665] {strides = array<i32>} : memref<28x128xf32, #tpu.memory_space<vmem>>, vector<1x16xf32>,
          %get3A_667 = vector.shape_cast %get3A_666 : vector<1x16xf32> to vector<16xf32>
          %add3A_668 = arith.addf %get3A_327, %get3A_667 : vector<16xf32>
          %add3A_669 = arith.constant 28 : i32
          %add3A_670 = arith.addi %add3A_669, %scan3A_628 : i32
          %swap3A_671 = arith.index_cast %add3A_670 : i32 to index
          %swap3A_672 = arith.constant 48 : index
          %swap3A_673 = tpu.vector_load %arg8[%swap3A_671, %swap3A_672] {strides = array<i32>} : memref<56x128xf32, #tpu.memory_space<vmem>>, vector<1x16xf32>,
          %swap3A_674 = vector.shape_cast %swap3A_673 : vector<1x16xf32> to vector<16xf32>
          %swap3A_675 = vector.shape_cast %add3A_668 : vector<16xf32> to vector<1x16xf32>
          tpu.vector_store %arg8[%swap3A_671, %swap3A_672], %swap3A_675 {strides = array<i32>} : memref<56x128xf32, #tpu.memory_space<vmem>>, vector<1x16xf32>,
          %get3A_676 = arith.index_cast %scan3A_628 : i32 to index
          %get3A_677 = arith.constant 64 : index
          %get3A_678 = tpu.vector_load %arg10[%get3A_676, %get3A_677] {strides = array<i32>} : memref<28x128xf32, #tpu.memory_space<vmem>>, vector<1x16xf32>,
          %get3A_679 = vector.shape_cast %get3A_678 : vector<1x16xf32> to vector<16xf32>
          %add3A_680 = arith.addf %get3A_334, %get3A_679 : vector<16xf32>
          %add3A_681 = arith.constant 28 : i32
          %add3A_682 = arith.addi %add3A_681, %scan3A_628 : i32
          %swap3A_683 = arith.index_cast %add3A_682 : i32 to index
          %swap3A_684 = arith.constant 64 : index
          %swap3A_685 = tpu.vector_load %arg8[%swap3A_683, %swap3A_684] {strides = array<i32>} : memref<56x128xf32, #tpu.memory_space<vmem>>, vector<1x16xf32>,
          %swap3A_686 = vector.shape_cast %swap3A_685 : vector<1x16xf32> to vector<16xf32>
          %swap3A_687 = vector.shape_cast %add3A_680 : vector<16xf32> to vector<1x16xf32>
          tpu.vector_store %arg8[%swap3A_683, %swap3A_684], %swap3A_687 {strides = array<i32>} : memref<56x128xf32, #tpu.memory_space<vmem>>, vector<1x16xf32>,
          %get3A_688 = arith.index_cast %scan3A_628 : i32 to index
          %get3A_689 = arith.constant 80 : index
          %get3A_690 = tpu.vector_load %arg10[%get3A_688, %get3A_689] {strides = array<i32>} : memref<28x128xf32, #tpu.memory_space<vmem>>, vector<1x16xf32>,
          %get3A_691 = vector.shape_cast %get3A_690 : vector<1x16xf32> to vector<16xf32>
          %add3A_692 = arith.addf %get3A_341, %get3A_691 : vector<16xf32>
          %add3A_693 = arith.constant 28 : i32
          %add3A_694 = arith.addi %add3A_693, %scan3A_628 : i32
          %swap3A_695 = arith.index_cast %add3A_694 : i32 to index
          %swap3A_696 = arith.constant 80 : index
          %swap3A_697 = tpu.vector_load %arg8[%swap3A_695, %swap3A_696] {strides = array<i32>} : memref<56x128xf32, #tpu.memory_space<vmem>>, vector<1x16xf32>,
          %swap3A_698 = vector.shape_cast %swap3A_697 : vector<1x16xf32> to vector<16xf32>
          %swap3A_699 = vector.shape_cast %add3A_692 : vector<16xf32> to vector<1x16xf32>
          tpu.vector_store %arg8[%swap3A_695, %swap3A_696], %swap3A_699 {strides = array<i32>} : memref<56x128xf32, #tpu.memory_space<vmem>>, vector<1x16xf32>,
          %get3A_700 = arith.index_cast %scan3A_628 : i32 to index
          %get3A_701 = arith.constant 96 : index
          %get3A_702 = tpu.vector_load %arg10[%get3A_700, %get3A_701] {strides = array<i32>} : memref<28x128xf32, #tpu.memory_space<vmem>>, vector<1x16xf32>,
          %get3A_703 = vector.shape_cast %get3A_702 : vector<1x16xf32> to vector<16xf32>
          %add3A_704 = arith.addf %get3A_348, %get3A_703 : vector<16xf32>
          %add3A_705 = arith.constant 28 : i32
          %add3A_706 = arith.addi %add3A_705, %scan3A_628 : i32
          %swap3A_707 = arith.index_cast %add3A_706 : i32 to index
          %swap3A_708 = arith.constant 96 : index
          %swap3A_709 = tpu.vector_load %arg8[%swap3A_707, %swap3A_708] {strides = array<i32>} : memref<56x128xf32, #tpu.memory_space<vmem>>, vector<1x16xf32>,
          %swap3A_710 = vector.shape_cast %swap3A_709 : vector<1x16xf32> to vector<16xf32>
          %swap3A_711 = vector.shape_cast %add3A_704 : vector<16xf32> to vector<1x16xf32>
          tpu.vector_store %arg8[%swap3A_707, %swap3A_708], %swap3A_711 {strides = array<i32>} : memref<56x128xf32, #tpu.memory_space<vmem>>, vector<1x16xf32>,
          %get3A_712 = arith.index_cast %scan3A_628 : i32 to index
          %get3A_713 = arith.constant 112 : index
          %get3A_714 = tpu.vector_load %arg10[%get3A_712, %get3A_713] {strides = array<i32>} : memref<28x128xf32, #tpu.memory_space<vmem>>, vector<1x16xf32>,
          %get3A_715 = vector.shape_cast %get3A_714 : vector<1x16xf32> to vector<16xf32>
          %add3A_716 = arith.addf %get3A_355, %get3A_715 : vector<16xf32>
          %add3A_717 = arith.constant 28 : i32
          %add3A_718 = arith.addi %add3A_717, %scan3A_628 : i32
          %swap3A_719 = arith.index_cast %add3A_718 : i32 to index
          %swap3A_720 = arith.constant 112 : index
          %swap3A_721 = tpu.vector_load %arg8[%swap3A_719, %swap3A_720] {strides = array<i32>} : memref<56x128xf32, #tpu.memory_space<vmem>>, vector<1x16xf32>,
          %swap3A_722 = vector.shape_cast %swap3A_721 : vector<1x16xf32> to vector<16xf32>
          %swap3A_723 = vector.shape_cast %add3A_716 : vector<16xf32> to vector<1x16xf32>
          tpu.vector_store %arg8[%swap3A_719, %swap3A_720], %swap3A_723 {strides = array<i32>} : memref<56x128xf32, #tpu.memory_space<vmem>>, vector<1x16xf32>,
        }
        %scan3A_361 = arith.constant 28 : i32
        %mul3A_362 = arith.constant 8 : i32
        %mul3A_363 = arith.muli %arg1, %mul3A_362 : i32
        %add3A_364 = arith.constant 2 : i32
        %add3A_365 = arith.addi %mul3A_363, %add3A_364 : i32
        %mul3A_366 = arith.constant 28 : i32
        %mul3A_367 = arith.muli %add3A_365, %mul3A_366 : i32
        "tpu.region"() ({
          %run_scoped3A = tpu.sem_alloc : memref<!tpu.dma_semaphore, #tpu.memory_space<semaphore_mem>>
          %dma_start3A_628 = arith.constant 0 : i32
          %dma_start3A_629 = tpu.memref_slice %arg12[%mul3A_367, %dma_start3A_628] : memref<2912x128xf32, #tpu.memory_space<vmem_shared>> -> memref<56x128xf32, #tpu.memory_space<vmem_shared>>
          %dma_start3A_630 = arith.constant 0 : i32
          %dma_start3A_631 = tpu.memref_slice %arg12[%mul3A_367, %dma_start3A_630] : memref<2912x128xf32, #tpu.memory_space<vmem_shared>> -> memref<56x128xf32, #tpu.memory_space<vmem_shared>>
          tpu.enqueue_dma source(%arg8 : memref<56x128xf32, #tpu.memory_space<vmem>>) target(%dma_start3A_631 : memref<56x128xf32, #tpu.memory_space<vmem_shared>>) target_semaphore(%run_scoped3A : memref<!tpu.dma_semaphore, #tpu.memory_space<semaphore_mem>>)
          %dma_wait3A_632 = arith.constant 0 : i32
          %dma_wait3A_633 = tpu.memref_slice %arg12[%mul3A_367, %dma_wait3A_632] : memref<2912x128xf32, #tpu.memory_space<vmem_shared>> -> memref<56x128xf32, #tpu.memory_space<vmem_shared>>
          %dma_wait3A_634 = arith.constant 0 : i32
          %dma_wait3A_635 = tpu.memref_slice %arg12[%mul3A_367, %dma_wait3A_634] : memref<2912x128xf32, #tpu.memory_space<vmem_shared>> -> memref<56x128xf32, #tpu.memory_space<vmem_shared>>
          tpu.wait_dma2 semaphore(%run_scoped3A : memref<!tpu.dma_semaphore, #tpu.memory_space<semaphore_mem>>) src(%arg8 : memref<56x128xf32, #tpu.memory_space<vmem>>) dst(%dma_wait3A_635 : memref<56x128xf32, #tpu.memory_space<vmem_shared>>)
          tpu.yield
        }) : () -> ()
        %get3A_368 = arith.constant 4 : i32
        %get3A_369 = arith.constant 0 : i32
        %get3A_370 = arith.index_cast %get3A_368 : i32 to index
        %get3A_371 = arith.index_cast %get3A_369 : i32 to index
        %get3A_372 = arith.constant 0 : index
        %get3A_373 = tpu.vector_load %arg9[%get3A_370, %get3A_371, %get3A_372] {strides = array<i32>} : memref<8x1x128xf32, #tpu.memory_space<vmem>>, vector<1x1x16xf32>,
        %get3A_374 = vector.shape_cast %get3A_373 : vector<1x1x16xf32> to vector<16xf32>
        %get3A_375 = arith.constant 4 : i32
        %get3A_376 = arith.constant 0 : i32
        %get3A_377 = arith.index_cast %get3A_375 : i32 to index
        %get3A_378 = arith.index_cast %get3A_376 : i32 to index
        %get3A_379 = arith.constant 16 : index
        %get3A_380 = tpu.vector_load %arg9[%get3A_377, %get3A_378, %get3A_379] {strides = array<i32>} : memref<8x1x128xf32, #tpu.memory_space<vmem>>, vector<1x1x16xf32>,
        %get3A_381 = vector.shape_cast %get3A_380 : vector<1x1x16xf32> to vector<16xf32>
        %get3A_382 = arith.constant 4 : i32
        %get3A_383 = arith.constant 0 : i32
        %get3A_384 = arith.index_cast %get3A_382 : i32 to index
        %get3A_385 = arith.index_cast %get3A_383 : i32 to index
        %get3A_386 = arith.constant 32 : index
        %get3A_387 = tpu.vector_load %arg9[%get3A_384, %get3A_385, %get3A_386] {strides = array<i32>} : memref<8x1x128xf32, #tpu.memory_space<vmem>>, vector<1x1x16xf32>,
        %get3A_388 = vector.shape_cast %get3A_387 : vector<1x1x16xf32> to vector<16xf32>
        %get3A_389 = arith.constant 4 : i32
        %get3A_390 = arith.constant 0 : i32
        %get3A_391 = arith.index_cast %get3A_389 : i32 to index
        %get3A_392 = arith.index_cast %get3A_390 : i32 to index
        %get3A_393 = arith.constant 48 : index
        %get3A_394 = tpu.vector_load %arg9[%get3A_391, %get3A_392, %get3A_393] {strides = array<i32>} : memref<8x1x128xf32, #tpu.memory_space<vmem>>, vector<1x1x16xf32>,
        %get3A_395 = vector.shape_cast %get3A_394 : vector<1x1x16xf32> to vector<16xf32>
        %get3A_396 = arith.constant 4 : i32
        %get3A_397 = arith.constant 0 : i32
        %get3A_398 = arith.index_cast %get3A_396 : i32 to index
        %get3A_399 = arith.index_cast %get3A_397 : i32 to index
        %get3A_400 = arith.constant 64 : index
        %get3A_401 = tpu.vector_load %arg9[%get3A_398, %get3A_399, %get3A_400] {strides = array<i32>} : memref<8x1x128xf32, #tpu.memory_space<vmem>>, vector<1x1x16xf32>,
        %get3A_402 = vector.shape_cast %get3A_401 : vector<1x1x16xf32> to vector<16xf32>
        %get3A_403 = arith.constant 4 : i32
        %get3A_404 = arith.constant 0 : i32
        %get3A_405 = arith.index_cast %get3A_403 : i32 to index
        %get3A_406 = arith.index_cast %get3A_404 : i32 to index
        %get3A_407 = arith.constant 80 : index
        %get3A_408 = tpu.vector_load %arg9[%get3A_405, %get3A_406, %get3A_407] {strides = array<i32>} : memref<8x1x128xf32, #tpu.memory_space<vmem>>, vector<1x1x16xf32>,
        %get3A_409 = vector.shape_cast %get3A_408 : vector<1x1x16xf32> to vector<16xf32>
        %get3A_410 = arith.constant 4 : i32
        %get3A_411 = arith.constant 0 : i32
        %get3A_412 = arith.index_cast %get3A_410 : i32 to index
        %get3A_413 = arith.index_cast %get3A_411 : i32 to index
        %get3A_414 = arith.constant 96 : index
        %get3A_415 = tpu.vector_load %arg9[%get3A_412, %get3A_413, %get3A_414] {strides = array<i32>} : memref<8x1x128xf32, #tpu.memory_space<vmem>>, vector<1x1x16xf32>,
        %get3A_416 = vector.shape_cast %get3A_415 : vector<1x1x16xf32> to vector<16xf32>
        %get3A_417 = arith.constant 4 : i32
        %get3A_418 = arith.constant 0 : i32
        %get3A_419 = arith.index_cast %get3A_417 : i32 to index
        %get3A_420 = arith.index_cast %get3A_418 : i32 to index
        %get3A_421 = arith.constant 112 : index
        %get3A_422 = tpu.vector_load %arg9[%get3A_419, %get3A_420, %get3A_421] {strides = array<i32>} : memref<8x1x128xf32, #tpu.memory_space<vmem>>, vector<1x1x16xf32>,
        %get3A_423 = vector.shape_cast %get3A_422 : vector<1x1x16xf32> to vector<16xf32>
        %scan3A_424 = arith.constant 0 : i32
        %scan3A_425 = arith.constant 0 : i32
        %scan3A_426 = arith.constant 28 : i32
        %scan3A_427 = arith.addi %scan3A_425, %scan3A_426 : i32
        %scan3A_428 = arith.constant 1 : i32
        scf.for %scan3A_628 = %scan3A_425 to %scan3A_427 step %scan3A_428  : i32 {
          %get3A_629 = arith.index_cast %scan3A_628 : i32 to index
          %get3A_630 = arith.constant 0 : index
          %get3A_631 = tpu.vector_load %arg10[%get3A_629, %get3A_630] {strides = array<i32>} : memref<28x128xf32, #tpu.memory_space<vmem>>, vector<1x16xf32>,
          %get3A_632 = vector.shape_cast %get3A_631 : vector<1x16xf32> to vector<16xf32>
          %add3A_633 = arith.addf %get3A_374, %get3A_632 : vector<16xf32>
          %add3A_634 = arith.constant 0 : i32
          %add3A_635 = arith.addi %add3A_634, %scan3A_628 : i32
          %swap3A = arith.index_cast %add3A_635 : i32 to index
          %swap3A_636 = arith.constant 0 : index
          %swap3A_637 = tpu.vector_load %arg8[%swap3A, %swap3A_636] {strides = array<i32>} : memref<56x128xf32, #tpu.memory_space<vmem>>, vector<1x16xf32>,
          %swap3A_638 = vector.shape_cast %swap3A_637 : vector<1x16xf32> to vector<16xf32>
          %swap3A_639 = vector.shape_cast %add3A_633 : vector<16xf32> to vector<1x16xf32>
          tpu.vector_store %arg8[%swap3A, %swap3A_636], %swap3A_639 {strides = array<i32>} : memref<56x128xf32, #tpu.memory_space<vmem>>, vector<1x16xf32>,
          %get3A_640 = arith.index_cast %scan3A_628 : i32 to index
          %get3A_641 = arith.constant 16 : index
          %get3A_642 = tpu.vector_load %arg10[%get3A_640, %get3A_641] {strides = array<i32>} : memref<28x128xf32, #tpu.memory_space<vmem>>, vector<1x16xf32>,
          %get3A_643 = vector.shape_cast %get3A_642 : vector<1x16xf32> to vector<16xf32>
          %add3A_644 = arith.addf %get3A_381, %get3A_643 : vector<16xf32>
          %add3A_645 = arith.constant 0 : i32
          %add3A_646 = arith.addi %add3A_645, %scan3A_628 : i32
          %swap3A_647 = arith.index_cast %add3A_646 : i32 to index
          %swap3A_648 = arith.constant 16 : index
          %swap3A_649 = tpu.vector_load %arg8[%swap3A_647, %swap3A_648] {strides = array<i32>} : memref<56x128xf32, #tpu.memory_space<vmem>>, vector<1x16xf32>,
          %swap3A_650 = vector.shape_cast %swap3A_649 : vector<1x16xf32> to vector<16xf32>
          %swap3A_651 = vector.shape_cast %add3A_644 : vector<16xf32> to vector<1x16xf32>
          tpu.vector_store %arg8[%swap3A_647, %swap3A_648], %swap3A_651 {strides = array<i32>} : memref<56x128xf32, #tpu.memory_space<vmem>>, vector<1x16xf32>,
          %get3A_652 = arith.index_cast %scan3A_628 : i32 to index
          %get3A_653 = arith.constant 32 : index
          %get3A_654 = tpu.vector_load %arg10[%get3A_652, %get3A_653] {strides = array<i32>} : memref<28x128xf32, #tpu.memory_space<vmem>>, vector<1x16xf32>,
          %get3A_655 = vector.shape_cast %get3A_654 : vector<1x16xf32> to vector<16xf32>
          %add3A_656 = arith.addf %get3A_388, %get3A_655 : vector<16xf32>
          %add3A_657 = arith.constant 0 : i32
          %add3A_658 = arith.addi %add3A_657, %scan3A_628 : i32
          %swap3A_659 = arith.index_cast %add3A_658 : i32 to index
          %swap3A_660 = arith.constant 32 : index
          %swap3A_661 = tpu.vector_load %arg8[%swap3A_659, %swap3A_660] {strides = array<i32>} : memref<56x128xf32, #tpu.memory_space<vmem>>, vector<1x16xf32>,
          %swap3A_662 = vector.shape_cast %swap3A_661 : vector<1x16xf32> to vector<16xf32>
          %swap3A_663 = vector.shape_cast %add3A_656 : vector<16xf32> to vector<1x16xf32>
          tpu.vector_store %arg8[%swap3A_659, %swap3A_660], %swap3A_663 {strides = array<i32>} : memref<56x128xf32, #tpu.memory_space<vmem>>, vector<1x16xf32>,
          %get3A_664 = arith.index_cast %scan3A_628 : i32 to index
          %get3A_665 = arith.constant 48 : index
          %get3A_666 = tpu.vector_load %arg10[%get3A_664, %get3A_665] {strides = array<i32>} : memref<28x128xf32, #tpu.memory_space<vmem>>, vector<1x16xf32>,
          %get3A_667 = vector.shape_cast %get3A_666 : vector<1x16xf32> to vector<16xf32>
          %add3A_668 = arith.addf %get3A_395, %get3A_667 : vector<16xf32>
          %add3A_669 = arith.constant 0 : i32
          %add3A_670 = arith.addi %add3A_669, %scan3A_628 : i32
          %swap3A_671 = arith.index_cast %add3A_670 : i32 to index
          %swap3A_672 = arith.constant 48 : index
          %swap3A_673 = tpu.vector_load %arg8[%swap3A_671, %swap3A_672] {strides = array<i32>} : memref<56x128xf32, #tpu.memory_space<vmem>>, vector<1x16xf32>,
          %swap3A_674 = vector.shape_cast %swap3A_673 : vector<1x16xf32> to vector<16xf32>
          %swap3A_675 = vector.shape_cast %add3A_668 : vector<16xf32> to vector<1x16xf32>
          tpu.vector_store %arg8[%swap3A_671, %swap3A_672], %swap3A_675 {strides = array<i32>} : memref<56x128xf32, #tpu.memory_space<vmem>>, vector<1x16xf32>,
          %get3A_676 = arith.index_cast %scan3A_628 : i32 to index
          %get3A_677 = arith.constant 64 : index
          %get3A_678 = tpu.vector_load %arg10[%get3A_676, %get3A_677] {strides = array<i32>} : memref<28x128xf32, #tpu.memory_space<vmem>>, vector<1x16xf32>,
          %get3A_679 = vector.shape_cast %get3A_678 : vector<1x16xf32> to vector<16xf32>
          %add3A_680 = arith.addf %get3A_402, %get3A_679 : vector<16xf32>
          %add3A_681 = arith.constant 0 : i32
          %add3A_682 = arith.addi %add3A_681, %scan3A_628 : i32
          %swap3A_683 = arith.index_cast %add3A_682 : i32 to index
          %swap3A_684 = arith.constant 64 : index
          %swap3A_685 = tpu.vector_load %arg8[%swap3A_683, %swap3A_684] {strides = array<i32>} : memref<56x128xf32, #tpu.memory_space<vmem>>, vector<1x16xf32>,
          %swap3A_686 = vector.shape_cast %swap3A_685 : vector<1x16xf32> to vector<16xf32>
          %swap3A_687 = vector.shape_cast %add3A_680 : vector<16xf32> to vector<1x16xf32>
          tpu.vector_store %arg8[%swap3A_683, %swap3A_684], %swap3A_687 {strides = array<i32>} : memref<56x128xf32, #tpu.memory_space<vmem>>, vector<1x16xf32>,
          %get3A_688 = arith.index_cast %scan3A_628 : i32 to index
          %get3A_689 = arith.constant 80 : index
          %get3A_690 = tpu.vector_load %arg10[%get3A_688, %get3A_689] {strides = array<i32>} : memref<28x128xf32, #tpu.memory_space<vmem>>, vector<1x16xf32>,
          %get3A_691 = vector.shape_cast %get3A_690 : vector<1x16xf32> to vector<16xf32>
          %add3A_692 = arith.addf %get3A_409, %get3A_691 : vector<16xf32>
          %add3A_693 = arith.constant 0 : i32
          %add3A_694 = arith.addi %add3A_693, %scan3A_628 : i32
          %swap3A_695 = arith.index_cast %add3A_694 : i32 to index
          %swap3A_696 = arith.constant 80 : index
          %swap3A_697 = tpu.vector_load %arg8[%swap3A_695, %swap3A_696] {strides = array<i32>} : memref<56x128xf32, #tpu.memory_space<vmem>>, vector<1x16xf32>,
          %swap3A_698 = vector.shape_cast %swap3A_697 : vector<1x16xf32> to vector<16xf32>
          %swap3A_699 = vector.shape_cast %add3A_692 : vector<16xf32> to vector<1x16xf32>
          tpu.vector_store %arg8[%swap3A_695, %swap3A_696], %swap3A_699 {strides = array<i32>} : memref<56x128xf32, #tpu.memory_space<vmem>>, vector<1x16xf32>,
          %get3A_700 = arith.index_cast %scan3A_628 : i32 to index
          %get3A_701 = arith.constant 96 : index
          %get3A_702 = tpu.vector_load %arg10[%get3A_700, %get3A_701] {strides = array<i32>} : memref<28x128xf32, #tpu.memory_space<vmem>>, vector<1x16xf32>,
          %get3A_703 = vector.shape_cast %get3A_702 : vector<1x16xf32> to vector<16xf32>
          %add3A_704 = arith.addf %get3A_416, %get3A_703 : vector<16xf32>
          %add3A_705 = arith.constant 0 : i32
          %add3A_706 = arith.addi %add3A_705, %scan3A_628 : i32
          %swap3A_707 = arith.index_cast %add3A_706 : i32 to index
          %swap3A_708 = arith.constant 96 : index
          %swap3A_709 = tpu.vector_load %arg8[%swap3A_707, %swap3A_708] {strides = array<i32>} : memref<56x128xf32, #tpu.memory_space<vmem>>, vector<1x16xf32>,
          %swap3A_710 = vector.shape_cast %swap3A_709 : vector<1x16xf32> to vector<16xf32>
          %swap3A_711 = vector.shape_cast %add3A_704 : vector<16xf32> to vector<1x16xf32>
          tpu.vector_store %arg8[%swap3A_707, %swap3A_708], %swap3A_711 {strides = array<i32>} : memref<56x128xf32, #tpu.memory_space<vmem>>, vector<1x16xf32>,
          %get3A_712 = arith.index_cast %scan3A_628 : i32 to index
          %get3A_713 = arith.constant 112 : index
          %get3A_714 = tpu.vector_load %arg10[%get3A_712, %get3A_713] {strides = array<i32>} : memref<28x128xf32, #tpu.memory_space<vmem>>, vector<1x16xf32>,
          %get3A_715 = vector.shape_cast %get3A_714 : vector<1x16xf32> to vector<16xf32>
          %add3A_716 = arith.addf %get3A_423, %get3A_715 : vector<16xf32>
          %add3A_717 = arith.constant 0 : i32
          %add3A_718 = arith.addi %add3A_717, %scan3A_628 : i32
          %swap3A_719 = arith.index_cast %add3A_718 : i32 to index
          %swap3A_720 = arith.constant 112 : index
          %swap3A_721 = tpu.vector_load %arg8[%swap3A_719, %swap3A_720] {strides = array<i32>} : memref<56x128xf32, #tpu.memory_space<vmem>>, vector<1x16xf32>,
          %swap3A_722 = vector.shape_cast %swap3A_721 : vector<1x16xf32> to vector<16xf32>
          %swap3A_723 = vector.shape_cast %add3A_716 : vector<16xf32> to vector<1x16xf32>
          tpu.vector_store %arg8[%swap3A_719, %swap3A_720], %swap3A_723 {strides = array<i32>} : memref<56x128xf32, #tpu.memory_space<vmem>>, vector<1x16xf32>,
        }
        %scan3A_429 = arith.constant 28 : i32
        %get3A_430 = arith.constant 5 : i32
        %get3A_431 = arith.constant 0 : i32
        %get3A_432 = arith.index_cast %get3A_430 : i32 to index
        %get3A_433 = arith.index_cast %get3A_431 : i32 to index
        %get3A_434 = arith.constant 0 : index
        %get3A_435 = tpu.vector_load %arg9[%get3A_432, %get3A_433, %get3A_434] {strides = array<i32>} : memref<8x1x128xf32, #tpu.memory_space<vmem>>, vector<1x1x16xf32>,
        %get3A_436 = vector.shape_cast %get3A_435 : vector<1x1x16xf32> to vector<16xf32>
        %get3A_437 = arith.constant 5 : i32
        %get3A_438 = arith.constant 0 : i32
        %get3A_439 = arith.index_cast %get3A_437 : i32 to index
        %get3A_440 = arith.index_cast %get3A_438 : i32 to index
        %get3A_441 = arith.constant 16 : index
        %get3A_442 = tpu.vector_load %arg9[%get3A_439, %get3A_440, %get3A_441] {strides = array<i32>} : memref<8x1x128xf32, #tpu.memory_space<vmem>>, vector<1x1x16xf32>,
        %get3A_443 = vector.shape_cast %get3A_442 : vector<1x1x16xf32> to vector<16xf32>
        %get3A_444 = arith.constant 5 : i32
        %get3A_445 = arith.constant 0 : i32
        %get3A_446 = arith.index_cast %get3A_444 : i32 to index
        %get3A_447 = arith.index_cast %get3A_445 : i32 to index
        %get3A_448 = arith.constant 32 : index
        %get3A_449 = tpu.vector_load %arg9[%get3A_446, %get3A_447, %get3A_448] {strides = array<i32>} : memref<8x1x128xf32, #tpu.memory_space<vmem>>, vector<1x1x16xf32>,
        %get3A_450 = vector.shape_cast %get3A_449 : vector<1x1x16xf32> to vector<16xf32>
        %get3A_451 = arith.constant 5 : i32
        %get3A_452 = arith.constant 0 : i32
        %get3A_453 = arith.index_cast %get3A_451 : i32 to index
        %get3A_454 = arith.index_cast %get3A_452 : i32 to index
        %get3A_455 = arith.constant 48 : index
        %get3A_456 = tpu.vector_load %arg9[%get3A_453, %get3A_454, %get3A_455] {strides = array<i32>} : memref<8x1x128xf32, #tpu.memory_space<vmem>>, vector<1x1x16xf32>,
        %get3A_457 = vector.shape_cast %get3A_456 : vector<1x1x16xf32> to vector<16xf32>
        %get3A_458 = arith.constant 5 : i32
        %get3A_459 = arith.constant 0 : i32
        %get3A_460 = arith.index_cast %get3A_458 : i32 to index
        %get3A_461 = arith.index_cast %get3A_459 : i32 to index
        %get3A_462 = arith.constant 64 : index
        %get3A_463 = tpu.vector_load %arg9[%get3A_460, %get3A_461, %get3A_462] {strides = array<i32>} : memref<8x1x128xf32, #tpu.memory_space<vmem>>, vector<1x1x16xf32>,
        %get3A_464 = vector.shape_cast %get3A_463 : vector<1x1x16xf32> to vector<16xf32>
        %get3A_465 = arith.constant 5 : i32
        %get3A_466 = arith.constant 0 : i32
        %get3A_467 = arith.index_cast %get3A_465 : i32 to index
        %get3A_468 = arith.index_cast %get3A_466 : i32 to index
        %get3A_469 = arith.constant 80 : index
        %get3A_470 = tpu.vector_load %arg9[%get3A_467, %get3A_468, %get3A_469] {strides = array<i32>} : memref<8x1x128xf32, #tpu.memory_space<vmem>>, vector<1x1x16xf32>,
        %get3A_471 = vector.shape_cast %get3A_470 : vector<1x1x16xf32> to vector<16xf32>
        %get3A_472 = arith.constant 5 : i32
        %get3A_473 = arith.constant 0 : i32
        %get3A_474 = arith.index_cast %get3A_472 : i32 to index
        %get3A_475 = arith.index_cast %get3A_473 : i32 to index
        %get3A_476 = arith.constant 96 : index
        %get3A_477 = tpu.vector_load %arg9[%get3A_474, %get3A_475, %get3A_476] {strides = array<i32>} : memref<8x1x128xf32, #tpu.memory_space<vmem>>, vector<1x1x16xf32>,
        %get3A_478 = vector.shape_cast %get3A_477 : vector<1x1x16xf32> to vector<16xf32>
        %get3A_479 = arith.constant 5 : i32
        %get3A_480 = arith.constant 0 : i32
        %get3A_481 = arith.index_cast %get3A_479 : i32 to index
        %get3A_482 = arith.index_cast %get3A_480 : i32 to index
        %get3A_483 = arith.constant 112 : index
        %get3A_484 = tpu.vector_load %arg9[%get3A_481, %get3A_482, %get3A_483] {strides = array<i32>} : memref<8x1x128xf32, #tpu.memory_space<vmem>>, vector<1x1x16xf32>,
        %get3A_485 = vector.shape_cast %get3A_484 : vector<1x1x16xf32> to vector<16xf32>
        %scan3A_486 = arith.constant 0 : i32
        %scan3A_487 = arith.constant 0 : i32
        %scan3A_488 = arith.constant 28 : i32
        %scan3A_489 = arith.addi %scan3A_487, %scan3A_488 : i32
        %scan3A_490 = arith.constant 1 : i32
        scf.for %scan3A_628 = %scan3A_487 to %scan3A_489 step %scan3A_490  : i32 {
          %get3A_629 = arith.index_cast %scan3A_628 : i32 to index
          %get3A_630 = arith.constant 0 : index
          %get3A_631 = tpu.vector_load %arg10[%get3A_629, %get3A_630] {strides = array<i32>} : memref<28x128xf32, #tpu.memory_space<vmem>>, vector<1x16xf32>,
          %get3A_632 = vector.shape_cast %get3A_631 : vector<1x16xf32> to vector<16xf32>
          %add3A_633 = arith.addf %get3A_436, %get3A_632 : vector<16xf32>
          %add3A_634 = arith.constant 28 : i32
          %add3A_635 = arith.addi %add3A_634, %scan3A_628 : i32
          %swap3A = arith.index_cast %add3A_635 : i32 to index
          %swap3A_636 = arith.constant 0 : index
          %swap3A_637 = tpu.vector_load %arg8[%swap3A, %swap3A_636] {strides = array<i32>} : memref<56x128xf32, #tpu.memory_space<vmem>>, vector<1x16xf32>,
          %swap3A_638 = vector.shape_cast %swap3A_637 : vector<1x16xf32> to vector<16xf32>
          %swap3A_639 = vector.shape_cast %add3A_633 : vector<16xf32> to vector<1x16xf32>
          tpu.vector_store %arg8[%swap3A, %swap3A_636], %swap3A_639 {strides = array<i32>} : memref<56x128xf32, #tpu.memory_space<vmem>>, vector<1x16xf32>,
          %get3A_640 = arith.index_cast %scan3A_628 : i32 to index
          %get3A_641 = arith.constant 16 : index
          %get3A_642 = tpu.vector_load %arg10[%get3A_640, %get3A_641] {strides = array<i32>} : memref<28x128xf32, #tpu.memory_space<vmem>>, vector<1x16xf32>,
          %get3A_643 = vector.shape_cast %get3A_642 : vector<1x16xf32> to vector<16xf32>
          %add3A_644 = arith.addf %get3A_443, %get3A_643 : vector<16xf32>
          %add3A_645 = arith.constant 28 : i32
          %add3A_646 = arith.addi %add3A_645, %scan3A_628 : i32
          %swap3A_647 = arith.index_cast %add3A_646 : i32 to index
          %swap3A_648 = arith.constant 16 : index
          %swap3A_649 = tpu.vector_load %arg8[%swap3A_647, %swap3A_648] {strides = array<i32>} : memref<56x128xf32, #tpu.memory_space<vmem>>, vector<1x16xf32>,
          %swap3A_650 = vector.shape_cast %swap3A_649 : vector<1x16xf32> to vector<16xf32>
          %swap3A_651 = vector.shape_cast %add3A_644 : vector<16xf32> to vector<1x16xf32>
          tpu.vector_store %arg8[%swap3A_647, %swap3A_648], %swap3A_651 {strides = array<i32>} : memref<56x128xf32, #tpu.memory_space<vmem>>, vector<1x16xf32>,
          %get3A_652 = arith.index_cast %scan3A_628 : i32 to index
          %get3A_653 = arith.constant 32 : index
          %get3A_654 = tpu.vector_load %arg10[%get3A_652, %get3A_653] {strides = array<i32>} : memref<28x128xf32, #tpu.memory_space<vmem>>, vector<1x16xf32>,
          %get3A_655 = vector.shape_cast %get3A_654 : vector<1x16xf32> to vector<16xf32>
          %add3A_656 = arith.addf %get3A_450, %get3A_655 : vector<16xf32>
          %add3A_657 = arith.constant 28 : i32
          %add3A_658 = arith.addi %add3A_657, %scan3A_628 : i32
          %swap3A_659 = arith.index_cast %add3A_658 : i32 to index
          %swap3A_660 = arith.constant 32 : index
          %swap3A_661 = tpu.vector_load %arg8[%swap3A_659, %swap3A_660] {strides = array<i32>} : memref<56x128xf32, #tpu.memory_space<vmem>>, vector<1x16xf32>,
          %swap3A_662 = vector.shape_cast %swap3A_661 : vector<1x16xf32> to vector<16xf32>
          %swap3A_663 = vector.shape_cast %add3A_656 : vector<16xf32> to vector<1x16xf32>
          tpu.vector_store %arg8[%swap3A_659, %swap3A_660], %swap3A_663 {strides = array<i32>} : memref<56x128xf32, #tpu.memory_space<vmem>>, vector<1x16xf32>,
          %get3A_664 = arith.index_cast %scan3A_628 : i32 to index
          %get3A_665 = arith.constant 48 : index
          %get3A_666 = tpu.vector_load %arg10[%get3A_664, %get3A_665] {strides = array<i32>} : memref<28x128xf32, #tpu.memory_space<vmem>>, vector<1x16xf32>,
          %get3A_667 = vector.shape_cast %get3A_666 : vector<1x16xf32> to vector<16xf32>
          %add3A_668 = arith.addf %get3A_457, %get3A_667 : vector<16xf32>
          %add3A_669 = arith.constant 28 : i32
          %add3A_670 = arith.addi %add3A_669, %scan3A_628 : i32
          %swap3A_671 = arith.index_cast %add3A_670 : i32 to index
          %swap3A_672 = arith.constant 48 : index
          %swap3A_673 = tpu.vector_load %arg8[%swap3A_671, %swap3A_672] {strides = array<i32>} : memref<56x128xf32, #tpu.memory_space<vmem>>, vector<1x16xf32>,
          %swap3A_674 = vector.shape_cast %swap3A_673 : vector<1x16xf32> to vector<16xf32>
          %swap3A_675 = vector.shape_cast %add3A_668 : vector<16xf32> to vector<1x16xf32>
          tpu.vector_store %arg8[%swap3A_671, %swap3A_672], %swap3A_675 {strides = array<i32>} : memref<56x128xf32, #tpu.memory_space<vmem>>, vector<1x16xf32>,
          %get3A_676 = arith.index_cast %scan3A_628 : i32 to index
          %get3A_677 = arith.constant 64 : index
          %get3A_678 = tpu.vector_load %arg10[%get3A_676, %get3A_677] {strides = array<i32>} : memref<28x128xf32, #tpu.memory_space<vmem>>, vector<1x16xf32>,
          %get3A_679 = vector.shape_cast %get3A_678 : vector<1x16xf32> to vector<16xf32>
          %add3A_680 = arith.addf %get3A_464, %get3A_679 : vector<16xf32>
          %add3A_681 = arith.constant 28 : i32
          %add3A_682 = arith.addi %add3A_681, %scan3A_628 : i32
          %swap3A_683 = arith.index_cast %add3A_682 : i32 to index
          %swap3A_684 = arith.constant 64 : index
          %swap3A_685 = tpu.vector_load %arg8[%swap3A_683, %swap3A_684] {strides = array<i32>} : memref<56x128xf32, #tpu.memory_space<vmem>>, vector<1x16xf32>,
          %swap3A_686 = vector.shape_cast %swap3A_685 : vector<1x16xf32> to vector<16xf32>
          %swap3A_687 = vector.shape_cast %add3A_680 : vector<16xf32> to vector<1x16xf32>
          tpu.vector_store %arg8[%swap3A_683, %swap3A_684], %swap3A_687 {strides = array<i32>} : memref<56x128xf32, #tpu.memory_space<vmem>>, vector<1x16xf32>,
          %get3A_688 = arith.index_cast %scan3A_628 : i32 to index
          %get3A_689 = arith.constant 80 : index
          %get3A_690 = tpu.vector_load %arg10[%get3A_688, %get3A_689] {strides = array<i32>} : memref<28x128xf32, #tpu.memory_space<vmem>>, vector<1x16xf32>,
          %get3A_691 = vector.shape_cast %get3A_690 : vector<1x16xf32> to vector<16xf32>
          %add3A_692 = arith.addf %get3A_471, %get3A_691 : vector<16xf32>
          %add3A_693 = arith.constant 28 : i32
          %add3A_694 = arith.addi %add3A_693, %scan3A_628 : i32
          %swap3A_695 = arith.index_cast %add3A_694 : i32 to index
          %swap3A_696 = arith.constant 80 : index
          %swap3A_697 = tpu.vector_load %arg8[%swap3A_695, %swap3A_696] {strides = array<i32>} : memref<56x128xf32, #tpu.memory_space<vmem>>, vector<1x16xf32>,
          %swap3A_698 = vector.shape_cast %swap3A_697 : vector<1x16xf32> to vector<16xf32>
          %swap3A_699 = vector.shape_cast %add3A_692 : vector<16xf32> to vector<1x16xf32>
          tpu.vector_store %arg8[%swap3A_695, %swap3A_696], %swap3A_699 {strides = array<i32>} : memref<56x128xf32, #tpu.memory_space<vmem>>, vector<1x16xf32>,
          %get3A_700 = arith.index_cast %scan3A_628 : i32 to index
          %get3A_701 = arith.constant 96 : index
          %get3A_702 = tpu.vector_load %arg10[%get3A_700, %get3A_701] {strides = array<i32>} : memref<28x128xf32, #tpu.memory_space<vmem>>, vector<1x16xf32>,
          %get3A_703 = vector.shape_cast %get3A_702 : vector<1x16xf32> to vector<16xf32>
          %add3A_704 = arith.addf %get3A_478, %get3A_703 : vector<16xf32>
          %add3A_705 = arith.constant 28 : i32
          %add3A_706 = arith.addi %add3A_705, %scan3A_628 : i32
          %swap3A_707 = arith.index_cast %add3A_706 : i32 to index
          %swap3A_708 = arith.constant 96 : index
          %swap3A_709 = tpu.vector_load %arg8[%swap3A_707, %swap3A_708] {strides = array<i32>} : memref<56x128xf32, #tpu.memory_space<vmem>>, vector<1x16xf32>,
          %swap3A_710 = vector.shape_cast %swap3A_709 : vector<1x16xf32> to vector<16xf32>
          %swap3A_711 = vector.shape_cast %add3A_704 : vector<16xf32> to vector<1x16xf32>
          tpu.vector_store %arg8[%swap3A_707, %swap3A_708], %swap3A_711 {strides = array<i32>} : memref<56x128xf32, #tpu.memory_space<vmem>>, vector<1x16xf32>,
          %get3A_712 = arith.index_cast %scan3A_628 : i32 to index
          %get3A_713 = arith.constant 112 : index
          %get3A_714 = tpu.vector_load %arg10[%get3A_712, %get3A_713] {strides = array<i32>} : memref<28x128xf32, #tpu.memory_space<vmem>>, vector<1x16xf32>,
          %get3A_715 = vector.shape_cast %get3A_714 : vector<1x16xf32> to vector<16xf32>
          %add3A_716 = arith.addf %get3A_485, %get3A_715 : vector<16xf32>
          %add3A_717 = arith.constant 28 : i32
          %add3A_718 = arith.addi %add3A_717, %scan3A_628 : i32
          %swap3A_719 = arith.index_cast %add3A_718 : i32 to index
          %swap3A_720 = arith.constant 112 : index
          %swap3A_721 = tpu.vector_load %arg8[%swap3A_719, %swap3A_720] {strides = array<i32>} : memref<56x128xf32, #tpu.memory_space<vmem>>, vector<1x16xf32>,
          %swap3A_722 = vector.shape_cast %swap3A_721 : vector<1x16xf32> to vector<16xf32>
          %swap3A_723 = vector.shape_cast %add3A_716 : vector<16xf32> to vector<1x16xf32>
          tpu.vector_store %arg8[%swap3A_719, %swap3A_720], %swap3A_723 {strides = array<i32>} : memref<56x128xf32, #tpu.memory_space<vmem>>, vector<1x16xf32>,
        }
        %scan3A_491 = arith.constant 28 : i32
        %mul3A_492 = arith.constant 8 : i32
        %mul3A_493 = arith.muli %arg1, %mul3A_492 : i32
        %add3A_494 = arith.constant 4 : i32
        %add3A_495 = arith.addi %mul3A_493, %add3A_494 : i32
        %mul3A_496 = arith.constant 28 : i32
        %mul3A_497 = arith.muli %add3A_495, %mul3A_496 : i32
        "tpu.region"() ({
          %run_scoped3A = tpu.sem_alloc : memref<!tpu.dma_semaphore, #tpu.memory_space<semaphore_mem>>
          %dma_start3A_628 = arith.constant 0 : i32
          %dma_start3A_629 = tpu.memref_slice %arg12[%mul3A_497, %dma_start3A_628] : memref<2912x128xf32, #tpu.memory_space<vmem_shared>> -> memref<56x128xf32, #tpu.memory_space<vmem_shared>>
          %dma_start3A_630 = arith.constant 0 : i32
          %dma_start3A_631 = tpu.memref_slice %arg12[%mul3A_497, %dma_start3A_630] : memref<2912x128xf32, #tpu.memory_space<vmem_shared>> -> memref<56x128xf32, #tpu.memory_space<vmem_shared>>
          tpu.enqueue_dma source(%arg8 : memref<56x128xf32, #tpu.memory_space<vmem>>) target(%dma_start3A_631 : memref<56x128xf32, #tpu.memory_space<vmem_shared>>) target_semaphore(%run_scoped3A : memref<!tpu.dma_semaphore, #tpu.memory_space<semaphore_mem>>)
          %dma_wait3A_632 = arith.constant 0 : i32
          %dma_wait3A_633 = tpu.memref_slice %arg12[%mul3A_497, %dma_wait3A_632] : memref<2912x128xf32, #tpu.memory_space<vmem_shared>> -> memref<56x128xf32, #tpu.memory_space<vmem_shared>>
          %dma_wait3A_634 = arith.constant 0 : i32
          %dma_wait3A_635 = tpu.memref_slice %arg12[%mul3A_497, %dma_wait3A_634] : memref<2912x128xf32, #tpu.memory_space<vmem_shared>> -> memref<56x128xf32, #tpu.memory_space<vmem_shared>>
          tpu.wait_dma2 semaphore(%run_scoped3A : memref<!tpu.dma_semaphore, #tpu.memory_space<semaphore_mem>>) src(%arg8 : memref<56x128xf32, #tpu.memory_space<vmem>>) dst(%dma_wait3A_635 : memref<56x128xf32, #tpu.memory_space<vmem_shared>>)
          tpu.yield
        }) : () -> ()
        %get3A_498 = arith.constant 6 : i32
        %get3A_499 = arith.constant 0 : i32
        %get3A_500 = arith.index_cast %get3A_498 : i32 to index
        %get3A_501 = arith.index_cast %get3A_499 : i32 to index
        %get3A_502 = arith.constant 0 : index
        %get3A_503 = tpu.vector_load %arg9[%get3A_500, %get3A_501, %get3A_502] {strides = array<i32>} : memref<8x1x128xf32, #tpu.memory_space<vmem>>, vector<1x1x16xf32>,
        %get3A_504 = vector.shape_cast %get3A_503 : vector<1x1x16xf32> to vector<16xf32>
        %get3A_505 = arith.constant 6 : i32
        %get3A_506 = arith.constant 0 : i32
        %get3A_507 = arith.index_cast %get3A_505 : i32 to index
        %get3A_508 = arith.index_cast %get3A_506 : i32 to index
        %get3A_509 = arith.constant 16 : index
        %get3A_510 = tpu.vector_load %arg9[%get3A_507, %get3A_508, %get3A_509] {strides = array<i32>} : memref<8x1x128xf32, #tpu.memory_space<vmem>>, vector<1x1x16xf32>,
        %get3A_511 = vector.shape_cast %get3A_510 : vector<1x1x16xf32> to vector<16xf32>
        %get3A_512 = arith.constant 6 : i32
        %get3A_513 = arith.constant 0 : i32
        %get3A_514 = arith.index_cast %get3A_512 : i32 to index
        %get3A_515 = arith.index_cast %get3A_513 : i32 to index
        %get3A_516 = arith.constant 32 : index
        %get3A_517 = tpu.vector_load %arg9[%get3A_514, %get3A_515, %get3A_516] {strides = array<i32>} : memref<8x1x128xf32, #tpu.memory_space<vmem>>, vector<1x1x16xf32>,
        %get3A_518 = vector.shape_cast %get3A_517 : vector<1x1x16xf32> to vector<16xf32>
        %get3A_519 = arith.constant 6 : i32
        %get3A_520 = arith.constant 0 : i32
        %get3A_521 = arith.index_cast %get3A_519 : i32 to index
        %get3A_522 = arith.index_cast %get3A_520 : i32 to index
        %get3A_523 = arith.constant 48 : index
        %get3A_524 = tpu.vector_load %arg9[%get3A_521, %get3A_522, %get3A_523] {strides = array<i32>} : memref<8x1x128xf32, #tpu.memory_space<vmem>>, vector<1x1x16xf32>,
        %get3A_525 = vector.shape_cast %get3A_524 : vector<1x1x16xf32> to vector<16xf32>
        %get3A_526 = arith.constant 6 : i32
        %get3A_527 = arith.constant 0 : i32
        %get3A_528 = arith.index_cast %get3A_526 : i32 to index
        %get3A_529 = arith.index_cast %get3A_527 : i32 to index
        %get3A_530 = arith.constant 64 : index
        %get3A_531 = tpu.vector_load %arg9[%get3A_528, %get3A_529, %get3A_530] {strides = array<i32>} : memref<8x1x128xf32, #tpu.memory_space<vmem>>, vector<1x1x16xf32>,
        %get3A_532 = vector.shape_cast %get3A_531 : vector<1x1x16xf32> to vector<16xf32>
        %get3A_533 = arith.constant 6 : i32
        %get3A_534 = arith.constant 0 : i32
        %get3A_535 = arith.index_cast %get3A_533 : i32 to index
        %get3A_536 = arith.index_cast %get3A_534 : i32 to index
        %get3A_537 = arith.constant 80 : index
        %get3A_538 = tpu.vector_load %arg9[%get3A_535, %get3A_536, %get3A_537] {strides = array<i32>} : memref<8x1x128xf32, #tpu.memory_space<vmem>>, vector<1x1x16xf32>,
        %get3A_539 = vector.shape_cast %get3A_538 : vector<1x1x16xf32> to vector<16xf32>
        %get3A_540 = arith.constant 6 : i32
        %get3A_541 = arith.constant 0 : i32
        %get3A_542 = arith.index_cast %get3A_540 : i32 to index
        %get3A_543 = arith.index_cast %get3A_541 : i32 to index
        %get3A_544 = arith.constant 96 : index
        %get3A_545 = tpu.vector_load %arg9[%get3A_542, %get3A_543, %get3A_544] {strides = array<i32>} : memref<8x1x128xf32, #tpu.memory_space<vmem>>, vector<1x1x16xf32>,
        %get3A_546 = vector.shape_cast %get3A_545 : vector<1x1x16xf32> to vector<16xf32>
        %get3A_547 = arith.constant 6 : i32
        %get3A_548 = arith.constant 0 : i32
        %get3A_549 = arith.index_cast %get3A_547 : i32 to index
        %get3A_550 = arith.index_cast %get3A_548 : i32 to index
        %get3A_551 = arith.constant 112 : index
        %get3A_552 = tpu.vector_load %arg9[%get3A_549, %get3A_550, %get3A_551] {strides = array<i32>} : memref<8x1x128xf32, #tpu.memory_space<vmem>>, vector<1x1x16xf32>,
        %get3A_553 = vector.shape_cast %get3A_552 : vector<1x1x16xf32> to vector<16xf32>
        %scan3A_554 = arith.constant 0 : i32
        %scan3A_555 = arith.constant 0 : i32
        %scan3A_556 = arith.constant 28 : i32
        %scan3A_557 = arith.addi %scan3A_555, %scan3A_556 : i32
        %scan3A_558 = arith.constant 1 : i32
        scf.for %scan3A_628 = %scan3A_555 to %scan3A_557 step %scan3A_558  : i32 {
          %get3A_629 = arith.index_cast %scan3A_628 : i32 to index
          %get3A_630 = arith.constant 0 : index
          %get3A_631 = tpu.vector_load %arg10[%get3A_629, %get3A_630] {strides = array<i32>} : memref<28x128xf32, #tpu.memory_space<vmem>>, vector<1x16xf32>,
          %get3A_632 = vector.shape_cast %get3A_631 : vector<1x16xf32> to vector<16xf32>
          %add3A_633 = arith.addf %get3A_504, %get3A_632 : vector<16xf32>
          %add3A_634 = arith.constant 0 : i32
          %add3A_635 = arith.addi %add3A_634, %scan3A_628 : i32
          %swap3A = arith.index_cast %add3A_635 : i32 to index
          %swap3A_636 = arith.constant 0 : index
          %swap3A_637 = tpu.vector_load %arg8[%swap3A, %swap3A_636] {strides = array<i32>} : memref<56x128xf32, #tpu.memory_space<vmem>>, vector<1x16xf32>,
          %swap3A_638 = vector.shape_cast %swap3A_637 : vector<1x16xf32> to vector<16xf32>
          %swap3A_639 = vector.shape_cast %add3A_633 : vector<16xf32> to vector<1x16xf32>
          tpu.vector_store %arg8[%swap3A, %swap3A_636], %swap3A_639 {strides = array<i32>} : memref<56x128xf32, #tpu.memory_space<vmem>>, vector<1x16xf32>,
          %get3A_640 = arith.index_cast %scan3A_628 : i32 to index
          %get3A_641 = arith.constant 16 : index
          %get3A_642 = tpu.vector_load %arg10[%get3A_640, %get3A_641] {strides = array<i32>} : memref<28x128xf32, #tpu.memory_space<vmem>>, vector<1x16xf32>,
          %get3A_643 = vector.shape_cast %get3A_642 : vector<1x16xf32> to vector<16xf32>
          %add3A_644 = arith.addf %get3A_511, %get3A_643 : vector<16xf32>
          %add3A_645 = arith.constant 0 : i32
          %add3A_646 = arith.addi %add3A_645, %scan3A_628 : i32
          %swap3A_647 = arith.index_cast %add3A_646 : i32 to index
          %swap3A_648 = arith.constant 16 : index
          %swap3A_649 = tpu.vector_load %arg8[%swap3A_647, %swap3A_648] {strides = array<i32>} : memref<56x128xf32, #tpu.memory_space<vmem>>, vector<1x16xf32>,
          %swap3A_650 = vector.shape_cast %swap3A_649 : vector<1x16xf32> to vector<16xf32>
          %swap3A_651 = vector.shape_cast %add3A_644 : vector<16xf32> to vector<1x16xf32>
          tpu.vector_store %arg8[%swap3A_647, %swap3A_648], %swap3A_651 {strides = array<i32>} : memref<56x128xf32, #tpu.memory_space<vmem>>, vector<1x16xf32>,
          %get3A_652 = arith.index_cast %scan3A_628 : i32 to index
          %get3A_653 = arith.constant 32 : index
          %get3A_654 = tpu.vector_load %arg10[%get3A_652, %get3A_653] {strides = array<i32>} : memref<28x128xf32, #tpu.memory_space<vmem>>, vector<1x16xf32>,
          %get3A_655 = vector.shape_cast %get3A_654 : vector<1x16xf32> to vector<16xf32>
          %add3A_656 = arith.addf %get3A_518, %get3A_655 : vector<16xf32>
          %add3A_657 = arith.constant 0 : i32
          %add3A_658 = arith.addi %add3A_657, %scan3A_628 : i32
          %swap3A_659 = arith.index_cast %add3A_658 : i32 to index
          %swap3A_660 = arith.constant 32 : index
          %swap3A_661 = tpu.vector_load %arg8[%swap3A_659, %swap3A_660] {strides = array<i32>} : memref<56x128xf32, #tpu.memory_space<vmem>>, vector<1x16xf32>,
          %swap3A_662 = vector.shape_cast %swap3A_661 : vector<1x16xf32> to vector<16xf32>
          %swap3A_663 = vector.shape_cast %add3A_656 : vector<16xf32> to vector<1x16xf32>
          tpu.vector_store %arg8[%swap3A_659, %swap3A_660], %swap3A_663 {strides = array<i32>} : memref<56x128xf32, #tpu.memory_space<vmem>>, vector<1x16xf32>,
          %get3A_664 = arith.index_cast %scan3A_628 : i32 to index
          %get3A_665 = arith.constant 48 : index
          %get3A_666 = tpu.vector_load %arg10[%get3A_664, %get3A_665] {strides = array<i32>} : memref<28x128xf32, #tpu.memory_space<vmem>>, vector<1x16xf32>,
          %get3A_667 = vector.shape_cast %get3A_666 : vector<1x16xf32> to vector<16xf32>
          %add3A_668 = arith.addf %get3A_525, %get3A_667 : vector<16xf32>
          %add3A_669 = arith.constant 0 : i32
          %add3A_670 = arith.addi %add3A_669, %scan3A_628 : i32
          %swap3A_671 = arith.index_cast %add3A_670 : i32 to index
          %swap3A_672 = arith.constant 48 : index
          %swap3A_673 = tpu.vector_load %arg8[%swap3A_671, %swap3A_672] {strides = array<i32>} : memref<56x128xf32, #tpu.memory_space<vmem>>, vector<1x16xf32>,
          %swap3A_674 = vector.shape_cast %swap3A_673 : vector<1x16xf32> to vector<16xf32>
          %swap3A_675 = vector.shape_cast %add3A_668 : vector<16xf32> to vector<1x16xf32>
          tpu.vector_store %arg8[%swap3A_671, %swap3A_672], %swap3A_675 {strides = array<i32>} : memref<56x128xf32, #tpu.memory_space<vmem>>, vector<1x16xf32>,
          %get3A_676 = arith.index_cast %scan3A_628 : i32 to index
          %get3A_677 = arith.constant 64 : index
          %get3A_678 = tpu.vector_load %arg10[%get3A_676, %get3A_677] {strides = array<i32>} : memref<28x128xf32, #tpu.memory_space<vmem>>, vector<1x16xf32>,
          %get3A_679 = vector.shape_cast %get3A_678 : vector<1x16xf32> to vector<16xf32>
          %add3A_680 = arith.addf %get3A_532, %get3A_679 : vector<16xf32>
          %add3A_681 = arith.constant 0 : i32
          %add3A_682 = arith.addi %add3A_681, %scan3A_628 : i32
          %swap3A_683 = arith.index_cast %add3A_682 : i32 to index
          %swap3A_684 = arith.constant 64 : index
          %swap3A_685 = tpu.vector_load %arg8[%swap3A_683, %swap3A_684] {strides = array<i32>} : memref<56x128xf32, #tpu.memory_space<vmem>>, vector<1x16xf32>,
          %swap3A_686 = vector.shape_cast %swap3A_685 : vector<1x16xf32> to vector<16xf32>
          %swap3A_687 = vector.shape_cast %add3A_680 : vector<16xf32> to vector<1x16xf32>
          tpu.vector_store %arg8[%swap3A_683, %swap3A_684], %swap3A_687 {strides = array<i32>} : memref<56x128xf32, #tpu.memory_space<vmem>>, vector<1x16xf32>,
          %get3A_688 = arith.index_cast %scan3A_628 : i32 to index
          %get3A_689 = arith.constant 80 : index
          %get3A_690 = tpu.vector_load %arg10[%get3A_688, %get3A_689] {strides = array<i32>} : memref<28x128xf32, #tpu.memory_space<vmem>>, vector<1x16xf32>,
          %get3A_691 = vector.shape_cast %get3A_690 : vector<1x16xf32> to vector<16xf32>
          %add3A_692 = arith.addf %get3A_539, %get3A_691 : vector<16xf32>
          %add3A_693 = arith.constant 0 : i32
          %add3A_694 = arith.addi %add3A_693, %scan3A_628 : i32
          %swap3A_695 = arith.index_cast %add3A_694 : i32 to index
          %swap3A_696 = arith.constant 80 : index
          %swap3A_697 = tpu.vector_load %arg8[%swap3A_695, %swap3A_696] {strides = array<i32>} : memref<56x128xf32, #tpu.memory_space<vmem>>, vector<1x16xf32>,
          %swap3A_698 = vector.shape_cast %swap3A_697 : vector<1x16xf32> to vector<16xf32>
          %swap3A_699 = vector.shape_cast %add3A_692 : vector<16xf32> to vector<1x16xf32>
          tpu.vector_store %arg8[%swap3A_695, %swap3A_696], %swap3A_699 {strides = array<i32>} : memref<56x128xf32, #tpu.memory_space<vmem>>, vector<1x16xf32>,
          %get3A_700 = arith.index_cast %scan3A_628 : i32 to index
          %get3A_701 = arith.constant 96 : index
          %get3A_702 = tpu.vector_load %arg10[%get3A_700, %get3A_701] {strides = array<i32>} : memref<28x128xf32, #tpu.memory_space<vmem>>, vector<1x16xf32>,
          %get3A_703 = vector.shape_cast %get3A_702 : vector<1x16xf32> to vector<16xf32>
          %add3A_704 = arith.addf %get3A_546, %get3A_703 : vector<16xf32>
          %add3A_705 = arith.constant 0 : i32
          %add3A_706 = arith.addi %add3A_705, %scan3A_628 : i32
          %swap3A_707 = arith.index_cast %add3A_706 : i32 to index
          %swap3A_708 = arith.constant 96 : index
          %swap3A_709 = tpu.vector_load %arg8[%swap3A_707, %swap3A_708] {strides = array<i32>} : memref<56x128xf32, #tpu.memory_space<vmem>>, vector<1x16xf32>,
          %swap3A_710 = vector.shape_cast %swap3A_709 : vector<1x16xf32> to vector<16xf32>
          %swap3A_711 = vector.shape_cast %add3A_704 : vector<16xf32> to vector<1x16xf32>
          tpu.vector_store %arg8[%swap3A_707, %swap3A_708], %swap3A_711 {strides = array<i32>} : memref<56x128xf32, #tpu.memory_space<vmem>>, vector<1x16xf32>,
          %get3A_712 = arith.index_cast %scan3A_628 : i32 to index
          %get3A_713 = arith.constant 112 : index
          %get3A_714 = tpu.vector_load %arg10[%get3A_712, %get3A_713] {strides = array<i32>} : memref<28x128xf32, #tpu.memory_space<vmem>>, vector<1x16xf32>,
          %get3A_715 = vector.shape_cast %get3A_714 : vector<1x16xf32> to vector<16xf32>
          %add3A_716 = arith.addf %get3A_553, %get3A_715 : vector<16xf32>
          %add3A_717 = arith.constant 0 : i32
          %add3A_718 = arith.addi %add3A_717, %scan3A_628 : i32
          %swap3A_719 = arith.index_cast %add3A_718 : i32 to index
          %swap3A_720 = arith.constant 112 : index
          %swap3A_721 = tpu.vector_load %arg8[%swap3A_719, %swap3A_720] {strides = array<i32>} : memref<56x128xf32, #tpu.memory_space<vmem>>, vector<1x16xf32>,
          %swap3A_722 = vector.shape_cast %swap3A_721 : vector<1x16xf32> to vector<16xf32>
          %swap3A_723 = vector.shape_cast %add3A_716 : vector<16xf32> to vector<1x16xf32>
          tpu.vector_store %arg8[%swap3A_719, %swap3A_720], %swap3A_723 {strides = array<i32>} : memref<56x128xf32, #tpu.memory_space<vmem>>, vector<1x16xf32>,
        }
        %scan3A_559 = arith.constant 28 : i32
        %get3A_560 = arith.constant 7 : i32
        %get3A_561 = arith.constant 0 : i32
        %get3A_562 = arith.index_cast %get3A_560 : i32 to index
        %get3A_563 = arith.index_cast %get3A_561 : i32 to index
        %get3A_564 = arith.constant 0 : index
        %get3A_565 = tpu.vector_load %arg9[%get3A_562, %get3A_563, %get3A_564] {strides = array<i32>} : memref<8x1x128xf32, #tpu.memory_space<vmem>>, vector<1x1x16xf32>,
        %get3A_566 = vector.shape_cast %get3A_565 : vector<1x1x16xf32> to vector<16xf32>
        %get3A_567 = arith.constant 7 : i32
        %get3A_568 = arith.constant 0 : i32
        %get3A_569 = arith.index_cast %get3A_567 : i32 to index
        %get3A_570 = arith.index_cast %get3A_568 : i32 to index
        %get3A_571 = arith.constant 16 : index
        %get3A_572 = tpu.vector_load %arg9[%get3A_569, %get3A_570, %get3A_571] {strides = array<i32>} : memref<8x1x128xf32, #tpu.memory_space<vmem>>, vector<1x1x16xf32>,
        %get3A_573 = vector.shape_cast %get3A_572 : vector<1x1x16xf32> to vector<16xf32>
        %get3A_574 = arith.constant 7 : i32
        %get3A_575 = arith.constant 0 : i32
        %get3A_576 = arith.index_cast %get3A_574 : i32 to index
        %get3A_577 = arith.index_cast %get3A_575 : i32 to index
        %get3A_578 = arith.constant 32 : index
        %get3A_579 = tpu.vector_load %arg9[%get3A_576, %get3A_577, %get3A_578] {strides = array<i32>} : memref<8x1x128xf32, #tpu.memory_space<vmem>>, vector<1x1x16xf32>,
        %get3A_580 = vector.shape_cast %get3A_579 : vector<1x1x16xf32> to vector<16xf32>
        %get3A_581 = arith.constant 7 : i32
        %get3A_582 = arith.constant 0 : i32
        %get3A_583 = arith.index_cast %get3A_581 : i32 to index
        %get3A_584 = arith.index_cast %get3A_582 : i32 to index
        %get3A_585 = arith.constant 48 : index
        %get3A_586 = tpu.vector_load %arg9[%get3A_583, %get3A_584, %get3A_585] {strides = array<i32>} : memref<8x1x128xf32, #tpu.memory_space<vmem>>, vector<1x1x16xf32>,
        %get3A_587 = vector.shape_cast %get3A_586 : vector<1x1x16xf32> to vector<16xf32>
        %get3A_588 = arith.constant 7 : i32
        %get3A_589 = arith.constant 0 : i32
        %get3A_590 = arith.index_cast %get3A_588 : i32 to index
        %get3A_591 = arith.index_cast %get3A_589 : i32 to index
        %get3A_592 = arith.constant 64 : index
        %get3A_593 = tpu.vector_load %arg9[%get3A_590, %get3A_591, %get3A_592] {strides = array<i32>} : memref<8x1x128xf32, #tpu.memory_space<vmem>>, vector<1x1x16xf32>,
        %get3A_594 = vector.shape_cast %get3A_593 : vector<1x1x16xf32> to vector<16xf32>
        %get3A_595 = arith.constant 7 : i32
        %get3A_596 = arith.constant 0 : i32
        %get3A_597 = arith.index_cast %get3A_595 : i32 to index
        %get3A_598 = arith.index_cast %get3A_596 : i32 to index
        %get3A_599 = arith.constant 80 : index
        %get3A_600 = tpu.vector_load %arg9[%get3A_597, %get3A_598, %get3A_599] {strides = array<i32>} : memref<8x1x128xf32, #tpu.memory_space<vmem>>, vector<1x1x16xf32>,
        %get3A_601 = vector.shape_cast %get3A_600 : vector<1x1x16xf32> to vector<16xf32>
        %get3A_602 = arith.constant 7 : i32
        %get3A_603 = arith.constant 0 : i32
        %get3A_604 = arith.index_cast %get3A_602 : i32 to index
        %get3A_605 = arith.index_cast %get3A_603 : i32 to index
        %get3A_606 = arith.constant 96 : index
        %get3A_607 = tpu.vector_load %arg9[%get3A_604, %get3A_605, %get3A_606] {strides = array<i32>} : memref<8x1x128xf32, #tpu.memory_space<vmem>>, vector<1x1x16xf32>,
        %get3A_608 = vector.shape_cast %get3A_607 : vector<1x1x16xf32> to vector<16xf32>
        %get3A_609 = arith.constant 7 : i32
        %get3A_610 = arith.constant 0 : i32
        %get3A_611 = arith.index_cast %get3A_609 : i32 to index
        %get3A_612 = arith.index_cast %get3A_610 : i32 to index
        %get3A_613 = arith.constant 112 : index
        %get3A_614 = tpu.vector_load %arg9[%get3A_611, %get3A_612, %get3A_613] {strides = array<i32>} : memref<8x1x128xf32, #tpu.memory_space<vmem>>, vector<1x1x16xf32>,
        %get3A_615 = vector.shape_cast %get3A_614 : vector<1x1x16xf32> to vector<16xf32>
        %scan3A_616 = arith.constant 0 : i32
        %scan3A_617 = arith.constant 0 : i32
        %scan3A_618 = arith.constant 28 : i32
        %scan3A_619 = arith.addi %scan3A_617, %scan3A_618 : i32
        %scan3A_620 = arith.constant 1 : i32
        scf.for %scan3A_628 = %scan3A_617 to %scan3A_619 step %scan3A_620  : i32 {
          %get3A_629 = arith.index_cast %scan3A_628 : i32 to index
          %get3A_630 = arith.constant 0 : index
          %get3A_631 = tpu.vector_load %arg10[%get3A_629, %get3A_630] {strides = array<i32>} : memref<28x128xf32, #tpu.memory_space<vmem>>, vector<1x16xf32>,
          %get3A_632 = vector.shape_cast %get3A_631 : vector<1x16xf32> to vector<16xf32>
          %add3A_633 = arith.addf %get3A_566, %get3A_632 : vector<16xf32>
          %add3A_634 = arith.constant 28 : i32
          %add3A_635 = arith.addi %add3A_634, %scan3A_628 : i32
          %swap3A = arith.index_cast %add3A_635 : i32 to index
          %swap3A_636 = arith.constant 0 : index
          %swap3A_637 = tpu.vector_load %arg8[%swap3A, %swap3A_636] {strides = array<i32>} : memref<56x128xf32, #tpu.memory_space<vmem>>, vector<1x16xf32>,
          %swap3A_638 = vector.shape_cast %swap3A_637 : vector<1x16xf32> to vector<16xf32>
          %swap3A_639 = vector.shape_cast %add3A_633 : vector<16xf32> to vector<1x16xf32>
          tpu.vector_store %arg8[%swap3A, %swap3A_636], %swap3A_639 {strides = array<i32>} : memref<56x128xf32, #tpu.memory_space<vmem>>, vector<1x16xf32>,
          %get3A_640 = arith.index_cast %scan3A_628 : i32 to index
          %get3A_641 = arith.constant 16 : index
          %get3A_642 = tpu.vector_load %arg10[%get3A_640, %get3A_641] {strides = array<i32>} : memref<28x128xf32, #tpu.memory_space<vmem>>, vector<1x16xf32>,
          %get3A_643 = vector.shape_cast %get3A_642 : vector<1x16xf32> to vector<16xf32>
          %add3A_644 = arith.addf %get3A_573, %get3A_643 : vector<16xf32>
          %add3A_645 = arith.constant 28 : i32
          %add3A_646 = arith.addi %add3A_645, %scan3A_628 : i32
          %swap3A_647 = arith.index_cast %add3A_646 : i32 to index
          %swap3A_648 = arith.constant 16 : index
          %swap3A_649 = tpu.vector_load %arg8[%swap3A_647, %swap3A_648] {strides = array<i32>} : memref<56x128xf32, #tpu.memory_space<vmem>>, vector<1x16xf32>,
          %swap3A_650 = vector.shape_cast %swap3A_649 : vector<1x16xf32> to vector<16xf32>
          %swap3A_651 = vector.shape_cast %add3A_644 : vector<16xf32> to vector<1x16xf32>
          tpu.vector_store %arg8[%swap3A_647, %swap3A_648], %swap3A_651 {strides = array<i32>} : memref<56x128xf32, #tpu.memory_space<vmem>>, vector<1x16xf32>,
          %get3A_652 = arith.index_cast %scan3A_628 : i32 to index
          %get3A_653 = arith.constant 32 : index
          %get3A_654 = tpu.vector_load %arg10[%get3A_652, %get3A_653] {strides = array<i32>} : memref<28x128xf32, #tpu.memory_space<vmem>>, vector<1x16xf32>,
          %get3A_655 = vector.shape_cast %get3A_654 : vector<1x16xf32> to vector<16xf32>
          %add3A_656 = arith.addf %get3A_580, %get3A_655 : vector<16xf32>
          %add3A_657 = arith.constant 28 : i32
          %add3A_658 = arith.addi %add3A_657, %scan3A_628 : i32
          %swap3A_659 = arith.index_cast %add3A_658 : i32 to index
          %swap3A_660 = arith.constant 32 : index
          %swap3A_661 = tpu.vector_load %arg8[%swap3A_659, %swap3A_660] {strides = array<i32>} : memref<56x128xf32, #tpu.memory_space<vmem>>, vector<1x16xf32>,
          %swap3A_662 = vector.shape_cast %swap3A_661 : vector<1x16xf32> to vector<16xf32>
          %swap3A_663 = vector.shape_cast %add3A_656 : vector<16xf32> to vector<1x16xf32>
          tpu.vector_store %arg8[%swap3A_659, %swap3A_660], %swap3A_663 {strides = array<i32>} : memref<56x128xf32, #tpu.memory_space<vmem>>, vector<1x16xf32>,
          %get3A_664 = arith.index_cast %scan3A_628 : i32 to index
          %get3A_665 = arith.constant 48 : index
          %get3A_666 = tpu.vector_load %arg10[%get3A_664, %get3A_665] {strides = array<i32>} : memref<28x128xf32, #tpu.memory_space<vmem>>, vector<1x16xf32>,
          %get3A_667 = vector.shape_cast %get3A_666 : vector<1x16xf32> to vector<16xf32>
          %add3A_668 = arith.addf %get3A_587, %get3A_667 : vector<16xf32>
          %add3A_669 = arith.constant 28 : i32
          %add3A_670 = arith.addi %add3A_669, %scan3A_628 : i32
          %swap3A_671 = arith.index_cast %add3A_670 : i32 to index
          %swap3A_672 = arith.constant 48 : index
          %swap3A_673 = tpu.vector_load %arg8[%swap3A_671, %swap3A_672] {strides = array<i32>} : memref<56x128xf32, #tpu.memory_space<vmem>>, vector<1x16xf32>,
          %swap3A_674 = vector.shape_cast %swap3A_673 : vector<1x16xf32> to vector<16xf32>
          %swap3A_675 = vector.shape_cast %add3A_668 : vector<16xf32> to vector<1x16xf32>
          tpu.vector_store %arg8[%swap3A_671, %swap3A_672], %swap3A_675 {strides = array<i32>} : memref<56x128xf32, #tpu.memory_space<vmem>>, vector<1x16xf32>,
          %get3A_676 = arith.index_cast %scan3A_628 : i32 to index
          %get3A_677 = arith.constant 64 : index
          %get3A_678 = tpu.vector_load %arg10[%get3A_676, %get3A_677] {strides = array<i32>} : memref<28x128xf32, #tpu.memory_space<vmem>>, vector<1x16xf32>,
          %get3A_679 = vector.shape_cast %get3A_678 : vector<1x16xf32> to vector<16xf32>
          %add3A_680 = arith.addf %get3A_594, %get3A_679 : vector<16xf32>
          %add3A_681 = arith.constant 28 : i32
          %add3A_682 = arith.addi %add3A_681, %scan3A_628 : i32
          %swap3A_683 = arith.index_cast %add3A_682 : i32 to index
          %swap3A_684 = arith.constant 64 : index
          %swap3A_685 = tpu.vector_load %arg8[%swap3A_683, %swap3A_684] {strides = array<i32>} : memref<56x128xf32, #tpu.memory_space<vmem>>, vector<1x16xf32>,
          %swap3A_686 = vector.shape_cast %swap3A_685 : vector<1x16xf32> to vector<16xf32>
          %swap3A_687 = vector.shape_cast %add3A_680 : vector<16xf32> to vector<1x16xf32>
          tpu.vector_store %arg8[%swap3A_683, %swap3A_684], %swap3A_687 {strides = array<i32>} : memref<56x128xf32, #tpu.memory_space<vmem>>, vector<1x16xf32>,
          %get3A_688 = arith.index_cast %scan3A_628 : i32 to index
          %get3A_689 = arith.constant 80 : index
          %get3A_690 = tpu.vector_load %arg10[%get3A_688, %get3A_689] {strides = array<i32>} : memref<28x128xf32, #tpu.memory_space<vmem>>, vector<1x16xf32>,
          %get3A_691 = vector.shape_cast %get3A_690 : vector<1x16xf32> to vector<16xf32>
          %add3A_692 = arith.addf %get3A_601, %get3A_691 : vector<16xf32>
          %add3A_693 = arith.constant 28 : i32
          %add3A_694 = arith.addi %add3A_693, %scan3A_628 : i32
          %swap3A_695 = arith.index_cast %add3A_694 : i32 to index
          %swap3A_696 = arith.constant 80 : index
          %swap3A_697 = tpu.vector_load %arg8[%swap3A_695, %swap3A_696] {strides = array<i32>} : memref<56x128xf32, #tpu.memory_space<vmem>>, vector<1x16xf32>,
          %swap3A_698 = vector.shape_cast %swap3A_697 : vector<1x16xf32> to vector<16xf32>
          %swap3A_699 = vector.shape_cast %add3A_692 : vector<16xf32> to vector<1x16xf32>
          tpu.vector_store %arg8[%swap3A_695, %swap3A_696], %swap3A_699 {strides = array<i32>} : memref<56x128xf32, #tpu.memory_space<vmem>>, vector<1x16xf32>,
          %get3A_700 = arith.index_cast %scan3A_628 : i32 to index
          %get3A_701 = arith.constant 96 : index
          %get3A_702 = tpu.vector_load %arg10[%get3A_700, %get3A_701] {strides = array<i32>} : memref<28x128xf32, #tpu.memory_space<vmem>>, vector<1x16xf32>,
          %get3A_703 = vector.shape_cast %get3A_702 : vector<1x16xf32> to vector<16xf32>
          %add3A_704 = arith.addf %get3A_608, %get3A_703 : vector<16xf32>
          %add3A_705 = arith.constant 28 : i32
          %add3A_706 = arith.addi %add3A_705, %scan3A_628 : i32
          %swap3A_707 = arith.index_cast %add3A_706 : i32 to index
          %swap3A_708 = arith.constant 96 : index
          %swap3A_709 = tpu.vector_load %arg8[%swap3A_707, %swap3A_708] {strides = array<i32>} : memref<56x128xf32, #tpu.memory_space<vmem>>, vector<1x16xf32>,
          %swap3A_710 = vector.shape_cast %swap3A_709 : vector<1x16xf32> to vector<16xf32>
          %swap3A_711 = vector.shape_cast %add3A_704 : vector<16xf32> to vector<1x16xf32>
          tpu.vector_store %arg8[%swap3A_707, %swap3A_708], %swap3A_711 {strides = array<i32>} : memref<56x128xf32, #tpu.memory_space<vmem>>, vector<1x16xf32>,
          %get3A_712 = arith.index_cast %scan3A_628 : i32 to index
          %get3A_713 = arith.constant 112 : index
          %get3A_714 = tpu.vector_load %arg10[%get3A_712, %get3A_713] {strides = array<i32>} : memref<28x128xf32, #tpu.memory_space<vmem>>, vector<1x16xf32>,
          %get3A_715 = vector.shape_cast %get3A_714 : vector<1x16xf32> to vector<16xf32>
          %add3A_716 = arith.addf %get3A_615, %get3A_715 : vector<16xf32>
          %add3A_717 = arith.constant 28 : i32
          %add3A_718 = arith.addi %add3A_717, %scan3A_628 : i32
          %swap3A_719 = arith.index_cast %add3A_718 : i32 to index
          %swap3A_720 = arith.constant 112 : index
          %swap3A_721 = tpu.vector_load %arg8[%swap3A_719, %swap3A_720] {strides = array<i32>} : memref<56x128xf32, #tpu.memory_space<vmem>>, vector<1x16xf32>,
          %swap3A_722 = vector.shape_cast %swap3A_721 : vector<1x16xf32> to vector<16xf32>
          %swap3A_723 = vector.shape_cast %add3A_716 : vector<16xf32> to vector<1x16xf32>
          tpu.vector_store %arg8[%swap3A_719, %swap3A_720], %swap3A_723 {strides = array<i32>} : memref<56x128xf32, #tpu.memory_space<vmem>>, vector<1x16xf32>,
        }
        %scan3A_621 = arith.constant 28 : i32
        %mul3A_622 = arith.constant 8 : i32
        %mul3A_623 = arith.muli %arg1, %mul3A_622 : i32
        %add3A_624 = arith.constant 6 : i32
        %add3A_625 = arith.addi %mul3A_623, %add3A_624 : i32
        %mul3A_626 = arith.constant 28 : i32
        %mul3A_627 = arith.muli %add3A_625, %mul3A_626 : i32
        "tpu.region"() ({
          %run_scoped3A = tpu.sem_alloc : memref<!tpu.dma_semaphore, #tpu.memory_space<semaphore_mem>>
          %dma_start3A_628 = arith.constant 0 : i32
          %dma_start3A_629 = tpu.memref_slice %arg12[%mul3A_627, %dma_start3A_628] : memref<2912x128xf32, #tpu.memory_space<vmem_shared>> -> memref<56x128xf32, #tpu.memory_space<vmem_shared>>
          %dma_start3A_630 = arith.constant 0 : i32
          %dma_start3A_631 = tpu.memref_slice %arg12[%mul3A_627, %dma_start3A_630] : memref<2912x128xf32, #tpu.memory_space<vmem_shared>> -> memref<56x128xf32, #tpu.memory_space<vmem_shared>>
          tpu.enqueue_dma source(%arg8 : memref<56x128xf32, #tpu.memory_space<vmem>>) target(%dma_start3A_631 : memref<56x128xf32, #tpu.memory_space<vmem_shared>>) target_semaphore(%run_scoped3A : memref<!tpu.dma_semaphore, #tpu.memory_space<semaphore_mem>>)
          %dma_wait3A_632 = arith.constant 0 : i32
          %dma_wait3A_633 = tpu.memref_slice %arg12[%mul3A_627, %dma_wait3A_632] : memref<2912x128xf32, #tpu.memory_space<vmem_shared>> -> memref<56x128xf32, #tpu.memory_space<vmem_shared>>
          %dma_wait3A_634 = arith.constant 0 : i32
          %dma_wait3A_635 = tpu.memref_slice %arg12[%mul3A_627, %dma_wait3A_634] : memref<2912x128xf32, #tpu.memory_space<vmem_shared>> -> memref<56x128xf32, #tpu.memory_space<vmem_shared>>
          tpu.wait_dma2 semaphore(%run_scoped3A : memref<!tpu.dma_semaphore, #tpu.memory_space<semaphore_mem>>) src(%arg8 : memref<56x128xf32, #tpu.memory_space<vmem>>) dst(%dma_wait3A_635 : memref<56x128xf32, #tpu.memory_space<vmem_shared>>)
          tpu.yield
        }) : () -> ()
      } else {
      }
      %add3A_22 = arith.constant 0 : i32
      %add3A_23 = arith.addi %mul3A_0, %add3A_22 : i32
      %mul3A_24 = arith.constant 200 : i32
      %mul3A_25 = arith.muli %add3A_23, %mul3A_24 : i32
      %dma_wait3A = arith.constant 0 : i32
      %dma_wait3A_26 = tpu.memref_slice %arg7[%dma_wait3A] : memref<12800xi32, #tpu.memory_space<vmem>> -> memref<6400xi32, #tpu.memory_space<vmem>>
      %dma_wait3A_27 = tpu.memref_slice %arg2[%mul3A_25] : memref<819200xi32, #tpu.memory_space<hbm>> -> memref<6400xi32, #tpu.memory_space<hbm>>
      %dma_wait3A_28 = arith.constant 0 : i32
      %dma_wait3A_29 = tpu.memref_slice %arg7[%dma_wait3A_28] : memref<12800xi32, #tpu.memory_space<vmem>> -> memref<6400xi32, #tpu.memory_space<vmem>>
      %dma_wait3A_30 = tpu.memref_slice %arg2[%mul3A_25] : memref<819200xi32, #tpu.memory_space<hbm>> -> memref<6400xi32, #tpu.memory_space<hbm>>
      tpu.wait_dma2 semaphore(%arg21 : memref<!tpu.dma_semaphore, #tpu.memory_space<semaphore_mem>>) src(%dma_wait3A_30 : memref<6400xi32, #tpu.memory_space<hbm>>) dst(%dma_wait3A_29 : memref<6400xi32, #tpu.memory_space<vmem>>)
      %rem3A = arith.constant 0 : i32
      %rem3A_31 = arith.constant 2 : i32
      %rem3A_32 = arith.remsi %rem3A, %rem3A_31 : i32
      %mul3A_33 = arith.constant 6400 : i32
      %mul3A_34 = arith.muli %rem3A_32, %mul3A_33 : i32
      %scan3A = arith.constant 0 : i32
      %scan3A_35 = arith.constant 0 : i32
      %scan3A_36 = arith.constant 32 : i32
      %scan3A_37 = arith.addi %scan3A_35, %scan3A_36 : i32
      %scan3A_38 = arith.constant 1 : i32
      scf.for %scan3A_105 = %scan3A_35 to %scan3A_37 step %scan3A_38  : i32 {
        %mul3A_106 = arith.constant 200 : i32
        %mul3A_107 = arith.muli %scan3A_105, %mul3A_106 : i32
        %add3A_108 = arith.addi %mul3A_34, %mul3A_107 : i32
        %add3A_109 = arith.constant 0 : i32
        %add3A_110 = arith.addi %add3A_108, %add3A_109 : i32
        %add3A_111 = arith.constant 0 : i32
        %add3A_112 = arith.addi %add3A_111, %scan3A_105 : i32
        %mul3A_113 = arith.constant 104 : i32
        %mul3A_114 = arith.muli %add3A_112, %mul3A_113 : i32
        %add3A_115 = arith.constant 0 : i32
        %add3A_116 = arith.addi %add3A_110, %add3A_115 : i32
        %get3A = arith.index_cast %add3A_116 : i32 to index
        %get3A_117 = tpu.vector_load %arg7[%get3A] {strides = array<i32>} : memref<12800xi32, #tpu.memory_space<vmem>>, vector<16xi32>,
        %get3A_118 = vector.shape_cast %get3A_117 : vector<16xi32> to vector<16xi32>
        %add3A_119 = arith.constant 0 : i32
        %add3A_120 = vector.broadcast %add3A_119 : i32 to vector<16xi32>
        %add3A_121 = arith.addi %iota3A, %add3A_120 : vector<16xi32>
        %mul3A_122 = arith.constant 28 : i32
        %mul3A_123 = vector.broadcast %mul3A_122 : i32 to vector<16xi32>
        %mul3A_124 = arith.muli %add3A_121, %mul3A_123 : vector<16xi32>
        %add3A_125 = arith.addi %get3A_118, %mul3A_124 : vector<16xi32>
        %add3A_126 = arith.constant 0 : i32
        %add3A_127 = arith.addi %mul3A_114, %add3A_126 : i32
        %swap3A = arith.index_cast %add3A_127 : i32 to index
        %swap3A_128 = tpu.vector_load %arg6[%swap3A] {strides = array<i32>} : memref<26640xi32, #tpu.memory_space<vmem>>, vector<16xi32>,
        %swap3A_129 = vector.shape_cast %swap3A_128 : vector<16xi32> to vector<16xi32>
        %swap3A_130 = vector.shape_cast %add3A_125 : vector<16xi32> to vector<16xi32>
        tpu.vector_store %arg6[%swap3A], %swap3A_130 {strides = array<i32>} : memref<26640xi32, #tpu.memory_space<vmem>>, vector<16xi32>,
        %add3A_131 = arith.constant 16 : i32
        %add3A_132 = arith.addi %add3A_110, %add3A_131 : i32
        %get3A_133 = arith.index_cast %add3A_132 : i32 to index
        %get3A_134 = tpu.vector_load %arg7[%get3A_133] {strides = array<i32>} : memref<12800xi32, #tpu.memory_space<vmem>>, vector<16xi32>,
        %get3A_135 = vector.shape_cast %get3A_134 : vector<16xi32> to vector<16xi32>
        %add3A_136 = arith.constant 16 : i32
        %add3A_137 = vector.broadcast %add3A_136 : i32 to vector<16xi32>
        %add3A_138 = arith.addi %iota3A, %add3A_137 : vector<16xi32>
        %mul3A_139 = arith.constant 28 : i32
        %mul3A_140 = vector.broadcast %mul3A_139 : i32 to vector<16xi32>
        %mul3A_141 = arith.muli %add3A_138, %mul3A_140 : vector<16xi32>
        %add3A_142 = arith.addi %get3A_135, %mul3A_141 : vector<16xi32>
        %add3A_143 = arith.constant 16 : i32
        %add3A_144 = arith.addi %mul3A_114, %add3A_143 : i32
        %swap3A_145 = arith.index_cast %add3A_144 : i32 to index
        %swap3A_146 = tpu.vector_load %arg6[%swap3A_145] {strides = array<i32>} : memref<26640xi32, #tpu.memory_space<vmem>>, vector<16xi32>,
        %swap3A_147 = vector.shape_cast %swap3A_146 : vector<16xi32> to vector<16xi32>
        %swap3A_148 = vector.shape_cast %add3A_142 : vector<16xi32> to vector<16xi32>
        tpu.vector_store %arg6[%swap3A_145], %swap3A_148 {strides = array<i32>} : memref<26640xi32, #tpu.memory_space<vmem>>, vector<16xi32>,
        %add3A_149 = arith.constant 32 : i32
        %add3A_150 = arith.addi %add3A_110, %add3A_149 : i32
        %get3A_151 = arith.index_cast %add3A_150 : i32 to index
        %get3A_152 = tpu.vector_load %arg7[%get3A_151] {strides = array<i32>} : memref<12800xi32, #tpu.memory_space<vmem>>, vector<16xi32>,
        %get3A_153 = vector.shape_cast %get3A_152 : vector<16xi32> to vector<16xi32>
        %add3A_154 = arith.constant 32 : i32
        %add3A_155 = vector.broadcast %add3A_154 : i32 to vector<16xi32>
        %add3A_156 = arith.addi %iota3A, %add3A_155 : vector<16xi32>
        %mul3A_157 = arith.constant 28 : i32
        %mul3A_158 = vector.broadcast %mul3A_157 : i32 to vector<16xi32>
        %mul3A_159 = arith.muli %add3A_156, %mul3A_158 : vector<16xi32>
        %add3A_160 = arith.addi %get3A_153, %mul3A_159 : vector<16xi32>
        %add3A_161 = arith.constant 32 : i32
        %add3A_162 = arith.addi %mul3A_114, %add3A_161 : i32
        %swap3A_163 = arith.index_cast %add3A_162 : i32 to index
        %swap3A_164 = tpu.vector_load %arg6[%swap3A_163] {strides = array<i32>} : memref<26640xi32, #tpu.memory_space<vmem>>, vector<16xi32>,
        %swap3A_165 = vector.shape_cast %swap3A_164 : vector<16xi32> to vector<16xi32>
        %swap3A_166 = vector.shape_cast %add3A_160 : vector<16xi32> to vector<16xi32>
        tpu.vector_store %arg6[%swap3A_163], %swap3A_166 {strides = array<i32>} : memref<26640xi32, #tpu.memory_space<vmem>>, vector<16xi32>,
        %add3A_167 = arith.constant 48 : i32
        %add3A_168 = arith.addi %add3A_110, %add3A_167 : i32
        %get3A_169 = arith.index_cast %add3A_168 : i32 to index
        %get3A_170 = tpu.vector_load %arg7[%get3A_169] {strides = array<i32>} : memref<12800xi32, #tpu.memory_space<vmem>>, vector<16xi32>,
        %get3A_171 = vector.shape_cast %get3A_170 : vector<16xi32> to vector<16xi32>
        %add3A_172 = arith.constant 48 : i32
        %add3A_173 = vector.broadcast %add3A_172 : i32 to vector<16xi32>
        %add3A_174 = arith.addi %iota3A, %add3A_173 : vector<16xi32>
        %mul3A_175 = arith.constant 28 : i32
        %mul3A_176 = vector.broadcast %mul3A_175 : i32 to vector<16xi32>
        %mul3A_177 = arith.muli %add3A_174, %mul3A_176 : vector<16xi32>
        %add3A_178 = arith.addi %get3A_171, %mul3A_177 : vector<16xi32>
        %add3A_179 = arith.constant 48 : i32
        %add3A_180 = arith.addi %mul3A_114, %add3A_179 : i32
        %swap3A_181 = arith.index_cast %add3A_180 : i32 to index
        %swap3A_182 = tpu.vector_load %arg6[%swap3A_181] {strides = array<i32>} : memref<26640xi32, #tpu.memory_space<vmem>>, vector<16xi32>,
        %swap3A_183 = vector.shape_cast %swap3A_182 : vector<16xi32> to vector<16xi32>
        %swap3A_184 = vector.shape_cast %add3A_178 : vector<16xi32> to vector<16xi32>
        tpu.vector_store %arg6[%swap3A_181], %swap3A_184 {strides = array<i32>} : memref<26640xi32, #tpu.memory_space<vmem>>, vector<16xi32>,
        %add3A_185 = arith.constant 64 : i32
        %add3A_186 = arith.addi %add3A_110, %add3A_185 : i32
        %get3A_187 = arith.index_cast %add3A_186 : i32 to index
        %get3A_188 = tpu.vector_load %arg7[%get3A_187] {strides = array<i32>} : memref<12800xi32, #tpu.memory_space<vmem>>, vector<16xi32>,
        %get3A_189 = vector.shape_cast %get3A_188 : vector<16xi32> to vector<16xi32>
        %add3A_190 = arith.constant 64 : i32
        %add3A_191 = vector.broadcast %add3A_190 : i32 to vector<16xi32>
        %add3A_192 = arith.addi %iota3A, %add3A_191 : vector<16xi32>
        %mul3A_193 = arith.constant 28 : i32
        %mul3A_194 = vector.broadcast %mul3A_193 : i32 to vector<16xi32>
        %mul3A_195 = arith.muli %add3A_192, %mul3A_194 : vector<16xi32>
        %add3A_196 = arith.addi %get3A_189, %mul3A_195 : vector<16xi32>
        %add3A_197 = arith.constant 64 : i32
        %add3A_198 = arith.addi %mul3A_114, %add3A_197 : i32
        %swap3A_199 = arith.index_cast %add3A_198 : i32 to index
        %swap3A_200 = tpu.vector_load %arg6[%swap3A_199] {strides = array<i32>} : memref<26640xi32, #tpu.memory_space<vmem>>, vector<16xi32>,
        %swap3A_201 = vector.shape_cast %swap3A_200 : vector<16xi32> to vector<16xi32>
        %swap3A_202 = vector.shape_cast %add3A_196 : vector<16xi32> to vector<16xi32>
        tpu.vector_store %arg6[%swap3A_199], %swap3A_202 {strides = array<i32>} : memref<26640xi32, #tpu.memory_space<vmem>>, vector<16xi32>,
        %add3A_203 = arith.constant 80 : i32
        %add3A_204 = arith.addi %add3A_110, %add3A_203 : i32
        %get3A_205 = arith.index_cast %add3A_204 : i32 to index
        %get3A_206 = tpu.vector_load %arg7[%get3A_205] {strides = array<i32>} : memref<12800xi32, #tpu.memory_space<vmem>>, vector<16xi32>,
        %get3A_207 = vector.shape_cast %get3A_206 : vector<16xi32> to vector<16xi32>
        %add3A_208 = arith.constant 80 : i32
        %add3A_209 = vector.broadcast %add3A_208 : i32 to vector<16xi32>
        %add3A_210 = arith.addi %iota3A, %add3A_209 : vector<16xi32>
        %mul3A_211 = arith.constant 28 : i32
        %mul3A_212 = vector.broadcast %mul3A_211 : i32 to vector<16xi32>
        %mul3A_213 = arith.muli %add3A_210, %mul3A_212 : vector<16xi32>
        %add3A_214 = arith.addi %get3A_207, %mul3A_213 : vector<16xi32>
        %add3A_215 = arith.constant 80 : i32
        %add3A_216 = arith.addi %mul3A_114, %add3A_215 : i32
        %swap3A_217 = arith.index_cast %add3A_216 : i32 to index
        %swap3A_218 = tpu.vector_load %arg6[%swap3A_217] {strides = array<i32>} : memref<26640xi32, #tpu.memory_space<vmem>>, vector<16xi32>,
        %swap3A_219 = vector.shape_cast %swap3A_218 : vector<16xi32> to vector<16xi32>
        %swap3A_220 = vector.shape_cast %add3A_214 : vector<16xi32> to vector<16xi32>
        tpu.vector_store %arg6[%swap3A_217], %swap3A_220 {strides = array<i32>} : memref<26640xi32, #tpu.memory_space<vmem>>, vector<16xi32>,
        %add3A_221 = arith.constant 96 : i32
        %add3A_222 = arith.addi %add3A_110, %add3A_221 : i32
        %get3A_223 = arith.index_cast %add3A_222 : i32 to index
        %get3A_224 = tpu.vector_load %arg7[%get3A_223] {strides = array<i32>} : memref<12800xi32, #tpu.memory_space<vmem>>, vector<16xi32>,
        %get3A_225 = vector.shape_cast %get3A_224 : vector<16xi32> to vector<16xi32>
        %add3A_226 = arith.constant 96 : i32
        %add3A_227 = vector.broadcast %add3A_226 : i32 to vector<16xi32>
        %add3A_228 = arith.addi %iota3A, %add3A_227 : vector<16xi32>
        %mul3A_229 = arith.constant 28 : i32
        %mul3A_230 = vector.broadcast %mul3A_229 : i32 to vector<16xi32>
        %mul3A_231 = arith.muli %add3A_228, %mul3A_230 : vector<16xi32>
        %add3A_232 = arith.addi %get3A_225, %mul3A_231 : vector<16xi32>
        %add3A_233 = arith.constant 96 : i32
        %add3A_234 = arith.addi %mul3A_114, %add3A_233 : i32
        %swap3A_235 = arith.index_cast %add3A_234 : i32 to index
        %swap3A_236 = tpu.vector_load %arg6[%swap3A_235] {strides = array<i32>} : memref<26640xi32, #tpu.memory_space<vmem>>, vector<16xi32>,
        %swap3A_237 = vector.shape_cast %swap3A_236 : vector<16xi32> to vector<16xi32>
        %swap3A_238 = vector.shape_cast %add3A_232 : vector<16xi32> to vector<16xi32>
        tpu.vector_store %arg6[%swap3A_235], %swap3A_238 {strides = array<i32>} : memref<26640xi32, #tpu.memory_space<vmem>>, vector<16xi32>,
      }
      %scan3A_39 = arith.constant 32 : i32
      %add3A_40 = arith.constant 32 : i32
      %add3A_41 = arith.addi %mul3A_0, %add3A_40 : i32
      %mul3A_42 = arith.constant 200 : i32
      %mul3A_43 = arith.muli %add3A_41, %mul3A_42 : i32
      %dma_start3A_44 = arith.constant 6400 : i32
      %dma_start3A_45 = tpu.memref_slice %arg7[%dma_start3A_44] : memref<12800xi32, #tpu.memory_space<vmem>> -> memref<6400xi32, #tpu.memory_space<vmem>>
      %dma_start3A_46 = tpu.memref_slice %arg2[%mul3A_43] : memref<819200xi32, #tpu.memory_space<hbm>> -> memref<6400xi32, #tpu.memory_space<hbm>>
      %dma_start3A_47 = arith.constant 6400 : i32
      %dma_start3A_48 = tpu.memref_slice %arg7[%dma_start3A_47] : memref<12800xi32, #tpu.memory_space<vmem>> -> memref<6400xi32, #tpu.memory_space<vmem>>
      %dma_start3A_49 = tpu.memref_slice %arg2[%mul3A_43] : memref<819200xi32, #tpu.memory_space<hbm>> -> memref<6400xi32, #tpu.memory_space<hbm>>
      tpu.enqueue_dma source(%dma_start3A_49 : memref<6400xi32, #tpu.memory_space<hbm>>) target(%dma_start3A_48 : memref<6400xi32, #tpu.memory_space<vmem>>) target_semaphore(%arg21 : memref<!tpu.dma_semaphore, #tpu.memory_space<semaphore_mem>>)
      %barrier3A = arith.constant 0 : index
      tpu.barrier barrier_id(%barrier3A)
      %dma_start3A_50 = arith.constant 0 : i32
      %dma_start3A_51 = arith.constant 0 : i32
      %dma_start3A_52 = arith.constant 0 : i32
      %dma_start3A_53 = tpu.memref_slice %arg11[%dma_start3A_50, %dma_start3A_51, %dma_start3A_52] : memref<4x104x128xf32, #tpu.memory_space<vmem>> -> memref<1x104x128xf32, #tpu.memory_space<vmem>>
      %dma_start3A_54 = tpu.memref_squeeze %dma_start3A_53 : memref<1x104x128xf32, #tpu.memory_space<vmem>> -> memref<104x128xf32, #tpu.memory_space<vmem>>
      %dma_start3A_55 = arith.constant 0 : i32
      %dma_start3A_56 = tpu.memref_slice %arg6[%dma_start3A_55] : memref<26640xi32, #tpu.memory_space<vmem>> -> memref<104xi32, #tpu.memory_space<vmem>>
      %dma_start3A_57 = arith.constant 0 : i32
      %dma_start3A_58 = arith.constant 0 : i32
      %dma_start3A_59 = tpu.memref_slice %arg12[%dma_start3A_57, %dma_start3A_58] : memref<2912x128xf32, #tpu.memory_space<vmem_shared>> -> memref<2912x128xf32, #tpu.memory_space<vmem_shared>>
      tpu.enqueue_indirect_dma source(%dma_start3A_59 : memref<2912x128xf32, #tpu.memory_space<vmem_shared>>) target(%dma_start3A_54 : memref<104x128xf32, #tpu.memory_space<vmem>>) offsets(%dma_start3A_56 : memref<104xi32, #tpu.memory_space<vmem>>) semaphore(%arg13 : memref<!tpu.dma_semaphore, #tpu.memory_space<semaphore_mem>>)
      %dma_start3A_60 = arith.constant 1 : i32
      %dma_start3A_61 = arith.constant 0 : i32
      %dma_start3A_62 = arith.constant 0 : i32
      %dma_start3A_63 = tpu.memref_slice %arg11[%dma_start3A_60, %dma_start3A_61, %dma_start3A_62] : memref<4x104x128xf32, #tpu.memory_space<vmem>> -> memref<1x104x128xf32, #tpu.memory_space<vmem>>
      %dma_start3A_64 = tpu.memref_squeeze %dma_start3A_63 : memref<1x104x128xf32, #tpu.memory_space<vmem>> -> memref<104x128xf32, #tpu.memory_space<vmem>>
      %dma_start3A_65 = arith.constant 104 : i32
      %dma_start3A_66 = tpu.memref_slice %arg6[%dma_start3A_65] : memref<26640xi32, #tpu.memory_space<vmem>> -> memref<104xi32, #tpu.memory_space<vmem>>
      %dma_start3A_67 = arith.constant 0 : i32
      %dma_start3A_68 = arith.constant 0 : i32
      %dma_start3A_69 = tpu.memref_slice %arg12[%dma_start3A_67, %dma_start3A_68] : memref<2912x128xf32, #tpu.memory_space<vmem_shared>> -> memref<2912x128xf32, #tpu.memory_space<vmem_shared>>
      tpu.enqueue_indirect_dma source(%dma_start3A_69 : memref<2912x128xf32, #tpu.memory_space<vmem_shared>>) target(%dma_start3A_64 : memref<104x128xf32, #tpu.memory_space<vmem>>) offsets(%dma_start3A_66 : memref<104xi32, #tpu.memory_space<vmem>>) semaphore(%arg14 : memref<!tpu.dma_semaphore, #tpu.memory_space<semaphore_mem>>)
      %dma_start3A_70 = arith.constant 2 : i32
      %dma_start3A_71 = arith.constant 0 : i32
      %dma_start3A_72 = arith.constant 0 : i32
      %dma_start3A_73 = tpu.memref_slice %arg11[%dma_start3A_70, %dma_start3A_71, %dma_start3A_72] : memref<4x104x128xf32, #tpu.memory_space<vmem>> -> memref<1x104x128xf32, #tpu.memory_space<vmem>>
      %dma_start3A_74 = tpu.memref_squeeze %dma_start3A_73 : memref<1x104x128xf32, #tpu.memory_space<vmem>> -> memref<104x128xf32, #tpu.memory_space<vmem>>
      %dma_start3A_75 = arith.constant 208 : i32
      %dma_start3A_76 = tpu.memref_slice %arg6[%dma_start3A_75] : memref<26640xi32, #tpu.memory_space<vmem>> -> memref<104xi32, #tpu.memory_space<vmem>>
      %dma_start3A_77 = arith.constant 0 : i32
      %dma_start3A_78 = arith.constant 0 : i32
      %dma_start3A_79 = tpu.memref_slice %arg12[%dma_start3A_77, %dma_start3A_78] : memref<2912x128xf32, #tpu.memory_space<vmem_shared>> -> memref<2912x128xf32, #tpu.memory_space<vmem_shared>>
      tpu.enqueue_indirect_dma source(%dma_start3A_79 : memref<2912x128xf32, #tpu.memory_space<vmem_shared>>) target(%dma_start3A_74 : memref<104x128xf32, #tpu.memory_space<vmem>>) offsets(%dma_start3A_76 : memref<104xi32, #tpu.memory_space<vmem>>) semaphore(%arg15 : memref<!tpu.dma_semaphore, #tpu.memory_space<semaphore_mem>>)
      %scan3A_80 = arith.constant 0 : i32
      %scan3A_81 = arith.constant 0 : i32
      %scan3A_82 = arith.constant 64 : i32
      %scan3A_83 = arith.addi %scan3A_81, %scan3A_82 : i32
      %scan3A_84 = arith.constant 1 : i32
      scf.for %scan3A_105 = %scan3A_81 to %scan3A_83 step %scan3A_84  : i32 {
        %rem3A_106 = arith.constant 8 : i32
        %rem3A_107 = arith.remsi %scan3A_105, %rem3A_106 : i32
        %eq3A_108 = arith.constant 0 : i32
        %eq3A_109 = arith.cmpi eq, %rem3A_107, %eq3A_108 : i32
        %convert_element_type3A_110 = arith.extui %eq3A_109 : i1 to i32
        %cond3A_111 = arith.constant 0 : i32
        %cond3A_112 = arith.cmpi ne, %convert_element_type3A_110, %cond3A_111 : i32
        scf.if %cond3A_112 {
          %jit3A = arith.constant 8 : i32
          %div3A = arith.divsi %scan3A_105, %jit3A : i32
          %sign3A = arith.constant 0 : i32
          %sign3A_345 = arith.cmpi sgt, %scan3A_105, %sign3A : i32
          %sign3A_346 = arith.extui %sign3A_345 : i1 to i32
          %sign3A_347 = arith.constant 0 : i32
          %sign3A_348 = arith.cmpi slt, %scan3A_105, %sign3A_347 : i32
          %sign3A_349 = arith.extui %sign3A_348 : i1 to i32
          %sign3A_350 = arith.subi %sign3A_346, %sign3A_349 : i32
          %sign3A_351 = arith.constant 0 : i32
          %sign3A_352 = arith.cmpi sgt, %jit3A, %sign3A_351 : i32
          %sign3A_353 = arith.extui %sign3A_352 : i1 to i32
          %sign3A_354 = arith.constant 0 : i32
          %sign3A_355 = arith.cmpi slt, %jit3A, %sign3A_354 : i32
          %sign3A_356 = arith.extui %sign3A_355 : i1 to i32
          %sign3A_357 = arith.subi %sign3A_353, %sign3A_356 : i32
          %ne3A = arith.cmpi ne, %sign3A_350, %sign3A_357 : i32
          %rem3A_358 = arith.remsi %scan3A_105, %jit3A : i32
          %ne3A_359 = arith.constant 0 : i32
          %ne3A_360 = arith.cmpi ne, %rem3A_358, %ne3A_359 : i32
          %and3A = arith.andi %ne3A, %ne3A_360 : i1
          %sub3A_361 = arith.constant 1 : i32
          %sub3A_362 = arith.subi %div3A, %sub3A_361 : i32
          %select_n3A = arith.select %and3A, %sub3A_362, %div3A : i32
          %add3A_363 = arith.constant 1 : i32
          %add3A_364 = arith.addi %select_n3A, %add3A_363 : i32
          %lt3A_365 = arith.constant 8 : i32
          %lt3A_366 = arith.cmpi slt, %add3A_364, %lt3A_365 : i32
          %convert_element_type3A_367 = arith.extui %lt3A_366 : i1 to i32
          %cond3A_368 = arith.constant 0 : i32
          %cond3A_369 = arith.cmpi ne, %convert_element_type3A_367, %cond3A_368 : i32
          scf.if %cond3A_369 {
            %rem3A_370 = arith.constant 2 : i32
            %rem3A_371 = arith.remsi %add3A_364, %rem3A_370 : i32
            %mul3A_372 = arith.constant 32 : i32
            %mul3A_373 = arith.muli %add3A_364, %mul3A_372 : i32
            %add3A_374 = arith.addi %mul3A_0, %mul3A_373 : i32
            %mul3A_375 = arith.constant 200 : i32
            %mul3A_376 = arith.muli %add3A_374, %mul3A_375 : i32
            %mul3A_377 = arith.constant 6400 : i32
            %mul3A_378 = arith.muli %rem3A_371, %mul3A_377 : i32
            %dma_wait3A_379 = tpu.memref_slice %arg7[%mul3A_378] : memref<12800xi32, #tpu.memory_space<vmem>> -> memref<6400xi32, #tpu.memory_space<vmem>>
            %dma_wait3A_380 = tpu.memref_slice %arg2[%mul3A_376] : memref<819200xi32, #tpu.memory_space<hbm>> -> memref<6400xi32, #tpu.memory_space<hbm>>
            %dma_wait3A_381 = tpu.memref_slice %arg7[%mul3A_378] : memref<12800xi32, #tpu.memory_space<vmem>> -> memref<6400xi32, #tpu.memory_space<vmem>>
            %dma_wait3A_382 = tpu.memref_slice %arg2[%mul3A_376] : memref<819200xi32, #tpu.memory_space<hbm>> -> memref<6400xi32, #tpu.memory_space<hbm>>
            tpu.wait_dma2 semaphore(%arg21 : memref<!tpu.dma_semaphore, #tpu.memory_space<semaphore_mem>>) src(%dma_wait3A_382 : memref<6400xi32, #tpu.memory_space<hbm>>) dst(%dma_wait3A_381 : memref<6400xi32, #tpu.memory_space<vmem>>)
            %add3A_383 = arith.constant 1 : i32
            %add3A_384 = arith.addi %add3A_364, %add3A_383 : i32
            %lt3A_385 = arith.constant 8 : i32
            %lt3A_386 = arith.cmpi slt, %add3A_384, %lt3A_385 : i32
            %convert_element_type3A_387 = arith.extui %lt3A_386 : i1 to i32
            %cond3A_388 = arith.constant 0 : i32
            %cond3A_389 = arith.cmpi ne, %convert_element_type3A_387, %cond3A_388 : i32
            scf.if %cond3A_389 {
              %add3A_390 = arith.constant 1 : i32
              %add3A_391 = arith.addi %add3A_364, %add3A_390 : i32
              %add3A_392 = arith.constant 1 : i32
              %add3A_393 = arith.addi %add3A_364, %add3A_392 : i32
              %rem3A_394 = arith.constant 2 : i32
              %rem3A_395 = arith.remsi %add3A_393, %rem3A_394 : i32
              %mul3A_396 = arith.constant 32 : i32
              %mul3A_397 = arith.muli %add3A_391, %mul3A_396 : i32
              %add3A_398 = arith.addi %mul3A_0, %mul3A_397 : i32
              %mul3A_399 = arith.constant 200 : i32
              %mul3A_400 = arith.muli %add3A_398, %mul3A_399 : i32
              %mul3A_401 = arith.constant 6400 : i32
              %mul3A_402 = arith.muli %rem3A_395, %mul3A_401 : i32
              %dma_start3A_403 = tpu.memref_slice %arg7[%mul3A_402] : memref<12800xi32, #tpu.memory_space<vmem>> -> memref<6400xi32, #tpu.memory_space<vmem>>
              %dma_start3A_404 = tpu.memref_slice %arg2[%mul3A_400] : memref<819200xi32, #tpu.memory_space<hbm>> -> memref<6400xi32, #tpu.memory_space<hbm>>
              %dma_start3A_405 = tpu.memref_slice %arg7[%mul3A_402] : memref<12800xi32, #tpu.memory_space<vmem>> -> memref<6400xi32, #tpu.memory_space<vmem>>
              %dma_start3A_406 = tpu.memref_slice %arg2[%mul3A_400] : memref<819200xi32, #tpu.memory_space<hbm>> -> memref<6400xi32, #tpu.memory_space<hbm>>
              tpu.enqueue_dma source(%dma_start3A_406 : memref<6400xi32, #tpu.memory_space<hbm>>) target(%dma_start3A_405 : memref<6400xi32, #tpu.memory_space<vmem>>) target_semaphore(%arg21 : memref<!tpu.dma_semaphore, #tpu.memory_space<semaphore_mem>>)
            } else {
            }
          } else {
          }
        } else {
        }
        %add3A_113 = arith.constant 8 : i32
        %add3A_114 = arith.addi %scan3A_105, %add3A_113 : i32
        %lt3A_115 = arith.constant 64 : i32
        %lt3A_116 = arith.cmpi slt, %add3A_114, %lt3A_115 : i32
        %convert_element_type3A_117 = arith.extui %lt3A_116 : i1 to i32
        %cond3A_118 = arith.constant 0 : i32
        %cond3A_119 = arith.cmpi ne, %convert_element_type3A_117, %cond3A_118 : i32
        scf.if %cond3A_119 {
          %add3A_345 = arith.constant 8 : i32
          %add3A_346 = arith.addi %scan3A_105, %add3A_345 : i32
          %jit3A = arith.constant 8 : i32
          %div3A = arith.divsi %add3A_346, %jit3A : i32
          %sign3A = arith.constant 0 : i32
          %sign3A_347 = arith.cmpi sgt, %add3A_346, %sign3A : i32
          %sign3A_348 = arith.extui %sign3A_347 : i1 to i32
          %sign3A_349 = arith.constant 0 : i32
          %sign3A_350 = arith.cmpi slt, %add3A_346, %sign3A_349 : i32
          %sign3A_351 = arith.extui %sign3A_350 : i1 to i32
          %sign3A_352 = arith.subi %sign3A_348, %sign3A_351 : i32
          %sign3A_353 = arith.constant 0 : i32
          %sign3A_354 = arith.cmpi sgt, %jit3A, %sign3A_353 : i32
          %sign3A_355 = arith.extui %sign3A_354 : i1 to i32
          %sign3A_356 = arith.constant 0 : i32
          %sign3A_357 = arith.cmpi slt, %jit3A, %sign3A_356 : i32
          %sign3A_358 = arith.extui %sign3A_357 : i1 to i32
          %sign3A_359 = arith.subi %sign3A_355, %sign3A_358 : i32
          %ne3A = arith.cmpi ne, %sign3A_352, %sign3A_359 : i32
          %rem3A_360 = arith.remsi %add3A_346, %jit3A : i32
          %ne3A_361 = arith.constant 0 : i32
          %ne3A_362 = arith.cmpi ne, %rem3A_360, %ne3A_361 : i32
          %and3A = arith.andi %ne3A, %ne3A_362 : i1
          %sub3A_363 = arith.constant 1 : i32
          %sub3A_364 = arith.subi %div3A, %sub3A_363 : i32
          %select_n3A = arith.select %and3A, %sub3A_364, %div3A : i32
          %rem3A_365 = arith.constant 2 : i32
          %rem3A_366 = arith.remsi %select_n3A, %rem3A_365 : i32
          %mul3A_367 = arith.constant 6400 : i32
          %mul3A_368 = arith.muli %rem3A_366, %mul3A_367 : i32
          %rem3A_369 = arith.constant 8 : i32
          %rem3A_370 = arith.remsi %add3A_346, %rem3A_369 : i32
          %mul3A_371 = arith.constant 4 : i32
          %mul3A_372 = arith.muli %rem3A_370, %mul3A_371 : i32
          %add3A_373 = arith.constant 0 : i32
          %add3A_374 = arith.addi %mul3A_372, %add3A_373 : i32
          %mul3A_375 = arith.constant 200 : i32
          %mul3A_376 = arith.muli %add3A_374, %mul3A_375 : i32
          %add3A_377 = arith.addi %mul3A_368, %mul3A_376 : i32
          %add3A_378 = arith.constant 0 : i32
          %add3A_379 = arith.addi %add3A_377, %add3A_378 : i32
          %mul3A_380 = arith.constant 4 : i32
          %mul3A_381 = arith.muli %add3A_346, %mul3A_380 : i32
          %add3A_382 = arith.constant 0 : i32
          %add3A_383 = arith.addi %mul3A_381, %add3A_382 : i32
          %mul3A_384 = arith.constant 104 : i32
          %mul3A_385 = arith.muli %add3A_383, %mul3A_384 : i32
          %add3A_386 = arith.constant 0 : i32
          %add3A_387 = arith.addi %add3A_379, %add3A_386 : i32
          %get3A = arith.index_cast %add3A_387 : i32 to index
          %get3A_388 = tpu.vector_load %arg7[%get3A] {strides = array<i32>} : memref<12800xi32, #tpu.memory_space<vmem>>, vector<16xi32>,
          %get3A_389 = vector.shape_cast %get3A_388 : vector<16xi32> to vector<16xi32>
          %add3A_390 = arith.constant 0 : i32
          %add3A_391 = vector.broadcast %add3A_390 : i32 to vector<16xi32>
          %add3A_392 = arith.addi %iota3A, %add3A_391 : vector<16xi32>
          %mul3A_393 = arith.constant 28 : i32
          %mul3A_394 = vector.broadcast %mul3A_393 : i32 to vector<16xi32>
          %mul3A_395 = arith.muli %add3A_392, %mul3A_394 : vector<16xi32>
          %add3A_396 = arith.addi %get3A_389, %mul3A_395 : vector<16xi32>
          %add3A_397 = arith.constant 0 : i32
          %add3A_398 = arith.addi %mul3A_385, %add3A_397 : i32
          %swap3A = arith.index_cast %add3A_398 : i32 to index
          %swap3A_399 = tpu.vector_load %arg6[%swap3A] {strides = array<i32>} : memref<26640xi32, #tpu.memory_space<vmem>>, vector<16xi32>,
          %swap3A_400 = vector.shape_cast %swap3A_399 : vector<16xi32> to vector<16xi32>
          %swap3A_401 = vector.shape_cast %add3A_396 : vector<16xi32> to vector<16xi32>
          tpu.vector_store %arg6[%swap3A], %swap3A_401 {strides = array<i32>} : memref<26640xi32, #tpu.memory_space<vmem>>, vector<16xi32>,
          %add3A_402 = arith.constant 16 : i32
          %add3A_403 = arith.addi %add3A_379, %add3A_402 : i32
          %get3A_404 = arith.index_cast %add3A_403 : i32 to index
          %get3A_405 = tpu.vector_load %arg7[%get3A_404] {strides = array<i32>} : memref<12800xi32, #tpu.memory_space<vmem>>, vector<16xi32>,
          %get3A_406 = vector.shape_cast %get3A_405 : vector<16xi32> to vector<16xi32>
          %add3A_407 = arith.constant 16 : i32
          %add3A_408 = vector.broadcast %add3A_407 : i32 to vector<16xi32>
          %add3A_409 = arith.addi %iota3A, %add3A_408 : vector<16xi32>
          %mul3A_410 = arith.constant 28 : i32
          %mul3A_411 = vector.broadcast %mul3A_410 : i32 to vector<16xi32>
          %mul3A_412 = arith.muli %add3A_409, %mul3A_411 : vector<16xi32>
          %add3A_413 = arith.addi %get3A_406, %mul3A_412 : vector<16xi32>
          %add3A_414 = arith.constant 16 : i32
          %add3A_415 = arith.addi %mul3A_385, %add3A_414 : i32
          %swap3A_416 = arith.index_cast %add3A_415 : i32 to index
          %swap3A_417 = tpu.vector_load %arg6[%swap3A_416] {strides = array<i32>} : memref<26640xi32, #tpu.memory_space<vmem>>, vector<16xi32>,
          %swap3A_418 = vector.shape_cast %swap3A_417 : vector<16xi32> to vector<16xi32>
          %swap3A_419 = vector.shape_cast %add3A_413 : vector<16xi32> to vector<16xi32>
          tpu.vector_store %arg6[%swap3A_416], %swap3A_419 {strides = array<i32>} : memref<26640xi32, #tpu.memory_space<vmem>>, vector<16xi32>,
          %add3A_420 = arith.constant 32 : i32
          %add3A_421 = arith.addi %add3A_379, %add3A_420 : i32
          %get3A_422 = arith.index_cast %add3A_421 : i32 to index
          %get3A_423 = tpu.vector_load %arg7[%get3A_422] {strides = array<i32>} : memref<12800xi32, #tpu.memory_space<vmem>>, vector<16xi32>,
          %get3A_424 = vector.shape_cast %get3A_423 : vector<16xi32> to vector<16xi32>
          %add3A_425 = arith.constant 32 : i32
          %add3A_426 = vector.broadcast %add3A_425 : i32 to vector<16xi32>
          %add3A_427 = arith.addi %iota3A, %add3A_426 : vector<16xi32>
          %mul3A_428 = arith.constant 28 : i32
          %mul3A_429 = vector.broadcast %mul3A_428 : i32 to vector<16xi32>
          %mul3A_430 = arith.muli %add3A_427, %mul3A_429 : vector<16xi32>
          %add3A_431 = arith.addi %get3A_424, %mul3A_430 : vector<16xi32>
          %add3A_432 = arith.constant 32 : i32
          %add3A_433 = arith.addi %mul3A_385, %add3A_432 : i32
          %swap3A_434 = arith.index_cast %add3A_433 : i32 to index
          %swap3A_435 = tpu.vector_load %arg6[%swap3A_434] {strides = array<i32>} : memref<26640xi32, #tpu.memory_space<vmem>>, vector<16xi32>,
          %swap3A_436 = vector.shape_cast %swap3A_435 : vector<16xi32> to vector<16xi32>
          %swap3A_437 = vector.shape_cast %add3A_431 : vector<16xi32> to vector<16xi32>
          tpu.vector_store %arg6[%swap3A_434], %swap3A_437 {strides = array<i32>} : memref<26640xi32, #tpu.memory_space<vmem>>, vector<16xi32>,
          %add3A_438 = arith.constant 48 : i32
          %add3A_439 = arith.addi %add3A_379, %add3A_438 : i32
          %get3A_440 = arith.index_cast %add3A_439 : i32 to index
          %get3A_441 = tpu.vector_load %arg7[%get3A_440] {strides = array<i32>} : memref<12800xi32, #tpu.memory_space<vmem>>, vector<16xi32>,
          %get3A_442 = vector.shape_cast %get3A_441 : vector<16xi32> to vector<16xi32>
          %add3A_443 = arith.constant 48 : i32
          %add3A_444 = vector.broadcast %add3A_443 : i32 to vector<16xi32>
          %add3A_445 = arith.addi %iota3A, %add3A_444 : vector<16xi32>
          %mul3A_446 = arith.constant 28 : i32
          %mul3A_447 = vector.broadcast %mul3A_446 : i32 to vector<16xi32>
          %mul3A_448 = arith.muli %add3A_445, %mul3A_447 : vector<16xi32>
          %add3A_449 = arith.addi %get3A_442, %mul3A_448 : vector<16xi32>
          %add3A_450 = arith.constant 48 : i32
          %add3A_451 = arith.addi %mul3A_385, %add3A_450 : i32
          %swap3A_452 = arith.index_cast %add3A_451 : i32 to index
          %swap3A_453 = tpu.vector_load %arg6[%swap3A_452] {strides = array<i32>} : memref<26640xi32, #tpu.memory_space<vmem>>, vector<16xi32>,
          %swap3A_454 = vector.shape_cast %swap3A_453 : vector<16xi32> to vector<16xi32>
          %swap3A_455 = vector.shape_cast %add3A_449 : vector<16xi32> to vector<16xi32>
          tpu.vector_store %arg6[%swap3A_452], %swap3A_455 {strides = array<i32>} : memref<26640xi32, #tpu.memory_space<vmem>>, vector<16xi32>,
          %add3A_456 = arith.constant 64 : i32
          %add3A_457 = arith.addi %add3A_379, %add3A_456 : i32
          %get3A_458 = arith.index_cast %add3A_457 : i32 to index
          %get3A_459 = tpu.vector_load %arg7[%get3A_458] {strides = array<i32>} : memref<12800xi32, #tpu.memory_space<vmem>>, vector<16xi32>,
          %get3A_460 = vector.shape_cast %get3A_459 : vector<16xi32> to vector<16xi32>
          %add3A_461 = arith.constant 64 : i32
          %add3A_462 = vector.broadcast %add3A_461 : i32 to vector<16xi32>
          %add3A_463 = arith.addi %iota3A, %add3A_462 : vector<16xi32>
          %mul3A_464 = arith.constant 28 : i32
          %mul3A_465 = vector.broadcast %mul3A_464 : i32 to vector<16xi32>
          %mul3A_466 = arith.muli %add3A_463, %mul3A_465 : vector<16xi32>
          %add3A_467 = arith.addi %get3A_460, %mul3A_466 : vector<16xi32>
          %add3A_468 = arith.constant 64 : i32
          %add3A_469 = arith.addi %mul3A_385, %add3A_468 : i32
          %swap3A_470 = arith.index_cast %add3A_469 : i32 to index
          %swap3A_471 = tpu.vector_load %arg6[%swap3A_470] {strides = array<i32>} : memref<26640xi32, #tpu.memory_space<vmem>>, vector<16xi32>,
          %swap3A_472 = vector.shape_cast %swap3A_471 : vector<16xi32> to vector<16xi32>
          %swap3A_473 = vector.shape_cast %add3A_467 : vector<16xi32> to vector<16xi32>
          tpu.vector_store %arg6[%swap3A_470], %swap3A_473 {strides = array<i32>} : memref<26640xi32, #tpu.memory_space<vmem>>, vector<16xi32>,
          %add3A_474 = arith.constant 80 : i32
          %add3A_475 = arith.addi %add3A_379, %add3A_474 : i32
          %get3A_476 = arith.index_cast %add3A_475 : i32 to index
          %get3A_477 = tpu.vector_load %arg7[%get3A_476] {strides = array<i32>} : memref<12800xi32, #tpu.memory_space<vmem>>, vector<16xi32>,
          %get3A_478 = vector.shape_cast %get3A_477 : vector<16xi32> to vector<16xi32>
          %add3A_479 = arith.constant 80 : i32
          %add3A_480 = vector.broadcast %add3A_479 : i32 to vector<16xi32>
          %add3A_481 = arith.addi %iota3A, %add3A_480 : vector<16xi32>
          %mul3A_482 = arith.constant 28 : i32
          %mul3A_483 = vector.broadcast %mul3A_482 : i32 to vector<16xi32>
          %mul3A_484 = arith.muli %add3A_481, %mul3A_483 : vector<16xi32>
          %add3A_485 = arith.addi %get3A_478, %mul3A_484 : vector<16xi32>
          %add3A_486 = arith.constant 80 : i32
          %add3A_487 = arith.addi %mul3A_385, %add3A_486 : i32
          %swap3A_488 = arith.index_cast %add3A_487 : i32 to index
          %swap3A_489 = tpu.vector_load %arg6[%swap3A_488] {strides = array<i32>} : memref<26640xi32, #tpu.memory_space<vmem>>, vector<16xi32>,
          %swap3A_490 = vector.shape_cast %swap3A_489 : vector<16xi32> to vector<16xi32>
          %swap3A_491 = vector.shape_cast %add3A_485 : vector<16xi32> to vector<16xi32>
          tpu.vector_store %arg6[%swap3A_488], %swap3A_491 {strides = array<i32>} : memref<26640xi32, #tpu.memory_space<vmem>>, vector<16xi32>,
          %add3A_492 = arith.constant 96 : i32
          %add3A_493 = arith.addi %add3A_379, %add3A_492 : i32
          %get3A_494 = arith.index_cast %add3A_493 : i32 to index
          %get3A_495 = tpu.vector_load %arg7[%get3A_494] {strides = array<i32>} : memref<12800xi32, #tpu.memory_space<vmem>>, vector<16xi32>,
          %get3A_496 = vector.shape_cast %get3A_495 : vector<16xi32> to vector<16xi32>
          %add3A_497 = arith.constant 96 : i32
          %add3A_498 = vector.broadcast %add3A_497 : i32 to vector<16xi32>
          %add3A_499 = arith.addi %iota3A, %add3A_498 : vector<16xi32>
          %mul3A_500 = arith.constant 28 : i32
          %mul3A_501 = vector.broadcast %mul3A_500 : i32 to vector<16xi32>
          %mul3A_502 = arith.muli %add3A_499, %mul3A_501 : vector<16xi32>
          %add3A_503 = arith.addi %get3A_496, %mul3A_502 : vector<16xi32>
          %add3A_504 = arith.constant 96 : i32
          %add3A_505 = arith.addi %mul3A_385, %add3A_504 : i32
          %swap3A_506 = arith.index_cast %add3A_505 : i32 to index
          %swap3A_507 = tpu.vector_load %arg6[%swap3A_506] {strides = array<i32>} : memref<26640xi32, #tpu.memory_space<vmem>>, vector<16xi32>,
          %swap3A_508 = vector.shape_cast %swap3A_507 : vector<16xi32> to vector<16xi32>
          %swap3A_509 = vector.shape_cast %add3A_503 : vector<16xi32> to vector<16xi32>
          tpu.vector_store %arg6[%swap3A_506], %swap3A_509 {strides = array<i32>} : memref<26640xi32, #tpu.memory_space<vmem>>, vector<16xi32>,
          %add3A_510 = arith.constant 1 : i32
          %add3A_511 = arith.addi %mul3A_372, %add3A_510 : i32
          %mul3A_512 = arith.constant 200 : i32
          %mul3A_513 = arith.muli %add3A_511, %mul3A_512 : i32
          %add3A_514 = arith.addi %mul3A_368, %mul3A_513 : i32
          %add3A_515 = arith.constant 0 : i32
          %add3A_516 = arith.addi %add3A_514, %add3A_515 : i32
          %mul3A_517 = arith.constant 4 : i32
          %mul3A_518 = arith.muli %add3A_346, %mul3A_517 : i32
          %add3A_519 = arith.constant 1 : i32
          %add3A_520 = arith.addi %mul3A_518, %add3A_519 : i32
          %mul3A_521 = arith.constant 104 : i32
          %mul3A_522 = arith.muli %add3A_520, %mul3A_521 : i32
          %add3A_523 = arith.constant 0 : i32
          %add3A_524 = arith.addi %add3A_516, %add3A_523 : i32
          %get3A_525 = arith.index_cast %add3A_524 : i32 to index
          %get3A_526 = tpu.vector_load %arg7[%get3A_525] {strides = array<i32>} : memref<12800xi32, #tpu.memory_space<vmem>>, vector<16xi32>,
          %get3A_527 = vector.shape_cast %get3A_526 : vector<16xi32> to vector<16xi32>
          %add3A_528 = arith.constant 0 : i32
          %add3A_529 = vector.broadcast %add3A_528 : i32 to vector<16xi32>
          %add3A_530 = arith.addi %iota3A, %add3A_529 : vector<16xi32>
          %mul3A_531 = arith.constant 28 : i32
          %mul3A_532 = vector.broadcast %mul3A_531 : i32 to vector<16xi32>
          %mul3A_533 = arith.muli %add3A_530, %mul3A_532 : vector<16xi32>
          %add3A_534 = arith.addi %get3A_527, %mul3A_533 : vector<16xi32>
          %add3A_535 = arith.constant 0 : i32
          %add3A_536 = arith.addi %mul3A_522, %add3A_535 : i32
          %swap3A_537 = arith.index_cast %add3A_536 : i32 to index
          %swap3A_538 = tpu.vector_load %arg6[%swap3A_537] {strides = array<i32>} : memref<26640xi32, #tpu.memory_space<vmem>>, vector<16xi32>,
          %swap3A_539 = vector.shape_cast %swap3A_538 : vector<16xi32> to vector<16xi32>
          %swap3A_540 = vector.shape_cast %add3A_534 : vector<16xi32> to vector<16xi32>
          tpu.vector_store %arg6[%swap3A_537], %swap3A_540 {strides = array<i32>} : memref<26640xi32, #tpu.memory_space<vmem>>, vector<16xi32>,
          %add3A_541 = arith.constant 16 : i32
          %add3A_542 = arith.addi %add3A_516, %add3A_541 : i32
          %get3A_543 = arith.index_cast %add3A_542 : i32 to index
          %get3A_544 = tpu.vector_load %arg7[%get3A_543] {strides = array<i32>} : memref<12800xi32, #tpu.memory_space<vmem>>, vector<16xi32>,
          %get3A_545 = vector.shape_cast %get3A_544 : vector<16xi32> to vector<16xi32>
          %add3A_546 = arith.constant 16 : i32
          %add3A_547 = vector.broadcast %add3A_546 : i32 to vector<16xi32>
          %add3A_548 = arith.addi %iota3A, %add3A_547 : vector<16xi32>
          %mul3A_549 = arith.constant 28 : i32
          %mul3A_550 = vector.broadcast %mul3A_549 : i32 to vector<16xi32>
          %mul3A_551 = arith.muli %add3A_548, %mul3A_550 : vector<16xi32>
          %add3A_552 = arith.addi %get3A_545, %mul3A_551 : vector<16xi32>
          %add3A_553 = arith.constant 16 : i32
          %add3A_554 = arith.addi %mul3A_522, %add3A_553 : i32
          %swap3A_555 = arith.index_cast %add3A_554 : i32 to index
          %swap3A_556 = tpu.vector_load %arg6[%swap3A_555] {strides = array<i32>} : memref<26640xi32, #tpu.memory_space<vmem>>, vector<16xi32>,
          %swap3A_557 = vector.shape_cast %swap3A_556 : vector<16xi32> to vector<16xi32>
          %swap3A_558 = vector.shape_cast %add3A_552 : vector<16xi32> to vector<16xi32>
          tpu.vector_store %arg6[%swap3A_555], %swap3A_558 {strides = array<i32>} : memref<26640xi32, #tpu.memory_space<vmem>>, vector<16xi32>,
          %add3A_559 = arith.constant 32 : i32
          %add3A_560 = arith.addi %add3A_516, %add3A_559 : i32
          %get3A_561 = arith.index_cast %add3A_560 : i32 to index
          %get3A_562 = tpu.vector_load %arg7[%get3A_561] {strides = array<i32>} : memref<12800xi32, #tpu.memory_space<vmem>>, vector<16xi32>,
          %get3A_563 = vector.shape_cast %get3A_562 : vector<16xi32> to vector<16xi32>
          %add3A_564 = arith.constant 32 : i32
          %add3A_565 = vector.broadcast %add3A_564 : i32 to vector<16xi32>
          %add3A_566 = arith.addi %iota3A, %add3A_565 : vector<16xi32>
          %mul3A_567 = arith.constant 28 : i32
          %mul3A_568 = vector.broadcast %mul3A_567 : i32 to vector<16xi32>
          %mul3A_569 = arith.muli %add3A_566, %mul3A_568 : vector<16xi32>
          %add3A_570 = arith.addi %get3A_563, %mul3A_569 : vector<16xi32>
          %add3A_571 = arith.constant 32 : i32
          %add3A_572 = arith.addi %mul3A_522, %add3A_571 : i32
          %swap3A_573 = arith.index_cast %add3A_572 : i32 to index
          %swap3A_574 = tpu.vector_load %arg6[%swap3A_573] {strides = array<i32>} : memref<26640xi32, #tpu.memory_space<vmem>>, vector<16xi32>,
          %swap3A_575 = vector.shape_cast %swap3A_574 : vector<16xi32> to vector<16xi32>
          %swap3A_576 = vector.shape_cast %add3A_570 : vector<16xi32> to vector<16xi32>
          tpu.vector_store %arg6[%swap3A_573], %swap3A_576 {strides = array<i32>} : memref<26640xi32, #tpu.memory_space<vmem>>, vector<16xi32>,
          %add3A_577 = arith.constant 48 : i32
          %add3A_578 = arith.addi %add3A_516, %add3A_577 : i32
          %get3A_579 = arith.index_cast %add3A_578 : i32 to index
          %get3A_580 = tpu.vector_load %arg7[%get3A_579] {strides = array<i32>} : memref<12800xi32, #tpu.memory_space<vmem>>, vector<16xi32>,
          %get3A_581 = vector.shape_cast %get3A_580 : vector<16xi32> to vector<16xi32>
          %add3A_582 = arith.constant 48 : i32
          %add3A_583 = vector.broadcast %add3A_582 : i32 to vector<16xi32>
          %add3A_584 = arith.addi %iota3A, %add3A_583 : vector<16xi32>
          %mul3A_585 = arith.constant 28 : i32
          %mul3A_586 = vector.broadcast %mul3A_585 : i32 to vector<16xi32>
          %mul3A_587 = arith.muli %add3A_584, %mul3A_586 : vector<16xi32>
          %add3A_588 = arith.addi %get3A_581, %mul3A_587 : vector<16xi32>
          %add3A_589 = arith.constant 48 : i32
          %add3A_590 = arith.addi %mul3A_522, %add3A_589 : i32
          %swap3A_591 = arith.index_cast %add3A_590 : i32 to index
          %swap3A_592 = tpu.vector_load %arg6[%swap3A_591] {strides = array<i32>} : memref<26640xi32, #tpu.memory_space<vmem>>, vector<16xi32>,
          %swap3A_593 = vector.shape_cast %swap3A_592 : vector<16xi32> to vector<16xi32>
          %swap3A_594 = vector.shape_cast %add3A_588 : vector<16xi32> to vector<16xi32>
          tpu.vector_store %arg6[%swap3A_591], %swap3A_594 {strides = array<i32>} : memref<26640xi32, #tpu.memory_space<vmem>>, vector<16xi32>,
          %add3A_595 = arith.constant 64 : i32
          %add3A_596 = arith.addi %add3A_516, %add3A_595 : i32
          %get3A_597 = arith.index_cast %add3A_596 : i32 to index
          %get3A_598 = tpu.vector_load %arg7[%get3A_597] {strides = array<i32>} : memref<12800xi32, #tpu.memory_space<vmem>>, vector<16xi32>,
          %get3A_599 = vector.shape_cast %get3A_598 : vector<16xi32> to vector<16xi32>
          %add3A_600 = arith.constant 64 : i32
          %add3A_601 = vector.broadcast %add3A_600 : i32 to vector<16xi32>
          %add3A_602 = arith.addi %iota3A, %add3A_601 : vector<16xi32>
          %mul3A_603 = arith.constant 28 : i32
          %mul3A_604 = vector.broadcast %mul3A_603 : i32 to vector<16xi32>
          %mul3A_605 = arith.muli %add3A_602, %mul3A_604 : vector<16xi32>
          %add3A_606 = arith.addi %get3A_599, %mul3A_605 : vector<16xi32>
          %add3A_607 = arith.constant 64 : i32
          %add3A_608 = arith.addi %mul3A_522, %add3A_607 : i32
          %swap3A_609 = arith.index_cast %add3A_608 : i32 to index
          %swap3A_610 = tpu.vector_load %arg6[%swap3A_609] {strides = array<i32>} : memref<26640xi32, #tpu.memory_space<vmem>>, vector<16xi32>,
          %swap3A_611 = vector.shape_cast %swap3A_610 : vector<16xi32> to vector<16xi32>
          %swap3A_612 = vector.shape_cast %add3A_606 : vector<16xi32> to vector<16xi32>
          tpu.vector_store %arg6[%swap3A_609], %swap3A_612 {strides = array<i32>} : memref<26640xi32, #tpu.memory_space<vmem>>, vector<16xi32>,
          %add3A_613 = arith.constant 80 : i32
          %add3A_614 = arith.addi %add3A_516, %add3A_613 : i32
          %get3A_615 = arith.index_cast %add3A_614 : i32 to index
          %get3A_616 = tpu.vector_load %arg7[%get3A_615] {strides = array<i32>} : memref<12800xi32, #tpu.memory_space<vmem>>, vector<16xi32>,
          %get3A_617 = vector.shape_cast %get3A_616 : vector<16xi32> to vector<16xi32>
          %add3A_618 = arith.constant 80 : i32
          %add3A_619 = vector.broadcast %add3A_618 : i32 to vector<16xi32>
          %add3A_620 = arith.addi %iota3A, %add3A_619 : vector<16xi32>
          %mul3A_621 = arith.constant 28 : i32
          %mul3A_622 = vector.broadcast %mul3A_621 : i32 to vector<16xi32>
          %mul3A_623 = arith.muli %add3A_620, %mul3A_622 : vector<16xi32>
          %add3A_624 = arith.addi %get3A_617, %mul3A_623 : vector<16xi32>
          %add3A_625 = arith.constant 80 : i32
          %add3A_626 = arith.addi %mul3A_522, %add3A_625 : i32
          %swap3A_627 = arith.index_cast %add3A_626 : i32 to index
          %swap3A_628 = tpu.vector_load %arg6[%swap3A_627] {strides = array<i32>} : memref<26640xi32, #tpu.memory_space<vmem>>, vector<16xi32>,
          %swap3A_629 = vector.shape_cast %swap3A_628 : vector<16xi32> to vector<16xi32>
          %swap3A_630 = vector.shape_cast %add3A_624 : vector<16xi32> to vector<16xi32>
          tpu.vector_store %arg6[%swap3A_627], %swap3A_630 {strides = array<i32>} : memref<26640xi32, #tpu.memory_space<vmem>>, vector<16xi32>,
          %add3A_631 = arith.constant 96 : i32
          %add3A_632 = arith.addi %add3A_516, %add3A_631 : i32
          %get3A_633 = arith.index_cast %add3A_632 : i32 to index
          %get3A_634 = tpu.vector_load %arg7[%get3A_633] {strides = array<i32>} : memref<12800xi32, #tpu.memory_space<vmem>>, vector<16xi32>,
          %get3A_635 = vector.shape_cast %get3A_634 : vector<16xi32> to vector<16xi32>
          %add3A_636 = arith.constant 96 : i32
          %add3A_637 = vector.broadcast %add3A_636 : i32 to vector<16xi32>
          %add3A_638 = arith.addi %iota3A, %add3A_637 : vector<16xi32>
          %mul3A_639 = arith.constant 28 : i32
          %mul3A_640 = vector.broadcast %mul3A_639 : i32 to vector<16xi32>
          %mul3A_641 = arith.muli %add3A_638, %mul3A_640 : vector<16xi32>
          %add3A_642 = arith.addi %get3A_635, %mul3A_641 : vector<16xi32>
          %add3A_643 = arith.constant 96 : i32
          %add3A_644 = arith.addi %mul3A_522, %add3A_643 : i32
          %swap3A_645 = arith.index_cast %add3A_644 : i32 to index
          %swap3A_646 = tpu.vector_load %arg6[%swap3A_645] {strides = array<i32>} : memref<26640xi32, #tpu.memory_space<vmem>>, vector<16xi32>,
          %swap3A_647 = vector.shape_cast %swap3A_646 : vector<16xi32> to vector<16xi32>
          %swap3A_648 = vector.shape_cast %add3A_642 : vector<16xi32> to vector<16xi32>
          tpu.vector_store %arg6[%swap3A_645], %swap3A_648 {strides = array<i32>} : memref<26640xi32, #tpu.memory_space<vmem>>, vector<16xi32>,
          %add3A_649 = arith.constant 2 : i32
          %add3A_650 = arith.addi %mul3A_372, %add3A_649 : i32
          %mul3A_651 = arith.constant 200 : i32
          %mul3A_652 = arith.muli %add3A_650, %mul3A_651 : i32
          %add3A_653 = arith.addi %mul3A_368, %mul3A_652 : i32
          %add3A_654 = arith.constant 0 : i32
          %add3A_655 = arith.addi %add3A_653, %add3A_654 : i32
          %mul3A_656 = arith.constant 4 : i32
          %mul3A_657 = arith.muli %add3A_346, %mul3A_656 : i32
          %add3A_658 = arith.constant 2 : i32
          %add3A_659 = arith.addi %mul3A_657, %add3A_658 : i32
          %mul3A_660 = arith.constant 104 : i32
          %mul3A_661 = arith.muli %add3A_659, %mul3A_660 : i32
          %add3A_662 = arith.constant 0 : i32
          %add3A_663 = arith.addi %add3A_655, %add3A_662 : i32
          %get3A_664 = arith.index_cast %add3A_663 : i32 to index
          %get3A_665 = tpu.vector_load %arg7[%get3A_664] {strides = array<i32>} : memref<12800xi32, #tpu.memory_space<vmem>>, vector<16xi32>,
          %get3A_666 = vector.shape_cast %get3A_665 : vector<16xi32> to vector<16xi32>
          %add3A_667 = arith.constant 0 : i32
          %add3A_668 = vector.broadcast %add3A_667 : i32 to vector<16xi32>
          %add3A_669 = arith.addi %iota3A, %add3A_668 : vector<16xi32>
          %mul3A_670 = arith.constant 28 : i32
          %mul3A_671 = vector.broadcast %mul3A_670 : i32 to vector<16xi32>
          %mul3A_672 = arith.muli %add3A_669, %mul3A_671 : vector<16xi32>
          %add3A_673 = arith.addi %get3A_666, %mul3A_672 : vector<16xi32>
          %add3A_674 = arith.constant 0 : i32
          %add3A_675 = arith.addi %mul3A_661, %add3A_674 : i32
          %swap3A_676 = arith.index_cast %add3A_675 : i32 to index
          %swap3A_677 = tpu.vector_load %arg6[%swap3A_676] {strides = array<i32>} : memref<26640xi32, #tpu.memory_space<vmem>>, vector<16xi32>,
          %swap3A_678 = vector.shape_cast %swap3A_677 : vector<16xi32> to vector<16xi32>
          %swap3A_679 = vector.shape_cast %add3A_673 : vector<16xi32> to vector<16xi32>
          tpu.vector_store %arg6[%swap3A_676], %swap3A_679 {strides = array<i32>} : memref<26640xi32, #tpu.memory_space<vmem>>, vector<16xi32>,
          %add3A_680 = arith.constant 16 : i32
          %add3A_681 = arith.addi %add3A_655, %add3A_680 : i32
          %get3A_682 = arith.index_cast %add3A_681 : i32 to index
          %get3A_683 = tpu.vector_load %arg7[%get3A_682] {strides = array<i32>} : memref<12800xi32, #tpu.memory_space<vmem>>, vector<16xi32>,
          %get3A_684 = vector.shape_cast %get3A_683 : vector<16xi32> to vector<16xi32>
          %add3A_685 = arith.constant 16 : i32
          %add3A_686 = vector.broadcast %add3A_685 : i32 to vector<16xi32>
          %add3A_687 = arith.addi %iota3A, %add3A_686 : vector<16xi32>
          %mul3A_688 = arith.constant 28 : i32
          %mul3A_689 = vector.broadcast %mul3A_688 : i32 to vector<16xi32>
          %mul3A_690 = arith.muli %add3A_687, %mul3A_689 : vector<16xi32>
          %add3A_691 = arith.addi %get3A_684, %mul3A_690 : vector<16xi32>
          %add3A_692 = arith.constant 16 : i32
          %add3A_693 = arith.addi %mul3A_661, %add3A_692 : i32
          %swap3A_694 = arith.index_cast %add3A_693 : i32 to index
          %swap3A_695 = tpu.vector_load %arg6[%swap3A_694] {strides = array<i32>} : memref<26640xi32, #tpu.memory_space<vmem>>, vector<16xi32>,
          %swap3A_696 = vector.shape_cast %swap3A_695 : vector<16xi32> to vector<16xi32>
          %swap3A_697 = vector.shape_cast %add3A_691 : vector<16xi32> to vector<16xi32>
          tpu.vector_store %arg6[%swap3A_694], %swap3A_697 {strides = array<i32>} : memref<26640xi32, #tpu.memory_space<vmem>>, vector<16xi32>,
          %add3A_698 = arith.constant 32 : i32
          %add3A_699 = arith.addi %add3A_655, %add3A_698 : i32
          %get3A_700 = arith.index_cast %add3A_699 : i32 to index
          %get3A_701 = tpu.vector_load %arg7[%get3A_700] {strides = array<i32>} : memref<12800xi32, #tpu.memory_space<vmem>>, vector<16xi32>,
          %get3A_702 = vector.shape_cast %get3A_701 : vector<16xi32> to vector<16xi32>
          %add3A_703 = arith.constant 32 : i32
          %add3A_704 = vector.broadcast %add3A_703 : i32 to vector<16xi32>
          %add3A_705 = arith.addi %iota3A, %add3A_704 : vector<16xi32>
          %mul3A_706 = arith.constant 28 : i32
          %mul3A_707 = vector.broadcast %mul3A_706 : i32 to vector<16xi32>
          %mul3A_708 = arith.muli %add3A_705, %mul3A_707 : vector<16xi32>
          %add3A_709 = arith.addi %get3A_702, %mul3A_708 : vector<16xi32>
          %add3A_710 = arith.constant 32 : i32
          %add3A_711 = arith.addi %mul3A_661, %add3A_710 : i32
          %swap3A_712 = arith.index_cast %add3A_711 : i32 to index
          %swap3A_713 = tpu.vector_load %arg6[%swap3A_712] {strides = array<i32>} : memref<26640xi32, #tpu.memory_space<vmem>>, vector<16xi32>,
          %swap3A_714 = vector.shape_cast %swap3A_713 : vector<16xi32> to vector<16xi32>
          %swap3A_715 = vector.shape_cast %add3A_709 : vector<16xi32> to vector<16xi32>
          tpu.vector_store %arg6[%swap3A_712], %swap3A_715 {strides = array<i32>} : memref<26640xi32, #tpu.memory_space<vmem>>, vector<16xi32>,
          %add3A_716 = arith.constant 48 : i32
          %add3A_717 = arith.addi %add3A_655, %add3A_716 : i32
          %get3A_718 = arith.index_cast %add3A_717 : i32 to index
          %get3A_719 = tpu.vector_load %arg7[%get3A_718] {strides = array<i32>} : memref<12800xi32, #tpu.memory_space<vmem>>, vector<16xi32>,
          %get3A_720 = vector.shape_cast %get3A_719 : vector<16xi32> to vector<16xi32>
          %add3A_721 = arith.constant 48 : i32
          %add3A_722 = vector.broadcast %add3A_721 : i32 to vector<16xi32>
          %add3A_723 = arith.addi %iota3A, %add3A_722 : vector<16xi32>
          %mul3A_724 = arith.constant 28 : i32
          %mul3A_725 = vector.broadcast %mul3A_724 : i32 to vector<16xi32>
          %mul3A_726 = arith.muli %add3A_723, %mul3A_725 : vector<16xi32>
          %add3A_727 = arith.addi %get3A_720, %mul3A_726 : vector<16xi32>
          %add3A_728 = arith.constant 48 : i32
          %add3A_729 = arith.addi %mul3A_661, %add3A_728 : i32
          %swap3A_730 = arith.index_cast %add3A_729 : i32 to index
          %swap3A_731 = tpu.vector_load %arg6[%swap3A_730] {strides = array<i32>} : memref<26640xi32, #tpu.memory_space<vmem>>, vector<16xi32>,
          %swap3A_732 = vector.shape_cast %swap3A_731 : vector<16xi32> to vector<16xi32>
          %swap3A_733 = vector.shape_cast %add3A_727 : vector<16xi32> to vector<16xi32>
          tpu.vector_store %arg6[%swap3A_730], %swap3A_733 {strides = array<i32>} : memref<26640xi32, #tpu.memory_space<vmem>>, vector<16xi32>,
          %add3A_734 = arith.constant 64 : i32
          %add3A_735 = arith.addi %add3A_655, %add3A_734 : i32
          %get3A_736 = arith.index_cast %add3A_735 : i32 to index
          %get3A_737 = tpu.vector_load %arg7[%get3A_736] {strides = array<i32>} : memref<12800xi32, #tpu.memory_space<vmem>>, vector<16xi32>,
          %get3A_738 = vector.shape_cast %get3A_737 : vector<16xi32> to vector<16xi32>
          %add3A_739 = arith.constant 64 : i32
          %add3A_740 = vector.broadcast %add3A_739 : i32 to vector<16xi32>
          %add3A_741 = arith.addi %iota3A, %add3A_740 : vector<16xi32>
          %mul3A_742 = arith.constant 28 : i32
          %mul3A_743 = vector.broadcast %mul3A_742 : i32 to vector<16xi32>
          %mul3A_744 = arith.muli %add3A_741, %mul3A_743 : vector<16xi32>
          %add3A_745 = arith.addi %get3A_738, %mul3A_744 : vector<16xi32>
          %add3A_746 = arith.constant 64 : i32
          %add3A_747 = arith.addi %mul3A_661, %add3A_746 : i32
          %swap3A_748 = arith.index_cast %add3A_747 : i32 to index
          %swap3A_749 = tpu.vector_load %arg6[%swap3A_748] {strides = array<i32>} : memref<26640xi32, #tpu.memory_space<vmem>>, vector<16xi32>,
          %swap3A_750 = vector.shape_cast %swap3A_749 : vector<16xi32> to vector<16xi32>
          %swap3A_751 = vector.shape_cast %add3A_745 : vector<16xi32> to vector<16xi32>
          tpu.vector_store %arg6[%swap3A_748], %swap3A_751 {strides = array<i32>} : memref<26640xi32, #tpu.memory_space<vmem>>, vector<16xi32>,
          %add3A_752 = arith.constant 80 : i32
          %add3A_753 = arith.addi %add3A_655, %add3A_752 : i32
          %get3A_754 = arith.index_cast %add3A_753 : i32 to index
          %get3A_755 = tpu.vector_load %arg7[%get3A_754] {strides = array<i32>} : memref<12800xi32, #tpu.memory_space<vmem>>, vector<16xi32>,
          %get3A_756 = vector.shape_cast %get3A_755 : vector<16xi32> to vector<16xi32>
          %add3A_757 = arith.constant 80 : i32
          %add3A_758 = vector.broadcast %add3A_757 : i32 to vector<16xi32>
          %add3A_759 = arith.addi %iota3A, %add3A_758 : vector<16xi32>
          %mul3A_760 = arith.constant 28 : i32
          %mul3A_761 = vector.broadcast %mul3A_760 : i32 to vector<16xi32>
          %mul3A_762 = arith.muli %add3A_759, %mul3A_761 : vector<16xi32>
          %add3A_763 = arith.addi %get3A_756, %mul3A_762 : vector<16xi32>
          %add3A_764 = arith.constant 80 : i32
          %add3A_765 = arith.addi %mul3A_661, %add3A_764 : i32
          %swap3A_766 = arith.index_cast %add3A_765 : i32 to index
          %swap3A_767 = tpu.vector_load %arg6[%swap3A_766] {strides = array<i32>} : memref<26640xi32, #tpu.memory_space<vmem>>, vector<16xi32>,
          %swap3A_768 = vector.shape_cast %swap3A_767 : vector<16xi32> to vector<16xi32>
          %swap3A_769 = vector.shape_cast %add3A_763 : vector<16xi32> to vector<16xi32>
          tpu.vector_store %arg6[%swap3A_766], %swap3A_769 {strides = array<i32>} : memref<26640xi32, #tpu.memory_space<vmem>>, vector<16xi32>,
          %add3A_770 = arith.constant 96 : i32
          %add3A_771 = arith.addi %add3A_655, %add3A_770 : i32
          %get3A_772 = arith.index_cast %add3A_771 : i32 to index
          %get3A_773 = tpu.vector_load %arg7[%get3A_772] {strides = array<i32>} : memref<12800xi32, #tpu.memory_space<vmem>>, vector<16xi32>,
          %get3A_774 = vector.shape_cast %get3A_773 : vector<16xi32> to vector<16xi32>
          %add3A_775 = arith.constant 96 : i32
          %add3A_776 = vector.broadcast %add3A_775 : i32 to vector<16xi32>
          %add3A_777 = arith.addi %iota3A, %add3A_776 : vector<16xi32>
          %mul3A_778 = arith.constant 28 : i32
          %mul3A_779 = vector.broadcast %mul3A_778 : i32 to vector<16xi32>
          %mul3A_780 = arith.muli %add3A_777, %mul3A_779 : vector<16xi32>
          %add3A_781 = arith.addi %get3A_774, %mul3A_780 : vector<16xi32>
          %add3A_782 = arith.constant 96 : i32
          %add3A_783 = arith.addi %mul3A_661, %add3A_782 : i32
          %swap3A_784 = arith.index_cast %add3A_783 : i32 to index
          %swap3A_785 = tpu.vector_load %arg6[%swap3A_784] {strides = array<i32>} : memref<26640xi32, #tpu.memory_space<vmem>>, vector<16xi32>,
          %swap3A_786 = vector.shape_cast %swap3A_785 : vector<16xi32> to vector<16xi32>
          %swap3A_787 = vector.shape_cast %add3A_781 : vector<16xi32> to vector<16xi32>
          tpu.vector_store %arg6[%swap3A_784], %swap3A_787 {strides = array<i32>} : memref<26640xi32, #tpu.memory_space<vmem>>, vector<16xi32>,
          %add3A_788 = arith.constant 3 : i32
          %add3A_789 = arith.addi %mul3A_372, %add3A_788 : i32
          %mul3A_790 = arith.constant 200 : i32
          %mul3A_791 = arith.muli %add3A_789, %mul3A_790 : i32
          %add3A_792 = arith.addi %mul3A_368, %mul3A_791 : i32
          %add3A_793 = arith.constant 0 : i32
          %add3A_794 = arith.addi %add3A_792, %add3A_793 : i32
          %mul3A_795 = arith.constant 4 : i32
          %mul3A_796 = arith.muli %add3A_346, %mul3A_795 : i32
          %add3A_797 = arith.constant 3 : i32
          %add3A_798 = arith.addi %mul3A_796, %add3A_797 : i32
          %mul3A_799 = arith.constant 104 : i32
          %mul3A_800 = arith.muli %add3A_798, %mul3A_799 : i32
          %add3A_801 = arith.constant 0 : i32
          %add3A_802 = arith.addi %add3A_794, %add3A_801 : i32
          %get3A_803 = arith.index_cast %add3A_802 : i32 to index
          %get3A_804 = tpu.vector_load %arg7[%get3A_803] {strides = array<i32>} : memref<12800xi32, #tpu.memory_space<vmem>>, vector<16xi32>,
          %get3A_805 = vector.shape_cast %get3A_804 : vector<16xi32> to vector<16xi32>
          %add3A_806 = arith.constant 0 : i32
          %add3A_807 = vector.broadcast %add3A_806 : i32 to vector<16xi32>
          %add3A_808 = arith.addi %iota3A, %add3A_807 : vector<16xi32>
          %mul3A_809 = arith.constant 28 : i32
          %mul3A_810 = vector.broadcast %mul3A_809 : i32 to vector<16xi32>
          %mul3A_811 = arith.muli %add3A_808, %mul3A_810 : vector<16xi32>
          %add3A_812 = arith.addi %get3A_805, %mul3A_811 : vector<16xi32>
          %add3A_813 = arith.constant 0 : i32
          %add3A_814 = arith.addi %mul3A_800, %add3A_813 : i32
          %swap3A_815 = arith.index_cast %add3A_814 : i32 to index
          %swap3A_816 = tpu.vector_load %arg6[%swap3A_815] {strides = array<i32>} : memref<26640xi32, #tpu.memory_space<vmem>>, vector<16xi32>,
          %swap3A_817 = vector.shape_cast %swap3A_816 : vector<16xi32> to vector<16xi32>
          %swap3A_818 = vector.shape_cast %add3A_812 : vector<16xi32> to vector<16xi32>
          tpu.vector_store %arg6[%swap3A_815], %swap3A_818 {strides = array<i32>} : memref<26640xi32, #tpu.memory_space<vmem>>, vector<16xi32>,
          %add3A_819 = arith.constant 16 : i32
          %add3A_820 = arith.addi %add3A_794, %add3A_819 : i32
          %get3A_821 = arith.index_cast %add3A_820 : i32 to index
          %get3A_822 = tpu.vector_load %arg7[%get3A_821] {strides = array<i32>} : memref<12800xi32, #tpu.memory_space<vmem>>, vector<16xi32>,
          %get3A_823 = vector.shape_cast %get3A_822 : vector<16xi32> to vector<16xi32>
          %add3A_824 = arith.constant 16 : i32
          %add3A_825 = vector.broadcast %add3A_824 : i32 to vector<16xi32>
          %add3A_826 = arith.addi %iota3A, %add3A_825 : vector<16xi32>
          %mul3A_827 = arith.constant 28 : i32
          %mul3A_828 = vector.broadcast %mul3A_827 : i32 to vector<16xi32>
          %mul3A_829 = arith.muli %add3A_826, %mul3A_828 : vector<16xi32>
          %add3A_830 = arith.addi %get3A_823, %mul3A_829 : vector<16xi32>
          %add3A_831 = arith.constant 16 : i32
          %add3A_832 = arith.addi %mul3A_800, %add3A_831 : i32
          %swap3A_833 = arith.index_cast %add3A_832 : i32 to index
          %swap3A_834 = tpu.vector_load %arg6[%swap3A_833] {strides = array<i32>} : memref<26640xi32, #tpu.memory_space<vmem>>, vector<16xi32>,
          %swap3A_835 = vector.shape_cast %swap3A_834 : vector<16xi32> to vector<16xi32>
          %swap3A_836 = vector.shape_cast %add3A_830 : vector<16xi32> to vector<16xi32>
          tpu.vector_store %arg6[%swap3A_833], %swap3A_836 {strides = array<i32>} : memref<26640xi32, #tpu.memory_space<vmem>>, vector<16xi32>,
          %add3A_837 = arith.constant 32 : i32
          %add3A_838 = arith.addi %add3A_794, %add3A_837 : i32
          %get3A_839 = arith.index_cast %add3A_838 : i32 to index
          %get3A_840 = tpu.vector_load %arg7[%get3A_839] {strides = array<i32>} : memref<12800xi32, #tpu.memory_space<vmem>>, vector<16xi32>,
          %get3A_841 = vector.shape_cast %get3A_840 : vector<16xi32> to vector<16xi32>
          %add3A_842 = arith.constant 32 : i32
          %add3A_843 = vector.broadcast %add3A_842 : i32 to vector<16xi32>
          %add3A_844 = arith.addi %iota3A, %add3A_843 : vector<16xi32>
          %mul3A_845 = arith.constant 28 : i32
          %mul3A_846 = vector.broadcast %mul3A_845 : i32 to vector<16xi32>
          %mul3A_847 = arith.muli %add3A_844, %mul3A_846 : vector<16xi32>
          %add3A_848 = arith.addi %get3A_841, %mul3A_847 : vector<16xi32>
          %add3A_849 = arith.constant 32 : i32
          %add3A_850 = arith.addi %mul3A_800, %add3A_849 : i32
          %swap3A_851 = arith.index_cast %add3A_850 : i32 to index
          %swap3A_852 = tpu.vector_load %arg6[%swap3A_851] {strides = array<i32>} : memref<26640xi32, #tpu.memory_space<vmem>>, vector<16xi32>,
          %swap3A_853 = vector.shape_cast %swap3A_852 : vector<16xi32> to vector<16xi32>
          %swap3A_854 = vector.shape_cast %add3A_848 : vector<16xi32> to vector<16xi32>
          tpu.vector_store %arg6[%swap3A_851], %swap3A_854 {strides = array<i32>} : memref<26640xi32, #tpu.memory_space<vmem>>, vector<16xi32>,
          %add3A_855 = arith.constant 48 : i32
          %add3A_856 = arith.addi %add3A_794, %add3A_855 : i32
          %get3A_857 = arith.index_cast %add3A_856 : i32 to index
          %get3A_858 = tpu.vector_load %arg7[%get3A_857] {strides = array<i32>} : memref<12800xi32, #tpu.memory_space<vmem>>, vector<16xi32>,
          %get3A_859 = vector.shape_cast %get3A_858 : vector<16xi32> to vector<16xi32>
          %add3A_860 = arith.constant 48 : i32
          %add3A_861 = vector.broadcast %add3A_860 : i32 to vector<16xi32>
          %add3A_862 = arith.addi %iota3A, %add3A_861 : vector<16xi32>
          %mul3A_863 = arith.constant 28 : i32
          %mul3A_864 = vector.broadcast %mul3A_863 : i32 to vector<16xi32>
          %mul3A_865 = arith.muli %add3A_862, %mul3A_864 : vector<16xi32>
          %add3A_866 = arith.addi %get3A_859, %mul3A_865 : vector<16xi32>
          %add3A_867 = arith.constant 48 : i32
          %add3A_868 = arith.addi %mul3A_800, %add3A_867 : i32
          %swap3A_869 = arith.index_cast %add3A_868 : i32 to index
          %swap3A_870 = tpu.vector_load %arg6[%swap3A_869] {strides = array<i32>} : memref<26640xi32, #tpu.memory_space<vmem>>, vector<16xi32>,
          %swap3A_871 = vector.shape_cast %swap3A_870 : vector<16xi32> to vector<16xi32>
          %swap3A_872 = vector.shape_cast %add3A_866 : vector<16xi32> to vector<16xi32>
          tpu.vector_store %arg6[%swap3A_869], %swap3A_872 {strides = array<i32>} : memref<26640xi32, #tpu.memory_space<vmem>>, vector<16xi32>,
          %add3A_873 = arith.constant 64 : i32
          %add3A_874 = arith.addi %add3A_794, %add3A_873 : i32
          %get3A_875 = arith.index_cast %add3A_874 : i32 to index
          %get3A_876 = tpu.vector_load %arg7[%get3A_875] {strides = array<i32>} : memref<12800xi32, #tpu.memory_space<vmem>>, vector<16xi32>,
          %get3A_877 = vector.shape_cast %get3A_876 : vector<16xi32> to vector<16xi32>
          %add3A_878 = arith.constant 64 : i32
          %add3A_879 = vector.broadcast %add3A_878 : i32 to vector<16xi32>
          %add3A_880 = arith.addi %iota3A, %add3A_879 : vector<16xi32>
          %mul3A_881 = arith.constant 28 : i32
          %mul3A_882 = vector.broadcast %mul3A_881 : i32 to vector<16xi32>
          %mul3A_883 = arith.muli %add3A_880, %mul3A_882 : vector<16xi32>
          %add3A_884 = arith.addi %get3A_877, %mul3A_883 : vector<16xi32>
          %add3A_885 = arith.constant 64 : i32
          %add3A_886 = arith.addi %mul3A_800, %add3A_885 : i32
          %swap3A_887 = arith.index_cast %add3A_886 : i32 to index
          %swap3A_888 = tpu.vector_load %arg6[%swap3A_887] {strides = array<i32>} : memref<26640xi32, #tpu.memory_space<vmem>>, vector<16xi32>,
          %swap3A_889 = vector.shape_cast %swap3A_888 : vector<16xi32> to vector<16xi32>
          %swap3A_890 = vector.shape_cast %add3A_884 : vector<16xi32> to vector<16xi32>
          tpu.vector_store %arg6[%swap3A_887], %swap3A_890 {strides = array<i32>} : memref<26640xi32, #tpu.memory_space<vmem>>, vector<16xi32>,
          %add3A_891 = arith.constant 80 : i32
          %add3A_892 = arith.addi %add3A_794, %add3A_891 : i32
          %get3A_893 = arith.index_cast %add3A_892 : i32 to index
          %get3A_894 = tpu.vector_load %arg7[%get3A_893] {strides = array<i32>} : memref<12800xi32, #tpu.memory_space<vmem>>, vector<16xi32>,
          %get3A_895 = vector.shape_cast %get3A_894 : vector<16xi32> to vector<16xi32>
          %add3A_896 = arith.constant 80 : i32
          %add3A_897 = vector.broadcast %add3A_896 : i32 to vector<16xi32>
          %add3A_898 = arith.addi %iota3A, %add3A_897 : vector<16xi32>
          %mul3A_899 = arith.constant 28 : i32
          %mul3A_900 = vector.broadcast %mul3A_899 : i32 to vector<16xi32>
          %mul3A_901 = arith.muli %add3A_898, %mul3A_900 : vector<16xi32>
          %add3A_902 = arith.addi %get3A_895, %mul3A_901 : vector<16xi32>
          %add3A_903 = arith.constant 80 : i32
          %add3A_904 = arith.addi %mul3A_800, %add3A_903 : i32
          %swap3A_905 = arith.index_cast %add3A_904 : i32 to index
          %swap3A_906 = tpu.vector_load %arg6[%swap3A_905] {strides = array<i32>} : memref<26640xi32, #tpu.memory_space<vmem>>, vector<16xi32>,
          %swap3A_907 = vector.shape_cast %swap3A_906 : vector<16xi32> to vector<16xi32>
          %swap3A_908 = vector.shape_cast %add3A_902 : vector<16xi32> to vector<16xi32>
          tpu.vector_store %arg6[%swap3A_905], %swap3A_908 {strides = array<i32>} : memref<26640xi32, #tpu.memory_space<vmem>>, vector<16xi32>,
          %add3A_909 = arith.constant 96 : i32
          %add3A_910 = arith.addi %add3A_794, %add3A_909 : i32
          %get3A_911 = arith.index_cast %add3A_910 : i32 to index
          %get3A_912 = tpu.vector_load %arg7[%get3A_911] {strides = array<i32>} : memref<12800xi32, #tpu.memory_space<vmem>>, vector<16xi32>,
          %get3A_913 = vector.shape_cast %get3A_912 : vector<16xi32> to vector<16xi32>
          %add3A_914 = arith.constant 96 : i32
          %add3A_915 = vector.broadcast %add3A_914 : i32 to vector<16xi32>
          %add3A_916 = arith.addi %iota3A, %add3A_915 : vector<16xi32>
          %mul3A_917 = arith.constant 28 : i32
          %mul3A_918 = vector.broadcast %mul3A_917 : i32 to vector<16xi32>
          %mul3A_919 = arith.muli %add3A_916, %mul3A_918 : vector<16xi32>
          %add3A_920 = arith.addi %get3A_913, %mul3A_919 : vector<16xi32>
          %add3A_921 = arith.constant 96 : i32
          %add3A_922 = arith.addi %mul3A_800, %add3A_921 : i32
          %swap3A_923 = arith.index_cast %add3A_922 : i32 to index
          %swap3A_924 = tpu.vector_load %arg6[%swap3A_923] {strides = array<i32>} : memref<26640xi32, #tpu.memory_space<vmem>>, vector<16xi32>,
          %swap3A_925 = vector.shape_cast %swap3A_924 : vector<16xi32> to vector<16xi32>
          %swap3A_926 = vector.shape_cast %add3A_920 : vector<16xi32> to vector<16xi32>
          tpu.vector_store %arg6[%swap3A_923], %swap3A_926 {strides = array<i32>} : memref<26640xi32, #tpu.memory_space<vmem>>, vector<16xi32>,
        } else {
        }
        %mul3A_120 = arith.constant 4 : i32
        %mul3A_121 = arith.muli %scan3A_105, %mul3A_120 : i32
        %add3A_122 = arith.constant 0 : i32
        %add3A_123 = arith.addi %mul3A_121, %add3A_122 : i32
        %mul3A_124 = arith.constant 104 : i32
        %mul3A_125 = arith.muli %add3A_123, %mul3A_124 : i32
        %dma_wait3A_126 = arith.constant 0 : i32
        %dma_wait3A_127 = arith.constant 0 : i32
        %dma_wait3A_128 = arith.constant 0 : i32
        %dma_wait3A_129 = tpu.memref_slice %arg11[%dma_wait3A_126, %dma_wait3A_127, %dma_wait3A_128] : memref<4x104x128xf32, #tpu.memory_space<vmem>> -> memref<1x104x128xf32, #tpu.memory_space<vmem>>
        %dma_wait3A_130 = tpu.memref_squeeze %dma_wait3A_129 : memref<1x104x128xf32, #tpu.memory_space<vmem>> -> memref<104x128xf32, #tpu.memory_space<vmem>>
        %dma_wait3A_131 = tpu.memref_slice %arg6[%mul3A_125] : memref<26640xi32, #tpu.memory_space<vmem>> -> memref<104xi32, #tpu.memory_space<vmem>>
        %dma_wait3A_132 = arith.constant 0 : i32
        %dma_wait3A_133 = arith.constant 0 : i32
        %dma_wait3A_134 = tpu.memref_slice %arg12[%dma_wait3A_132, %dma_wait3A_133] : memref<2912x128xf32, #tpu.memory_space<vmem_shared>> -> memref<2912x128xf32, #tpu.memory_space<vmem_shared>>
        tpu.wait_indirect_dma semaphore(%arg13 : memref<!tpu.dma_semaphore, #tpu.memory_space<semaphore_mem>>) src(%dma_wait3A_134 : memref<2912x128xf32, #tpu.memory_space<vmem_shared>>) dst(%dma_wait3A_130 : memref<104x128xf32, #tpu.memory_space<vmem>>)
        %add3A_135 = arith.addi %mul3A_0, %add3A_123 : i32
        %dma_start3A_136 = arith.constant 0 : i32
        %dma_start3A_137 = arith.constant 0 : i32
        %dma_start3A_138 = arith.constant 0 : i32
        %dma_start3A_139 = tpu.memref_slice %arg11[%dma_start3A_136, %dma_start3A_137, %dma_start3A_138] : memref<4x104x128xf32, #tpu.memory_space<vmem>> -> memref<1x104x128xf32, #tpu.memory_space<vmem>>
        %dma_start3A_140 = tpu.memref_squeeze %dma_start3A_139 : memref<1x104x128xf32, #tpu.memory_space<vmem>> -> memref<104x128xf32, #tpu.memory_space<vmem>>
        %dma_start3A_141 = arith.constant 0 : i32
        %dma_start3A_142 = arith.constant 0 : i32
        %dma_start3A_143 = tpu.memref_slice %arg5[%add3A_135, %dma_start3A_141, %dma_start3A_142] : memref<4096x200x128xf32, #tpu.memory_space<hbm>> -> memref<1x104x128xf32, #tpu.memory_space<hbm>>
        %dma_start3A_144 = tpu.memref_squeeze %dma_start3A_143 : memref<1x104x128xf32, #tpu.memory_space<hbm>> -> memref<104x128xf32, #tpu.memory_space<hbm>>
        %dma_start3A_145 = arith.constant 0 : i32
        %dma_start3A_146 = arith.constant 0 : i32
        %dma_start3A_147 = tpu.memref_slice %arg5[%add3A_135, %dma_start3A_145, %dma_start3A_146] : memref<4096x200x128xf32, #tpu.memory_space<hbm>> -> memref<1x104x128xf32, #tpu.memory_space<hbm>>
        %dma_start3A_148 = tpu.memref_squeeze %dma_start3A_147 : memref<1x104x128xf32, #tpu.memory_space<hbm>> -> memref<104x128xf32, #tpu.memory_space<hbm>>
        %dma_start3A_149 = arith.constant 0 : i32
        %dma_start3A_150 = arith.constant 0 : i32
        %dma_start3A_151 = tpu.memref_slice %arg11[%dma_start3A_136, %dma_start3A_149, %dma_start3A_150] : memref<4x104x128xf32, #tpu.memory_space<vmem>> -> memref<1x104x128xf32, #tpu.memory_space<vmem>>
        %dma_start3A_152 = tpu.memref_squeeze %dma_start3A_151 : memref<1x104x128xf32, #tpu.memory_space<vmem>> -> memref<104x128xf32, #tpu.memory_space<vmem>>
        tpu.enqueue_dma source(%dma_start3A_152 : memref<104x128xf32, #tpu.memory_space<vmem>>) target(%dma_start3A_148 : memref<104x128xf32, #tpu.memory_space<hbm>>) target_semaphore(%arg17 : memref<!tpu.dma_semaphore, #tpu.memory_space<semaphore_mem>>)
        %gt3A = arith.constant 0 : i32
        %gt3A_153 = arith.cmpi sgt, %scan3A_105, %gt3A : i32
        %convert_element_type3A_154 = arith.extui %gt3A_153 : i1 to i32
        %cond3A_155 = arith.constant 0 : i32
        %cond3A_156 = arith.cmpi ne, %convert_element_type3A_154, %cond3A_155 : i32
        scf.if %cond3A_156 {
          %sub3A_345 = arith.constant 1 : i32
          %sub3A_346 = arith.subi %add3A_123, %sub3A_345 : i32
          %add3A_347 = arith.addi %mul3A_0, %sub3A_346 : i32
          %dma_wait3A_348 = arith.constant 3 : i32
          %dma_wait3A_349 = arith.constant 0 : i32
          %dma_wait3A_350 = arith.constant 0 : i32
          %dma_wait3A_351 = tpu.memref_slice %arg11[%dma_wait3A_348, %dma_wait3A_349, %dma_wait3A_350] : memref<4x104x128xf32, #tpu.memory_space<vmem>> -> memref<1x104x128xf32, #tpu.memory_space<vmem>>
          %dma_wait3A_352 = tpu.memref_squeeze %dma_wait3A_351 : memref<1x104x128xf32, #tpu.memory_space<vmem>> -> memref<104x128xf32, #tpu.memory_space<vmem>>
          %dma_wait3A_353 = arith.constant 0 : i32
          %dma_wait3A_354 = arith.constant 0 : i32
          %dma_wait3A_355 = tpu.memref_slice %arg5[%add3A_347, %dma_wait3A_353, %dma_wait3A_354] : memref<4096x200x128xf32, #tpu.memory_space<hbm>> -> memref<1x104x128xf32, #tpu.memory_space<hbm>>
          %dma_wait3A_356 = tpu.memref_squeeze %dma_wait3A_355 : memref<1x104x128xf32, #tpu.memory_space<hbm>> -> memref<104x128xf32, #tpu.memory_space<hbm>>
          %dma_wait3A_357 = arith.constant 0 : i32
          %dma_wait3A_358 = arith.constant 0 : i32
          %dma_wait3A_359 = tpu.memref_slice %arg5[%add3A_347, %dma_wait3A_357, %dma_wait3A_358] : memref<4096x200x128xf32, #tpu.memory_space<hbm>> -> memref<1x104x128xf32, #tpu.memory_space<hbm>>
          %dma_wait3A_360 = tpu.memref_squeeze %dma_wait3A_359 : memref<1x104x128xf32, #tpu.memory_space<hbm>> -> memref<104x128xf32, #tpu.memory_space<hbm>>
          %dma_wait3A_361 = arith.constant 0 : i32
          %dma_wait3A_362 = arith.constant 0 : i32
          %dma_wait3A_363 = tpu.memref_slice %arg11[%dma_wait3A_348, %dma_wait3A_361, %dma_wait3A_362] : memref<4x104x128xf32, #tpu.memory_space<vmem>> -> memref<1x104x128xf32, #tpu.memory_space<vmem>>
          %dma_wait3A_364 = tpu.memref_squeeze %dma_wait3A_363 : memref<1x104x128xf32, #tpu.memory_space<vmem>> -> memref<104x128xf32, #tpu.memory_space<vmem>>
          tpu.wait_dma2 semaphore(%arg20 : memref<!tpu.dma_semaphore, #tpu.memory_space<semaphore_mem>>) src(%dma_wait3A_364 : memref<104x128xf32, #tpu.memory_space<vmem>>) dst(%dma_wait3A_360 : memref<104x128xf32, #tpu.memory_space<hbm>>)
        } else {
        }
        %add3A_157 = arith.constant 4 : i32
        %add3A_158 = arith.addi %add3A_123, %add3A_157 : i32
        %sub3A = arith.constant 1 : i32
        %sub3A_159 = arith.subi %add3A_158, %sub3A : i32
        %mul3A_160 = arith.constant 104 : i32
        %mul3A_161 = arith.muli %sub3A_159, %mul3A_160 : i32
        %dma_start3A_162 = arith.constant 3 : i32
        %dma_start3A_163 = arith.constant 0 : i32
        %dma_start3A_164 = arith.constant 0 : i32
        %dma_start3A_165 = tpu.memref_slice %arg11[%dma_start3A_162, %dma_start3A_163, %dma_start3A_164] : memref<4x104x128xf32, #tpu.memory_space<vmem>> -> memref<1x104x128xf32, #tpu.memory_space<vmem>>
        %dma_start3A_166 = tpu.memref_squeeze %dma_start3A_165 : memref<1x104x128xf32, #tpu.memory_space<vmem>> -> memref<104x128xf32, #tpu.memory_space<vmem>>
        %dma_start3A_167 = tpu.memref_slice %arg6[%mul3A_161] : memref<26640xi32, #tpu.memory_space<vmem>> -> memref<104xi32, #tpu.memory_space<vmem>>
        %dma_start3A_168 = arith.constant 0 : i32
        %dma_start3A_169 = arith.constant 0 : i32
        %dma_start3A_170 = tpu.memref_slice %arg12[%dma_start3A_168, %dma_start3A_169] : memref<2912x128xf32, #tpu.memory_space<vmem_shared>> -> memref<2912x128xf32, #tpu.memory_space<vmem_shared>>
        tpu.enqueue_indirect_dma source(%dma_start3A_170 : memref<2912x128xf32, #tpu.memory_space<vmem_shared>>) target(%dma_start3A_166 : memref<104x128xf32, #tpu.memory_space<vmem>>) offsets(%dma_start3A_167 : memref<104xi32, #tpu.memory_space<vmem>>) semaphore(%arg16 : memref<!tpu.dma_semaphore, #tpu.memory_space<semaphore_mem>>)
        %mul3A_171 = arith.constant 4 : i32
        %mul3A_172 = arith.muli %scan3A_105, %mul3A_171 : i32
        %add3A_173 = arith.constant 1 : i32
        %add3A_174 = arith.addi %mul3A_172, %add3A_173 : i32
        %mul3A_175 = arith.constant 104 : i32
        %mul3A_176 = arith.muli %add3A_174, %mul3A_175 : i32
        %dma_wait3A_177 = arith.constant 1 : i32
        %dma_wait3A_178 = arith.constant 0 : i32
        %dma_wait3A_179 = arith.constant 0 : i32
        %dma_wait3A_180 = tpu.memref_slice %arg11[%dma_wait3A_177, %dma_wait3A_178, %dma_wait3A_179] : memref<4x104x128xf32, #tpu.memory_space<vmem>> -> memref<1x104x128xf32, #tpu.memory_space<vmem>>
        %dma_wait3A_181 = tpu.memref_squeeze %dma_wait3A_180 : memref<1x104x128xf32, #tpu.memory_space<vmem>> -> memref<104x128xf32, #tpu.memory_space<vmem>>
        %dma_wait3A_182 = tpu.memref_slice %arg6[%mul3A_176] : memref<26640xi32, #tpu.memory_space<vmem>> -> memref<104xi32, #tpu.memory_space<vmem>>
        %dma_wait3A_183 = arith.constant 0 : i32
        %dma_wait3A_184 = arith.constant 0 : i32
        %dma_wait3A_185 = tpu.memref_slice %arg12[%dma_wait3A_183, %dma_wait3A_184] : memref<2912x128xf32, #tpu.memory_space<vmem_shared>> -> memref<2912x128xf32, #tpu.memory_space<vmem_shared>>
        tpu.wait_indirect_dma semaphore(%arg14 : memref<!tpu.dma_semaphore, #tpu.memory_space<semaphore_mem>>) src(%dma_wait3A_185 : memref<2912x128xf32, #tpu.memory_space<vmem_shared>>) dst(%dma_wait3A_181 : memref<104x128xf32, #tpu.memory_space<vmem>>)
        %add3A_186 = arith.addi %mul3A_0, %add3A_174 : i32
        %dma_start3A_187 = arith.constant 1 : i32
        %dma_start3A_188 = arith.constant 0 : i32
        %dma_start3A_189 = arith.constant 0 : i32
        %dma_start3A_190 = tpu.memref_slice %arg11[%dma_start3A_187, %dma_start3A_188, %dma_start3A_189] : memref<4x104x128xf32, #tpu.memory_space<vmem>> -> memref<1x104x128xf32, #tpu.memory_space<vmem>>
        %dma_start3A_191 = tpu.memref_squeeze %dma_start3A_190 : memref<1x104x128xf32, #tpu.memory_space<vmem>> -> memref<104x128xf32, #tpu.memory_space<vmem>>
        %dma_start3A_192 = arith.constant 0 : i32
        %dma_start3A_193 = arith.constant 0 : i32
        %dma_start3A_194 = tpu.memref_slice %arg5[%add3A_186, %dma_start3A_192, %dma_start3A_193] : memref<4096x200x128xf32, #tpu.memory_space<hbm>> -> memref<1x104x128xf32, #tpu.memory_space<hbm>>
        %dma_start3A_195 = tpu.memref_squeeze %dma_start3A_194 : memref<1x104x128xf32, #tpu.memory_space<hbm>> -> memref<104x128xf32, #tpu.memory_space<hbm>>
        %dma_start3A_196 = arith.constant 0 : i32
        %dma_start3A_197 = arith.constant 0 : i32
        %dma_start3A_198 = tpu.memref_slice %arg5[%add3A_186, %dma_start3A_196, %dma_start3A_197] : memref<4096x200x128xf32, #tpu.memory_space<hbm>> -> memref<1x104x128xf32, #tpu.memory_space<hbm>>
        %dma_start3A_199 = tpu.memref_squeeze %dma_start3A_198 : memref<1x104x128xf32, #tpu.memory_space<hbm>> -> memref<104x128xf32, #tpu.memory_space<hbm>>
        %dma_start3A_200 = arith.constant 0 : i32
        %dma_start3A_201 = arith.constant 0 : i32
        %dma_start3A_202 = tpu.memref_slice %arg11[%dma_start3A_187, %dma_start3A_200, %dma_start3A_201] : memref<4x104x128xf32, #tpu.memory_space<vmem>> -> memref<1x104x128xf32, #tpu.memory_space<vmem>>
        %dma_start3A_203 = tpu.memref_squeeze %dma_start3A_202 : memref<1x104x128xf32, #tpu.memory_space<vmem>> -> memref<104x128xf32, #tpu.memory_space<vmem>>
        tpu.enqueue_dma source(%dma_start3A_203 : memref<104x128xf32, #tpu.memory_space<vmem>>) target(%dma_start3A_199 : memref<104x128xf32, #tpu.memory_space<hbm>>) target_semaphore(%arg18 : memref<!tpu.dma_semaphore, #tpu.memory_space<semaphore_mem>>)
        %sub3A_204 = arith.constant 1 : i32
        %sub3A_205 = arith.subi %add3A_174, %sub3A_204 : i32
        %add3A_206 = arith.addi %mul3A_0, %sub3A_205 : i32
        %dma_wait3A_207 = arith.constant 0 : i32
        %dma_wait3A_208 = arith.constant 0 : i32
        %dma_wait3A_209 = arith.constant 0 : i32
        %dma_wait3A_210 = tpu.memref_slice %arg11[%dma_wait3A_207, %dma_wait3A_208, %dma_wait3A_209] : memref<4x104x128xf32, #tpu.memory_space<vmem>> -> memref<1x104x128xf32, #tpu.memory_space<vmem>>
        %dma_wait3A_211 = tpu.memref_squeeze %dma_wait3A_210 : memref<1x104x128xf32, #tpu.memory_space<vmem>> -> memref<104x128xf32, #tpu.memory_space<vmem>>
        %dma_wait3A_212 = arith.constant 0 : i32
        %dma_wait3A_213 = arith.constant 0 : i32
        %dma_wait3A_214 = tpu.memref_slice %arg5[%add3A_206, %dma_wait3A_212, %dma_wait3A_213] : memref<4096x200x128xf32, #tpu.memory_space<hbm>> -> memref<1x104x128xf32, #tpu.memory_space<hbm>>
        %dma_wait3A_215 = tpu.memref_squeeze %dma_wait3A_214 : memref<1x104x128xf32, #tpu.memory_space<hbm>> -> memref<104x128xf32, #tpu.memory_space<hbm>>
        %dma_wait3A_216 = arith.constant 0 : i32
        %dma_wait3A_217 = arith.constant 0 : i32
        %dma_wait3A_218 = tpu.memref_slice %arg5[%add3A_206, %dma_wait3A_216, %dma_wait3A_217] : memref<4096x200x128xf32, #tpu.memory_space<hbm>> -> memref<1x104x128xf32, #tpu.memory_space<hbm>>
        %dma_wait3A_219 = tpu.memref_squeeze %dma_wait3A_218 : memref<1x104x128xf32, #tpu.memory_space<hbm>> -> memref<104x128xf32, #tpu.memory_space<hbm>>
        %dma_wait3A_220 = arith.constant 0 : i32
        %dma_wait3A_221 = arith.constant 0 : i32
        %dma_wait3A_222 = tpu.memref_slice %arg11[%dma_wait3A_207, %dma_wait3A_220, %dma_wait3A_221] : memref<4x104x128xf32, #tpu.memory_space<vmem>> -> memref<1x104x128xf32, #tpu.memory_space<vmem>>
        %dma_wait3A_223 = tpu.memref_squeeze %dma_wait3A_222 : memref<1x104x128xf32, #tpu.memory_space<vmem>> -> memref<104x128xf32, #tpu.memory_space<vmem>>
        tpu.wait_dma2 semaphore(%arg17 : memref<!tpu.dma_semaphore, #tpu.memory_space<semaphore_mem>>) src(%dma_wait3A_223 : memref<104x128xf32, #tpu.memory_space<vmem>>) dst(%dma_wait3A_219 : memref<104x128xf32, #tpu.memory_space<hbm>>)
        %lt3A_224 = arith.constant 63 : i32
        %lt3A_225 = arith.cmpi slt, %scan3A_105, %lt3A_224 : i32
        %convert_element_type3A_226 = arith.extui %lt3A_225 : i1 to i32
        %cond3A_227 = arith.constant 0 : i32
        %cond3A_228 = arith.cmpi ne, %convert_element_type3A_226, %cond3A_227 : i32
        scf.if %cond3A_228 {
          %add3A_345 = arith.constant 4 : i32
          %add3A_346 = arith.addi %add3A_174, %add3A_345 : i32
          %sub3A_347 = arith.constant 1 : i32
          %sub3A_348 = arith.subi %add3A_346, %sub3A_347 : i32
          %mul3A_349 = arith.constant 104 : i32
          %mul3A_350 = arith.muli %sub3A_348, %mul3A_349 : i32
          %dma_start3A_351 = arith.constant 0 : i32
          %dma_start3A_352 = arith.constant 0 : i32
          %dma_start3A_353 = arith.constant 0 : i32
          %dma_start3A_354 = tpu.memref_slice %arg11[%dma_start3A_351, %dma_start3A_352, %dma_start3A_353] : memref<4x104x128xf32, #tpu.memory_space<vmem>> -> memref<1x104x128xf32, #tpu.memory_space<vmem>>
          %dma_start3A_355 = tpu.memref_squeeze %dma_start3A_354 : memref<1x104x128xf32, #tpu.memory_space<vmem>> -> memref<104x128xf32, #tpu.memory_space<vmem>>
          %dma_start3A_356 = tpu.memref_slice %arg6[%mul3A_350] : memref<26640xi32, #tpu.memory_space<vmem>> -> memref<104xi32, #tpu.memory_space<vmem>>
          %dma_start3A_357 = arith.constant 0 : i32
          %dma_start3A_358 = arith.constant 0 : i32
          %dma_start3A_359 = tpu.memref_slice %arg12[%dma_start3A_357, %dma_start3A_358] : memref<2912x128xf32, #tpu.memory_space<vmem_shared>> -> memref<2912x128xf32, #tpu.memory_space<vmem_shared>>
          tpu.enqueue_indirect_dma source(%dma_start3A_359 : memref<2912x128xf32, #tpu.memory_space<vmem_shared>>) target(%dma_start3A_355 : memref<104x128xf32, #tpu.memory_space<vmem>>) offsets(%dma_start3A_356 : memref<104xi32, #tpu.memory_space<vmem>>) semaphore(%arg13 : memref<!tpu.dma_semaphore, #tpu.memory_space<semaphore_mem>>)
        } else {
        }
        %mul3A_229 = arith.constant 4 : i32
        %mul3A_230 = arith.muli %scan3A_105, %mul3A_229 : i32
        %add3A_231 = arith.constant 2 : i32
        %add3A_232 = arith.addi %mul3A_230, %add3A_231 : i32
        %mul3A_233 = arith.constant 104 : i32
        %mul3A_234 = arith.muli %add3A_232, %mul3A_233 : i32
        %dma_wait3A_235 = arith.constant 2 : i32
        %dma_wait3A_236 = arith.constant 0 : i32
        %dma_wait3A_237 = arith.constant 0 : i32
        %dma_wait3A_238 = tpu.memref_slice %arg11[%dma_wait3A_235, %dma_wait3A_236, %dma_wait3A_237] : memref<4x104x128xf32, #tpu.memory_space<vmem>> -> memref<1x104x128xf32, #tpu.memory_space<vmem>>
        %dma_wait3A_239 = tpu.memref_squeeze %dma_wait3A_238 : memref<1x104x128xf32, #tpu.memory_space<vmem>> -> memref<104x128xf32, #tpu.memory_space<vmem>>
        %dma_wait3A_240 = tpu.memref_slice %arg6[%mul3A_234] : memref<26640xi32, #tpu.memory_space<vmem>> -> memref<104xi32, #tpu.memory_space<vmem>>
        %dma_wait3A_241 = arith.constant 0 : i32
        %dma_wait3A_242 = arith.constant 0 : i32
        %dma_wait3A_243 = tpu.memref_slice %arg12[%dma_wait3A_241, %dma_wait3A_242] : memref<2912x128xf32, #tpu.memory_space<vmem_shared>> -> memref<2912x128xf32, #tpu.memory_space<vmem_shared>>
        tpu.wait_indirect_dma semaphore(%arg15 : memref<!tpu.dma_semaphore, #tpu.memory_space<semaphore_mem>>) src(%dma_wait3A_243 : memref<2912x128xf32, #tpu.memory_space<vmem_shared>>) dst(%dma_wait3A_239 : memref<104x128xf32, #tpu.memory_space<vmem>>)
        %add3A_244 = arith.addi %mul3A_0, %add3A_232 : i32
        %dma_start3A_245 = arith.constant 2 : i32
        %dma_start3A_246 = arith.constant 0 : i32
        %dma_start3A_247 = arith.constant 0 : i32
        %dma_start3A_248 = tpu.memref_slice %arg11[%dma_start3A_245, %dma_start3A_246, %dma_start3A_247] : memref<4x104x128xf32, #tpu.memory_space<vmem>> -> memref<1x104x128xf32, #tpu.memory_space<vmem>>
        %dma_start3A_249 = tpu.memref_squeeze %dma_start3A_248 : memref<1x104x128xf32, #tpu.memory_space<vmem>> -> memref<104x128xf32, #tpu.memory_space<vmem>>
        %dma_start3A_250 = arith.constant 0 : i32
        %dma_start3A_251 = arith.constant 0 : i32
        %dma_start3A_252 = tpu.memref_slice %arg5[%add3A_244, %dma_start3A_250, %dma_start3A_251] : memref<4096x200x128xf32, #tpu.memory_space<hbm>> -> memref<1x104x128xf32, #tpu.memory_space<hbm>>
        %dma_start3A_253 = tpu.memref_squeeze %dma_start3A_252 : memref<1x104x128xf32, #tpu.memory_space<hbm>> -> memref<104x128xf32, #tpu.memory_space<hbm>>
        %dma_start3A_254 = arith.constant 0 : i32
        %dma_start3A_255 = arith.constant 0 : i32
        %dma_start3A_256 = tpu.memref_slice %arg5[%add3A_244, %dma_start3A_254, %dma_start3A_255] : memref<4096x200x128xf32, #tpu.memory_space<hbm>> -> memref<1x104x128xf32, #tpu.memory_space<hbm>>
        %dma_start3A_257 = tpu.memref_squeeze %dma_start3A_256 : memref<1x104x128xf32, #tpu.memory_space<hbm>> -> memref<104x128xf32, #tpu.memory_space<hbm>>
        %dma_start3A_258 = arith.constant 0 : i32
        %dma_start3A_259 = arith.constant 0 : i32
        %dma_start3A_260 = tpu.memref_slice %arg11[%dma_start3A_245, %dma_start3A_258, %dma_start3A_259] : memref<4x104x128xf32, #tpu.memory_space<vmem>> -> memref<1x104x128xf32, #tpu.memory_space<vmem>>
        %dma_start3A_261 = tpu.memref_squeeze %dma_start3A_260 : memref<1x104x128xf32, #tpu.memory_space<vmem>> -> memref<104x128xf32, #tpu.memory_space<vmem>>
        tpu.enqueue_dma source(%dma_start3A_261 : memref<104x128xf32, #tpu.memory_space<vmem>>) target(%dma_start3A_257 : memref<104x128xf32, #tpu.memory_space<hbm>>) target_semaphore(%arg19 : memref<!tpu.dma_semaphore, #tpu.memory_space<semaphore_mem>>)
        %sub3A_262 = arith.constant 1 : i32
        %sub3A_263 = arith.subi %add3A_232, %sub3A_262 : i32
        %add3A_264 = arith.addi %mul3A_0, %sub3A_263 : i32
        %dma_wait3A_265 = arith.constant 1 : i32
        %dma_wait3A_266 = arith.constant 0 : i32
        %dma_wait3A_267 = arith.constant 0 : i32
        %dma_wait3A_268 = tpu.memref_slice %arg11[%dma_wait3A_265, %dma_wait3A_266, %dma_wait3A_267] : memref<4x104x128xf32, #tpu.memory_space<vmem>> -> memref<1x104x128xf32, #tpu.memory_space<vmem>>
        %dma_wait3A_269 = tpu.memref_squeeze %dma_wait3A_268 : memref<1x104x128xf32, #tpu.memory_space<vmem>> -> memref<104x128xf32, #tpu.memory_space<vmem>>
        %dma_wait3A_270 = arith.constant 0 : i32
        %dma_wait3A_271 = arith.constant 0 : i32
        %dma_wait3A_272 = tpu.memref_slice %arg5[%add3A_264, %dma_wait3A_270, %dma_wait3A_271] : memref<4096x200x128xf32, #tpu.memory_space<hbm>> -> memref<1x104x128xf32, #tpu.memory_space<hbm>>
        %dma_wait3A_273 = tpu.memref_squeeze %dma_wait3A_272 : memref<1x104x128xf32, #tpu.memory_space<hbm>> -> memref<104x128xf32, #tpu.memory_space<hbm>>
        %dma_wait3A_274 = arith.constant 0 : i32
        %dma_wait3A_275 = arith.constant 0 : i32
        %dma_wait3A_276 = tpu.memref_slice %arg5[%add3A_264, %dma_wait3A_274, %dma_wait3A_275] : memref<4096x200x128xf32, #tpu.memory_space<hbm>> -> memref<1x104x128xf32, #tpu.memory_space<hbm>>
        %dma_wait3A_277 = tpu.memref_squeeze %dma_wait3A_276 : memref<1x104x128xf32, #tpu.memory_space<hbm>> -> memref<104x128xf32, #tpu.memory_space<hbm>>
        %dma_wait3A_278 = arith.constant 0 : i32
        %dma_wait3A_279 = arith.constant 0 : i32
        %dma_wait3A_280 = tpu.memref_slice %arg11[%dma_wait3A_265, %dma_wait3A_278, %dma_wait3A_279] : memref<4x104x128xf32, #tpu.memory_space<vmem>> -> memref<1x104x128xf32, #tpu.memory_space<vmem>>
        %dma_wait3A_281 = tpu.memref_squeeze %dma_wait3A_280 : memref<1x104x128xf32, #tpu.memory_space<vmem>> -> memref<104x128xf32, #tpu.memory_space<vmem>>
        tpu.wait_dma2 semaphore(%arg18 : memref<!tpu.dma_semaphore, #tpu.memory_space<semaphore_mem>>) src(%dma_wait3A_281 : memref<104x128xf32, #tpu.memory_space<vmem>>) dst(%dma_wait3A_277 : memref<104x128xf32, #tpu.memory_space<hbm>>)
        %lt3A_282 = arith.constant 63 : i32
        %lt3A_283 = arith.cmpi slt, %scan3A_105, %lt3A_282 : i32
        %convert_element_type3A_284 = arith.extui %lt3A_283 : i1 to i32
        %cond3A_285 = arith.constant 0 : i32
        %cond3A_286 = arith.cmpi ne, %convert_element_type3A_284, %cond3A_285 : i32
        scf.if %cond3A_286 {
          %add3A_345 = arith.constant 4 : i32
          %add3A_346 = arith.addi %add3A_232, %add3A_345 : i32
          %sub3A_347 = arith.constant 1 : i32
          %sub3A_348 = arith.subi %add3A_346, %sub3A_347 : i32
          %mul3A_349 = arith.constant 104 : i32
          %mul3A_350 = arith.muli %sub3A_348, %mul3A_349 : i32
          %dma_start3A_351 = arith.constant 1 : i32
          %dma_start3A_352 = arith.constant 0 : i32
          %dma_start3A_353 = arith.constant 0 : i32
          %dma_start3A_354 = tpu.memref_slice %arg11[%dma_start3A_351, %dma_start3A_352, %dma_start3A_353] : memref<4x104x128xf32, #tpu.memory_space<vmem>> -> memref<1x104x128xf32, #tpu.memory_space<vmem>>
          %dma_start3A_355 = tpu.memref_squeeze %dma_start3A_354 : memref<1x104x128xf32, #tpu.memory_space<vmem>> -> memref<104x128xf32, #tpu.memory_space<vmem>>
          %dma_start3A_356 = tpu.memref_slice %arg6[%mul3A_350] : memref<26640xi32, #tpu.memory_space<vmem>> -> memref<104xi32, #tpu.memory_space<vmem>>
          %dma_start3A_357 = arith.constant 0 : i32
          %dma_start3A_358 = arith.constant 0 : i32
          %dma_start3A_359 = tpu.memref_slice %arg12[%dma_start3A_357, %dma_start3A_358] : memref<2912x128xf32, #tpu.memory_space<vmem_shared>> -> memref<2912x128xf32, #tpu.memory_space<vmem_shared>>
          tpu.enqueue_indirect_dma source(%dma_start3A_359 : memref<2912x128xf32, #tpu.memory_space<vmem_shared>>) target(%dma_start3A_355 : memref<104x128xf32, #tpu.memory_space<vmem>>) offsets(%dma_start3A_356 : memref<104xi32, #tpu.memory_space<vmem>>) semaphore(%arg14 : memref<!tpu.dma_semaphore, #tpu.memory_space<semaphore_mem>>)
        } else {
        }
        %mul3A_287 = arith.constant 4 : i32
        %mul3A_288 = arith.muli %scan3A_105, %mul3A_287 : i32
        %add3A_289 = arith.constant 3 : i32
        %add3A_290 = arith.addi %mul3A_288, %add3A_289 : i32
        %mul3A_291 = arith.constant 104 : i32
        %mul3A_292 = arith.muli %add3A_290, %mul3A_291 : i32
        %dma_wait3A_293 = arith.constant 3 : i32
        %dma_wait3A_294 = arith.constant 0 : i32
        %dma_wait3A_295 = arith.constant 0 : i32
        %dma_wait3A_296 = tpu.memref_slice %arg11[%dma_wait3A_293, %dma_wait3A_294, %dma_wait3A_295] : memref<4x104x128xf32, #tpu.memory_space<vmem>> -> memref<1x104x128xf32, #tpu.memory_space<vmem>>
        %dma_wait3A_297 = tpu.memref_squeeze %dma_wait3A_296 : memref<1x104x128xf32, #tpu.memory_space<vmem>> -> memref<104x128xf32, #tpu.memory_space<vmem>>
        %dma_wait3A_298 = tpu.memref_slice %arg6[%mul3A_292] : memref<26640xi32, #tpu.memory_space<vmem>> -> memref<104xi32, #tpu.memory_space<vmem>>
        %dma_wait3A_299 = arith.constant 0 : i32
        %dma_wait3A_300 = arith.constant 0 : i32
        %dma_wait3A_301 = tpu.memref_slice %arg12[%dma_wait3A_299, %dma_wait3A_300] : memref<2912x128xf32, #tpu.memory_space<vmem_shared>> -> memref<2912x128xf32, #tpu.memory_space<vmem_shared>>
        tpu.wait_indirect_dma semaphore(%arg16 : memref<!tpu.dma_semaphore, #tpu.memory_space<semaphore_mem>>) src(%dma_wait3A_301 : memref<2912x128xf32, #tpu.memory_space<vmem_shared>>) dst(%dma_wait3A_297 : memref<104x128xf32, #tpu.memory_space<vmem>>)
        %add3A_302 = arith.addi %mul3A_0, %add3A_290 : i32
        %dma_start3A_303 = arith.constant 3 : i32
        %dma_start3A_304 = arith.constant 0 : i32
        %dma_start3A_305 = arith.constant 0 : i32
        %dma_start3A_306 = tpu.memref_slice %arg11[%dma_start3A_303, %dma_start3A_304, %dma_start3A_305] : memref<4x104x128xf32, #tpu.memory_space<vmem>> -> memref<1x104x128xf32, #tpu.memory_space<vmem>>
        %dma_start3A_307 = tpu.memref_squeeze %dma_start3A_306 : memref<1x104x128xf32, #tpu.memory_space<vmem>> -> memref<104x128xf32, #tpu.memory_space<vmem>>
        %dma_start3A_308 = arith.constant 0 : i32
        %dma_start3A_309 = arith.constant 0 : i32
        %dma_start3A_310 = tpu.memref_slice %arg5[%add3A_302, %dma_start3A_308, %dma_start3A_309] : memref<4096x200x128xf32, #tpu.memory_space<hbm>> -> memref<1x104x128xf32, #tpu.memory_space<hbm>>
        %dma_start3A_311 = tpu.memref_squeeze %dma_start3A_310 : memref<1x104x128xf32, #tpu.memory_space<hbm>> -> memref<104x128xf32, #tpu.memory_space<hbm>>
        %dma_start3A_312 = arith.constant 0 : i32
        %dma_start3A_313 = arith.constant 0 : i32
        %dma_start3A_314 = tpu.memref_slice %arg5[%add3A_302, %dma_start3A_312, %dma_start3A_313] : memref<4096x200x128xf32, #tpu.memory_space<hbm>> -> memref<1x104x128xf32, #tpu.memory_space<hbm>>
        %dma_start3A_315 = tpu.memref_squeeze %dma_start3A_314 : memref<1x104x128xf32, #tpu.memory_space<hbm>> -> memref<104x128xf32, #tpu.memory_space<hbm>>
        %dma_start3A_316 = arith.constant 0 : i32
        %dma_start3A_317 = arith.constant 0 : i32
        %dma_start3A_318 = tpu.memref_slice %arg11[%dma_start3A_303, %dma_start3A_316, %dma_start3A_317] : memref<4x104x128xf32, #tpu.memory_space<vmem>> -> memref<1x104x128xf32, #tpu.memory_space<vmem>>
        %dma_start3A_319 = tpu.memref_squeeze %dma_start3A_318 : memref<1x104x128xf32, #tpu.memory_space<vmem>> -> memref<104x128xf32, #tpu.memory_space<vmem>>
        tpu.enqueue_dma source(%dma_start3A_319 : memref<104x128xf32, #tpu.memory_space<vmem>>) target(%dma_start3A_315 : memref<104x128xf32, #tpu.memory_space<hbm>>) target_semaphore(%arg20 : memref<!tpu.dma_semaphore, #tpu.memory_space<semaphore_mem>>)
        %sub3A_320 = arith.constant 1 : i32
        %sub3A_321 = arith.subi %add3A_290, %sub3A_320 : i32
        %add3A_322 = arith.addi %mul3A_0, %sub3A_321 : i32
        %dma_wait3A_323 = arith.constant 2 : i32
        %dma_wait3A_324 = arith.constant 0 : i32
        %dma_wait3A_325 = arith.constant 0 : i32
        %dma_wait3A_326 = tpu.memref_slice %arg11[%dma_wait3A_323, %dma_wait3A_324, %dma_wait3A_325] : memref<4x104x128xf32, #tpu.memory_space<vmem>> -> memref<1x104x128xf32, #tpu.memory_space<vmem>>
        %dma_wait3A_327 = tpu.memref_squeeze %dma_wait3A_326 : memref<1x104x128xf32, #tpu.memory_space<vmem>> -> memref<104x128xf32, #tpu.memory_space<vmem>>
        %dma_wait3A_328 = arith.constant 0 : i32
        %dma_wait3A_329 = arith.constant 0 : i32
        %dma_wait3A_330 = tpu.memref_slice %arg5[%add3A_322, %dma_wait3A_328, %dma_wait3A_329] : memref<4096x200x128xf32, #tpu.memory_space<hbm>> -> memref<1x104x128xf32, #tpu.memory_space<hbm>>
        %dma_wait3A_331 = tpu.memref_squeeze %dma_wait3A_330 : memref<1x104x128xf32, #tpu.memory_space<hbm>> -> memref<104x128xf32, #tpu.memory_space<hbm>>
        %dma_wait3A_332 = arith.constant 0 : i32
        %dma_wait3A_333 = arith.constant 0 : i32
        %dma_wait3A_334 = tpu.memref_slice %arg5[%add3A_322, %dma_wait3A_332, %dma_wait3A_333] : memref<4096x200x128xf32, #tpu.memory_space<hbm>> -> memref<1x104x128xf32, #tpu.memory_space<hbm>>
        %dma_wait3A_335 = tpu.memref_squeeze %dma_wait3A_334 : memref<1x104x128xf32, #tpu.memory_space<hbm>> -> memref<104x128xf32, #tpu.memory_space<hbm>>
        %dma_wait3A_336 = arith.constant 0 : i32
        %dma_wait3A_337 = arith.constant 0 : i32
        %dma_wait3A_338 = tpu.memref_slice %arg11[%dma_wait3A_323, %dma_wait3A_336, %dma_wait3A_337] : memref<4x104x128xf32, #tpu.memory_space<vmem>> -> memref<1x104x128xf32, #tpu.memory_space<vmem>>
        %dma_wait3A_339 = tpu.memref_squeeze %dma_wait3A_338 : memref<1x104x128xf32, #tpu.memory_space<vmem>> -> memref<104x128xf32, #tpu.memory_space<vmem>>
        tpu.wait_dma2 semaphore(%arg19 : memref<!tpu.dma_semaphore, #tpu.memory_space<semaphore_mem>>) src(%dma_wait3A_339 : memref<104x128xf32, #tpu.memory_space<vmem>>) dst(%dma_wait3A_335 : memref<104x128xf32, #tpu.memory_space<hbm>>)
        %lt3A_340 = arith.constant 63 : i32
        %lt3A_341 = arith.cmpi slt, %scan3A_105, %lt3A_340 : i32
        %convert_element_type3A_342 = arith.extui %lt3A_341 : i1 to i32
        %cond3A_343 = arith.constant 0 : i32
        %cond3A_344 = arith.cmpi ne, %convert_element_type3A_342, %cond3A_343 : i32
        scf.if %cond3A_344 {
          %add3A_345 = arith.constant 4 : i32
          %add3A_346 = arith.addi %add3A_290, %add3A_345 : i32
          %sub3A_347 = arith.constant 1 : i32
          %sub3A_348 = arith.subi %add3A_346, %sub3A_347 : i32
          %mul3A_349 = arith.constant 104 : i32
          %mul3A_350 = arith.muli %sub3A_348, %mul3A_349 : i32
          %dma_start3A_351 = arith.constant 2 : i32
          %dma_start3A_352 = arith.constant 0 : i32
          %dma_start3A_353 = arith.constant 0 : i32
          %dma_start3A_354 = tpu.memref_slice %arg11[%dma_start3A_351, %dma_start3A_352, %dma_start3A_353] : memref<4x104x128xf32, #tpu.memory_space<vmem>> -> memref<1x104x128xf32, #tpu.memory_space<vmem>>
          %dma_start3A_355 = tpu.memref_squeeze %dma_start3A_354 : memref<1x104x128xf32, #tpu.memory_space<vmem>> -> memref<104x128xf32, #tpu.memory_space<vmem>>
          %dma_start3A_356 = tpu.memref_slice %arg6[%mul3A_350] : memref<26640xi32, #tpu.memory_space<vmem>> -> memref<104xi32, #tpu.memory_space<vmem>>
          %dma_start3A_357 = arith.constant 0 : i32
          %dma_start3A_358 = arith.constant 0 : i32
          %dma_start3A_359 = tpu.memref_slice %arg12[%dma_start3A_357, %dma_start3A_358] : memref<2912x128xf32, #tpu.memory_space<vmem_shared>> -> memref<2912x128xf32, #tpu.memory_space<vmem_shared>>
          tpu.enqueue_indirect_dma source(%dma_start3A_359 : memref<2912x128xf32, #tpu.memory_space<vmem_shared>>) target(%dma_start3A_355 : memref<104x128xf32, #tpu.memory_space<vmem>>) offsets(%dma_start3A_356 : memref<104xi32, #tpu.memory_space<vmem>>) semaphore(%arg15 : memref<!tpu.dma_semaphore, #tpu.memory_space<semaphore_mem>>)
        } else {
        }
      }
      %scan3A_85 = arith.constant 64 : i32
      %add3A_86 = arith.constant 255 : i32
      %add3A_87 = arith.addi %mul3A_0, %add3A_86 : i32
      %dma_wait3A_88 = arith.constant 3 : i32
      %dma_wait3A_89 = arith.constant 0 : i32
      %dma_wait3A_90 = arith.constant 0 : i32
      %dma_wait3A_91 = tpu.memref_slice %arg11[%dma_wait3A_88, %dma_wait3A_89, %dma_wait3A_90] : memref<4x104x128xf32, #tpu.memory_space<vmem>> -> memref<1x104x128xf32, #tpu.memory_space<vmem>>
      %dma_wait3A_92 = tpu.memref_squeeze %dma_wait3A_91 : memref<1x104x128xf32, #tpu.memory_space<vmem>> -> memref<104x128xf32, #tpu.memory_space<vmem>>
      %dma_wait3A_93 = arith.constant 0 : i32
      %dma_wait3A_94 = arith.constant 0 : i32
      %dma_wait3A_95 = tpu.memref_slice %arg5[%add3A_87, %dma_wait3A_93, %dma_wait3A_94] : memref<4096x200x128xf32, #tpu.memory_space<hbm>> -> memref<1x104x128xf32, #tpu.memory_space<hbm>>
      %dma_wait3A_96 = tpu.memref_squeeze %dma_wait3A_95 : memref<1x104x128xf32, #tpu.memory_space<hbm>> -> memref<104x128xf32, #tpu.memory_space<hbm>>
      %dma_wait3A_97 = arith.constant 0 : i32
      %dma_wait3A_98 = arith.constant 0 : i32
      %dma_wait3A_99 = tpu.memref_slice %arg5[%add3A_87, %dma_wait3A_97, %dma_wait3A_98] : memref<4096x200x128xf32, #tpu.memory_space<hbm>> -> memref<1x104x128xf32, #tpu.memory_space<hbm>>
      %dma_wait3A_100 = tpu.memref_squeeze %dma_wait3A_99 : memref<1x104x128xf32, #tpu.memory_space<hbm>> -> memref<104x128xf32, #tpu.memory_space<hbm>>
      %dma_wait3A_101 = arith.constant 0 : i32
      %dma_wait3A_102 = arith.constant 0 : i32
      %dma_wait3A_103 = tpu.memref_slice %arg11[%dma_wait3A_88, %dma_wait3A_101, %dma_wait3A_102] : memref<4x104x128xf32, #tpu.memory_space<vmem>> -> memref<1x104x128xf32, #tpu.memory_space<vmem>>
      %dma_wait3A_104 = tpu.memref_squeeze %dma_wait3A_103 : memref<1x104x128xf32, #tpu.memory_space<vmem>> -> memref<104x128xf32, #tpu.memory_space<vmem>>
      tpu.wait_dma2 semaphore(%arg20 : memref<!tpu.dma_semaphore, #tpu.memory_space<semaphore_mem>>) src(%dma_wait3A_104 : memref<104x128xf32, #tpu.memory_space<vmem>>) dst(%dma_wait3A_100 : memref<104x128xf32, #tpu.memory_space<hbm>>)
    } else {
    }
    %eq3A_3 = arith.constant 1 : i32
    %eq3A_4 = arith.cmpi eq, %arg0, %eq3A_3 : i32
    %convert_element_type3A_5 = arith.extui %eq3A_4 : i1 to i32
    %cond3A_6 = arith.constant 0 : i32
    %cond3A_7 = arith.cmpi ne, %convert_element_type3A_5, %cond3A_6 : i32
    scf.if %cond3A_7 {
      %add3A = arith.constant 0 : i32
      %add3A_8 = arith.addi %mul3A_0, %add3A : i32
      %mul3A_9 = arith.constant 200 : i32
      %mul3A_10 = arith.muli %add3A_8, %mul3A_9 : i32
      %dma_start3A = arith.constant 0 : i32
      %dma_start3A_11 = tpu.memref_slice %arg7[%dma_start3A] : memref<12800xi32, #tpu.memory_space<vmem>> -> memref<6400xi32, #tpu.memory_space<vmem>>
      %dma_start3A_12 = tpu.memref_slice %arg2[%mul3A_10] : memref<819200xi32, #tpu.memory_space<hbm>> -> memref<6400xi32, #tpu.memory_space<hbm>>
      %dma_start3A_13 = arith.constant 0 : i32
      %dma_start3A_14 = tpu.memref_slice %arg7[%dma_start3A_13] : memref<12800xi32, #tpu.memory_space<vmem>> -> memref<6400xi32, #tpu.memory_space<vmem>>
      %dma_start3A_15 = tpu.memref_slice %arg2[%mul3A_10] : memref<819200xi32, #tpu.memory_space<hbm>> -> memref<6400xi32, #tpu.memory_space<hbm>>
      tpu.enqueue_dma source(%dma_start3A_15 : memref<6400xi32, #tpu.memory_space<hbm>>) target(%dma_start3A_14 : memref<6400xi32, #tpu.memory_space<vmem>>) target_semaphore(%arg21 : memref<!tpu.dma_semaphore, #tpu.memory_space<semaphore_mem>>)
      %mul3A_16 = arith.constant 6 : i32
      %mul3A_17 = arith.muli %arg1, %mul3A_16 : i32
      %lt3A = arith.constant 96 : i32
      %lt3A_18 = arith.cmpi slt, %mul3A_17, %lt3A : i32
      %convert_element_type3A_19 = arith.extui %lt3A_18 : i1 to i32
      %cond3A_20 = arith.constant 0 : i32
      %cond3A_21 = arith.cmpi ne, %convert_element_type3A_19, %cond3A_20 : i32
      scf.if %cond3A_21 {
        %mul3A_105 = arith.constant 6 : i32
        %mul3A_106 = arith.muli %arg1, %mul3A_105 : i32
        %add3A_107 = arith.constant 104 : i32
        %add3A_108 = arith.addi %add3A_107, %mul3A_106 : i32
        "tpu.region"() ({
          %run_scoped3A = tpu.sem_alloc : memref<!tpu.dma_semaphore, #tpu.memory_space<semaphore_mem>>
          %dma_start3A_498 = arith.constant 0 : i32
          %dma_start3A_499 = arith.constant 0 : i32
          %dma_start3A_500 = tpu.memref_slice %arg4[%add3A_108, %dma_start3A_498, %dma_start3A_499] : memref<208x1x128xf32, #tpu.memory_space<hbm>> -> memref<8x1x128xf32, #tpu.memory_space<hbm>>
          %dma_start3A_501 = arith.constant 0 : i32
          %dma_start3A_502 = arith.constant 0 : i32
          %dma_start3A_503 = tpu.memref_slice %arg4[%add3A_108, %dma_start3A_501, %dma_start3A_502] : memref<208x1x128xf32, #tpu.memory_space<hbm>> -> memref<8x1x128xf32, #tpu.memory_space<hbm>>
          tpu.enqueue_dma source(%dma_start3A_503 : memref<8x1x128xf32, #tpu.memory_space<hbm>>) target(%arg9 : memref<8x1x128xf32, #tpu.memory_space<vmem>>) target_semaphore(%run_scoped3A : memref<!tpu.dma_semaphore, #tpu.memory_space<semaphore_mem>>)
          %dma_wait3A_504 = arith.constant 0 : i32
          %dma_wait3A_505 = arith.constant 0 : i32
          %dma_wait3A_506 = tpu.memref_slice %arg4[%add3A_108, %dma_wait3A_504, %dma_wait3A_505] : memref<208x1x128xf32, #tpu.memory_space<hbm>> -> memref<8x1x128xf32, #tpu.memory_space<hbm>>
          %dma_wait3A_507 = arith.constant 0 : i32
          %dma_wait3A_508 = arith.constant 0 : i32
          %dma_wait3A_509 = tpu.memref_slice %arg4[%add3A_108, %dma_wait3A_507, %dma_wait3A_508] : memref<208x1x128xf32, #tpu.memory_space<hbm>> -> memref<8x1x128xf32, #tpu.memory_space<hbm>>
          tpu.wait_dma2 semaphore(%run_scoped3A : memref<!tpu.dma_semaphore, #tpu.memory_space<semaphore_mem>>) src(%dma_wait3A_509 : memref<8x1x128xf32, #tpu.memory_space<hbm>>) dst(%arg9 : memref<8x1x128xf32, #tpu.memory_space<vmem>>)
          tpu.yield
        }) : () -> ()
        "tpu.region"() ({
          %run_scoped3A = tpu.sem_alloc : memref<!tpu.dma_semaphore, #tpu.memory_space<semaphore_mem>>
          tpu.enqueue_dma source(%arg3 : memref<28x128xf32, #tpu.memory_space<hbm>>) target(%arg10 : memref<28x128xf32, #tpu.memory_space<vmem>>) target_semaphore(%run_scoped3A : memref<!tpu.dma_semaphore, #tpu.memory_space<semaphore_mem>>)
          tpu.wait_dma2 semaphore(%run_scoped3A : memref<!tpu.dma_semaphore, #tpu.memory_space<semaphore_mem>>) src(%arg3 : memref<28x128xf32, #tpu.memory_space<hbm>>) dst(%arg10 : memref<28x128xf32, #tpu.memory_space<vmem>>)
          tpu.yield
        }) : () -> ()
        %get3A = arith.constant 0 : i32
        %get3A_109 = arith.constant 0 : i32
        %get3A_110 = arith.index_cast %get3A : i32 to index
        %get3A_111 = arith.index_cast %get3A_109 : i32 to index
        %get3A_112 = arith.constant 0 : index
        %get3A_113 = tpu.vector_load %arg9[%get3A_110, %get3A_111, %get3A_112] {strides = array<i32>} : memref<8x1x128xf32, #tpu.memory_space<vmem>>, vector<1x1x16xf32>,
        %get3A_114 = vector.shape_cast %get3A_113 : vector<1x1x16xf32> to vector<16xf32>
        %get3A_115 = arith.constant 0 : i32
        %get3A_116 = arith.constant 0 : i32
        %get3A_117 = arith.index_cast %get3A_115 : i32 to index
        %get3A_118 = arith.index_cast %get3A_116 : i32 to index
        %get3A_119 = arith.constant 16 : index
        %get3A_120 = tpu.vector_load %arg9[%get3A_117, %get3A_118, %get3A_119] {strides = array<i32>} : memref<8x1x128xf32, #tpu.memory_space<vmem>>, vector<1x1x16xf32>,
        %get3A_121 = vector.shape_cast %get3A_120 : vector<1x1x16xf32> to vector<16xf32>
        %get3A_122 = arith.constant 0 : i32
        %get3A_123 = arith.constant 0 : i32
        %get3A_124 = arith.index_cast %get3A_122 : i32 to index
        %get3A_125 = arith.index_cast %get3A_123 : i32 to index
        %get3A_126 = arith.constant 32 : index
        %get3A_127 = tpu.vector_load %arg9[%get3A_124, %get3A_125, %get3A_126] {strides = array<i32>} : memref<8x1x128xf32, #tpu.memory_space<vmem>>, vector<1x1x16xf32>,
        %get3A_128 = vector.shape_cast %get3A_127 : vector<1x1x16xf32> to vector<16xf32>
        %get3A_129 = arith.constant 0 : i32
        %get3A_130 = arith.constant 0 : i32
        %get3A_131 = arith.index_cast %get3A_129 : i32 to index
        %get3A_132 = arith.index_cast %get3A_130 : i32 to index
        %get3A_133 = arith.constant 48 : index
        %get3A_134 = tpu.vector_load %arg9[%get3A_131, %get3A_132, %get3A_133] {strides = array<i32>} : memref<8x1x128xf32, #tpu.memory_space<vmem>>, vector<1x1x16xf32>,
        %get3A_135 = vector.shape_cast %get3A_134 : vector<1x1x16xf32> to vector<16xf32>
        %get3A_136 = arith.constant 0 : i32
        %get3A_137 = arith.constant 0 : i32
        %get3A_138 = arith.index_cast %get3A_136 : i32 to index
        %get3A_139 = arith.index_cast %get3A_137 : i32 to index
        %get3A_140 = arith.constant 64 : index
        %get3A_141 = tpu.vector_load %arg9[%get3A_138, %get3A_139, %get3A_140] {strides = array<i32>} : memref<8x1x128xf32, #tpu.memory_space<vmem>>, vector<1x1x16xf32>,
        %get3A_142 = vector.shape_cast %get3A_141 : vector<1x1x16xf32> to vector<16xf32>
        %get3A_143 = arith.constant 0 : i32
        %get3A_144 = arith.constant 0 : i32
        %get3A_145 = arith.index_cast %get3A_143 : i32 to index
        %get3A_146 = arith.index_cast %get3A_144 : i32 to index
        %get3A_147 = arith.constant 80 : index
        %get3A_148 = tpu.vector_load %arg9[%get3A_145, %get3A_146, %get3A_147] {strides = array<i32>} : memref<8x1x128xf32, #tpu.memory_space<vmem>>, vector<1x1x16xf32>,
        %get3A_149 = vector.shape_cast %get3A_148 : vector<1x1x16xf32> to vector<16xf32>
        %get3A_150 = arith.constant 0 : i32
        %get3A_151 = arith.constant 0 : i32
        %get3A_152 = arith.index_cast %get3A_150 : i32 to index
        %get3A_153 = arith.index_cast %get3A_151 : i32 to index
        %get3A_154 = arith.constant 96 : index
        %get3A_155 = tpu.vector_load %arg9[%get3A_152, %get3A_153, %get3A_154] {strides = array<i32>} : memref<8x1x128xf32, #tpu.memory_space<vmem>>, vector<1x1x16xf32>,
        %get3A_156 = vector.shape_cast %get3A_155 : vector<1x1x16xf32> to vector<16xf32>
        %get3A_157 = arith.constant 0 : i32
        %get3A_158 = arith.constant 0 : i32
        %get3A_159 = arith.index_cast %get3A_157 : i32 to index
        %get3A_160 = arith.index_cast %get3A_158 : i32 to index
        %get3A_161 = arith.constant 112 : index
        %get3A_162 = tpu.vector_load %arg9[%get3A_159, %get3A_160, %get3A_161] {strides = array<i32>} : memref<8x1x128xf32, #tpu.memory_space<vmem>>, vector<1x1x16xf32>,
        %get3A_163 = vector.shape_cast %get3A_162 : vector<1x1x16xf32> to vector<16xf32>
        %scan3A_164 = arith.constant 0 : i32
        %scan3A_165 = arith.constant 0 : i32
        %scan3A_166 = arith.constant 28 : i32
        %scan3A_167 = arith.addi %scan3A_165, %scan3A_166 : i32
        %scan3A_168 = arith.constant 1 : i32
        scf.for %scan3A_498 = %scan3A_165 to %scan3A_167 step %scan3A_168  : i32 {
          %get3A_499 = arith.index_cast %scan3A_498 : i32 to index
          %get3A_500 = arith.constant 0 : index
          %get3A_501 = tpu.vector_load %arg10[%get3A_499, %get3A_500] {strides = array<i32>} : memref<28x128xf32, #tpu.memory_space<vmem>>, vector<1x16xf32>,
          %get3A_502 = vector.shape_cast %get3A_501 : vector<1x16xf32> to vector<16xf32>
          %add3A_503 = arith.addf %get3A_114, %get3A_502 : vector<16xf32>
          %add3A_504 = arith.constant 0 : i32
          %add3A_505 = arith.addi %add3A_504, %scan3A_498 : i32
          %swap3A = arith.index_cast %add3A_505 : i32 to index
          %swap3A_506 = arith.constant 0 : index
          %swap3A_507 = tpu.vector_load %arg8[%swap3A, %swap3A_506] {strides = array<i32>} : memref<56x128xf32, #tpu.memory_space<vmem>>, vector<1x16xf32>,
          %swap3A_508 = vector.shape_cast %swap3A_507 : vector<1x16xf32> to vector<16xf32>
          %swap3A_509 = vector.shape_cast %add3A_503 : vector<16xf32> to vector<1x16xf32>
          tpu.vector_store %arg8[%swap3A, %swap3A_506], %swap3A_509 {strides = array<i32>} : memref<56x128xf32, #tpu.memory_space<vmem>>, vector<1x16xf32>,
          %get3A_510 = arith.index_cast %scan3A_498 : i32 to index
          %get3A_511 = arith.constant 16 : index
          %get3A_512 = tpu.vector_load %arg10[%get3A_510, %get3A_511] {strides = array<i32>} : memref<28x128xf32, #tpu.memory_space<vmem>>, vector<1x16xf32>,
          %get3A_513 = vector.shape_cast %get3A_512 : vector<1x16xf32> to vector<16xf32>
          %add3A_514 = arith.addf %get3A_121, %get3A_513 : vector<16xf32>
          %add3A_515 = arith.constant 0 : i32
          %add3A_516 = arith.addi %add3A_515, %scan3A_498 : i32
          %swap3A_517 = arith.index_cast %add3A_516 : i32 to index
          %swap3A_518 = arith.constant 16 : index
          %swap3A_519 = tpu.vector_load %arg8[%swap3A_517, %swap3A_518] {strides = array<i32>} : memref<56x128xf32, #tpu.memory_space<vmem>>, vector<1x16xf32>,
          %swap3A_520 = vector.shape_cast %swap3A_519 : vector<1x16xf32> to vector<16xf32>
          %swap3A_521 = vector.shape_cast %add3A_514 : vector<16xf32> to vector<1x16xf32>
          tpu.vector_store %arg8[%swap3A_517, %swap3A_518], %swap3A_521 {strides = array<i32>} : memref<56x128xf32, #tpu.memory_space<vmem>>, vector<1x16xf32>,
          %get3A_522 = arith.index_cast %scan3A_498 : i32 to index
          %get3A_523 = arith.constant 32 : index
          %get3A_524 = tpu.vector_load %arg10[%get3A_522, %get3A_523] {strides = array<i32>} : memref<28x128xf32, #tpu.memory_space<vmem>>, vector<1x16xf32>,
          %get3A_525 = vector.shape_cast %get3A_524 : vector<1x16xf32> to vector<16xf32>
          %add3A_526 = arith.addf %get3A_128, %get3A_525 : vector<16xf32>
          %add3A_527 = arith.constant 0 : i32
          %add3A_528 = arith.addi %add3A_527, %scan3A_498 : i32
          %swap3A_529 = arith.index_cast %add3A_528 : i32 to index
          %swap3A_530 = arith.constant 32 : index
          %swap3A_531 = tpu.vector_load %arg8[%swap3A_529, %swap3A_530] {strides = array<i32>} : memref<56x128xf32, #tpu.memory_space<vmem>>, vector<1x16xf32>,
          %swap3A_532 = vector.shape_cast %swap3A_531 : vector<1x16xf32> to vector<16xf32>
          %swap3A_533 = vector.shape_cast %add3A_526 : vector<16xf32> to vector<1x16xf32>
          tpu.vector_store %arg8[%swap3A_529, %swap3A_530], %swap3A_533 {strides = array<i32>} : memref<56x128xf32, #tpu.memory_space<vmem>>, vector<1x16xf32>,
          %get3A_534 = arith.index_cast %scan3A_498 : i32 to index
          %get3A_535 = arith.constant 48 : index
          %get3A_536 = tpu.vector_load %arg10[%get3A_534, %get3A_535] {strides = array<i32>} : memref<28x128xf32, #tpu.memory_space<vmem>>, vector<1x16xf32>,
          %get3A_537 = vector.shape_cast %get3A_536 : vector<1x16xf32> to vector<16xf32>
          %add3A_538 = arith.addf %get3A_135, %get3A_537 : vector<16xf32>
          %add3A_539 = arith.constant 0 : i32
          %add3A_540 = arith.addi %add3A_539, %scan3A_498 : i32
          %swap3A_541 = arith.index_cast %add3A_540 : i32 to index
          %swap3A_542 = arith.constant 48 : index
          %swap3A_543 = tpu.vector_load %arg8[%swap3A_541, %swap3A_542] {strides = array<i32>} : memref<56x128xf32, #tpu.memory_space<vmem>>, vector<1x16xf32>,
          %swap3A_544 = vector.shape_cast %swap3A_543 : vector<1x16xf32> to vector<16xf32>
          %swap3A_545 = vector.shape_cast %add3A_538 : vector<16xf32> to vector<1x16xf32>
          tpu.vector_store %arg8[%swap3A_541, %swap3A_542], %swap3A_545 {strides = array<i32>} : memref<56x128xf32, #tpu.memory_space<vmem>>, vector<1x16xf32>,
          %get3A_546 = arith.index_cast %scan3A_498 : i32 to index
          %get3A_547 = arith.constant 64 : index
          %get3A_548 = tpu.vector_load %arg10[%get3A_546, %get3A_547] {strides = array<i32>} : memref<28x128xf32, #tpu.memory_space<vmem>>, vector<1x16xf32>,
          %get3A_549 = vector.shape_cast %get3A_548 : vector<1x16xf32> to vector<16xf32>
          %add3A_550 = arith.addf %get3A_142, %get3A_549 : vector<16xf32>
          %add3A_551 = arith.constant 0 : i32
          %add3A_552 = arith.addi %add3A_551, %scan3A_498 : i32
          %swap3A_553 = arith.index_cast %add3A_552 : i32 to index
          %swap3A_554 = arith.constant 64 : index
          %swap3A_555 = tpu.vector_load %arg8[%swap3A_553, %swap3A_554] {strides = array<i32>} : memref<56x128xf32, #tpu.memory_space<vmem>>, vector<1x16xf32>,
          %swap3A_556 = vector.shape_cast %swap3A_555 : vector<1x16xf32> to vector<16xf32>
          %swap3A_557 = vector.shape_cast %add3A_550 : vector<16xf32> to vector<1x16xf32>
          tpu.vector_store %arg8[%swap3A_553, %swap3A_554], %swap3A_557 {strides = array<i32>} : memref<56x128xf32, #tpu.memory_space<vmem>>, vector<1x16xf32>,
          %get3A_558 = arith.index_cast %scan3A_498 : i32 to index
          %get3A_559 = arith.constant 80 : index
          %get3A_560 = tpu.vector_load %arg10[%get3A_558, %get3A_559] {strides = array<i32>} : memref<28x128xf32, #tpu.memory_space<vmem>>, vector<1x16xf32>,
          %get3A_561 = vector.shape_cast %get3A_560 : vector<1x16xf32> to vector<16xf32>
          %add3A_562 = arith.addf %get3A_149, %get3A_561 : vector<16xf32>
          %add3A_563 = arith.constant 0 : i32
          %add3A_564 = arith.addi %add3A_563, %scan3A_498 : i32
          %swap3A_565 = arith.index_cast %add3A_564 : i32 to index
          %swap3A_566 = arith.constant 80 : index
          %swap3A_567 = tpu.vector_load %arg8[%swap3A_565, %swap3A_566] {strides = array<i32>} : memref<56x128xf32, #tpu.memory_space<vmem>>, vector<1x16xf32>,
          %swap3A_568 = vector.shape_cast %swap3A_567 : vector<1x16xf32> to vector<16xf32>
          %swap3A_569 = vector.shape_cast %add3A_562 : vector<16xf32> to vector<1x16xf32>
          tpu.vector_store %arg8[%swap3A_565, %swap3A_566], %swap3A_569 {strides = array<i32>} : memref<56x128xf32, #tpu.memory_space<vmem>>, vector<1x16xf32>,
          %get3A_570 = arith.index_cast %scan3A_498 : i32 to index
          %get3A_571 = arith.constant 96 : index
          %get3A_572 = tpu.vector_load %arg10[%get3A_570, %get3A_571] {strides = array<i32>} : memref<28x128xf32, #tpu.memory_space<vmem>>, vector<1x16xf32>,
          %get3A_573 = vector.shape_cast %get3A_572 : vector<1x16xf32> to vector<16xf32>
          %add3A_574 = arith.addf %get3A_156, %get3A_573 : vector<16xf32>
          %add3A_575 = arith.constant 0 : i32
          %add3A_576 = arith.addi %add3A_575, %scan3A_498 : i32
          %swap3A_577 = arith.index_cast %add3A_576 : i32 to index
          %swap3A_578 = arith.constant 96 : index
          %swap3A_579 = tpu.vector_load %arg8[%swap3A_577, %swap3A_578] {strides = array<i32>} : memref<56x128xf32, #tpu.memory_space<vmem>>, vector<1x16xf32>,
          %swap3A_580 = vector.shape_cast %swap3A_579 : vector<1x16xf32> to vector<16xf32>
          %swap3A_581 = vector.shape_cast %add3A_574 : vector<16xf32> to vector<1x16xf32>
          tpu.vector_store %arg8[%swap3A_577, %swap3A_578], %swap3A_581 {strides = array<i32>} : memref<56x128xf32, #tpu.memory_space<vmem>>, vector<1x16xf32>,
          %get3A_582 = arith.index_cast %scan3A_498 : i32 to index
          %get3A_583 = arith.constant 112 : index
          %get3A_584 = tpu.vector_load %arg10[%get3A_582, %get3A_583] {strides = array<i32>} : memref<28x128xf32, #tpu.memory_space<vmem>>, vector<1x16xf32>,
          %get3A_585 = vector.shape_cast %get3A_584 : vector<1x16xf32> to vector<16xf32>
          %add3A_586 = arith.addf %get3A_163, %get3A_585 : vector<16xf32>
          %add3A_587 = arith.constant 0 : i32
          %add3A_588 = arith.addi %add3A_587, %scan3A_498 : i32
          %swap3A_589 = arith.index_cast %add3A_588 : i32 to index
          %swap3A_590 = arith.constant 112 : index
          %swap3A_591 = tpu.vector_load %arg8[%swap3A_589, %swap3A_590] {strides = array<i32>} : memref<56x128xf32, #tpu.memory_space<vmem>>, vector<1x16xf32>,
          %swap3A_592 = vector.shape_cast %swap3A_591 : vector<1x16xf32> to vector<16xf32>
          %swap3A_593 = vector.shape_cast %add3A_586 : vector<16xf32> to vector<1x16xf32>
          tpu.vector_store %arg8[%swap3A_589, %swap3A_590], %swap3A_593 {strides = array<i32>} : memref<56x128xf32, #tpu.memory_space<vmem>>, vector<1x16xf32>,
        }
        %scan3A_169 = arith.constant 28 : i32
        %get3A_170 = arith.constant 1 : i32
        %get3A_171 = arith.constant 0 : i32
        %get3A_172 = arith.index_cast %get3A_170 : i32 to index
        %get3A_173 = arith.index_cast %get3A_171 : i32 to index
        %get3A_174 = arith.constant 0 : index
        %get3A_175 = tpu.vector_load %arg9[%get3A_172, %get3A_173, %get3A_174] {strides = array<i32>} : memref<8x1x128xf32, #tpu.memory_space<vmem>>, vector<1x1x16xf32>,
        %get3A_176 = vector.shape_cast %get3A_175 : vector<1x1x16xf32> to vector<16xf32>
        %get3A_177 = arith.constant 1 : i32
        %get3A_178 = arith.constant 0 : i32
        %get3A_179 = arith.index_cast %get3A_177 : i32 to index
        %get3A_180 = arith.index_cast %get3A_178 : i32 to index
        %get3A_181 = arith.constant 16 : index
        %get3A_182 = tpu.vector_load %arg9[%get3A_179, %get3A_180, %get3A_181] {strides = array<i32>} : memref<8x1x128xf32, #tpu.memory_space<vmem>>, vector<1x1x16xf32>,
        %get3A_183 = vector.shape_cast %get3A_182 : vector<1x1x16xf32> to vector<16xf32>
        %get3A_184 = arith.constant 1 : i32
        %get3A_185 = arith.constant 0 : i32
        %get3A_186 = arith.index_cast %get3A_184 : i32 to index
        %get3A_187 = arith.index_cast %get3A_185 : i32 to index
        %get3A_188 = arith.constant 32 : index
        %get3A_189 = tpu.vector_load %arg9[%get3A_186, %get3A_187, %get3A_188] {strides = array<i32>} : memref<8x1x128xf32, #tpu.memory_space<vmem>>, vector<1x1x16xf32>,
        %get3A_190 = vector.shape_cast %get3A_189 : vector<1x1x16xf32> to vector<16xf32>
        %get3A_191 = arith.constant 1 : i32
        %get3A_192 = arith.constant 0 : i32
        %get3A_193 = arith.index_cast %get3A_191 : i32 to index
        %get3A_194 = arith.index_cast %get3A_192 : i32 to index
        %get3A_195 = arith.constant 48 : index
        %get3A_196 = tpu.vector_load %arg9[%get3A_193, %get3A_194, %get3A_195] {strides = array<i32>} : memref<8x1x128xf32, #tpu.memory_space<vmem>>, vector<1x1x16xf32>,
        %get3A_197 = vector.shape_cast %get3A_196 : vector<1x1x16xf32> to vector<16xf32>
        %get3A_198 = arith.constant 1 : i32
        %get3A_199 = arith.constant 0 : i32
        %get3A_200 = arith.index_cast %get3A_198 : i32 to index
        %get3A_201 = arith.index_cast %get3A_199 : i32 to index
        %get3A_202 = arith.constant 64 : index
        %get3A_203 = tpu.vector_load %arg9[%get3A_200, %get3A_201, %get3A_202] {strides = array<i32>} : memref<8x1x128xf32, #tpu.memory_space<vmem>>, vector<1x1x16xf32>,
        %get3A_204 = vector.shape_cast %get3A_203 : vector<1x1x16xf32> to vector<16xf32>
        %get3A_205 = arith.constant 1 : i32
        %get3A_206 = arith.constant 0 : i32
        %get3A_207 = arith.index_cast %get3A_205 : i32 to index
        %get3A_208 = arith.index_cast %get3A_206 : i32 to index
        %get3A_209 = arith.constant 80 : index
        %get3A_210 = tpu.vector_load %arg9[%get3A_207, %get3A_208, %get3A_209] {strides = array<i32>} : memref<8x1x128xf32, #tpu.memory_space<vmem>>, vector<1x1x16xf32>,
        %get3A_211 = vector.shape_cast %get3A_210 : vector<1x1x16xf32> to vector<16xf32>
        %get3A_212 = arith.constant 1 : i32
        %get3A_213 = arith.constant 0 : i32
        %get3A_214 = arith.index_cast %get3A_212 : i32 to index
        %get3A_215 = arith.index_cast %get3A_213 : i32 to index
        %get3A_216 = arith.constant 96 : index
        %get3A_217 = tpu.vector_load %arg9[%get3A_214, %get3A_215, %get3A_216] {strides = array<i32>} : memref<8x1x128xf32, #tpu.memory_space<vmem>>, vector<1x1x16xf32>,
        %get3A_218 = vector.shape_cast %get3A_217 : vector<1x1x16xf32> to vector<16xf32>
        %get3A_219 = arith.constant 1 : i32
        %get3A_220 = arith.constant 0 : i32
        %get3A_221 = arith.index_cast %get3A_219 : i32 to index
        %get3A_222 = arith.index_cast %get3A_220 : i32 to index
        %get3A_223 = arith.constant 112 : index
        %get3A_224 = tpu.vector_load %arg9[%get3A_221, %get3A_222, %get3A_223] {strides = array<i32>} : memref<8x1x128xf32, #tpu.memory_space<vmem>>, vector<1x1x16xf32>,
        %get3A_225 = vector.shape_cast %get3A_224 : vector<1x1x16xf32> to vector<16xf32>
        %scan3A_226 = arith.constant 0 : i32
        %scan3A_227 = arith.constant 0 : i32
        %scan3A_228 = arith.constant 28 : i32
        %scan3A_229 = arith.addi %scan3A_227, %scan3A_228 : i32
        %scan3A_230 = arith.constant 1 : i32
        scf.for %scan3A_498 = %scan3A_227 to %scan3A_229 step %scan3A_230  : i32 {
          %get3A_499 = arith.index_cast %scan3A_498 : i32 to index
          %get3A_500 = arith.constant 0 : index
          %get3A_501 = tpu.vector_load %arg10[%get3A_499, %get3A_500] {strides = array<i32>} : memref<28x128xf32, #tpu.memory_space<vmem>>, vector<1x16xf32>,
          %get3A_502 = vector.shape_cast %get3A_501 : vector<1x16xf32> to vector<16xf32>
          %add3A_503 = arith.addf %get3A_176, %get3A_502 : vector<16xf32>
          %add3A_504 = arith.constant 28 : i32
          %add3A_505 = arith.addi %add3A_504, %scan3A_498 : i32
          %swap3A = arith.index_cast %add3A_505 : i32 to index
          %swap3A_506 = arith.constant 0 : index
          %swap3A_507 = tpu.vector_load %arg8[%swap3A, %swap3A_506] {strides = array<i32>} : memref<56x128xf32, #tpu.memory_space<vmem>>, vector<1x16xf32>,
          %swap3A_508 = vector.shape_cast %swap3A_507 : vector<1x16xf32> to vector<16xf32>
          %swap3A_509 = vector.shape_cast %add3A_503 : vector<16xf32> to vector<1x16xf32>
          tpu.vector_store %arg8[%swap3A, %swap3A_506], %swap3A_509 {strides = array<i32>} : memref<56x128xf32, #tpu.memory_space<vmem>>, vector<1x16xf32>,
          %get3A_510 = arith.index_cast %scan3A_498 : i32 to index
          %get3A_511 = arith.constant 16 : index
          %get3A_512 = tpu.vector_load %arg10[%get3A_510, %get3A_511] {strides = array<i32>} : memref<28x128xf32, #tpu.memory_space<vmem>>, vector<1x16xf32>,
          %get3A_513 = vector.shape_cast %get3A_512 : vector<1x16xf32> to vector<16xf32>
          %add3A_514 = arith.addf %get3A_183, %get3A_513 : vector<16xf32>
          %add3A_515 = arith.constant 28 : i32
          %add3A_516 = arith.addi %add3A_515, %scan3A_498 : i32
          %swap3A_517 = arith.index_cast %add3A_516 : i32 to index
          %swap3A_518 = arith.constant 16 : index
          %swap3A_519 = tpu.vector_load %arg8[%swap3A_517, %swap3A_518] {strides = array<i32>} : memref<56x128xf32, #tpu.memory_space<vmem>>, vector<1x16xf32>,
          %swap3A_520 = vector.shape_cast %swap3A_519 : vector<1x16xf32> to vector<16xf32>
          %swap3A_521 = vector.shape_cast %add3A_514 : vector<16xf32> to vector<1x16xf32>
          tpu.vector_store %arg8[%swap3A_517, %swap3A_518], %swap3A_521 {strides = array<i32>} : memref<56x128xf32, #tpu.memory_space<vmem>>, vector<1x16xf32>,
          %get3A_522 = arith.index_cast %scan3A_498 : i32 to index
          %get3A_523 = arith.constant 32 : index
          %get3A_524 = tpu.vector_load %arg10[%get3A_522, %get3A_523] {strides = array<i32>} : memref<28x128xf32, #tpu.memory_space<vmem>>, vector<1x16xf32>,
          %get3A_525 = vector.shape_cast %get3A_524 : vector<1x16xf32> to vector<16xf32>
          %add3A_526 = arith.addf %get3A_190, %get3A_525 : vector<16xf32>
          %add3A_527 = arith.constant 28 : i32
          %add3A_528 = arith.addi %add3A_527, %scan3A_498 : i32
          %swap3A_529 = arith.index_cast %add3A_528 : i32 to index
          %swap3A_530 = arith.constant 32 : index
          %swap3A_531 = tpu.vector_load %arg8[%swap3A_529, %swap3A_530] {strides = array<i32>} : memref<56x128xf32, #tpu.memory_space<vmem>>, vector<1x16xf32>,
          %swap3A_532 = vector.shape_cast %swap3A_531 : vector<1x16xf32> to vector<16xf32>
          %swap3A_533 = vector.shape_cast %add3A_526 : vector<16xf32> to vector<1x16xf32>
          tpu.vector_store %arg8[%swap3A_529, %swap3A_530], %swap3A_533 {strides = array<i32>} : memref<56x128xf32, #tpu.memory_space<vmem>>, vector<1x16xf32>,
          %get3A_534 = arith.index_cast %scan3A_498 : i32 to index
          %get3A_535 = arith.constant 48 : index
          %get3A_536 = tpu.vector_load %arg10[%get3A_534, %get3A_535] {strides = array<i32>} : memref<28x128xf32, #tpu.memory_space<vmem>>, vector<1x16xf32>,
          %get3A_537 = vector.shape_cast %get3A_536 : vector<1x16xf32> to vector<16xf32>
          %add3A_538 = arith.addf %get3A_197, %get3A_537 : vector<16xf32>
          %add3A_539 = arith.constant 28 : i32
          %add3A_540 = arith.addi %add3A_539, %scan3A_498 : i32
          %swap3A_541 = arith.index_cast %add3A_540 : i32 to index
          %swap3A_542 = arith.constant 48 : index
          %swap3A_543 = tpu.vector_load %arg8[%swap3A_541, %swap3A_542] {strides = array<i32>} : memref<56x128xf32, #tpu.memory_space<vmem>>, vector<1x16xf32>,
          %swap3A_544 = vector.shape_cast %swap3A_543 : vector<1x16xf32> to vector<16xf32>
          %swap3A_545 = vector.shape_cast %add3A_538 : vector<16xf32> to vector<1x16xf32>
          tpu.vector_store %arg8[%swap3A_541, %swap3A_542], %swap3A_545 {strides = array<i32>} : memref<56x128xf32, #tpu.memory_space<vmem>>, vector<1x16xf32>,
          %get3A_546 = arith.index_cast %scan3A_498 : i32 to index
          %get3A_547 = arith.constant 64 : index
          %get3A_548 = tpu.vector_load %arg10[%get3A_546, %get3A_547] {strides = array<i32>} : memref<28x128xf32, #tpu.memory_space<vmem>>, vector<1x16xf32>,
          %get3A_549 = vector.shape_cast %get3A_548 : vector<1x16xf32> to vector<16xf32>
          %add3A_550 = arith.addf %get3A_204, %get3A_549 : vector<16xf32>
          %add3A_551 = arith.constant 28 : i32
          %add3A_552 = arith.addi %add3A_551, %scan3A_498 : i32
          %swap3A_553 = arith.index_cast %add3A_552 : i32 to index
          %swap3A_554 = arith.constant 64 : index
          %swap3A_555 = tpu.vector_load %arg8[%swap3A_553, %swap3A_554] {strides = array<i32>} : memref<56x128xf32, #tpu.memory_space<vmem>>, vector<1x16xf32>,
          %swap3A_556 = vector.shape_cast %swap3A_555 : vector<1x16xf32> to vector<16xf32>
          %swap3A_557 = vector.shape_cast %add3A_550 : vector<16xf32> to vector<1x16xf32>
          tpu.vector_store %arg8[%swap3A_553, %swap3A_554], %swap3A_557 {strides = array<i32>} : memref<56x128xf32, #tpu.memory_space<vmem>>, vector<1x16xf32>,
          %get3A_558 = arith.index_cast %scan3A_498 : i32 to index
          %get3A_559 = arith.constant 80 : index
          %get3A_560 = tpu.vector_load %arg10[%get3A_558, %get3A_559] {strides = array<i32>} : memref<28x128xf32, #tpu.memory_space<vmem>>, vector<1x16xf32>,
          %get3A_561 = vector.shape_cast %get3A_560 : vector<1x16xf32> to vector<16xf32>
          %add3A_562 = arith.addf %get3A_211, %get3A_561 : vector<16xf32>
          %add3A_563 = arith.constant 28 : i32
          %add3A_564 = arith.addi %add3A_563, %scan3A_498 : i32
          %swap3A_565 = arith.index_cast %add3A_564 : i32 to index
          %swap3A_566 = arith.constant 80 : index
          %swap3A_567 = tpu.vector_load %arg8[%swap3A_565, %swap3A_566] {strides = array<i32>} : memref<56x128xf32, #tpu.memory_space<vmem>>, vector<1x16xf32>,
          %swap3A_568 = vector.shape_cast %swap3A_567 : vector<1x16xf32> to vector<16xf32>
          %swap3A_569 = vector.shape_cast %add3A_562 : vector<16xf32> to vector<1x16xf32>
          tpu.vector_store %arg8[%swap3A_565, %swap3A_566], %swap3A_569 {strides = array<i32>} : memref<56x128xf32, #tpu.memory_space<vmem>>, vector<1x16xf32>,
          %get3A_570 = arith.index_cast %scan3A_498 : i32 to index
          %get3A_571 = arith.constant 96 : index
          %get3A_572 = tpu.vector_load %arg10[%get3A_570, %get3A_571] {strides = array<i32>} : memref<28x128xf32, #tpu.memory_space<vmem>>, vector<1x16xf32>,
          %get3A_573 = vector.shape_cast %get3A_572 : vector<1x16xf32> to vector<16xf32>
          %add3A_574 = arith.addf %get3A_218, %get3A_573 : vector<16xf32>
          %add3A_575 = arith.constant 28 : i32
          %add3A_576 = arith.addi %add3A_575, %scan3A_498 : i32
          %swap3A_577 = arith.index_cast %add3A_576 : i32 to index
          %swap3A_578 = arith.constant 96 : index
          %swap3A_579 = tpu.vector_load %arg8[%swap3A_577, %swap3A_578] {strides = array<i32>} : memref<56x128xf32, #tpu.memory_space<vmem>>, vector<1x16xf32>,
          %swap3A_580 = vector.shape_cast %swap3A_579 : vector<1x16xf32> to vector<16xf32>
          %swap3A_581 = vector.shape_cast %add3A_574 : vector<16xf32> to vector<1x16xf32>
          tpu.vector_store %arg8[%swap3A_577, %swap3A_578], %swap3A_581 {strides = array<i32>} : memref<56x128xf32, #tpu.memory_space<vmem>>, vector<1x16xf32>,
          %get3A_582 = arith.index_cast %scan3A_498 : i32 to index
          %get3A_583 = arith.constant 112 : index
          %get3A_584 = tpu.vector_load %arg10[%get3A_582, %get3A_583] {strides = array<i32>} : memref<28x128xf32, #tpu.memory_space<vmem>>, vector<1x16xf32>,
          %get3A_585 = vector.shape_cast %get3A_584 : vector<1x16xf32> to vector<16xf32>
          %add3A_586 = arith.addf %get3A_225, %get3A_585 : vector<16xf32>
          %add3A_587 = arith.constant 28 : i32
          %add3A_588 = arith.addi %add3A_587, %scan3A_498 : i32
          %swap3A_589 = arith.index_cast %add3A_588 : i32 to index
          %swap3A_590 = arith.constant 112 : index
          %swap3A_591 = tpu.vector_load %arg8[%swap3A_589, %swap3A_590] {strides = array<i32>} : memref<56x128xf32, #tpu.memory_space<vmem>>, vector<1x16xf32>,
          %swap3A_592 = vector.shape_cast %swap3A_591 : vector<1x16xf32> to vector<16xf32>
          %swap3A_593 = vector.shape_cast %add3A_586 : vector<16xf32> to vector<1x16xf32>
          tpu.vector_store %arg8[%swap3A_589, %swap3A_590], %swap3A_593 {strides = array<i32>} : memref<56x128xf32, #tpu.memory_space<vmem>>, vector<1x16xf32>,
        }
        %scan3A_231 = arith.constant 28 : i32
        %mul3A_232 = arith.constant 6 : i32
        %mul3A_233 = arith.muli %arg1, %mul3A_232 : i32
        %add3A_234 = arith.constant 0 : i32
        %add3A_235 = arith.addi %mul3A_233, %add3A_234 : i32
        %mul3A_236 = arith.constant 28 : i32
        %mul3A_237 = arith.muli %add3A_235, %mul3A_236 : i32
        "tpu.region"() ({
          %run_scoped3A = tpu.sem_alloc : memref<!tpu.dma_semaphore, #tpu.memory_space<semaphore_mem>>
          %dma_start3A_498 = arith.constant 0 : i32
          %dma_start3A_499 = tpu.memref_slice %arg12[%mul3A_237, %dma_start3A_498] : memref<2912x128xf32, #tpu.memory_space<vmem_shared>> -> memref<56x128xf32, #tpu.memory_space<vmem_shared>>
          %dma_start3A_500 = arith.constant 0 : i32
          %dma_start3A_501 = tpu.memref_slice %arg12[%mul3A_237, %dma_start3A_500] : memref<2912x128xf32, #tpu.memory_space<vmem_shared>> -> memref<56x128xf32, #tpu.memory_space<vmem_shared>>
          tpu.enqueue_dma source(%arg8 : memref<56x128xf32, #tpu.memory_space<vmem>>) target(%dma_start3A_501 : memref<56x128xf32, #tpu.memory_space<vmem_shared>>) target_semaphore(%run_scoped3A : memref<!tpu.dma_semaphore, #tpu.memory_space<semaphore_mem>>)
          %dma_wait3A_502 = arith.constant 0 : i32
          %dma_wait3A_503 = tpu.memref_slice %arg12[%mul3A_237, %dma_wait3A_502] : memref<2912x128xf32, #tpu.memory_space<vmem_shared>> -> memref<56x128xf32, #tpu.memory_space<vmem_shared>>
          %dma_wait3A_504 = arith.constant 0 : i32
          %dma_wait3A_505 = tpu.memref_slice %arg12[%mul3A_237, %dma_wait3A_504] : memref<2912x128xf32, #tpu.memory_space<vmem_shared>> -> memref<56x128xf32, #tpu.memory_space<vmem_shared>>
          tpu.wait_dma2 semaphore(%run_scoped3A : memref<!tpu.dma_semaphore, #tpu.memory_space<semaphore_mem>>) src(%arg8 : memref<56x128xf32, #tpu.memory_space<vmem>>) dst(%dma_wait3A_505 : memref<56x128xf32, #tpu.memory_space<vmem_shared>>)
          tpu.yield
        }) : () -> ()
        %get3A_238 = arith.constant 2 : i32
        %get3A_239 = arith.constant 0 : i32
        %get3A_240 = arith.index_cast %get3A_238 : i32 to index
        %get3A_241 = arith.index_cast %get3A_239 : i32 to index
        %get3A_242 = arith.constant 0 : index
        %get3A_243 = tpu.vector_load %arg9[%get3A_240, %get3A_241, %get3A_242] {strides = array<i32>} : memref<8x1x128xf32, #tpu.memory_space<vmem>>, vector<1x1x16xf32>,
        %get3A_244 = vector.shape_cast %get3A_243 : vector<1x1x16xf32> to vector<16xf32>
        %get3A_245 = arith.constant 2 : i32
        %get3A_246 = arith.constant 0 : i32
        %get3A_247 = arith.index_cast %get3A_245 : i32 to index
        %get3A_248 = arith.index_cast %get3A_246 : i32 to index
        %get3A_249 = arith.constant 16 : index
        %get3A_250 = tpu.vector_load %arg9[%get3A_247, %get3A_248, %get3A_249] {strides = array<i32>} : memref<8x1x128xf32, #tpu.memory_space<vmem>>, vector<1x1x16xf32>,
        %get3A_251 = vector.shape_cast %get3A_250 : vector<1x1x16xf32> to vector<16xf32>
        %get3A_252 = arith.constant 2 : i32
        %get3A_253 = arith.constant 0 : i32
        %get3A_254 = arith.index_cast %get3A_252 : i32 to index
        %get3A_255 = arith.index_cast %get3A_253 : i32 to index
        %get3A_256 = arith.constant 32 : index
        %get3A_257 = tpu.vector_load %arg9[%get3A_254, %get3A_255, %get3A_256] {strides = array<i32>} : memref<8x1x128xf32, #tpu.memory_space<vmem>>, vector<1x1x16xf32>,
        %get3A_258 = vector.shape_cast %get3A_257 : vector<1x1x16xf32> to vector<16xf32>
        %get3A_259 = arith.constant 2 : i32
        %get3A_260 = arith.constant 0 : i32
        %get3A_261 = arith.index_cast %get3A_259 : i32 to index
        %get3A_262 = arith.index_cast %get3A_260 : i32 to index
        %get3A_263 = arith.constant 48 : index
        %get3A_264 = tpu.vector_load %arg9[%get3A_261, %get3A_262, %get3A_263] {strides = array<i32>} : memref<8x1x128xf32, #tpu.memory_space<vmem>>, vector<1x1x16xf32>,
        %get3A_265 = vector.shape_cast %get3A_264 : vector<1x1x16xf32> to vector<16xf32>
        %get3A_266 = arith.constant 2 : i32
        %get3A_267 = arith.constant 0 : i32
        %get3A_268 = arith.index_cast %get3A_266 : i32 to index
        %get3A_269 = arith.index_cast %get3A_267 : i32 to index
        %get3A_270 = arith.constant 64 : index
        %get3A_271 = tpu.vector_load %arg9[%get3A_268, %get3A_269, %get3A_270] {strides = array<i32>} : memref<8x1x128xf32, #tpu.memory_space<vmem>>, vector<1x1x16xf32>,
        %get3A_272 = vector.shape_cast %get3A_271 : vector<1x1x16xf32> to vector<16xf32>
        %get3A_273 = arith.constant 2 : i32
        %get3A_274 = arith.constant 0 : i32
        %get3A_275 = arith.index_cast %get3A_273 : i32 to index
        %get3A_276 = arith.index_cast %get3A_274 : i32 to index
        %get3A_277 = arith.constant 80 : index
        %get3A_278 = tpu.vector_load %arg9[%get3A_275, %get3A_276, %get3A_277] {strides = array<i32>} : memref<8x1x128xf32, #tpu.memory_space<vmem>>, vector<1x1x16xf32>,
        %get3A_279 = vector.shape_cast %get3A_278 : vector<1x1x16xf32> to vector<16xf32>
        %get3A_280 = arith.constant 2 : i32
        %get3A_281 = arith.constant 0 : i32
        %get3A_282 = arith.index_cast %get3A_280 : i32 to index
        %get3A_283 = arith.index_cast %get3A_281 : i32 to index
        %get3A_284 = arith.constant 96 : index
        %get3A_285 = tpu.vector_load %arg9[%get3A_282, %get3A_283, %get3A_284] {strides = array<i32>} : memref<8x1x128xf32, #tpu.memory_space<vmem>>, vector<1x1x16xf32>,
        %get3A_286 = vector.shape_cast %get3A_285 : vector<1x1x16xf32> to vector<16xf32>
        %get3A_287 = arith.constant 2 : i32
        %get3A_288 = arith.constant 0 : i32
        %get3A_289 = arith.index_cast %get3A_287 : i32 to index
        %get3A_290 = arith.index_cast %get3A_288 : i32 to index
        %get3A_291 = arith.constant 112 : index
        %get3A_292 = tpu.vector_load %arg9[%get3A_289, %get3A_290, %get3A_291] {strides = array<i32>} : memref<8x1x128xf32, #tpu.memory_space<vmem>>, vector<1x1x16xf32>,
        %get3A_293 = vector.shape_cast %get3A_292 : vector<1x1x16xf32> to vector<16xf32>
        %scan3A_294 = arith.constant 0 : i32
        %scan3A_295 = arith.constant 0 : i32
        %scan3A_296 = arith.constant 28 : i32
        %scan3A_297 = arith.addi %scan3A_295, %scan3A_296 : i32
        %scan3A_298 = arith.constant 1 : i32
        scf.for %scan3A_498 = %scan3A_295 to %scan3A_297 step %scan3A_298  : i32 {
          %get3A_499 = arith.index_cast %scan3A_498 : i32 to index
          %get3A_500 = arith.constant 0 : index
          %get3A_501 = tpu.vector_load %arg10[%get3A_499, %get3A_500] {strides = array<i32>} : memref<28x128xf32, #tpu.memory_space<vmem>>, vector<1x16xf32>,
          %get3A_502 = vector.shape_cast %get3A_501 : vector<1x16xf32> to vector<16xf32>
          %add3A_503 = arith.addf %get3A_244, %get3A_502 : vector<16xf32>
          %add3A_504 = arith.constant 0 : i32
          %add3A_505 = arith.addi %add3A_504, %scan3A_498 : i32
          %swap3A = arith.index_cast %add3A_505 : i32 to index
          %swap3A_506 = arith.constant 0 : index
          %swap3A_507 = tpu.vector_load %arg8[%swap3A, %swap3A_506] {strides = array<i32>} : memref<56x128xf32, #tpu.memory_space<vmem>>, vector<1x16xf32>,
          %swap3A_508 = vector.shape_cast %swap3A_507 : vector<1x16xf32> to vector<16xf32>
          %swap3A_509 = vector.shape_cast %add3A_503 : vector<16xf32> to vector<1x16xf32>
          tpu.vector_store %arg8[%swap3A, %swap3A_506], %swap3A_509 {strides = array<i32>} : memref<56x128xf32, #tpu.memory_space<vmem>>, vector<1x16xf32>,
          %get3A_510 = arith.index_cast %scan3A_498 : i32 to index
          %get3A_511 = arith.constant 16 : index
          %get3A_512 = tpu.vector_load %arg10[%get3A_510, %get3A_511] {strides = array<i32>} : memref<28x128xf32, #tpu.memory_space<vmem>>, vector<1x16xf32>,
          %get3A_513 = vector.shape_cast %get3A_512 : vector<1x16xf32> to vector<16xf32>
          %add3A_514 = arith.addf %get3A_251, %get3A_513 : vector<16xf32>
          %add3A_515 = arith.constant 0 : i32
          %add3A_516 = arith.addi %add3A_515, %scan3A_498 : i32
          %swap3A_517 = arith.index_cast %add3A_516 : i32 to index
          %swap3A_518 = arith.constant 16 : index
          %swap3A_519 = tpu.vector_load %arg8[%swap3A_517, %swap3A_518] {strides = array<i32>} : memref<56x128xf32, #tpu.memory_space<vmem>>, vector<1x16xf32>,
          %swap3A_520 = vector.shape_cast %swap3A_519 : vector<1x16xf32> to vector<16xf32>
          %swap3A_521 = vector.shape_cast %add3A_514 : vector<16xf32> to vector<1x16xf32>
          tpu.vector_store %arg8[%swap3A_517, %swap3A_518], %swap3A_521 {strides = array<i32>} : memref<56x128xf32, #tpu.memory_space<vmem>>, vector<1x16xf32>,
          %get3A_522 = arith.index_cast %scan3A_498 : i32 to index
          %get3A_523 = arith.constant 32 : index
          %get3A_524 = tpu.vector_load %arg10[%get3A_522, %get3A_523] {strides = array<i32>} : memref<28x128xf32, #tpu.memory_space<vmem>>, vector<1x16xf32>,
          %get3A_525 = vector.shape_cast %get3A_524 : vector<1x16xf32> to vector<16xf32>
          %add3A_526 = arith.addf %get3A_258, %get3A_525 : vector<16xf32>
          %add3A_527 = arith.constant 0 : i32
          %add3A_528 = arith.addi %add3A_527, %scan3A_498 : i32
          %swap3A_529 = arith.index_cast %add3A_528 : i32 to index
          %swap3A_530 = arith.constant 32 : index
          %swap3A_531 = tpu.vector_load %arg8[%swap3A_529, %swap3A_530] {strides = array<i32>} : memref<56x128xf32, #tpu.memory_space<vmem>>, vector<1x16xf32>,
          %swap3A_532 = vector.shape_cast %swap3A_531 : vector<1x16xf32> to vector<16xf32>
          %swap3A_533 = vector.shape_cast %add3A_526 : vector<16xf32> to vector<1x16xf32>
          tpu.vector_store %arg8[%swap3A_529, %swap3A_530], %swap3A_533 {strides = array<i32>} : memref<56x128xf32, #tpu.memory_space<vmem>>, vector<1x16xf32>,
          %get3A_534 = arith.index_cast %scan3A_498 : i32 to index
          %get3A_535 = arith.constant 48 : index
          %get3A_536 = tpu.vector_load %arg10[%get3A_534, %get3A_535] {strides = array<i32>} : memref<28x128xf32, #tpu.memory_space<vmem>>, vector<1x16xf32>,
          %get3A_537 = vector.shape_cast %get3A_536 : vector<1x16xf32> to vector<16xf32>
          %add3A_538 = arith.addf %get3A_265, %get3A_537 : vector<16xf32>
          %add3A_539 = arith.constant 0 : i32
          %add3A_540 = arith.addi %add3A_539, %scan3A_498 : i32
          %swap3A_541 = arith.index_cast %add3A_540 : i32 to index
          %swap3A_542 = arith.constant 48 : index
          %swap3A_543 = tpu.vector_load %arg8[%swap3A_541, %swap3A_542] {strides = array<i32>} : memref<56x128xf32, #tpu.memory_space<vmem>>, vector<1x16xf32>,
          %swap3A_544 = vector.shape_cast %swap3A_543 : vector<1x16xf32> to vector<16xf32>
          %swap3A_545 = vector.shape_cast %add3A_538 : vector<16xf32> to vector<1x16xf32>
          tpu.vector_store %arg8[%swap3A_541, %swap3A_542], %swap3A_545 {strides = array<i32>} : memref<56x128xf32, #tpu.memory_space<vmem>>, vector<1x16xf32>,
          %get3A_546 = arith.index_cast %scan3A_498 : i32 to index
          %get3A_547 = arith.constant 64 : index
          %get3A_548 = tpu.vector_load %arg10[%get3A_546, %get3A_547] {strides = array<i32>} : memref<28x128xf32, #tpu.memory_space<vmem>>, vector<1x16xf32>,
          %get3A_549 = vector.shape_cast %get3A_548 : vector<1x16xf32> to vector<16xf32>
          %add3A_550 = arith.addf %get3A_272, %get3A_549 : vector<16xf32>
          %add3A_551 = arith.constant 0 : i32
          %add3A_552 = arith.addi %add3A_551, %scan3A_498 : i32
          %swap3A_553 = arith.index_cast %add3A_552 : i32 to index
          %swap3A_554 = arith.constant 64 : index
          %swap3A_555 = tpu.vector_load %arg8[%swap3A_553, %swap3A_554] {strides = array<i32>} : memref<56x128xf32, #tpu.memory_space<vmem>>, vector<1x16xf32>,
          %swap3A_556 = vector.shape_cast %swap3A_555 : vector<1x16xf32> to vector<16xf32>
          %swap3A_557 = vector.shape_cast %add3A_550 : vector<16xf32> to vector<1x16xf32>
          tpu.vector_store %arg8[%swap3A_553, %swap3A_554], %swap3A_557 {strides = array<i32>} : memref<56x128xf32, #tpu.memory_space<vmem>>, vector<1x16xf32>,
          %get3A_558 = arith.index_cast %scan3A_498 : i32 to index
          %get3A_559 = arith.constant 80 : index
          %get3A_560 = tpu.vector_load %arg10[%get3A_558, %get3A_559] {strides = array<i32>} : memref<28x128xf32, #tpu.memory_space<vmem>>, vector<1x16xf32>,
          %get3A_561 = vector.shape_cast %get3A_560 : vector<1x16xf32> to vector<16xf32>
          %add3A_562 = arith.addf %get3A_279, %get3A_561 : vector<16xf32>
          %add3A_563 = arith.constant 0 : i32
          %add3A_564 = arith.addi %add3A_563, %scan3A_498 : i32
          %swap3A_565 = arith.index_cast %add3A_564 : i32 to index
          %swap3A_566 = arith.constant 80 : index
          %swap3A_567 = tpu.vector_load %arg8[%swap3A_565, %swap3A_566] {strides = array<i32>} : memref<56x128xf32, #tpu.memory_space<vmem>>, vector<1x16xf32>,
          %swap3A_568 = vector.shape_cast %swap3A_567 : vector<1x16xf32> to vector<16xf32>
          %swap3A_569 = vector.shape_cast %add3A_562 : vector<16xf32> to vector<1x16xf32>
          tpu.vector_store %arg8[%swap3A_565, %swap3A_566], %swap3A_569 {strides = array<i32>} : memref<56x128xf32, #tpu.memory_space<vmem>>, vector<1x16xf32>,
          %get3A_570 = arith.index_cast %scan3A_498 : i32 to index
          %get3A_571 = arith.constant 96 : index
          %get3A_572 = tpu.vector_load %arg10[%get3A_570, %get3A_571] {strides = array<i32>} : memref<28x128xf32, #tpu.memory_space<vmem>>, vector<1x16xf32>,
          %get3A_573 = vector.shape_cast %get3A_572 : vector<1x16xf32> to vector<16xf32>
          %add3A_574 = arith.addf %get3A_286, %get3A_573 : vector<16xf32>
          %add3A_575 = arith.constant 0 : i32
          %add3A_576 = arith.addi %add3A_575, %scan3A_498 : i32
          %swap3A_577 = arith.index_cast %add3A_576 : i32 to index
          %swap3A_578 = arith.constant 96 : index
          %swap3A_579 = tpu.vector_load %arg8[%swap3A_577, %swap3A_578] {strides = array<i32>} : memref<56x128xf32, #tpu.memory_space<vmem>>, vector<1x16xf32>,
          %swap3A_580 = vector.shape_cast %swap3A_579 : vector<1x16xf32> to vector<16xf32>
          %swap3A_581 = vector.shape_cast %add3A_574 : vector<16xf32> to vector<1x16xf32>
          tpu.vector_store %arg8[%swap3A_577, %swap3A_578], %swap3A_581 {strides = array<i32>} : memref<56x128xf32, #tpu.memory_space<vmem>>, vector<1x16xf32>,
          %get3A_582 = arith.index_cast %scan3A_498 : i32 to index
          %get3A_583 = arith.constant 112 : index
          %get3A_584 = tpu.vector_load %arg10[%get3A_582, %get3A_583] {strides = array<i32>} : memref<28x128xf32, #tpu.memory_space<vmem>>, vector<1x16xf32>,
          %get3A_585 = vector.shape_cast %get3A_584 : vector<1x16xf32> to vector<16xf32>
          %add3A_586 = arith.addf %get3A_293, %get3A_585 : vector<16xf32>
          %add3A_587 = arith.constant 0 : i32
          %add3A_588 = arith.addi %add3A_587, %scan3A_498 : i32
          %swap3A_589 = arith.index_cast %add3A_588 : i32 to index
          %swap3A_590 = arith.constant 112 : index
          %swap3A_591 = tpu.vector_load %arg8[%swap3A_589, %swap3A_590] {strides = array<i32>} : memref<56x128xf32, #tpu.memory_space<vmem>>, vector<1x16xf32>,
          %swap3A_592 = vector.shape_cast %swap3A_591 : vector<1x16xf32> to vector<16xf32>
          %swap3A_593 = vector.shape_cast %add3A_586 : vector<16xf32> to vector<1x16xf32>
          tpu.vector_store %arg8[%swap3A_589, %swap3A_590], %swap3A_593 {strides = array<i32>} : memref<56x128xf32, #tpu.memory_space<vmem>>, vector<1x16xf32>,
        }
        %scan3A_299 = arith.constant 28 : i32
        %get3A_300 = arith.constant 3 : i32
        %get3A_301 = arith.constant 0 : i32
        %get3A_302 = arith.index_cast %get3A_300 : i32 to index
        %get3A_303 = arith.index_cast %get3A_301 : i32 to index
        %get3A_304 = arith.constant 0 : index
        %get3A_305 = tpu.vector_load %arg9[%get3A_302, %get3A_303, %get3A_304] {strides = array<i32>} : memref<8x1x128xf32, #tpu.memory_space<vmem>>, vector<1x1x16xf32>,
        %get3A_306 = vector.shape_cast %get3A_305 : vector<1x1x16xf32> to vector<16xf32>
        %get3A_307 = arith.constant 3 : i32
        %get3A_308 = arith.constant 0 : i32
        %get3A_309 = arith.index_cast %get3A_307 : i32 to index
        %get3A_310 = arith.index_cast %get3A_308 : i32 to index
        %get3A_311 = arith.constant 16 : index
        %get3A_312 = tpu.vector_load %arg9[%get3A_309, %get3A_310, %get3A_311] {strides = array<i32>} : memref<8x1x128xf32, #tpu.memory_space<vmem>>, vector<1x1x16xf32>,
        %get3A_313 = vector.shape_cast %get3A_312 : vector<1x1x16xf32> to vector<16xf32>
        %get3A_314 = arith.constant 3 : i32
        %get3A_315 = arith.constant 0 : i32
        %get3A_316 = arith.index_cast %get3A_314 : i32 to index
        %get3A_317 = arith.index_cast %get3A_315 : i32 to index
        %get3A_318 = arith.constant 32 : index
        %get3A_319 = tpu.vector_load %arg9[%get3A_316, %get3A_317, %get3A_318] {strides = array<i32>} : memref<8x1x128xf32, #tpu.memory_space<vmem>>, vector<1x1x16xf32>,
        %get3A_320 = vector.shape_cast %get3A_319 : vector<1x1x16xf32> to vector<16xf32>
        %get3A_321 = arith.constant 3 : i32
        %get3A_322 = arith.constant 0 : i32
        %get3A_323 = arith.index_cast %get3A_321 : i32 to index
        %get3A_324 = arith.index_cast %get3A_322 : i32 to index
        %get3A_325 = arith.constant 48 : index
        %get3A_326 = tpu.vector_load %arg9[%get3A_323, %get3A_324, %get3A_325] {strides = array<i32>} : memref<8x1x128xf32, #tpu.memory_space<vmem>>, vector<1x1x16xf32>,
        %get3A_327 = vector.shape_cast %get3A_326 : vector<1x1x16xf32> to vector<16xf32>
        %get3A_328 = arith.constant 3 : i32
        %get3A_329 = arith.constant 0 : i32
        %get3A_330 = arith.index_cast %get3A_328 : i32 to index
        %get3A_331 = arith.index_cast %get3A_329 : i32 to index
        %get3A_332 = arith.constant 64 : index
        %get3A_333 = tpu.vector_load %arg9[%get3A_330, %get3A_331, %get3A_332] {strides = array<i32>} : memref<8x1x128xf32, #tpu.memory_space<vmem>>, vector<1x1x16xf32>,
        %get3A_334 = vector.shape_cast %get3A_333 : vector<1x1x16xf32> to vector<16xf32>
        %get3A_335 = arith.constant 3 : i32
        %get3A_336 = arith.constant 0 : i32
        %get3A_337 = arith.index_cast %get3A_335 : i32 to index
        %get3A_338 = arith.index_cast %get3A_336 : i32 to index
        %get3A_339 = arith.constant 80 : index
        %get3A_340 = tpu.vector_load %arg9[%get3A_337, %get3A_338, %get3A_339] {strides = array<i32>} : memref<8x1x128xf32, #tpu.memory_space<vmem>>, vector<1x1x16xf32>,
        %get3A_341 = vector.shape_cast %get3A_340 : vector<1x1x16xf32> to vector<16xf32>
        %get3A_342 = arith.constant 3 : i32
        %get3A_343 = arith.constant 0 : i32
        %get3A_344 = arith.index_cast %get3A_342 : i32 to index
        %get3A_345 = arith.index_cast %get3A_343 : i32 to index
        %get3A_346 = arith.constant 96 : index
        %get3A_347 = tpu.vector_load %arg9[%get3A_344, %get3A_345, %get3A_346] {strides = array<i32>} : memref<8x1x128xf32, #tpu.memory_space<vmem>>, vector<1x1x16xf32>,
        %get3A_348 = vector.shape_cast %get3A_347 : vector<1x1x16xf32> to vector<16xf32>
        %get3A_349 = arith.constant 3 : i32
        %get3A_350 = arith.constant 0 : i32
        %get3A_351 = arith.index_cast %get3A_349 : i32 to index
        %get3A_352 = arith.index_cast %get3A_350 : i32 to index
        %get3A_353 = arith.constant 112 : index
        %get3A_354 = tpu.vector_load %arg9[%get3A_351, %get3A_352, %get3A_353] {strides = array<i32>} : memref<8x1x128xf32, #tpu.memory_space<vmem>>, vector<1x1x16xf32>,
        %get3A_355 = vector.shape_cast %get3A_354 : vector<1x1x16xf32> to vector<16xf32>
        %scan3A_356 = arith.constant 0 : i32
        %scan3A_357 = arith.constant 0 : i32
        %scan3A_358 = arith.constant 28 : i32
        %scan3A_359 = arith.addi %scan3A_357, %scan3A_358 : i32
        %scan3A_360 = arith.constant 1 : i32
        scf.for %scan3A_498 = %scan3A_357 to %scan3A_359 step %scan3A_360  : i32 {
          %get3A_499 = arith.index_cast %scan3A_498 : i32 to index
          %get3A_500 = arith.constant 0 : index
          %get3A_501 = tpu.vector_load %arg10[%get3A_499, %get3A_500] {strides = array<i32>} : memref<28x128xf32, #tpu.memory_space<vmem>>, vector<1x16xf32>,
          %get3A_502 = vector.shape_cast %get3A_501 : vector<1x16xf32> to vector<16xf32>
          %add3A_503 = arith.addf %get3A_306, %get3A_502 : vector<16xf32>
          %add3A_504 = arith.constant 28 : i32
          %add3A_505 = arith.addi %add3A_504, %scan3A_498 : i32
          %swap3A = arith.index_cast %add3A_505 : i32 to index
          %swap3A_506 = arith.constant 0 : index
          %swap3A_507 = tpu.vector_load %arg8[%swap3A, %swap3A_506] {strides = array<i32>} : memref<56x128xf32, #tpu.memory_space<vmem>>, vector<1x16xf32>,
          %swap3A_508 = vector.shape_cast %swap3A_507 : vector<1x16xf32> to vector<16xf32>
          %swap3A_509 = vector.shape_cast %add3A_503 : vector<16xf32> to vector<1x16xf32>
          tpu.vector_store %arg8[%swap3A, %swap3A_506], %swap3A_509 {strides = array<i32>} : memref<56x128xf32, #tpu.memory_space<vmem>>, vector<1x16xf32>,
          %get3A_510 = arith.index_cast %scan3A_498 : i32 to index
          %get3A_511 = arith.constant 16 : index
          %get3A_512 = tpu.vector_load %arg10[%get3A_510, %get3A_511] {strides = array<i32>} : memref<28x128xf32, #tpu.memory_space<vmem>>, vector<1x16xf32>,
          %get3A_513 = vector.shape_cast %get3A_512 : vector<1x16xf32> to vector<16xf32>
          %add3A_514 = arith.addf %get3A_313, %get3A_513 : vector<16xf32>
          %add3A_515 = arith.constant 28 : i32
          %add3A_516 = arith.addi %add3A_515, %scan3A_498 : i32
          %swap3A_517 = arith.index_cast %add3A_516 : i32 to index
          %swap3A_518 = arith.constant 16 : index
          %swap3A_519 = tpu.vector_load %arg8[%swap3A_517, %swap3A_518] {strides = array<i32>} : memref<56x128xf32, #tpu.memory_space<vmem>>, vector<1x16xf32>,
          %swap3A_520 = vector.shape_cast %swap3A_519 : vector<1x16xf32> to vector<16xf32>
          %swap3A_521 = vector.shape_cast %add3A_514 : vector<16xf32> to vector<1x16xf32>
          tpu.vector_store %arg8[%swap3A_517, %swap3A_518], %swap3A_521 {strides = array<i32>} : memref<56x128xf32, #tpu.memory_space<vmem>>, vector<1x16xf32>,
          %get3A_522 = arith.index_cast %scan3A_498 : i32 to index
          %get3A_523 = arith.constant 32 : index
          %get3A_524 = tpu.vector_load %arg10[%get3A_522, %get3A_523] {strides = array<i32>} : memref<28x128xf32, #tpu.memory_space<vmem>>, vector<1x16xf32>,
          %get3A_525 = vector.shape_cast %get3A_524 : vector<1x16xf32> to vector<16xf32>
          %add3A_526 = arith.addf %get3A_320, %get3A_525 : vector<16xf32>
          %add3A_527 = arith.constant 28 : i32
          %add3A_528 = arith.addi %add3A_527, %scan3A_498 : i32
          %swap3A_529 = arith.index_cast %add3A_528 : i32 to index
          %swap3A_530 = arith.constant 32 : index
          %swap3A_531 = tpu.vector_load %arg8[%swap3A_529, %swap3A_530] {strides = array<i32>} : memref<56x128xf32, #tpu.memory_space<vmem>>, vector<1x16xf32>,
          %swap3A_532 = vector.shape_cast %swap3A_531 : vector<1x16xf32> to vector<16xf32>
          %swap3A_533 = vector.shape_cast %add3A_526 : vector<16xf32> to vector<1x16xf32>
          tpu.vector_store %arg8[%swap3A_529, %swap3A_530], %swap3A_533 {strides = array<i32>} : memref<56x128xf32, #tpu.memory_space<vmem>>, vector<1x16xf32>,
          %get3A_534 = arith.index_cast %scan3A_498 : i32 to index
          %get3A_535 = arith.constant 48 : index
          %get3A_536 = tpu.vector_load %arg10[%get3A_534, %get3A_535] {strides = array<i32>} : memref<28x128xf32, #tpu.memory_space<vmem>>, vector<1x16xf32>,
          %get3A_537 = vector.shape_cast %get3A_536 : vector<1x16xf32> to vector<16xf32>
          %add3A_538 = arith.addf %get3A_327, %get3A_537 : vector<16xf32>
          %add3A_539 = arith.constant 28 : i32
          %add3A_540 = arith.addi %add3A_539, %scan3A_498 : i32
          %swap3A_541 = arith.index_cast %add3A_540 : i32 to index
          %swap3A_542 = arith.constant 48 : index
          %swap3A_543 = tpu.vector_load %arg8[%swap3A_541, %swap3A_542] {strides = array<i32>} : memref<56x128xf32, #tpu.memory_space<vmem>>, vector<1x16xf32>,
          %swap3A_544 = vector.shape_cast %swap3A_543 : vector<1x16xf32> to vector<16xf32>
          %swap3A_545 = vector.shape_cast %add3A_538 : vector<16xf32> to vector<1x16xf32>
          tpu.vector_store %arg8[%swap3A_541, %swap3A_542], %swap3A_545 {strides = array<i32>} : memref<56x128xf32, #tpu.memory_space<vmem>>, vector<1x16xf32>,
          %get3A_546 = arith.index_cast %scan3A_498 : i32 to index
          %get3A_547 = arith.constant 64 : index
          %get3A_548 = tpu.vector_load %arg10[%get3A_546, %get3A_547] {strides = array<i32>} : memref<28x128xf32, #tpu.memory_space<vmem>>, vector<1x16xf32>,
          %get3A_549 = vector.shape_cast %get3A_548 : vector<1x16xf32> to vector<16xf32>
          %add3A_550 = arith.addf %get3A_334, %get3A_549 : vector<16xf32>
          %add3A_551 = arith.constant 28 : i32
          %add3A_552 = arith.addi %add3A_551, %scan3A_498 : i32
          %swap3A_553 = arith.index_cast %add3A_552 : i32 to index
          %swap3A_554 = arith.constant 64 : index
          %swap3A_555 = tpu.vector_load %arg8[%swap3A_553, %swap3A_554] {strides = array<i32>} : memref<56x128xf32, #tpu.memory_space<vmem>>, vector<1x16xf32>,
          %swap3A_556 = vector.shape_cast %swap3A_555 : vector<1x16xf32> to vector<16xf32>
          %swap3A_557 = vector.shape_cast %add3A_550 : vector<16xf32> to vector<1x16xf32>
          tpu.vector_store %arg8[%swap3A_553, %swap3A_554], %swap3A_557 {strides = array<i32>} : memref<56x128xf32, #tpu.memory_space<vmem>>, vector<1x16xf32>,
          %get3A_558 = arith.index_cast %scan3A_498 : i32 to index
          %get3A_559 = arith.constant 80 : index
          %get3A_560 = tpu.vector_load %arg10[%get3A_558, %get3A_559] {strides = array<i32>} : memref<28x128xf32, #tpu.memory_space<vmem>>, vector<1x16xf32>,
          %get3A_561 = vector.shape_cast %get3A_560 : vector<1x16xf32> to vector<16xf32>
          %add3A_562 = arith.addf %get3A_341, %get3A_561 : vector<16xf32>
          %add3A_563 = arith.constant 28 : i32
          %add3A_564 = arith.addi %add3A_563, %scan3A_498 : i32
          %swap3A_565 = arith.index_cast %add3A_564 : i32 to index
          %swap3A_566 = arith.constant 80 : index
          %swap3A_567 = tpu.vector_load %arg8[%swap3A_565, %swap3A_566] {strides = array<i32>} : memref<56x128xf32, #tpu.memory_space<vmem>>, vector<1x16xf32>,
          %swap3A_568 = vector.shape_cast %swap3A_567 : vector<1x16xf32> to vector<16xf32>
          %swap3A_569 = vector.shape_cast %add3A_562 : vector<16xf32> to vector<1x16xf32>
          tpu.vector_store %arg8[%swap3A_565, %swap3A_566], %swap3A_569 {strides = array<i32>} : memref<56x128xf32, #tpu.memory_space<vmem>>, vector<1x16xf32>,
          %get3A_570 = arith.index_cast %scan3A_498 : i32 to index
          %get3A_571 = arith.constant 96 : index
          %get3A_572 = tpu.vector_load %arg10[%get3A_570, %get3A_571] {strides = array<i32>} : memref<28x128xf32, #tpu.memory_space<vmem>>, vector<1x16xf32>,
          %get3A_573 = vector.shape_cast %get3A_572 : vector<1x16xf32> to vector<16xf32>
          %add3A_574 = arith.addf %get3A_348, %get3A_573 : vector<16xf32>
          %add3A_575 = arith.constant 28 : i32
          %add3A_576 = arith.addi %add3A_575, %scan3A_498 : i32
          %swap3A_577 = arith.index_cast %add3A_576 : i32 to index
          %swap3A_578 = arith.constant 96 : index
          %swap3A_579 = tpu.vector_load %arg8[%swap3A_577, %swap3A_578] {strides = array<i32>} : memref<56x128xf32, #tpu.memory_space<vmem>>, vector<1x16xf32>,
          %swap3A_580 = vector.shape_cast %swap3A_579 : vector<1x16xf32> to vector<16xf32>
          %swap3A_581 = vector.shape_cast %add3A_574 : vector<16xf32> to vector<1x16xf32>
          tpu.vector_store %arg8[%swap3A_577, %swap3A_578], %swap3A_581 {strides = array<i32>} : memref<56x128xf32, #tpu.memory_space<vmem>>, vector<1x16xf32>,
          %get3A_582 = arith.index_cast %scan3A_498 : i32 to index
          %get3A_583 = arith.constant 112 : index
          %get3A_584 = tpu.vector_load %arg10[%get3A_582, %get3A_583] {strides = array<i32>} : memref<28x128xf32, #tpu.memory_space<vmem>>, vector<1x16xf32>,
          %get3A_585 = vector.shape_cast %get3A_584 : vector<1x16xf32> to vector<16xf32>
          %add3A_586 = arith.addf %get3A_355, %get3A_585 : vector<16xf32>
          %add3A_587 = arith.constant 28 : i32
          %add3A_588 = arith.addi %add3A_587, %scan3A_498 : i32
          %swap3A_589 = arith.index_cast %add3A_588 : i32 to index
          %swap3A_590 = arith.constant 112 : index
          %swap3A_591 = tpu.vector_load %arg8[%swap3A_589, %swap3A_590] {strides = array<i32>} : memref<56x128xf32, #tpu.memory_space<vmem>>, vector<1x16xf32>,
          %swap3A_592 = vector.shape_cast %swap3A_591 : vector<1x16xf32> to vector<16xf32>
          %swap3A_593 = vector.shape_cast %add3A_586 : vector<16xf32> to vector<1x16xf32>
          tpu.vector_store %arg8[%swap3A_589, %swap3A_590], %swap3A_593 {strides = array<i32>} : memref<56x128xf32, #tpu.memory_space<vmem>>, vector<1x16xf32>,
        }
        %scan3A_361 = arith.constant 28 : i32
        %mul3A_362 = arith.constant 6 : i32
        %mul3A_363 = arith.muli %arg1, %mul3A_362 : i32
        %add3A_364 = arith.constant 2 : i32
        %add3A_365 = arith.addi %mul3A_363, %add3A_364 : i32
        %mul3A_366 = arith.constant 28 : i32
        %mul3A_367 = arith.muli %add3A_365, %mul3A_366 : i32
        "tpu.region"() ({
          %run_scoped3A = tpu.sem_alloc : memref<!tpu.dma_semaphore, #tpu.memory_space<semaphore_mem>>
          %dma_start3A_498 = arith.constant 0 : i32
          %dma_start3A_499 = tpu.memref_slice %arg12[%mul3A_367, %dma_start3A_498] : memref<2912x128xf32, #tpu.memory_space<vmem_shared>> -> memref<56x128xf32, #tpu.memory_space<vmem_shared>>
          %dma_start3A_500 = arith.constant 0 : i32
          %dma_start3A_501 = tpu.memref_slice %arg12[%mul3A_367, %dma_start3A_500] : memref<2912x128xf32, #tpu.memory_space<vmem_shared>> -> memref<56x128xf32, #tpu.memory_space<vmem_shared>>
          tpu.enqueue_dma source(%arg8 : memref<56x128xf32, #tpu.memory_space<vmem>>) target(%dma_start3A_501 : memref<56x128xf32, #tpu.memory_space<vmem_shared>>) target_semaphore(%run_scoped3A : memref<!tpu.dma_semaphore, #tpu.memory_space<semaphore_mem>>)
          %dma_wait3A_502 = arith.constant 0 : i32
          %dma_wait3A_503 = tpu.memref_slice %arg12[%mul3A_367, %dma_wait3A_502] : memref<2912x128xf32, #tpu.memory_space<vmem_shared>> -> memref<56x128xf32, #tpu.memory_space<vmem_shared>>
          %dma_wait3A_504 = arith.constant 0 : i32
          %dma_wait3A_505 = tpu.memref_slice %arg12[%mul3A_367, %dma_wait3A_504] : memref<2912x128xf32, #tpu.memory_space<vmem_shared>> -> memref<56x128xf32, #tpu.memory_space<vmem_shared>>
          tpu.wait_dma2 semaphore(%run_scoped3A : memref<!tpu.dma_semaphore, #tpu.memory_space<semaphore_mem>>) src(%arg8 : memref<56x128xf32, #tpu.memory_space<vmem>>) dst(%dma_wait3A_505 : memref<56x128xf32, #tpu.memory_space<vmem_shared>>)
          tpu.yield
        }) : () -> ()
        %get3A_368 = arith.constant 4 : i32
        %get3A_369 = arith.constant 0 : i32
        %get3A_370 = arith.index_cast %get3A_368 : i32 to index
        %get3A_371 = arith.index_cast %get3A_369 : i32 to index
        %get3A_372 = arith.constant 0 : index
        %get3A_373 = tpu.vector_load %arg9[%get3A_370, %get3A_371, %get3A_372] {strides = array<i32>} : memref<8x1x128xf32, #tpu.memory_space<vmem>>, vector<1x1x16xf32>,
        %get3A_374 = vector.shape_cast %get3A_373 : vector<1x1x16xf32> to vector<16xf32>
        %get3A_375 = arith.constant 4 : i32
        %get3A_376 = arith.constant 0 : i32
        %get3A_377 = arith.index_cast %get3A_375 : i32 to index
        %get3A_378 = arith.index_cast %get3A_376 : i32 to index
        %get3A_379 = arith.constant 16 : index
        %get3A_380 = tpu.vector_load %arg9[%get3A_377, %get3A_378, %get3A_379] {strides = array<i32>} : memref<8x1x128xf32, #tpu.memory_space<vmem>>, vector<1x1x16xf32>,
        %get3A_381 = vector.shape_cast %get3A_380 : vector<1x1x16xf32> to vector<16xf32>
        %get3A_382 = arith.constant 4 : i32
        %get3A_383 = arith.constant 0 : i32
        %get3A_384 = arith.index_cast %get3A_382 : i32 to index
        %get3A_385 = arith.index_cast %get3A_383 : i32 to index
        %get3A_386 = arith.constant 32 : index
        %get3A_387 = tpu.vector_load %arg9[%get3A_384, %get3A_385, %get3A_386] {strides = array<i32>} : memref<8x1x128xf32, #tpu.memory_space<vmem>>, vector<1x1x16xf32>,
        %get3A_388 = vector.shape_cast %get3A_387 : vector<1x1x16xf32> to vector<16xf32>
        %get3A_389 = arith.constant 4 : i32
        %get3A_390 = arith.constant 0 : i32
        %get3A_391 = arith.index_cast %get3A_389 : i32 to index
        %get3A_392 = arith.index_cast %get3A_390 : i32 to index
        %get3A_393 = arith.constant 48 : index
        %get3A_394 = tpu.vector_load %arg9[%get3A_391, %get3A_392, %get3A_393] {strides = array<i32>} : memref<8x1x128xf32, #tpu.memory_space<vmem>>, vector<1x1x16xf32>,
        %get3A_395 = vector.shape_cast %get3A_394 : vector<1x1x16xf32> to vector<16xf32>
        %get3A_396 = arith.constant 4 : i32
        %get3A_397 = arith.constant 0 : i32
        %get3A_398 = arith.index_cast %get3A_396 : i32 to index
        %get3A_399 = arith.index_cast %get3A_397 : i32 to index
        %get3A_400 = arith.constant 64 : index
        %get3A_401 = tpu.vector_load %arg9[%get3A_398, %get3A_399, %get3A_400] {strides = array<i32>} : memref<8x1x128xf32, #tpu.memory_space<vmem>>, vector<1x1x16xf32>,
        %get3A_402 = vector.shape_cast %get3A_401 : vector<1x1x16xf32> to vector<16xf32>
        %get3A_403 = arith.constant 4 : i32
        %get3A_404 = arith.constant 0 : i32
        %get3A_405 = arith.index_cast %get3A_403 : i32 to index
        %get3A_406 = arith.index_cast %get3A_404 : i32 to index
        %get3A_407 = arith.constant 80 : index
        %get3A_408 = tpu.vector_load %arg9[%get3A_405, %get3A_406, %get3A_407] {strides = array<i32>} : memref<8x1x128xf32, #tpu.memory_space<vmem>>, vector<1x1x16xf32>,
        %get3A_409 = vector.shape_cast %get3A_408 : vector<1x1x16xf32> to vector<16xf32>
        %get3A_410 = arith.constant 4 : i32
        %get3A_411 = arith.constant 0 : i32
        %get3A_412 = arith.index_cast %get3A_410 : i32 to index
        %get3A_413 = arith.index_cast %get3A_411 : i32 to index
        %get3A_414 = arith.constant 96 : index
        %get3A_415 = tpu.vector_load %arg9[%get3A_412, %get3A_413, %get3A_414] {strides = array<i32>} : memref<8x1x128xf32, #tpu.memory_space<vmem>>, vector<1x1x16xf32>,
        %get3A_416 = vector.shape_cast %get3A_415 : vector<1x1x16xf32> to vector<16xf32>
        %get3A_417 = arith.constant 4 : i32
        %get3A_418 = arith.constant 0 : i32
        %get3A_419 = arith.index_cast %get3A_417 : i32 to index
        %get3A_420 = arith.index_cast %get3A_418 : i32 to index
        %get3A_421 = arith.constant 112 : index
        %get3A_422 = tpu.vector_load %arg9[%get3A_419, %get3A_420, %get3A_421] {strides = array<i32>} : memref<8x1x128xf32, #tpu.memory_space<vmem>>, vector<1x1x16xf32>,
        %get3A_423 = vector.shape_cast %get3A_422 : vector<1x1x16xf32> to vector<16xf32>
        %scan3A_424 = arith.constant 0 : i32
        %scan3A_425 = arith.constant 0 : i32
        %scan3A_426 = arith.constant 28 : i32
        %scan3A_427 = arith.addi %scan3A_425, %scan3A_426 : i32
        %scan3A_428 = arith.constant 1 : i32
        scf.for %scan3A_498 = %scan3A_425 to %scan3A_427 step %scan3A_428  : i32 {
          %get3A_499 = arith.index_cast %scan3A_498 : i32 to index
          %get3A_500 = arith.constant 0 : index
          %get3A_501 = tpu.vector_load %arg10[%get3A_499, %get3A_500] {strides = array<i32>} : memref<28x128xf32, #tpu.memory_space<vmem>>, vector<1x16xf32>,
          %get3A_502 = vector.shape_cast %get3A_501 : vector<1x16xf32> to vector<16xf32>
          %add3A_503 = arith.addf %get3A_374, %get3A_502 : vector<16xf32>
          %add3A_504 = arith.constant 0 : i32
          %add3A_505 = arith.addi %add3A_504, %scan3A_498 : i32
          %swap3A = arith.index_cast %add3A_505 : i32 to index
          %swap3A_506 = arith.constant 0 : index
          %swap3A_507 = tpu.vector_load %arg8[%swap3A, %swap3A_506] {strides = array<i32>} : memref<56x128xf32, #tpu.memory_space<vmem>>, vector<1x16xf32>,
          %swap3A_508 = vector.shape_cast %swap3A_507 : vector<1x16xf32> to vector<16xf32>
          %swap3A_509 = vector.shape_cast %add3A_503 : vector<16xf32> to vector<1x16xf32>
          tpu.vector_store %arg8[%swap3A, %swap3A_506], %swap3A_509 {strides = array<i32>} : memref<56x128xf32, #tpu.memory_space<vmem>>, vector<1x16xf32>,
          %get3A_510 = arith.index_cast %scan3A_498 : i32 to index
          %get3A_511 = arith.constant 16 : index
          %get3A_512 = tpu.vector_load %arg10[%get3A_510, %get3A_511] {strides = array<i32>} : memref<28x128xf32, #tpu.memory_space<vmem>>, vector<1x16xf32>,
          %get3A_513 = vector.shape_cast %get3A_512 : vector<1x16xf32> to vector<16xf32>
          %add3A_514 = arith.addf %get3A_381, %get3A_513 : vector<16xf32>
          %add3A_515 = arith.constant 0 : i32
          %add3A_516 = arith.addi %add3A_515, %scan3A_498 : i32
          %swap3A_517 = arith.index_cast %add3A_516 : i32 to index
          %swap3A_518 = arith.constant 16 : index
          %swap3A_519 = tpu.vector_load %arg8[%swap3A_517, %swap3A_518] {strides = array<i32>} : memref<56x128xf32, #tpu.memory_space<vmem>>, vector<1x16xf32>,
          %swap3A_520 = vector.shape_cast %swap3A_519 : vector<1x16xf32> to vector<16xf32>
          %swap3A_521 = vector.shape_cast %add3A_514 : vector<16xf32> to vector<1x16xf32>
          tpu.vector_store %arg8[%swap3A_517, %swap3A_518], %swap3A_521 {strides = array<i32>} : memref<56x128xf32, #tpu.memory_space<vmem>>, vector<1x16xf32>,
          %get3A_522 = arith.index_cast %scan3A_498 : i32 to index
          %get3A_523 = arith.constant 32 : index
          %get3A_524 = tpu.vector_load %arg10[%get3A_522, %get3A_523] {strides = array<i32>} : memref<28x128xf32, #tpu.memory_space<vmem>>, vector<1x16xf32>,
          %get3A_525 = vector.shape_cast %get3A_524 : vector<1x16xf32> to vector<16xf32>
          %add3A_526 = arith.addf %get3A_388, %get3A_525 : vector<16xf32>
          %add3A_527 = arith.constant 0 : i32
          %add3A_528 = arith.addi %add3A_527, %scan3A_498 : i32
          %swap3A_529 = arith.index_cast %add3A_528 : i32 to index
          %swap3A_530 = arith.constant 32 : index
          %swap3A_531 = tpu.vector_load %arg8[%swap3A_529, %swap3A_530] {strides = array<i32>} : memref<56x128xf32, #tpu.memory_space<vmem>>, vector<1x16xf32>,
          %swap3A_532 = vector.shape_cast %swap3A_531 : vector<1x16xf32> to vector<16xf32>
          %swap3A_533 = vector.shape_cast %add3A_526 : vector<16xf32> to vector<1x16xf32>
          tpu.vector_store %arg8[%swap3A_529, %swap3A_530], %swap3A_533 {strides = array<i32>} : memref<56x128xf32, #tpu.memory_space<vmem>>, vector<1x16xf32>,
          %get3A_534 = arith.index_cast %scan3A_498 : i32 to index
          %get3A_535 = arith.constant 48 : index
          %get3A_536 = tpu.vector_load %arg10[%get3A_534, %get3A_535] {strides = array<i32>} : memref<28x128xf32, #tpu.memory_space<vmem>>, vector<1x16xf32>,
          %get3A_537 = vector.shape_cast %get3A_536 : vector<1x16xf32> to vector<16xf32>
          %add3A_538 = arith.addf %get3A_395, %get3A_537 : vector<16xf32>
          %add3A_539 = arith.constant 0 : i32
          %add3A_540 = arith.addi %add3A_539, %scan3A_498 : i32
          %swap3A_541 = arith.index_cast %add3A_540 : i32 to index
          %swap3A_542 = arith.constant 48 : index
          %swap3A_543 = tpu.vector_load %arg8[%swap3A_541, %swap3A_542] {strides = array<i32>} : memref<56x128xf32, #tpu.memory_space<vmem>>, vector<1x16xf32>,
          %swap3A_544 = vector.shape_cast %swap3A_543 : vector<1x16xf32> to vector<16xf32>
          %swap3A_545 = vector.shape_cast %add3A_538 : vector<16xf32> to vector<1x16xf32>
          tpu.vector_store %arg8[%swap3A_541, %swap3A_542], %swap3A_545 {strides = array<i32>} : memref<56x128xf32, #tpu.memory_space<vmem>>, vector<1x16xf32>,
          %get3A_546 = arith.index_cast %scan3A_498 : i32 to index
          %get3A_547 = arith.constant 64 : index
          %get3A_548 = tpu.vector_load %arg10[%get3A_546, %get3A_547] {strides = array<i32>} : memref<28x128xf32, #tpu.memory_space<vmem>>, vector<1x16xf32>,
          %get3A_549 = vector.shape_cast %get3A_548 : vector<1x16xf32> to vector<16xf32>
          %add3A_550 = arith.addf %get3A_402, %get3A_549 : vector<16xf32>
          %add3A_551 = arith.constant 0 : i32
          %add3A_552 = arith.addi %add3A_551, %scan3A_498 : i32
          %swap3A_553 = arith.index_cast %add3A_552 : i32 to index
          %swap3A_554 = arith.constant 64 : index
          %swap3A_555 = tpu.vector_load %arg8[%swap3A_553, %swap3A_554] {strides = array<i32>} : memref<56x128xf32, #tpu.memory_space<vmem>>, vector<1x16xf32>,
          %swap3A_556 = vector.shape_cast %swap3A_555 : vector<1x16xf32> to vector<16xf32>
          %swap3A_557 = vector.shape_cast %add3A_550 : vector<16xf32> to vector<1x16xf32>
          tpu.vector_store %arg8[%swap3A_553, %swap3A_554], %swap3A_557 {strides = array<i32>} : memref<56x128xf32, #tpu.memory_space<vmem>>, vector<1x16xf32>,
          %get3A_558 = arith.index_cast %scan3A_498 : i32 to index
          %get3A_559 = arith.constant 80 : index
          %get3A_560 = tpu.vector_load %arg10[%get3A_558, %get3A_559] {strides = array<i32>} : memref<28x128xf32, #tpu.memory_space<vmem>>, vector<1x16xf32>,
          %get3A_561 = vector.shape_cast %get3A_560 : vector<1x16xf32> to vector<16xf32>
          %add3A_562 = arith.addf %get3A_409, %get3A_561 : vector<16xf32>
          %add3A_563 = arith.constant 0 : i32
          %add3A_564 = arith.addi %add3A_563, %scan3A_498 : i32
          %swap3A_565 = arith.index_cast %add3A_564 : i32 to index
          %swap3A_566 = arith.constant 80 : index
          %swap3A_567 = tpu.vector_load %arg8[%swap3A_565, %swap3A_566] {strides = array<i32>} : memref<56x128xf32, #tpu.memory_space<vmem>>, vector<1x16xf32>,
          %swap3A_568 = vector.shape_cast %swap3A_567 : vector<1x16xf32> to vector<16xf32>
          %swap3A_569 = vector.shape_cast %add3A_562 : vector<16xf32> to vector<1x16xf32>
          tpu.vector_store %arg8[%swap3A_565, %swap3A_566], %swap3A_569 {strides = array<i32>} : memref<56x128xf32, #tpu.memory_space<vmem>>, vector<1x16xf32>,
          %get3A_570 = arith.index_cast %scan3A_498 : i32 to index
          %get3A_571 = arith.constant 96 : index
          %get3A_572 = tpu.vector_load %arg10[%get3A_570, %get3A_571] {strides = array<i32>} : memref<28x128xf32, #tpu.memory_space<vmem>>, vector<1x16xf32>,
          %get3A_573 = vector.shape_cast %get3A_572 : vector<1x16xf32> to vector<16xf32>
          %add3A_574 = arith.addf %get3A_416, %get3A_573 : vector<16xf32>
          %add3A_575 = arith.constant 0 : i32
          %add3A_576 = arith.addi %add3A_575, %scan3A_498 : i32
          %swap3A_577 = arith.index_cast %add3A_576 : i32 to index
          %swap3A_578 = arith.constant 96 : index
          %swap3A_579 = tpu.vector_load %arg8[%swap3A_577, %swap3A_578] {strides = array<i32>} : memref<56x128xf32, #tpu.memory_space<vmem>>, vector<1x16xf32>,
          %swap3A_580 = vector.shape_cast %swap3A_579 : vector<1x16xf32> to vector<16xf32>
          %swap3A_581 = vector.shape_cast %add3A_574 : vector<16xf32> to vector<1x16xf32>
          tpu.vector_store %arg8[%swap3A_577, %swap3A_578], %swap3A_581 {strides = array<i32>} : memref<56x128xf32, #tpu.memory_space<vmem>>, vector<1x16xf32>,
          %get3A_582 = arith.index_cast %scan3A_498 : i32 to index
          %get3A_583 = arith.constant 112 : index
          %get3A_584 = tpu.vector_load %arg10[%get3A_582, %get3A_583] {strides = array<i32>} : memref<28x128xf32, #tpu.memory_space<vmem>>, vector<1x16xf32>,
          %get3A_585 = vector.shape_cast %get3A_584 : vector<1x16xf32> to vector<16xf32>
          %add3A_586 = arith.addf %get3A_423, %get3A_585 : vector<16xf32>
          %add3A_587 = arith.constant 0 : i32
          %add3A_588 = arith.addi %add3A_587, %scan3A_498 : i32
          %swap3A_589 = arith.index_cast %add3A_588 : i32 to index
          %swap3A_590 = arith.constant 112 : index
          %swap3A_591 = tpu.vector_load %arg8[%swap3A_589, %swap3A_590] {strides = array<i32>} : memref<56x128xf32, #tpu.memory_space<vmem>>, vector<1x16xf32>,
          %swap3A_592 = vector.shape_cast %swap3A_591 : vector<1x16xf32> to vector<16xf32>
          %swap3A_593 = vector.shape_cast %add3A_586 : vector<16xf32> to vector<1x16xf32>
          tpu.vector_store %arg8[%swap3A_589, %swap3A_590], %swap3A_593 {strides = array<i32>} : memref<56x128xf32, #tpu.memory_space<vmem>>, vector<1x16xf32>,
        }
        %scan3A_429 = arith.constant 28 : i32
        %get3A_430 = arith.constant 5 : i32
        %get3A_431 = arith.constant 0 : i32
        %get3A_432 = arith.index_cast %get3A_430 : i32 to index
        %get3A_433 = arith.index_cast %get3A_431 : i32 to index
        %get3A_434 = arith.constant 0 : index
        %get3A_435 = tpu.vector_load %arg9[%get3A_432, %get3A_433, %get3A_434] {strides = array<i32>} : memref<8x1x128xf32, #tpu.memory_space<vmem>>, vector<1x1x16xf32>,
        %get3A_436 = vector.shape_cast %get3A_435 : vector<1x1x16xf32> to vector<16xf32>
        %get3A_437 = arith.constant 5 : i32
        %get3A_438 = arith.constant 0 : i32
        %get3A_439 = arith.index_cast %get3A_437 : i32 to index
        %get3A_440 = arith.index_cast %get3A_438 : i32 to index
        %get3A_441 = arith.constant 16 : index
        %get3A_442 = tpu.vector_load %arg9[%get3A_439, %get3A_440, %get3A_441] {strides = array<i32>} : memref<8x1x128xf32, #tpu.memory_space<vmem>>, vector<1x1x16xf32>,
        %get3A_443 = vector.shape_cast %get3A_442 : vector<1x1x16xf32> to vector<16xf32>
        %get3A_444 = arith.constant 5 : i32
        %get3A_445 = arith.constant 0 : i32
        %get3A_446 = arith.index_cast %get3A_444 : i32 to index
        %get3A_447 = arith.index_cast %get3A_445 : i32 to index
        %get3A_448 = arith.constant 32 : index
        %get3A_449 = tpu.vector_load %arg9[%get3A_446, %get3A_447, %get3A_448] {strides = array<i32>} : memref<8x1x128xf32, #tpu.memory_space<vmem>>, vector<1x1x16xf32>,
        %get3A_450 = vector.shape_cast %get3A_449 : vector<1x1x16xf32> to vector<16xf32>
        %get3A_451 = arith.constant 5 : i32
        %get3A_452 = arith.constant 0 : i32
        %get3A_453 = arith.index_cast %get3A_451 : i32 to index
        %get3A_454 = arith.index_cast %get3A_452 : i32 to index
        %get3A_455 = arith.constant 48 : index
        %get3A_456 = tpu.vector_load %arg9[%get3A_453, %get3A_454, %get3A_455] {strides = array<i32>} : memref<8x1x128xf32, #tpu.memory_space<vmem>>, vector<1x1x16xf32>,
        %get3A_457 = vector.shape_cast %get3A_456 : vector<1x1x16xf32> to vector<16xf32>
        %get3A_458 = arith.constant 5 : i32
        %get3A_459 = arith.constant 0 : i32
        %get3A_460 = arith.index_cast %get3A_458 : i32 to index
        %get3A_461 = arith.index_cast %get3A_459 : i32 to index
        %get3A_462 = arith.constant 64 : index
        %get3A_463 = tpu.vector_load %arg9[%get3A_460, %get3A_461, %get3A_462] {strides = array<i32>} : memref<8x1x128xf32, #tpu.memory_space<vmem>>, vector<1x1x16xf32>,
        %get3A_464 = vector.shape_cast %get3A_463 : vector<1x1x16xf32> to vector<16xf32>
        %get3A_465 = arith.constant 5 : i32
        %get3A_466 = arith.constant 0 : i32
        %get3A_467 = arith.index_cast %get3A_465 : i32 to index
        %get3A_468 = arith.index_cast %get3A_466 : i32 to index
        %get3A_469 = arith.constant 80 : index
        %get3A_470 = tpu.vector_load %arg9[%get3A_467, %get3A_468, %get3A_469] {strides = array<i32>} : memref<8x1x128xf32, #tpu.memory_space<vmem>>, vector<1x1x16xf32>,
        %get3A_471 = vector.shape_cast %get3A_470 : vector<1x1x16xf32> to vector<16xf32>
        %get3A_472 = arith.constant 5 : i32
        %get3A_473 = arith.constant 0 : i32
        %get3A_474 = arith.index_cast %get3A_472 : i32 to index
        %get3A_475 = arith.index_cast %get3A_473 : i32 to index
        %get3A_476 = arith.constant 96 : index
        %get3A_477 = tpu.vector_load %arg9[%get3A_474, %get3A_475, %get3A_476] {strides = array<i32>} : memref<8x1x128xf32, #tpu.memory_space<vmem>>, vector<1x1x16xf32>,
        %get3A_478 = vector.shape_cast %get3A_477 : vector<1x1x16xf32> to vector<16xf32>
        %get3A_479 = arith.constant 5 : i32
        %get3A_480 = arith.constant 0 : i32
        %get3A_481 = arith.index_cast %get3A_479 : i32 to index
        %get3A_482 = arith.index_cast %get3A_480 : i32 to index
        %get3A_483 = arith.constant 112 : index
        %get3A_484 = tpu.vector_load %arg9[%get3A_481, %get3A_482, %get3A_483] {strides = array<i32>} : memref<8x1x128xf32, #tpu.memory_space<vmem>>, vector<1x1x16xf32>,
        %get3A_485 = vector.shape_cast %get3A_484 : vector<1x1x16xf32> to vector<16xf32>
        %scan3A_486 = arith.constant 0 : i32
        %scan3A_487 = arith.constant 0 : i32
        %scan3A_488 = arith.constant 28 : i32
        %scan3A_489 = arith.addi %scan3A_487, %scan3A_488 : i32
        %scan3A_490 = arith.constant 1 : i32
        scf.for %scan3A_498 = %scan3A_487 to %scan3A_489 step %scan3A_490  : i32 {
          %get3A_499 = arith.index_cast %scan3A_498 : i32 to index
          %get3A_500 = arith.constant 0 : index
          %get3A_501 = tpu.vector_load %arg10[%get3A_499, %get3A_500] {strides = array<i32>} : memref<28x128xf32, #tpu.memory_space<vmem>>, vector<1x16xf32>,
          %get3A_502 = vector.shape_cast %get3A_501 : vector<1x16xf32> to vector<16xf32>
          %add3A_503 = arith.addf %get3A_436, %get3A_502 : vector<16xf32>
          %add3A_504 = arith.constant 28 : i32
          %add3A_505 = arith.addi %add3A_504, %scan3A_498 : i32
          %swap3A = arith.index_cast %add3A_505 : i32 to index
          %swap3A_506 = arith.constant 0 : index
          %swap3A_507 = tpu.vector_load %arg8[%swap3A, %swap3A_506] {strides = array<i32>} : memref<56x128xf32, #tpu.memory_space<vmem>>, vector<1x16xf32>,
          %swap3A_508 = vector.shape_cast %swap3A_507 : vector<1x16xf32> to vector<16xf32>
          %swap3A_509 = vector.shape_cast %add3A_503 : vector<16xf32> to vector<1x16xf32>
          tpu.vector_store %arg8[%swap3A, %swap3A_506], %swap3A_509 {strides = array<i32>} : memref<56x128xf32, #tpu.memory_space<vmem>>, vector<1x16xf32>,
          %get3A_510 = arith.index_cast %scan3A_498 : i32 to index
          %get3A_511 = arith.constant 16 : index
          %get3A_512 = tpu.vector_load %arg10[%get3A_510, %get3A_511] {strides = array<i32>} : memref<28x128xf32, #tpu.memory_space<vmem>>, vector<1x16xf32>,
          %get3A_513 = vector.shape_cast %get3A_512 : vector<1x16xf32> to vector<16xf32>
          %add3A_514 = arith.addf %get3A_443, %get3A_513 : vector<16xf32>
          %add3A_515 = arith.constant 28 : i32
          %add3A_516 = arith.addi %add3A_515, %scan3A_498 : i32
          %swap3A_517 = arith.index_cast %add3A_516 : i32 to index
          %swap3A_518 = arith.constant 16 : index
          %swap3A_519 = tpu.vector_load %arg8[%swap3A_517, %swap3A_518] {strides = array<i32>} : memref<56x128xf32, #tpu.memory_space<vmem>>, vector<1x16xf32>,
          %swap3A_520 = vector.shape_cast %swap3A_519 : vector<1x16xf32> to vector<16xf32>
          %swap3A_521 = vector.shape_cast %add3A_514 : vector<16xf32> to vector<1x16xf32>
          tpu.vector_store %arg8[%swap3A_517, %swap3A_518], %swap3A_521 {strides = array<i32>} : memref<56x128xf32, #tpu.memory_space<vmem>>, vector<1x16xf32>,
          %get3A_522 = arith.index_cast %scan3A_498 : i32 to index
          %get3A_523 = arith.constant 32 : index
          %get3A_524 = tpu.vector_load %arg10[%get3A_522, %get3A_523] {strides = array<i32>} : memref<28x128xf32, #tpu.memory_space<vmem>>, vector<1x16xf32>,
          %get3A_525 = vector.shape_cast %get3A_524 : vector<1x16xf32> to vector<16xf32>
          %add3A_526 = arith.addf %get3A_450, %get3A_525 : vector<16xf32>
          %add3A_527 = arith.constant 28 : i32
          %add3A_528 = arith.addi %add3A_527, %scan3A_498 : i32
          %swap3A_529 = arith.index_cast %add3A_528 : i32 to index
          %swap3A_530 = arith.constant 32 : index
          %swap3A_531 = tpu.vector_load %arg8[%swap3A_529, %swap3A_530] {strides = array<i32>} : memref<56x128xf32, #tpu.memory_space<vmem>>, vector<1x16xf32>,
          %swap3A_532 = vector.shape_cast %swap3A_531 : vector<1x16xf32> to vector<16xf32>
          %swap3A_533 = vector.shape_cast %add3A_526 : vector<16xf32> to vector<1x16xf32>
          tpu.vector_store %arg8[%swap3A_529, %swap3A_530], %swap3A_533 {strides = array<i32>} : memref<56x128xf32, #tpu.memory_space<vmem>>, vector<1x16xf32>,
          %get3A_534 = arith.index_cast %scan3A_498 : i32 to index
          %get3A_535 = arith.constant 48 : index
          %get3A_536 = tpu.vector_load %arg10[%get3A_534, %get3A_535] {strides = array<i32>} : memref<28x128xf32, #tpu.memory_space<vmem>>, vector<1x16xf32>,
          %get3A_537 = vector.shape_cast %get3A_536 : vector<1x16xf32> to vector<16xf32>
          %add3A_538 = arith.addf %get3A_457, %get3A_537 : vector<16xf32>
          %add3A_539 = arith.constant 28 : i32
          %add3A_540 = arith.addi %add3A_539, %scan3A_498 : i32
          %swap3A_541 = arith.index_cast %add3A_540 : i32 to index
          %swap3A_542 = arith.constant 48 : index
          %swap3A_543 = tpu.vector_load %arg8[%swap3A_541, %swap3A_542] {strides = array<i32>} : memref<56x128xf32, #tpu.memory_space<vmem>>, vector<1x16xf32>,
          %swap3A_544 = vector.shape_cast %swap3A_543 : vector<1x16xf32> to vector<16xf32>
          %swap3A_545 = vector.shape_cast %add3A_538 : vector<16xf32> to vector<1x16xf32>
          tpu.vector_store %arg8[%swap3A_541, %swap3A_542], %swap3A_545 {strides = array<i32>} : memref<56x128xf32, #tpu.memory_space<vmem>>, vector<1x16xf32>,
          %get3A_546 = arith.index_cast %scan3A_498 : i32 to index
          %get3A_547 = arith.constant 64 : index
          %get3A_548 = tpu.vector_load %arg10[%get3A_546, %get3A_547] {strides = array<i32>} : memref<28x128xf32, #tpu.memory_space<vmem>>, vector<1x16xf32>,
          %get3A_549 = vector.shape_cast %get3A_548 : vector<1x16xf32> to vector<16xf32>
          %add3A_550 = arith.addf %get3A_464, %get3A_549 : vector<16xf32>
          %add3A_551 = arith.constant 28 : i32
          %add3A_552 = arith.addi %add3A_551, %scan3A_498 : i32
          %swap3A_553 = arith.index_cast %add3A_552 : i32 to index
          %swap3A_554 = arith.constant 64 : index
          %swap3A_555 = tpu.vector_load %arg8[%swap3A_553, %swap3A_554] {strides = array<i32>} : memref<56x128xf32, #tpu.memory_space<vmem>>, vector<1x16xf32>,
          %swap3A_556 = vector.shape_cast %swap3A_555 : vector<1x16xf32> to vector<16xf32>
          %swap3A_557 = vector.shape_cast %add3A_550 : vector<16xf32> to vector<1x16xf32>
          tpu.vector_store %arg8[%swap3A_553, %swap3A_554], %swap3A_557 {strides = array<i32>} : memref<56x128xf32, #tpu.memory_space<vmem>>, vector<1x16xf32>,
          %get3A_558 = arith.index_cast %scan3A_498 : i32 to index
          %get3A_559 = arith.constant 80 : index
          %get3A_560 = tpu.vector_load %arg10[%get3A_558, %get3A_559] {strides = array<i32>} : memref<28x128xf32, #tpu.memory_space<vmem>>, vector<1x16xf32>,
          %get3A_561 = vector.shape_cast %get3A_560 : vector<1x16xf32> to vector<16xf32>
          %add3A_562 = arith.addf %get3A_471, %get3A_561 : vector<16xf32>
          %add3A_563 = arith.constant 28 : i32
          %add3A_564 = arith.addi %add3A_563, %scan3A_498 : i32
          %swap3A_565 = arith.index_cast %add3A_564 : i32 to index
          %swap3A_566 = arith.constant 80 : index
          %swap3A_567 = tpu.vector_load %arg8[%swap3A_565, %swap3A_566] {strides = array<i32>} : memref<56x128xf32, #tpu.memory_space<vmem>>, vector<1x16xf32>,
          %swap3A_568 = vector.shape_cast %swap3A_567 : vector<1x16xf32> to vector<16xf32>
          %swap3A_569 = vector.shape_cast %add3A_562 : vector<16xf32> to vector<1x16xf32>
          tpu.vector_store %arg8[%swap3A_565, %swap3A_566], %swap3A_569 {strides = array<i32>} : memref<56x128xf32, #tpu.memory_space<vmem>>, vector<1x16xf32>,
          %get3A_570 = arith.index_cast %scan3A_498 : i32 to index
          %get3A_571 = arith.constant 96 : index
          %get3A_572 = tpu.vector_load %arg10[%get3A_570, %get3A_571] {strides = array<i32>} : memref<28x128xf32, #tpu.memory_space<vmem>>, vector<1x16xf32>,
          %get3A_573 = vector.shape_cast %get3A_572 : vector<1x16xf32> to vector<16xf32>
          %add3A_574 = arith.addf %get3A_478, %get3A_573 : vector<16xf32>
          %add3A_575 = arith.constant 28 : i32
          %add3A_576 = arith.addi %add3A_575, %scan3A_498 : i32
          %swap3A_577 = arith.index_cast %add3A_576 : i32 to index
          %swap3A_578 = arith.constant 96 : index
          %swap3A_579 = tpu.vector_load %arg8[%swap3A_577, %swap3A_578] {strides = array<i32>} : memref<56x128xf32, #tpu.memory_space<vmem>>, vector<1x16xf32>,
          %swap3A_580 = vector.shape_cast %swap3A_579 : vector<1x16xf32> to vector<16xf32>
          %swap3A_581 = vector.shape_cast %add3A_574 : vector<16xf32> to vector<1x16xf32>
          tpu.vector_store %arg8[%swap3A_577, %swap3A_578], %swap3A_581 {strides = array<i32>} : memref<56x128xf32, #tpu.memory_space<vmem>>, vector<1x16xf32>,
          %get3A_582 = arith.index_cast %scan3A_498 : i32 to index
          %get3A_583 = arith.constant 112 : index
          %get3A_584 = tpu.vector_load %arg10[%get3A_582, %get3A_583] {strides = array<i32>} : memref<28x128xf32, #tpu.memory_space<vmem>>, vector<1x16xf32>,
          %get3A_585 = vector.shape_cast %get3A_584 : vector<1x16xf32> to vector<16xf32>
          %add3A_586 = arith.addf %get3A_485, %get3A_585 : vector<16xf32>
          %add3A_587 = arith.constant 28 : i32
          %add3A_588 = arith.addi %add3A_587, %scan3A_498 : i32
          %swap3A_589 = arith.index_cast %add3A_588 : i32 to index
          %swap3A_590 = arith.constant 112 : index
          %swap3A_591 = tpu.vector_load %arg8[%swap3A_589, %swap3A_590] {strides = array<i32>} : memref<56x128xf32, #tpu.memory_space<vmem>>, vector<1x16xf32>,
          %swap3A_592 = vector.shape_cast %swap3A_591 : vector<1x16xf32> to vector<16xf32>
          %swap3A_593 = vector.shape_cast %add3A_586 : vector<16xf32> to vector<1x16xf32>
          tpu.vector_store %arg8[%swap3A_589, %swap3A_590], %swap3A_593 {strides = array<i32>} : memref<56x128xf32, #tpu.memory_space<vmem>>, vector<1x16xf32>,
        }
        %scan3A_491 = arith.constant 28 : i32
        %mul3A_492 = arith.constant 6 : i32
        %mul3A_493 = arith.muli %arg1, %mul3A_492 : i32
        %add3A_494 = arith.constant 4 : i32
        %add3A_495 = arith.addi %mul3A_493, %add3A_494 : i32
        %mul3A_496 = arith.constant 28 : i32
        %mul3A_497 = arith.muli %add3A_495, %mul3A_496 : i32
        "tpu.region"() ({
          %run_scoped3A = tpu.sem_alloc : memref<!tpu.dma_semaphore, #tpu.memory_space<semaphore_mem>>
          %dma_start3A_498 = arith.constant 0 : i32
          %dma_start3A_499 = tpu.memref_slice %arg12[%mul3A_497, %dma_start3A_498] : memref<2912x128xf32, #tpu.memory_space<vmem_shared>> -> memref<56x128xf32, #tpu.memory_space<vmem_shared>>
          %dma_start3A_500 = arith.constant 0 : i32
          %dma_start3A_501 = tpu.memref_slice %arg12[%mul3A_497, %dma_start3A_500] : memref<2912x128xf32, #tpu.memory_space<vmem_shared>> -> memref<56x128xf32, #tpu.memory_space<vmem_shared>>
          tpu.enqueue_dma source(%arg8 : memref<56x128xf32, #tpu.memory_space<vmem>>) target(%dma_start3A_501 : memref<56x128xf32, #tpu.memory_space<vmem_shared>>) target_semaphore(%run_scoped3A : memref<!tpu.dma_semaphore, #tpu.memory_space<semaphore_mem>>)
          %dma_wait3A_502 = arith.constant 0 : i32
          %dma_wait3A_503 = tpu.memref_slice %arg12[%mul3A_497, %dma_wait3A_502] : memref<2912x128xf32, #tpu.memory_space<vmem_shared>> -> memref<56x128xf32, #tpu.memory_space<vmem_shared>>
          %dma_wait3A_504 = arith.constant 0 : i32
          %dma_wait3A_505 = tpu.memref_slice %arg12[%mul3A_497, %dma_wait3A_504] : memref<2912x128xf32, #tpu.memory_space<vmem_shared>> -> memref<56x128xf32, #tpu.memory_space<vmem_shared>>
          tpu.wait_dma2 semaphore(%run_scoped3A : memref<!tpu.dma_semaphore, #tpu.memory_space<semaphore_mem>>) src(%arg8 : memref<56x128xf32, #tpu.memory_space<vmem>>) dst(%dma_wait3A_505 : memref<56x128xf32, #tpu.memory_space<vmem_shared>>)
          tpu.yield
        }) : () -> ()
      } else {
      }
      %add3A_22 = arith.constant 0 : i32
      %add3A_23 = arith.addi %mul3A_0, %add3A_22 : i32
      %mul3A_24 = arith.constant 200 : i32
      %mul3A_25 = arith.muli %add3A_23, %mul3A_24 : i32
      %dma_wait3A = arith.constant 0 : i32
      %dma_wait3A_26 = tpu.memref_slice %arg7[%dma_wait3A] : memref<12800xi32, #tpu.memory_space<vmem>> -> memref<6400xi32, #tpu.memory_space<vmem>>
      %dma_wait3A_27 = tpu.memref_slice %arg2[%mul3A_25] : memref<819200xi32, #tpu.memory_space<hbm>> -> memref<6400xi32, #tpu.memory_space<hbm>>
      %dma_wait3A_28 = arith.constant 0 : i32
      %dma_wait3A_29 = tpu.memref_slice %arg7[%dma_wait3A_28] : memref<12800xi32, #tpu.memory_space<vmem>> -> memref<6400xi32, #tpu.memory_space<vmem>>
      %dma_wait3A_30 = tpu.memref_slice %arg2[%mul3A_25] : memref<819200xi32, #tpu.memory_space<hbm>> -> memref<6400xi32, #tpu.memory_space<hbm>>
      tpu.wait_dma2 semaphore(%arg21 : memref<!tpu.dma_semaphore, #tpu.memory_space<semaphore_mem>>) src(%dma_wait3A_30 : memref<6400xi32, #tpu.memory_space<hbm>>) dst(%dma_wait3A_29 : memref<6400xi32, #tpu.memory_space<vmem>>)
      %rem3A = arith.constant 0 : i32
      %rem3A_31 = arith.constant 2 : i32
      %rem3A_32 = arith.remsi %rem3A, %rem3A_31 : i32
      %mul3A_33 = arith.constant 6400 : i32
      %mul3A_34 = arith.muli %rem3A_32, %mul3A_33 : i32
      %scan3A = arith.constant 0 : i32
      %scan3A_35 = arith.constant 0 : i32
      %scan3A_36 = arith.constant 32 : i32
      %scan3A_37 = arith.addi %scan3A_35, %scan3A_36 : i32
      %scan3A_38 = arith.constant 1 : i32
      scf.for %scan3A_105 = %scan3A_35 to %scan3A_37 step %scan3A_38  : i32 {
        %mul3A_106 = arith.constant 200 : i32
        %mul3A_107 = arith.muli %scan3A_105, %mul3A_106 : i32
        %add3A_108 = arith.addi %mul3A_34, %mul3A_107 : i32
        %add3A_109 = arith.constant 104 : i32
        %add3A_110 = arith.addi %add3A_108, %add3A_109 : i32
        %add3A_111 = arith.constant 0 : i32
        %add3A_112 = arith.addi %add3A_111, %scan3A_105 : i32
        %mul3A_113 = arith.constant 96 : i32
        %mul3A_114 = arith.muli %add3A_112, %mul3A_113 : i32
        %add3A_115 = arith.constant 0 : i32
        %add3A_116 = arith.addi %add3A_110, %add3A_115 : i32
        %get3A = arith.index_cast %add3A_116 : i32 to index
        %get3A_117 = tpu.vector_load %arg7[%get3A] {strides = array<i32>} : memref<12800xi32, #tpu.memory_space<vmem>>, vector<16xi32>,
        %get3A_118 = vector.shape_cast %get3A_117 : vector<16xi32> to vector<16xi32>
        %add3A_119 = arith.constant 0 : i32
        %add3A_120 = vector.broadcast %add3A_119 : i32 to vector<16xi32>
        %add3A_121 = arith.addi %iota3A, %add3A_120 : vector<16xi32>
        %mul3A_122 = arith.constant 28 : i32
        %mul3A_123 = vector.broadcast %mul3A_122 : i32 to vector<16xi32>
        %mul3A_124 = arith.muli %add3A_121, %mul3A_123 : vector<16xi32>
        %add3A_125 = arith.addi %get3A_118, %mul3A_124 : vector<16xi32>
        %add3A_126 = arith.constant 0 : i32
        %add3A_127 = arith.addi %mul3A_114, %add3A_126 : i32
        %swap3A = arith.index_cast %add3A_127 : i32 to index
        %swap3A_128 = tpu.vector_load %arg6[%swap3A] {strides = array<i32>} : memref<26640xi32, #tpu.memory_space<vmem>>, vector<16xi32>,
        %swap3A_129 = vector.shape_cast %swap3A_128 : vector<16xi32> to vector<16xi32>
        %swap3A_130 = vector.shape_cast %add3A_125 : vector<16xi32> to vector<16xi32>
        tpu.vector_store %arg6[%swap3A], %swap3A_130 {strides = array<i32>} : memref<26640xi32, #tpu.memory_space<vmem>>, vector<16xi32>,
        %add3A_131 = arith.constant 16 : i32
        %add3A_132 = arith.addi %add3A_110, %add3A_131 : i32
        %get3A_133 = arith.index_cast %add3A_132 : i32 to index
        %get3A_134 = tpu.vector_load %arg7[%get3A_133] {strides = array<i32>} : memref<12800xi32, #tpu.memory_space<vmem>>, vector<16xi32>,
        %get3A_135 = vector.shape_cast %get3A_134 : vector<16xi32> to vector<16xi32>
        %add3A_136 = arith.constant 16 : i32
        %add3A_137 = vector.broadcast %add3A_136 : i32 to vector<16xi32>
        %add3A_138 = arith.addi %iota3A, %add3A_137 : vector<16xi32>
        %mul3A_139 = arith.constant 28 : i32
        %mul3A_140 = vector.broadcast %mul3A_139 : i32 to vector<16xi32>
        %mul3A_141 = arith.muli %add3A_138, %mul3A_140 : vector<16xi32>
        %add3A_142 = arith.addi %get3A_135, %mul3A_141 : vector<16xi32>
        %add3A_143 = arith.constant 16 : i32
        %add3A_144 = arith.addi %mul3A_114, %add3A_143 : i32
        %swap3A_145 = arith.index_cast %add3A_144 : i32 to index
        %swap3A_146 = tpu.vector_load %arg6[%swap3A_145] {strides = array<i32>} : memref<26640xi32, #tpu.memory_space<vmem>>, vector<16xi32>,
        %swap3A_147 = vector.shape_cast %swap3A_146 : vector<16xi32> to vector<16xi32>
        %swap3A_148 = vector.shape_cast %add3A_142 : vector<16xi32> to vector<16xi32>
        tpu.vector_store %arg6[%swap3A_145], %swap3A_148 {strides = array<i32>} : memref<26640xi32, #tpu.memory_space<vmem>>, vector<16xi32>,
        %add3A_149 = arith.constant 32 : i32
        %add3A_150 = arith.addi %add3A_110, %add3A_149 : i32
        %get3A_151 = arith.index_cast %add3A_150 : i32 to index
        %get3A_152 = tpu.vector_load %arg7[%get3A_151] {strides = array<i32>} : memref<12800xi32, #tpu.memory_space<vmem>>, vector<16xi32>,
        %get3A_153 = vector.shape_cast %get3A_152 : vector<16xi32> to vector<16xi32>
        %add3A_154 = arith.constant 32 : i32
        %add3A_155 = vector.broadcast %add3A_154 : i32 to vector<16xi32>
        %add3A_156 = arith.addi %iota3A, %add3A_155 : vector<16xi32>
        %mul3A_157 = arith.constant 28 : i32
        %mul3A_158 = vector.broadcast %mul3A_157 : i32 to vector<16xi32>
        %mul3A_159 = arith.muli %add3A_156, %mul3A_158 : vector<16xi32>
        %add3A_160 = arith.addi %get3A_153, %mul3A_159 : vector<16xi32>
        %add3A_161 = arith.constant 32 : i32
        %add3A_162 = arith.addi %mul3A_114, %add3A_161 : i32
        %swap3A_163 = arith.index_cast %add3A_162 : i32 to index
        %swap3A_164 = tpu.vector_load %arg6[%swap3A_163] {strides = array<i32>} : memref<26640xi32, #tpu.memory_space<vmem>>, vector<16xi32>,
        %swap3A_165 = vector.shape_cast %swap3A_164 : vector<16xi32> to vector<16xi32>
        %swap3A_166 = vector.shape_cast %add3A_160 : vector<16xi32> to vector<16xi32>
        tpu.vector_store %arg6[%swap3A_163], %swap3A_166 {strides = array<i32>} : memref<26640xi32, #tpu.memory_space<vmem>>, vector<16xi32>,
        %add3A_167 = arith.constant 48 : i32
        %add3A_168 = arith.addi %add3A_110, %add3A_167 : i32
        %get3A_169 = arith.index_cast %add3A_168 : i32 to index
        %get3A_170 = tpu.vector_load %arg7[%get3A_169] {strides = array<i32>} : memref<12800xi32, #tpu.memory_space<vmem>>, vector<16xi32>,
        %get3A_171 = vector.shape_cast %get3A_170 : vector<16xi32> to vector<16xi32>
        %add3A_172 = arith.constant 48 : i32
        %add3A_173 = vector.broadcast %add3A_172 : i32 to vector<16xi32>
        %add3A_174 = arith.addi %iota3A, %add3A_173 : vector<16xi32>
        %mul3A_175 = arith.constant 28 : i32
        %mul3A_176 = vector.broadcast %mul3A_175 : i32 to vector<16xi32>
        %mul3A_177 = arith.muli %add3A_174, %mul3A_176 : vector<16xi32>
        %add3A_178 = arith.addi %get3A_171, %mul3A_177 : vector<16xi32>
        %add3A_179 = arith.constant 48 : i32
        %add3A_180 = arith.addi %mul3A_114, %add3A_179 : i32
        %swap3A_181 = arith.index_cast %add3A_180 : i32 to index
        %swap3A_182 = tpu.vector_load %arg6[%swap3A_181] {strides = array<i32>} : memref<26640xi32, #tpu.memory_space<vmem>>, vector<16xi32>,
        %swap3A_183 = vector.shape_cast %swap3A_182 : vector<16xi32> to vector<16xi32>
        %swap3A_184 = vector.shape_cast %add3A_178 : vector<16xi32> to vector<16xi32>
        tpu.vector_store %arg6[%swap3A_181], %swap3A_184 {strides = array<i32>} : memref<26640xi32, #tpu.memory_space<vmem>>, vector<16xi32>,
        %add3A_185 = arith.constant 64 : i32
        %add3A_186 = arith.addi %add3A_110, %add3A_185 : i32
        %get3A_187 = arith.index_cast %add3A_186 : i32 to index
        %get3A_188 = tpu.vector_load %arg7[%get3A_187] {strides = array<i32>} : memref<12800xi32, #tpu.memory_space<vmem>>, vector<16xi32>,
        %get3A_189 = vector.shape_cast %get3A_188 : vector<16xi32> to vector<16xi32>
        %add3A_190 = arith.constant 64 : i32
        %add3A_191 = vector.broadcast %add3A_190 : i32 to vector<16xi32>
        %add3A_192 = arith.addi %iota3A, %add3A_191 : vector<16xi32>
        %mul3A_193 = arith.constant 28 : i32
        %mul3A_194 = vector.broadcast %mul3A_193 : i32 to vector<16xi32>
        %mul3A_195 = arith.muli %add3A_192, %mul3A_194 : vector<16xi32>
        %add3A_196 = arith.addi %get3A_189, %mul3A_195 : vector<16xi32>
        %add3A_197 = arith.constant 64 : i32
        %add3A_198 = arith.addi %mul3A_114, %add3A_197 : i32
        %swap3A_199 = arith.index_cast %add3A_198 : i32 to index
        %swap3A_200 = tpu.vector_load %arg6[%swap3A_199] {strides = array<i32>} : memref<26640xi32, #tpu.memory_space<vmem>>, vector<16xi32>,
        %swap3A_201 = vector.shape_cast %swap3A_200 : vector<16xi32> to vector<16xi32>
        %swap3A_202 = vector.shape_cast %add3A_196 : vector<16xi32> to vector<16xi32>
        tpu.vector_store %arg6[%swap3A_199], %swap3A_202 {strides = array<i32>} : memref<26640xi32, #tpu.memory_space<vmem>>, vector<16xi32>,
        %add3A_203 = arith.constant 80 : i32
        %add3A_204 = arith.addi %add3A_110, %add3A_203 : i32
        %get3A_205 = arith.index_cast %add3A_204 : i32 to index
        %get3A_206 = tpu.vector_load %arg7[%get3A_205] {strides = array<i32>} : memref<12800xi32, #tpu.memory_space<vmem>>, vector<16xi32>,
        %get3A_207 = vector.shape_cast %get3A_206 : vector<16xi32> to vector<16xi32>
        %add3A_208 = arith.constant 80 : i32
        %add3A_209 = vector.broadcast %add3A_208 : i32 to vector<16xi32>
        %add3A_210 = arith.addi %iota3A, %add3A_209 : vector<16xi32>
        %mul3A_211 = arith.constant 28 : i32
        %mul3A_212 = vector.broadcast %mul3A_211 : i32 to vector<16xi32>
        %mul3A_213 = arith.muli %add3A_210, %mul3A_212 : vector<16xi32>
        %add3A_214 = arith.addi %get3A_207, %mul3A_213 : vector<16xi32>
        %add3A_215 = arith.constant 80 : i32
        %add3A_216 = arith.addi %mul3A_114, %add3A_215 : i32
        %swap3A_217 = arith.index_cast %add3A_216 : i32 to index
        %swap3A_218 = tpu.vector_load %arg6[%swap3A_217] {strides = array<i32>} : memref<26640xi32, #tpu.memory_space<vmem>>, vector<16xi32>,
        %swap3A_219 = vector.shape_cast %swap3A_218 : vector<16xi32> to vector<16xi32>
        %swap3A_220 = vector.shape_cast %add3A_214 : vector<16xi32> to vector<16xi32>
        tpu.vector_store %arg6[%swap3A_217], %swap3A_220 {strides = array<i32>} : memref<26640xi32, #tpu.memory_space<vmem>>, vector<16xi32>,
      }
      %scan3A_39 = arith.constant 32 : i32
      %add3A_40 = arith.constant 32 : i32
      %add3A_41 = arith.addi %mul3A_0, %add3A_40 : i32
      %mul3A_42 = arith.constant 200 : i32
      %mul3A_43 = arith.muli %add3A_41, %mul3A_42 : i32
      %dma_start3A_44 = arith.constant 6400 : i32
      %dma_start3A_45 = tpu.memref_slice %arg7[%dma_start3A_44] : memref<12800xi32, #tpu.memory_space<vmem>> -> memref<6400xi32, #tpu.memory_space<vmem>>
      %dma_start3A_46 = tpu.memref_slice %arg2[%mul3A_43] : memref<819200xi32, #tpu.memory_space<hbm>> -> memref<6400xi32, #tpu.memory_space<hbm>>
      %dma_start3A_47 = arith.constant 6400 : i32
      %dma_start3A_48 = tpu.memref_slice %arg7[%dma_start3A_47] : memref<12800xi32, #tpu.memory_space<vmem>> -> memref<6400xi32, #tpu.memory_space<vmem>>
      %dma_start3A_49 = tpu.memref_slice %arg2[%mul3A_43] : memref<819200xi32, #tpu.memory_space<hbm>> -> memref<6400xi32, #tpu.memory_space<hbm>>
      tpu.enqueue_dma source(%dma_start3A_49 : memref<6400xi32, #tpu.memory_space<hbm>>) target(%dma_start3A_48 : memref<6400xi32, #tpu.memory_space<vmem>>) target_semaphore(%arg21 : memref<!tpu.dma_semaphore, #tpu.memory_space<semaphore_mem>>)
      %barrier3A = arith.constant 0 : index
      tpu.barrier barrier_id(%barrier3A)
      %dma_start3A_50 = arith.constant 0 : i32
      %dma_start3A_51 = arith.constant 0 : i32
      %dma_start3A_52 = arith.constant 0 : i32
      %dma_start3A_53 = tpu.memref_slice %arg11[%dma_start3A_50, %dma_start3A_51, %dma_start3A_52] : memref<4x104x128xf32, #tpu.memory_space<vmem>> -> memref<1x96x128xf32, #tpu.memory_space<vmem>>
      %dma_start3A_54 = tpu.memref_squeeze %dma_start3A_53 : memref<1x96x128xf32, #tpu.memory_space<vmem>> -> memref<96x128xf32, #tpu.memory_space<vmem>>
      %dma_start3A_55 = arith.constant 0 : i32
      %dma_start3A_56 = tpu.memref_slice %arg6[%dma_start3A_55] : memref<26640xi32, #tpu.memory_space<vmem>> -> memref<96xi32, #tpu.memory_space<vmem>>
      %dma_start3A_57 = arith.constant 0 : i32
      %dma_start3A_58 = arith.constant 0 : i32
      %dma_start3A_59 = tpu.memref_slice %arg12[%dma_start3A_57, %dma_start3A_58] : memref<2912x128xf32, #tpu.memory_space<vmem_shared>> -> memref<2912x128xf32, #tpu.memory_space<vmem_shared>>
      tpu.enqueue_indirect_dma source(%dma_start3A_59 : memref<2912x128xf32, #tpu.memory_space<vmem_shared>>) target(%dma_start3A_54 : memref<96x128xf32, #tpu.memory_space<vmem>>) offsets(%dma_start3A_56 : memref<96xi32, #tpu.memory_space<vmem>>) semaphore(%arg13 : memref<!tpu.dma_semaphore, #tpu.memory_space<semaphore_mem>>)
      %dma_start3A_60 = arith.constant 1 : i32
      %dma_start3A_61 = arith.constant 0 : i32
      %dma_start3A_62 = arith.constant 0 : i32
      %dma_start3A_63 = tpu.memref_slice %arg11[%dma_start3A_60, %dma_start3A_61, %dma_start3A_62] : memref<4x104x128xf32, #tpu.memory_space<vmem>> -> memref<1x96x128xf32, #tpu.memory_space<vmem>>
      %dma_start3A_64 = tpu.memref_squeeze %dma_start3A_63 : memref<1x96x128xf32, #tpu.memory_space<vmem>> -> memref<96x128xf32, #tpu.memory_space<vmem>>
      %dma_start3A_65 = arith.constant 96 : i32
      %dma_start3A_66 = tpu.memref_slice %arg6[%dma_start3A_65] : memref<26640xi32, #tpu.memory_space<vmem>> -> memref<96xi32, #tpu.memory_space<vmem>>
      %dma_start3A_67 = arith.constant 0 : i32
      %dma_start3A_68 = arith.constant 0 : i32
      %dma_start3A_69 = tpu.memref_slice %arg12[%dma_start3A_67, %dma_start3A_68] : memref<2912x128xf32, #tpu.memory_space<vmem_shared>> -> memref<2912x128xf32, #tpu.memory_space<vmem_shared>>
      tpu.enqueue_indirect_dma source(%dma_start3A_69 : memref<2912x128xf32, #tpu.memory_space<vmem_shared>>) target(%dma_start3A_64 : memref<96x128xf32, #tpu.memory_space<vmem>>) offsets(%dma_start3A_66 : memref<96xi32, #tpu.memory_space<vmem>>) semaphore(%arg14 : memref<!tpu.dma_semaphore, #tpu.memory_space<semaphore_mem>>)
      %dma_start3A_70 = arith.constant 2 : i32
      %dma_start3A_71 = arith.constant 0 : i32
      %dma_start3A_72 = arith.constant 0 : i32
      %dma_start3A_73 = tpu.memref_slice %arg11[%dma_start3A_70, %dma_start3A_71, %dma_start3A_72] : memref<4x104x128xf32, #tpu.memory_space<vmem>> -> memref<1x96x128xf32, #tpu.memory_space<vmem>>
      %dma_start3A_74 = tpu.memref_squeeze %dma_start3A_73 : memref<1x96x128xf32, #tpu.memory_space<vmem>> -> memref<96x128xf32, #tpu.memory_space<vmem>>
      %dma_start3A_75 = arith.constant 192 : i32
      %dma_start3A_76 = tpu.memref_slice %arg6[%dma_start3A_75] : memref<26640xi32, #tpu.memory_space<vmem>> -> memref<96xi32, #tpu.memory_space<vmem>>
      %dma_start3A_77 = arith.constant 0 : i32
      %dma_start3A_78 = arith.constant 0 : i32
      %dma_start3A_79 = tpu.memref_slice %arg12[%dma_start3A_77, %dma_start3A_78] : memref<2912x128xf32, #tpu.memory_space<vmem_shared>> -> memref<2912x128xf32, #tpu.memory_space<vmem_shared>>
      tpu.enqueue_indirect_dma source(%dma_start3A_79 : memref<2912x128xf32, #tpu.memory_space<vmem_shared>>) target(%dma_start3A_74 : memref<96x128xf32, #tpu.memory_space<vmem>>) offsets(%dma_start3A_76 : memref<96xi32, #tpu.memory_space<vmem>>) semaphore(%arg15 : memref<!tpu.dma_semaphore, #tpu.memory_space<semaphore_mem>>)
      %scan3A_80 = arith.constant 0 : i32
      %scan3A_81 = arith.constant 0 : i32
      %scan3A_82 = arith.constant 64 : i32
      %scan3A_83 = arith.addi %scan3A_81, %scan3A_82 : i32
      %scan3A_84 = arith.constant 1 : i32
      scf.for %scan3A_105 = %scan3A_81 to %scan3A_83 step %scan3A_84  : i32 {
        %rem3A_106 = arith.constant 8 : i32
        %rem3A_107 = arith.remsi %scan3A_105, %rem3A_106 : i32
        %eq3A_108 = arith.constant 0 : i32
        %eq3A_109 = arith.cmpi eq, %rem3A_107, %eq3A_108 : i32
        %convert_element_type3A_110 = arith.extui %eq3A_109 : i1 to i32
        %cond3A_111 = arith.constant 0 : i32
        %cond3A_112 = arith.cmpi ne, %convert_element_type3A_110, %cond3A_111 : i32
        scf.if %cond3A_112 {
          %jit3A = arith.constant 8 : i32
          %div3A = arith.divsi %scan3A_105, %jit3A : i32
          %sign3A = arith.constant 0 : i32
          %sign3A_345 = arith.cmpi sgt, %scan3A_105, %sign3A : i32
          %sign3A_346 = arith.extui %sign3A_345 : i1 to i32
          %sign3A_347 = arith.constant 0 : i32
          %sign3A_348 = arith.cmpi slt, %scan3A_105, %sign3A_347 : i32
          %sign3A_349 = arith.extui %sign3A_348 : i1 to i32
          %sign3A_350 = arith.subi %sign3A_346, %sign3A_349 : i32
          %sign3A_351 = arith.constant 0 : i32
          %sign3A_352 = arith.cmpi sgt, %jit3A, %sign3A_351 : i32
          %sign3A_353 = arith.extui %sign3A_352 : i1 to i32
          %sign3A_354 = arith.constant 0 : i32
          %sign3A_355 = arith.cmpi slt, %jit3A, %sign3A_354 : i32
          %sign3A_356 = arith.extui %sign3A_355 : i1 to i32
          %sign3A_357 = arith.subi %sign3A_353, %sign3A_356 : i32
          %ne3A = arith.cmpi ne, %sign3A_350, %sign3A_357 : i32
          %rem3A_358 = arith.remsi %scan3A_105, %jit3A : i32
          %ne3A_359 = arith.constant 0 : i32
          %ne3A_360 = arith.cmpi ne, %rem3A_358, %ne3A_359 : i32
          %and3A = arith.andi %ne3A, %ne3A_360 : i1
          %sub3A_361 = arith.constant 1 : i32
          %sub3A_362 = arith.subi %div3A, %sub3A_361 : i32
          %select_n3A = arith.select %and3A, %sub3A_362, %div3A : i32
          %add3A_363 = arith.constant 1 : i32
          %add3A_364 = arith.addi %select_n3A, %add3A_363 : i32
          %lt3A_365 = arith.constant 8 : i32
          %lt3A_366 = arith.cmpi slt, %add3A_364, %lt3A_365 : i32
          %convert_element_type3A_367 = arith.extui %lt3A_366 : i1 to i32
          %cond3A_368 = arith.constant 0 : i32
          %cond3A_369 = arith.cmpi ne, %convert_element_type3A_367, %cond3A_368 : i32
          scf.if %cond3A_369 {
            %rem3A_370 = arith.constant 2 : i32
            %rem3A_371 = arith.remsi %add3A_364, %rem3A_370 : i32
            %mul3A_372 = arith.constant 32 : i32
            %mul3A_373 = arith.muli %add3A_364, %mul3A_372 : i32
            %add3A_374 = arith.addi %mul3A_0, %mul3A_373 : i32
            %mul3A_375 = arith.constant 200 : i32
            %mul3A_376 = arith.muli %add3A_374, %mul3A_375 : i32
            %mul3A_377 = arith.constant 6400 : i32
            %mul3A_378 = arith.muli %rem3A_371, %mul3A_377 : i32
            %dma_wait3A_379 = tpu.memref_slice %arg7[%mul3A_378] : memref<12800xi32, #tpu.memory_space<vmem>> -> memref<6400xi32, #tpu.memory_space<vmem>>
            %dma_wait3A_380 = tpu.memref_slice %arg2[%mul3A_376] : memref<819200xi32, #tpu.memory_space<hbm>> -> memref<6400xi32, #tpu.memory_space<hbm>>
            %dma_wait3A_381 = tpu.memref_slice %arg7[%mul3A_378] : memref<12800xi32, #tpu.memory_space<vmem>> -> memref<6400xi32, #tpu.memory_space<vmem>>
            %dma_wait3A_382 = tpu.memref_slice %arg2[%mul3A_376] : memref<819200xi32, #tpu.memory_space<hbm>> -> memref<6400xi32, #tpu.memory_space<hbm>>
            tpu.wait_dma2 semaphore(%arg21 : memref<!tpu.dma_semaphore, #tpu.memory_space<semaphore_mem>>) src(%dma_wait3A_382 : memref<6400xi32, #tpu.memory_space<hbm>>) dst(%dma_wait3A_381 : memref<6400xi32, #tpu.memory_space<vmem>>)
            %add3A_383 = arith.constant 1 : i32
            %add3A_384 = arith.addi %add3A_364, %add3A_383 : i32
            %lt3A_385 = arith.constant 8 : i32
            %lt3A_386 = arith.cmpi slt, %add3A_384, %lt3A_385 : i32
            %convert_element_type3A_387 = arith.extui %lt3A_386 : i1 to i32
            %cond3A_388 = arith.constant 0 : i32
            %cond3A_389 = arith.cmpi ne, %convert_element_type3A_387, %cond3A_388 : i32
            scf.if %cond3A_389 {
              %add3A_390 = arith.constant 1 : i32
              %add3A_391 = arith.addi %add3A_364, %add3A_390 : i32
              %add3A_392 = arith.constant 1 : i32
              %add3A_393 = arith.addi %add3A_364, %add3A_392 : i32
              %rem3A_394 = arith.constant 2 : i32
              %rem3A_395 = arith.remsi %add3A_393, %rem3A_394 : i32
              %mul3A_396 = arith.constant 32 : i32
              %mul3A_397 = arith.muli %add3A_391, %mul3A_396 : i32
              %add3A_398 = arith.addi %mul3A_0, %mul3A_397 : i32
              %mul3A_399 = arith.constant 200 : i32
              %mul3A_400 = arith.muli %add3A_398, %mul3A_399 : i32
              %mul3A_401 = arith.constant 6400 : i32
              %mul3A_402 = arith.muli %rem3A_395, %mul3A_401 : i32
              %dma_start3A_403 = tpu.memref_slice %arg7[%mul3A_402] : memref<12800xi32, #tpu.memory_space<vmem>> -> memref<6400xi32, #tpu.memory_space<vmem>>
              %dma_start3A_404 = tpu.memref_slice %arg2[%mul3A_400] : memref<819200xi32, #tpu.memory_space<hbm>> -> memref<6400xi32, #tpu.memory_space<hbm>>
              %dma_start3A_405 = tpu.memref_slice %arg7[%mul3A_402] : memref<12800xi32, #tpu.memory_space<vmem>> -> memref<6400xi32, #tpu.memory_space<vmem>>
              %dma_start3A_406 = tpu.memref_slice %arg2[%mul3A_400] : memref<819200xi32, #tpu.memory_space<hbm>> -> memref<6400xi32, #tpu.memory_space<hbm>>
              tpu.enqueue_dma source(%dma_start3A_406 : memref<6400xi32, #tpu.memory_space<hbm>>) target(%dma_start3A_405 : memref<6400xi32, #tpu.memory_space<vmem>>) target_semaphore(%arg21 : memref<!tpu.dma_semaphore, #tpu.memory_space<semaphore_mem>>)
            } else {
            }
          } else {
          }
        } else {
        }
        %add3A_113 = arith.constant 8 : i32
        %add3A_114 = arith.addi %scan3A_105, %add3A_113 : i32
        %lt3A_115 = arith.constant 64 : i32
        %lt3A_116 = arith.cmpi slt, %add3A_114, %lt3A_115 : i32
        %convert_element_type3A_117 = arith.extui %lt3A_116 : i1 to i32
        %cond3A_118 = arith.constant 0 : i32
        %cond3A_119 = arith.cmpi ne, %convert_element_type3A_117, %cond3A_118 : i32
        scf.if %cond3A_119 {
          %add3A_345 = arith.constant 8 : i32
          %add3A_346 = arith.addi %scan3A_105, %add3A_345 : i32
          %jit3A = arith.constant 8 : i32
          %div3A = arith.divsi %add3A_346, %jit3A : i32
          %sign3A = arith.constant 0 : i32
          %sign3A_347 = arith.cmpi sgt, %add3A_346, %sign3A : i32
          %sign3A_348 = arith.extui %sign3A_347 : i1 to i32
          %sign3A_349 = arith.constant 0 : i32
          %sign3A_350 = arith.cmpi slt, %add3A_346, %sign3A_349 : i32
          %sign3A_351 = arith.extui %sign3A_350 : i1 to i32
          %sign3A_352 = arith.subi %sign3A_348, %sign3A_351 : i32
          %sign3A_353 = arith.constant 0 : i32
          %sign3A_354 = arith.cmpi sgt, %jit3A, %sign3A_353 : i32
          %sign3A_355 = arith.extui %sign3A_354 : i1 to i32
          %sign3A_356 = arith.constant 0 : i32
          %sign3A_357 = arith.cmpi slt, %jit3A, %sign3A_356 : i32
          %sign3A_358 = arith.extui %sign3A_357 : i1 to i32
          %sign3A_359 = arith.subi %sign3A_355, %sign3A_358 : i32
          %ne3A = arith.cmpi ne, %sign3A_352, %sign3A_359 : i32
          %rem3A_360 = arith.remsi %add3A_346, %jit3A : i32
          %ne3A_361 = arith.constant 0 : i32
          %ne3A_362 = arith.cmpi ne, %rem3A_360, %ne3A_361 : i32
          %and3A = arith.andi %ne3A, %ne3A_362 : i1
          %sub3A_363 = arith.constant 1 : i32
          %sub3A_364 = arith.subi %div3A, %sub3A_363 : i32
          %select_n3A = arith.select %and3A, %sub3A_364, %div3A : i32
          %rem3A_365 = arith.constant 2 : i32
          %rem3A_366 = arith.remsi %select_n3A, %rem3A_365 : i32
          %mul3A_367 = arith.constant 6400 : i32
          %mul3A_368 = arith.muli %rem3A_366, %mul3A_367 : i32
          %rem3A_369 = arith.constant 8 : i32
          %rem3A_370 = arith.remsi %add3A_346, %rem3A_369 : i32
          %mul3A_371 = arith.constant 4 : i32
          %mul3A_372 = arith.muli %rem3A_370, %mul3A_371 : i32
          %add3A_373 = arith.constant 0 : i32
          %add3A_374 = arith.addi %mul3A_372, %add3A_373 : i32
          %mul3A_375 = arith.constant 200 : i32
          %mul3A_376 = arith.muli %add3A_374, %mul3A_375 : i32
          %add3A_377 = arith.addi %mul3A_368, %mul3A_376 : i32
          %add3A_378 = arith.constant 104 : i32
          %add3A_379 = arith.addi %add3A_377, %add3A_378 : i32
          %mul3A_380 = arith.constant 4 : i32
          %mul3A_381 = arith.muli %add3A_346, %mul3A_380 : i32
          %add3A_382 = arith.constant 0 : i32
          %add3A_383 = arith.addi %mul3A_381, %add3A_382 : i32
          %mul3A_384 = arith.constant 96 : i32
          %mul3A_385 = arith.muli %add3A_383, %mul3A_384 : i32
          %add3A_386 = arith.constant 0 : i32
          %add3A_387 = arith.addi %add3A_379, %add3A_386 : i32
          %get3A = arith.index_cast %add3A_387 : i32 to index
          %get3A_388 = tpu.vector_load %arg7[%get3A] {strides = array<i32>} : memref<12800xi32, #tpu.memory_space<vmem>>, vector<16xi32>,
          %get3A_389 = vector.shape_cast %get3A_388 : vector<16xi32> to vector<16xi32>
          %add3A_390 = arith.constant 0 : i32
          %add3A_391 = vector.broadcast %add3A_390 : i32 to vector<16xi32>
          %add3A_392 = arith.addi %iota3A, %add3A_391 : vector<16xi32>
          %mul3A_393 = arith.constant 28 : i32
          %mul3A_394 = vector.broadcast %mul3A_393 : i32 to vector<16xi32>
          %mul3A_395 = arith.muli %add3A_392, %mul3A_394 : vector<16xi32>
          %add3A_396 = arith.addi %get3A_389, %mul3A_395 : vector<16xi32>
          %add3A_397 = arith.constant 0 : i32
          %add3A_398 = arith.addi %mul3A_385, %add3A_397 : i32
          %swap3A = arith.index_cast %add3A_398 : i32 to index
          %swap3A_399 = tpu.vector_load %arg6[%swap3A] {strides = array<i32>} : memref<26640xi32, #tpu.memory_space<vmem>>, vector<16xi32>,
          %swap3A_400 = vector.shape_cast %swap3A_399 : vector<16xi32> to vector<16xi32>
          %swap3A_401 = vector.shape_cast %add3A_396 : vector<16xi32> to vector<16xi32>
          tpu.vector_store %arg6[%swap3A], %swap3A_401 {strides = array<i32>} : memref<26640xi32, #tpu.memory_space<vmem>>, vector<16xi32>,
          %add3A_402 = arith.constant 16 : i32
          %add3A_403 = arith.addi %add3A_379, %add3A_402 : i32
          %get3A_404 = arith.index_cast %add3A_403 : i32 to index
          %get3A_405 = tpu.vector_load %arg7[%get3A_404] {strides = array<i32>} : memref<12800xi32, #tpu.memory_space<vmem>>, vector<16xi32>,
          %get3A_406 = vector.shape_cast %get3A_405 : vector<16xi32> to vector<16xi32>
          %add3A_407 = arith.constant 16 : i32
          %add3A_408 = vector.broadcast %add3A_407 : i32 to vector<16xi32>
          %add3A_409 = arith.addi %iota3A, %add3A_408 : vector<16xi32>
          %mul3A_410 = arith.constant 28 : i32
          %mul3A_411 = vector.broadcast %mul3A_410 : i32 to vector<16xi32>
          %mul3A_412 = arith.muli %add3A_409, %mul3A_411 : vector<16xi32>
          %add3A_413 = arith.addi %get3A_406, %mul3A_412 : vector<16xi32>
          %add3A_414 = arith.constant 16 : i32
          %add3A_415 = arith.addi %mul3A_385, %add3A_414 : i32
          %swap3A_416 = arith.index_cast %add3A_415 : i32 to index
          %swap3A_417 = tpu.vector_load %arg6[%swap3A_416] {strides = array<i32>} : memref<26640xi32, #tpu.memory_space<vmem>>, vector<16xi32>,
          %swap3A_418 = vector.shape_cast %swap3A_417 : vector<16xi32> to vector<16xi32>
          %swap3A_419 = vector.shape_cast %add3A_413 : vector<16xi32> to vector<16xi32>
          tpu.vector_store %arg6[%swap3A_416], %swap3A_419 {strides = array<i32>} : memref<26640xi32, #tpu.memory_space<vmem>>, vector<16xi32>,
          %add3A_420 = arith.constant 32 : i32
          %add3A_421 = arith.addi %add3A_379, %add3A_420 : i32
          %get3A_422 = arith.index_cast %add3A_421 : i32 to index
          %get3A_423 = tpu.vector_load %arg7[%get3A_422] {strides = array<i32>} : memref<12800xi32, #tpu.memory_space<vmem>>, vector<16xi32>,
          %get3A_424 = vector.shape_cast %get3A_423 : vector<16xi32> to vector<16xi32>
          %add3A_425 = arith.constant 32 : i32
          %add3A_426 = vector.broadcast %add3A_425 : i32 to vector<16xi32>
          %add3A_427 = arith.addi %iota3A, %add3A_426 : vector<16xi32>
          %mul3A_428 = arith.constant 28 : i32
          %mul3A_429 = vector.broadcast %mul3A_428 : i32 to vector<16xi32>
          %mul3A_430 = arith.muli %add3A_427, %mul3A_429 : vector<16xi32>
          %add3A_431 = arith.addi %get3A_424, %mul3A_430 : vector<16xi32>
          %add3A_432 = arith.constant 32 : i32
          %add3A_433 = arith.addi %mul3A_385, %add3A_432 : i32
          %swap3A_434 = arith.index_cast %add3A_433 : i32 to index
          %swap3A_435 = tpu.vector_load %arg6[%swap3A_434] {strides = array<i32>} : memref<26640xi32, #tpu.memory_space<vmem>>, vector<16xi32>,
          %swap3A_436 = vector.shape_cast %swap3A_435 : vector<16xi32> to vector<16xi32>
          %swap3A_437 = vector.shape_cast %add3A_431 : vector<16xi32> to vector<16xi32>
          tpu.vector_store %arg6[%swap3A_434], %swap3A_437 {strides = array<i32>} : memref<26640xi32, #tpu.memory_space<vmem>>, vector<16xi32>,
          %add3A_438 = arith.constant 48 : i32
          %add3A_439 = arith.addi %add3A_379, %add3A_438 : i32
          %get3A_440 = arith.index_cast %add3A_439 : i32 to index
          %get3A_441 = tpu.vector_load %arg7[%get3A_440] {strides = array<i32>} : memref<12800xi32, #tpu.memory_space<vmem>>, vector<16xi32>,
          %get3A_442 = vector.shape_cast %get3A_441 : vector<16xi32> to vector<16xi32>
          %add3A_443 = arith.constant 48 : i32
          %add3A_444 = vector.broadcast %add3A_443 : i32 to vector<16xi32>
          %add3A_445 = arith.addi %iota3A, %add3A_444 : vector<16xi32>
          %mul3A_446 = arith.constant 28 : i32
          %mul3A_447 = vector.broadcast %mul3A_446 : i32 to vector<16xi32>
          %mul3A_448 = arith.muli %add3A_445, %mul3A_447 : vector<16xi32>
          %add3A_449 = arith.addi %get3A_442, %mul3A_448 : vector<16xi32>
          %add3A_450 = arith.constant 48 : i32
          %add3A_451 = arith.addi %mul3A_385, %add3A_450 : i32
          %swap3A_452 = arith.index_cast %add3A_451 : i32 to index
          %swap3A_453 = tpu.vector_load %arg6[%swap3A_452] {strides = array<i32>} : memref<26640xi32, #tpu.memory_space<vmem>>, vector<16xi32>,
          %swap3A_454 = vector.shape_cast %swap3A_453 : vector<16xi32> to vector<16xi32>
          %swap3A_455 = vector.shape_cast %add3A_449 : vector<16xi32> to vector<16xi32>
          tpu.vector_store %arg6[%swap3A_452], %swap3A_455 {strides = array<i32>} : memref<26640xi32, #tpu.memory_space<vmem>>, vector<16xi32>,
          %add3A_456 = arith.constant 64 : i32
          %add3A_457 = arith.addi %add3A_379, %add3A_456 : i32
          %get3A_458 = arith.index_cast %add3A_457 : i32 to index
          %get3A_459 = tpu.vector_load %arg7[%get3A_458] {strides = array<i32>} : memref<12800xi32, #tpu.memory_space<vmem>>, vector<16xi32>,
          %get3A_460 = vector.shape_cast %get3A_459 : vector<16xi32> to vector<16xi32>
          %add3A_461 = arith.constant 64 : i32
          %add3A_462 = vector.broadcast %add3A_461 : i32 to vector<16xi32>
          %add3A_463 = arith.addi %iota3A, %add3A_462 : vector<16xi32>
          %mul3A_464 = arith.constant 28 : i32
          %mul3A_465 = vector.broadcast %mul3A_464 : i32 to vector<16xi32>
          %mul3A_466 = arith.muli %add3A_463, %mul3A_465 : vector<16xi32>
          %add3A_467 = arith.addi %get3A_460, %mul3A_466 : vector<16xi32>
          %add3A_468 = arith.constant 64 : i32
          %add3A_469 = arith.addi %mul3A_385, %add3A_468 : i32
          %swap3A_470 = arith.index_cast %add3A_469 : i32 to index
          %swap3A_471 = tpu.vector_load %arg6[%swap3A_470] {strides = array<i32>} : memref<26640xi32, #tpu.memory_space<vmem>>, vector<16xi32>,
          %swap3A_472 = vector.shape_cast %swap3A_471 : vector<16xi32> to vector<16xi32>
          %swap3A_473 = vector.shape_cast %add3A_467 : vector<16xi32> to vector<16xi32>
          tpu.vector_store %arg6[%swap3A_470], %swap3A_473 {strides = array<i32>} : memref<26640xi32, #tpu.memory_space<vmem>>, vector<16xi32>,
          %add3A_474 = arith.constant 80 : i32
          %add3A_475 = arith.addi %add3A_379, %add3A_474 : i32
          %get3A_476 = arith.index_cast %add3A_475 : i32 to index
          %get3A_477 = tpu.vector_load %arg7[%get3A_476] {strides = array<i32>} : memref<12800xi32, #tpu.memory_space<vmem>>, vector<16xi32>,
          %get3A_478 = vector.shape_cast %get3A_477 : vector<16xi32> to vector<16xi32>
          %add3A_479 = arith.constant 80 : i32
          %add3A_480 = vector.broadcast %add3A_479 : i32 to vector<16xi32>
          %add3A_481 = arith.addi %iota3A, %add3A_480 : vector<16xi32>
          %mul3A_482 = arith.constant 28 : i32
          %mul3A_483 = vector.broadcast %mul3A_482 : i32 to vector<16xi32>
          %mul3A_484 = arith.muli %add3A_481, %mul3A_483 : vector<16xi32>
          %add3A_485 = arith.addi %get3A_478, %mul3A_484 : vector<16xi32>
          %add3A_486 = arith.constant 80 : i32
          %add3A_487 = arith.addi %mul3A_385, %add3A_486 : i32
          %swap3A_488 = arith.index_cast %add3A_487 : i32 to index
          %swap3A_489 = tpu.vector_load %arg6[%swap3A_488] {strides = array<i32>} : memref<26640xi32, #tpu.memory_space<vmem>>, vector<16xi32>,
          %swap3A_490 = vector.shape_cast %swap3A_489 : vector<16xi32> to vector<16xi32>
          %swap3A_491 = vector.shape_cast %add3A_485 : vector<16xi32> to vector<16xi32>
          tpu.vector_store %arg6[%swap3A_488], %swap3A_491 {strides = array<i32>} : memref<26640xi32, #tpu.memory_space<vmem>>, vector<16xi32>,
          %add3A_492 = arith.constant 1 : i32
          %add3A_493 = arith.addi %mul3A_372, %add3A_492 : i32
          %mul3A_494 = arith.constant 200 : i32
          %mul3A_495 = arith.muli %add3A_493, %mul3A_494 : i32
          %add3A_496 = arith.addi %mul3A_368, %mul3A_495 : i32
          %add3A_497 = arith.constant 104 : i32
          %add3A_498 = arith.addi %add3A_496, %add3A_497 : i32
          %mul3A_499 = arith.constant 4 : i32
          %mul3A_500 = arith.muli %add3A_346, %mul3A_499 : i32
          %add3A_501 = arith.constant 1 : i32
          %add3A_502 = arith.addi %mul3A_500, %add3A_501 : i32
          %mul3A_503 = arith.constant 96 : i32
          %mul3A_504 = arith.muli %add3A_502, %mul3A_503 : i32
          %add3A_505 = arith.constant 0 : i32
          %add3A_506 = arith.addi %add3A_498, %add3A_505 : i32
          %get3A_507 = arith.index_cast %add3A_506 : i32 to index
          %get3A_508 = tpu.vector_load %arg7[%get3A_507] {strides = array<i32>} : memref<12800xi32, #tpu.memory_space<vmem>>, vector<16xi32>,
          %get3A_509 = vector.shape_cast %get3A_508 : vector<16xi32> to vector<16xi32>
          %add3A_510 = arith.constant 0 : i32
          %add3A_511 = vector.broadcast %add3A_510 : i32 to vector<16xi32>
          %add3A_512 = arith.addi %iota3A, %add3A_511 : vector<16xi32>
          %mul3A_513 = arith.constant 28 : i32
          %mul3A_514 = vector.broadcast %mul3A_513 : i32 to vector<16xi32>
          %mul3A_515 = arith.muli %add3A_512, %mul3A_514 : vector<16xi32>
          %add3A_516 = arith.addi %get3A_509, %mul3A_515 : vector<16xi32>
          %add3A_517 = arith.constant 0 : i32
          %add3A_518 = arith.addi %mul3A_504, %add3A_517 : i32
          %swap3A_519 = arith.index_cast %add3A_518 : i32 to index
          %swap3A_520 = tpu.vector_load %arg6[%swap3A_519] {strides = array<i32>} : memref<26640xi32, #tpu.memory_space<vmem>>, vector<16xi32>,
          %swap3A_521 = vector.shape_cast %swap3A_520 : vector<16xi32> to vector<16xi32>
          %swap3A_522 = vector.shape_cast %add3A_516 : vector<16xi32> to vector<16xi32>
          tpu.vector_store %arg6[%swap3A_519], %swap3A_522 {strides = array<i32>} : memref<26640xi32, #tpu.memory_space<vmem>>, vector<16xi32>,
          %add3A_523 = arith.constant 16 : i32
          %add3A_524 = arith.addi %add3A_498, %add3A_523 : i32
          %get3A_525 = arith.index_cast %add3A_524 : i32 to index
          %get3A_526 = tpu.vector_load %arg7[%get3A_525] {strides = array<i32>} : memref<12800xi32, #tpu.memory_space<vmem>>, vector<16xi32>,
          %get3A_527 = vector.shape_cast %get3A_526 : vector<16xi32> to vector<16xi32>
          %add3A_528 = arith.constant 16 : i32
          %add3A_529 = vector.broadcast %add3A_528 : i32 to vector<16xi32>
          %add3A_530 = arith.addi %iota3A, %add3A_529 : vector<16xi32>
          %mul3A_531 = arith.constant 28 : i32
          %mul3A_532 = vector.broadcast %mul3A_531 : i32 to vector<16xi32>
          %mul3A_533 = arith.muli %add3A_530, %mul3A_532 : vector<16xi32>
          %add3A_534 = arith.addi %get3A_527, %mul3A_533 : vector<16xi32>
          %add3A_535 = arith.constant 16 : i32
          %add3A_536 = arith.addi %mul3A_504, %add3A_535 : i32
          %swap3A_537 = arith.index_cast %add3A_536 : i32 to index
          %swap3A_538 = tpu.vector_load %arg6[%swap3A_537] {strides = array<i32>} : memref<26640xi32, #tpu.memory_space<vmem>>, vector<16xi32>,
          %swap3A_539 = vector.shape_cast %swap3A_538 : vector<16xi32> to vector<16xi32>
          %swap3A_540 = vector.shape_cast %add3A_534 : vector<16xi32> to vector<16xi32>
          tpu.vector_store %arg6[%swap3A_537], %swap3A_540 {strides = array<i32>} : memref<26640xi32, #tpu.memory_space<vmem>>, vector<16xi32>,
          %add3A_541 = arith.constant 32 : i32
          %add3A_542 = arith.addi %add3A_498, %add3A_541 : i32
          %get3A_543 = arith.index_cast %add3A_542 : i32 to index
          %get3A_544 = tpu.vector_load %arg7[%get3A_543] {strides = array<i32>} : memref<12800xi32, #tpu.memory_space<vmem>>, vector<16xi32>,
          %get3A_545 = vector.shape_cast %get3A_544 : vector<16xi32> to vector<16xi32>
          %add3A_546 = arith.constant 32 : i32
          %add3A_547 = vector.broadcast %add3A_546 : i32 to vector<16xi32>
          %add3A_548 = arith.addi %iota3A, %add3A_547 : vector<16xi32>
          %mul3A_549 = arith.constant 28 : i32
          %mul3A_550 = vector.broadcast %mul3A_549 : i32 to vector<16xi32>
          %mul3A_551 = arith.muli %add3A_548, %mul3A_550 : vector<16xi32>
          %add3A_552 = arith.addi %get3A_545, %mul3A_551 : vector<16xi32>
          %add3A_553 = arith.constant 32 : i32
          %add3A_554 = arith.addi %mul3A_504, %add3A_553 : i32
          %swap3A_555 = arith.index_cast %add3A_554 : i32 to index
          %swap3A_556 = tpu.vector_load %arg6[%swap3A_555] {strides = array<i32>} : memref<26640xi32, #tpu.memory_space<vmem>>, vector<16xi32>,
          %swap3A_557 = vector.shape_cast %swap3A_556 : vector<16xi32> to vector<16xi32>
          %swap3A_558 = vector.shape_cast %add3A_552 : vector<16xi32> to vector<16xi32>
          tpu.vector_store %arg6[%swap3A_555], %swap3A_558 {strides = array<i32>} : memref<26640xi32, #tpu.memory_space<vmem>>, vector<16xi32>,
          %add3A_559 = arith.constant 48 : i32
          %add3A_560 = arith.addi %add3A_498, %add3A_559 : i32
          %get3A_561 = arith.index_cast %add3A_560 : i32 to index
          %get3A_562 = tpu.vector_load %arg7[%get3A_561] {strides = array<i32>} : memref<12800xi32, #tpu.memory_space<vmem>>, vector<16xi32>,
          %get3A_563 = vector.shape_cast %get3A_562 : vector<16xi32> to vector<16xi32>
          %add3A_564 = arith.constant 48 : i32
          %add3A_565 = vector.broadcast %add3A_564 : i32 to vector<16xi32>
          %add3A_566 = arith.addi %iota3A, %add3A_565 : vector<16xi32>
          %mul3A_567 = arith.constant 28 : i32
          %mul3A_568 = vector.broadcast %mul3A_567 : i32 to vector<16xi32>
          %mul3A_569 = arith.muli %add3A_566, %mul3A_568 : vector<16xi32>
          %add3A_570 = arith.addi %get3A_563, %mul3A_569 : vector<16xi32>
          %add3A_571 = arith.constant 48 : i32
          %add3A_572 = arith.addi %mul3A_504, %add3A_571 : i32
          %swap3A_573 = arith.index_cast %add3A_572 : i32 to index
          %swap3A_574 = tpu.vector_load %arg6[%swap3A_573] {strides = array<i32>} : memref<26640xi32, #tpu.memory_space<vmem>>, vector<16xi32>,
          %swap3A_575 = vector.shape_cast %swap3A_574 : vector<16xi32> to vector<16xi32>
          %swap3A_576 = vector.shape_cast %add3A_570 : vector<16xi32> to vector<16xi32>
          tpu.vector_store %arg6[%swap3A_573], %swap3A_576 {strides = array<i32>} : memref<26640xi32, #tpu.memory_space<vmem>>, vector<16xi32>,
          %add3A_577 = arith.constant 64 : i32
          %add3A_578 = arith.addi %add3A_498, %add3A_577 : i32
          %get3A_579 = arith.index_cast %add3A_578 : i32 to index
          %get3A_580 = tpu.vector_load %arg7[%get3A_579] {strides = array<i32>} : memref<12800xi32, #tpu.memory_space<vmem>>, vector<16xi32>,
          %get3A_581 = vector.shape_cast %get3A_580 : vector<16xi32> to vector<16xi32>
          %add3A_582 = arith.constant 64 : i32
          %add3A_583 = vector.broadcast %add3A_582 : i32 to vector<16xi32>
          %add3A_584 = arith.addi %iota3A, %add3A_583 : vector<16xi32>
          %mul3A_585 = arith.constant 28 : i32
          %mul3A_586 = vector.broadcast %mul3A_585 : i32 to vector<16xi32>
          %mul3A_587 = arith.muli %add3A_584, %mul3A_586 : vector<16xi32>
          %add3A_588 = arith.addi %get3A_581, %mul3A_587 : vector<16xi32>
          %add3A_589 = arith.constant 64 : i32
          %add3A_590 = arith.addi %mul3A_504, %add3A_589 : i32
          %swap3A_591 = arith.index_cast %add3A_590 : i32 to index
          %swap3A_592 = tpu.vector_load %arg6[%swap3A_591] {strides = array<i32>} : memref<26640xi32, #tpu.memory_space<vmem>>, vector<16xi32>,
          %swap3A_593 = vector.shape_cast %swap3A_592 : vector<16xi32> to vector<16xi32>
          %swap3A_594 = vector.shape_cast %add3A_588 : vector<16xi32> to vector<16xi32>
          tpu.vector_store %arg6[%swap3A_591], %swap3A_594 {strides = array<i32>} : memref<26640xi32, #tpu.memory_space<vmem>>, vector<16xi32>,
          %add3A_595 = arith.constant 80 : i32
          %add3A_596 = arith.addi %add3A_498, %add3A_595 : i32
          %get3A_597 = arith.index_cast %add3A_596 : i32 to index
          %get3A_598 = tpu.vector_load %arg7[%get3A_597] {strides = array<i32>} : memref<12800xi32, #tpu.memory_space<vmem>>, vector<16xi32>,
          %get3A_599 = vector.shape_cast %get3A_598 : vector<16xi32> to vector<16xi32>
          %add3A_600 = arith.constant 80 : i32
          %add3A_601 = vector.broadcast %add3A_600 : i32 to vector<16xi32>
          %add3A_602 = arith.addi %iota3A, %add3A_601 : vector<16xi32>
          %mul3A_603 = arith.constant 28 : i32
          %mul3A_604 = vector.broadcast %mul3A_603 : i32 to vector<16xi32>
          %mul3A_605 = arith.muli %add3A_602, %mul3A_604 : vector<16xi32>
          %add3A_606 = arith.addi %get3A_599, %mul3A_605 : vector<16xi32>
          %add3A_607 = arith.constant 80 : i32
          %add3A_608 = arith.addi %mul3A_504, %add3A_607 : i32
          %swap3A_609 = arith.index_cast %add3A_608 : i32 to index
          %swap3A_610 = tpu.vector_load %arg6[%swap3A_609] {strides = array<i32>} : memref<26640xi32, #tpu.memory_space<vmem>>, vector<16xi32>,
          %swap3A_611 = vector.shape_cast %swap3A_610 : vector<16xi32> to vector<16xi32>
          %swap3A_612 = vector.shape_cast %add3A_606 : vector<16xi32> to vector<16xi32>
          tpu.vector_store %arg6[%swap3A_609], %swap3A_612 {strides = array<i32>} : memref<26640xi32, #tpu.memory_space<vmem>>, vector<16xi32>,
          %add3A_613 = arith.constant 2 : i32
          %add3A_614 = arith.addi %mul3A_372, %add3A_613 : i32
          %mul3A_615 = arith.constant 200 : i32
          %mul3A_616 = arith.muli %add3A_614, %mul3A_615 : i32
          %add3A_617 = arith.addi %mul3A_368, %mul3A_616 : i32
          %add3A_618 = arith.constant 104 : i32
          %add3A_619 = arith.addi %add3A_617, %add3A_618 : i32
          %mul3A_620 = arith.constant 4 : i32
          %mul3A_621 = arith.muli %add3A_346, %mul3A_620 : i32
          %add3A_622 = arith.constant 2 : i32
          %add3A_623 = arith.addi %mul3A_621, %add3A_622 : i32
          %mul3A_624 = arith.constant 96 : i32
          %mul3A_625 = arith.muli %add3A_623, %mul3A_624 : i32
          %add3A_626 = arith.constant 0 : i32
          %add3A_627 = arith.addi %add3A_619, %add3A_626 : i32
          %get3A_628 = arith.index_cast %add3A_627 : i32 to index
          %get3A_629 = tpu.vector_load %arg7[%get3A_628] {strides = array<i32>} : memref<12800xi32, #tpu.memory_space<vmem>>, vector<16xi32>,
          %get3A_630 = vector.shape_cast %get3A_629 : vector<16xi32> to vector<16xi32>
          %add3A_631 = arith.constant 0 : i32
          %add3A_632 = vector.broadcast %add3A_631 : i32 to vector<16xi32>
          %add3A_633 = arith.addi %iota3A, %add3A_632 : vector<16xi32>
          %mul3A_634 = arith.constant 28 : i32
          %mul3A_635 = vector.broadcast %mul3A_634 : i32 to vector<16xi32>
          %mul3A_636 = arith.muli %add3A_633, %mul3A_635 : vector<16xi32>
          %add3A_637 = arith.addi %get3A_630, %mul3A_636 : vector<16xi32>
          %add3A_638 = arith.constant 0 : i32
          %add3A_639 = arith.addi %mul3A_625, %add3A_638 : i32
          %swap3A_640 = arith.index_cast %add3A_639 : i32 to index
          %swap3A_641 = tpu.vector_load %arg6[%swap3A_640] {strides = array<i32>} : memref<26640xi32, #tpu.memory_space<vmem>>, vector<16xi32>,
          %swap3A_642 = vector.shape_cast %swap3A_641 : vector<16xi32> to vector<16xi32>
          %swap3A_643 = vector.shape_cast %add3A_637 : vector<16xi32> to vector<16xi32>
          tpu.vector_store %arg6[%swap3A_640], %swap3A_643 {strides = array<i32>} : memref<26640xi32, #tpu.memory_space<vmem>>, vector<16xi32>,
          %add3A_644 = arith.constant 16 : i32
          %add3A_645 = arith.addi %add3A_619, %add3A_644 : i32
          %get3A_646 = arith.index_cast %add3A_645 : i32 to index
          %get3A_647 = tpu.vector_load %arg7[%get3A_646] {strides = array<i32>} : memref<12800xi32, #tpu.memory_space<vmem>>, vector<16xi32>,
          %get3A_648 = vector.shape_cast %get3A_647 : vector<16xi32> to vector<16xi32>
          %add3A_649 = arith.constant 16 : i32
          %add3A_650 = vector.broadcast %add3A_649 : i32 to vector<16xi32>
          %add3A_651 = arith.addi %iota3A, %add3A_650 : vector<16xi32>
          %mul3A_652 = arith.constant 28 : i32
          %mul3A_653 = vector.broadcast %mul3A_652 : i32 to vector<16xi32>
          %mul3A_654 = arith.muli %add3A_651, %mul3A_653 : vector<16xi32>
          %add3A_655 = arith.addi %get3A_648, %mul3A_654 : vector<16xi32>
          %add3A_656 = arith.constant 16 : i32
          %add3A_657 = arith.addi %mul3A_625, %add3A_656 : i32
          %swap3A_658 = arith.index_cast %add3A_657 : i32 to index
          %swap3A_659 = tpu.vector_load %arg6[%swap3A_658] {strides = array<i32>} : memref<26640xi32, #tpu.memory_space<vmem>>, vector<16xi32>,
          %swap3A_660 = vector.shape_cast %swap3A_659 : vector<16xi32> to vector<16xi32>
          %swap3A_661 = vector.shape_cast %add3A_655 : vector<16xi32> to vector<16xi32>
          tpu.vector_store %arg6[%swap3A_658], %swap3A_661 {strides = array<i32>} : memref<26640xi32, #tpu.memory_space<vmem>>, vector<16xi32>,
          %add3A_662 = arith.constant 32 : i32
          %add3A_663 = arith.addi %add3A_619, %add3A_662 : i32
          %get3A_664 = arith.index_cast %add3A_663 : i32 to index
          %get3A_665 = tpu.vector_load %arg7[%get3A_664] {strides = array<i32>} : memref<12800xi32, #tpu.memory_space<vmem>>, vector<16xi32>,
          %get3A_666 = vector.shape_cast %get3A_665 : vector<16xi32> to vector<16xi32>
          %add3A_667 = arith.constant 32 : i32
          %add3A_668 = vector.broadcast %add3A_667 : i32 to vector<16xi32>
          %add3A_669 = arith.addi %iota3A, %add3A_668 : vector<16xi32>
          %mul3A_670 = arith.constant 28 : i32
          %mul3A_671 = vector.broadcast %mul3A_670 : i32 to vector<16xi32>
          %mul3A_672 = arith.muli %add3A_669, %mul3A_671 : vector<16xi32>
          %add3A_673 = arith.addi %get3A_666, %mul3A_672 : vector<16xi32>
          %add3A_674 = arith.constant 32 : i32
          %add3A_675 = arith.addi %mul3A_625, %add3A_674 : i32
          %swap3A_676 = arith.index_cast %add3A_675 : i32 to index
          %swap3A_677 = tpu.vector_load %arg6[%swap3A_676] {strides = array<i32>} : memref<26640xi32, #tpu.memory_space<vmem>>, vector<16xi32>,
          %swap3A_678 = vector.shape_cast %swap3A_677 : vector<16xi32> to vector<16xi32>
          %swap3A_679 = vector.shape_cast %add3A_673 : vector<16xi32> to vector<16xi32>
          tpu.vector_store %arg6[%swap3A_676], %swap3A_679 {strides = array<i32>} : memref<26640xi32, #tpu.memory_space<vmem>>, vector<16xi32>,
          %add3A_680 = arith.constant 48 : i32
          %add3A_681 = arith.addi %add3A_619, %add3A_680 : i32
          %get3A_682 = arith.index_cast %add3A_681 : i32 to index
          %get3A_683 = tpu.vector_load %arg7[%get3A_682] {strides = array<i32>} : memref<12800xi32, #tpu.memory_space<vmem>>, vector<16xi32>,
          %get3A_684 = vector.shape_cast %get3A_683 : vector<16xi32> to vector<16xi32>
          %add3A_685 = arith.constant 48 : i32
          %add3A_686 = vector.broadcast %add3A_685 : i32 to vector<16xi32>
          %add3A_687 = arith.addi %iota3A, %add3A_686 : vector<16xi32>
          %mul3A_688 = arith.constant 28 : i32
          %mul3A_689 = vector.broadcast %mul3A_688 : i32 to vector<16xi32>
          %mul3A_690 = arith.muli %add3A_687, %mul3A_689 : vector<16xi32>
          %add3A_691 = arith.addi %get3A_684, %mul3A_690 : vector<16xi32>
          %add3A_692 = arith.constant 48 : i32
          %add3A_693 = arith.addi %mul3A_625, %add3A_692 : i32
          %swap3A_694 = arith.index_cast %add3A_693 : i32 to index
          %swap3A_695 = tpu.vector_load %arg6[%swap3A_694] {strides = array<i32>} : memref<26640xi32, #tpu.memory_space<vmem>>, vector<16xi32>,
          %swap3A_696 = vector.shape_cast %swap3A_695 : vector<16xi32> to vector<16xi32>
          %swap3A_697 = vector.shape_cast %add3A_691 : vector<16xi32> to vector<16xi32>
          tpu.vector_store %arg6[%swap3A_694], %swap3A_697 {strides = array<i32>} : memref<26640xi32, #tpu.memory_space<vmem>>, vector<16xi32>,
          %add3A_698 = arith.constant 64 : i32
          %add3A_699 = arith.addi %add3A_619, %add3A_698 : i32
          %get3A_700 = arith.index_cast %add3A_699 : i32 to index
          %get3A_701 = tpu.vector_load %arg7[%get3A_700] {strides = array<i32>} : memref<12800xi32, #tpu.memory_space<vmem>>, vector<16xi32>,
          %get3A_702 = vector.shape_cast %get3A_701 : vector<16xi32> to vector<16xi32>
          %add3A_703 = arith.constant 64 : i32
          %add3A_704 = vector.broadcast %add3A_703 : i32 to vector<16xi32>
          %add3A_705 = arith.addi %iota3A, %add3A_704 : vector<16xi32>
          %mul3A_706 = arith.constant 28 : i32
          %mul3A_707 = vector.broadcast %mul3A_706 : i32 to vector<16xi32>
          %mul3A_708 = arith.muli %add3A_705, %mul3A_707 : vector<16xi32>
          %add3A_709 = arith.addi %get3A_702, %mul3A_708 : vector<16xi32>
          %add3A_710 = arith.constant 64 : i32
          %add3A_711 = arith.addi %mul3A_625, %add3A_710 : i32
          %swap3A_712 = arith.index_cast %add3A_711 : i32 to index
          %swap3A_713 = tpu.vector_load %arg6[%swap3A_712] {strides = array<i32>} : memref<26640xi32, #tpu.memory_space<vmem>>, vector<16xi32>,
          %swap3A_714 = vector.shape_cast %swap3A_713 : vector<16xi32> to vector<16xi32>
          %swap3A_715 = vector.shape_cast %add3A_709 : vector<16xi32> to vector<16xi32>
          tpu.vector_store %arg6[%swap3A_712], %swap3A_715 {strides = array<i32>} : memref<26640xi32, #tpu.memory_space<vmem>>, vector<16xi32>,
          %add3A_716 = arith.constant 80 : i32
          %add3A_717 = arith.addi %add3A_619, %add3A_716 : i32
          %get3A_718 = arith.index_cast %add3A_717 : i32 to index
          %get3A_719 = tpu.vector_load %arg7[%get3A_718] {strides = array<i32>} : memref<12800xi32, #tpu.memory_space<vmem>>, vector<16xi32>,
          %get3A_720 = vector.shape_cast %get3A_719 : vector<16xi32> to vector<16xi32>
          %add3A_721 = arith.constant 80 : i32
          %add3A_722 = vector.broadcast %add3A_721 : i32 to vector<16xi32>
          %add3A_723 = arith.addi %iota3A, %add3A_722 : vector<16xi32>
          %mul3A_724 = arith.constant 28 : i32
          %mul3A_725 = vector.broadcast %mul3A_724 : i32 to vector<16xi32>
          %mul3A_726 = arith.muli %add3A_723, %mul3A_725 : vector<16xi32>
          %add3A_727 = arith.addi %get3A_720, %mul3A_726 : vector<16xi32>
          %add3A_728 = arith.constant 80 : i32
          %add3A_729 = arith.addi %mul3A_625, %add3A_728 : i32
          %swap3A_730 = arith.index_cast %add3A_729 : i32 to index
          %swap3A_731 = tpu.vector_load %arg6[%swap3A_730] {strides = array<i32>} : memref<26640xi32, #tpu.memory_space<vmem>>, vector<16xi32>,
          %swap3A_732 = vector.shape_cast %swap3A_731 : vector<16xi32> to vector<16xi32>
          %swap3A_733 = vector.shape_cast %add3A_727 : vector<16xi32> to vector<16xi32>
          tpu.vector_store %arg6[%swap3A_730], %swap3A_733 {strides = array<i32>} : memref<26640xi32, #tpu.memory_space<vmem>>, vector<16xi32>,
          %add3A_734 = arith.constant 3 : i32
          %add3A_735 = arith.addi %mul3A_372, %add3A_734 : i32
          %mul3A_736 = arith.constant 200 : i32
          %mul3A_737 = arith.muli %add3A_735, %mul3A_736 : i32
          %add3A_738 = arith.addi %mul3A_368, %mul3A_737 : i32
          %add3A_739 = arith.constant 104 : i32
          %add3A_740 = arith.addi %add3A_738, %add3A_739 : i32
          %mul3A_741 = arith.constant 4 : i32
          %mul3A_742 = arith.muli %add3A_346, %mul3A_741 : i32
          %add3A_743 = arith.constant 3 : i32
          %add3A_744 = arith.addi %mul3A_742, %add3A_743 : i32
          %mul3A_745 = arith.constant 96 : i32
          %mul3A_746 = arith.muli %add3A_744, %mul3A_745 : i32
          %add3A_747 = arith.constant 0 : i32
          %add3A_748 = arith.addi %add3A_740, %add3A_747 : i32
          %get3A_749 = arith.index_cast %add3A_748 : i32 to index
          %get3A_750 = tpu.vector_load %arg7[%get3A_749] {strides = array<i32>} : memref<12800xi32, #tpu.memory_space<vmem>>, vector<16xi32>,
          %get3A_751 = vector.shape_cast %get3A_750 : vector<16xi32> to vector<16xi32>
          %add3A_752 = arith.constant 0 : i32
          %add3A_753 = vector.broadcast %add3A_752 : i32 to vector<16xi32>
          %add3A_754 = arith.addi %iota3A, %add3A_753 : vector<16xi32>
          %mul3A_755 = arith.constant 28 : i32
          %mul3A_756 = vector.broadcast %mul3A_755 : i32 to vector<16xi32>
          %mul3A_757 = arith.muli %add3A_754, %mul3A_756 : vector<16xi32>
          %add3A_758 = arith.addi %get3A_751, %mul3A_757 : vector<16xi32>
          %add3A_759 = arith.constant 0 : i32
          %add3A_760 = arith.addi %mul3A_746, %add3A_759 : i32
          %swap3A_761 = arith.index_cast %add3A_760 : i32 to index
          %swap3A_762 = tpu.vector_load %arg6[%swap3A_761] {strides = array<i32>} : memref<26640xi32, #tpu.memory_space<vmem>>, vector<16xi32>,
          %swap3A_763 = vector.shape_cast %swap3A_762 : vector<16xi32> to vector<16xi32>
          %swap3A_764 = vector.shape_cast %add3A_758 : vector<16xi32> to vector<16xi32>
          tpu.vector_store %arg6[%swap3A_761], %swap3A_764 {strides = array<i32>} : memref<26640xi32, #tpu.memory_space<vmem>>, vector<16xi32>,
          %add3A_765 = arith.constant 16 : i32
          %add3A_766 = arith.addi %add3A_740, %add3A_765 : i32
          %get3A_767 = arith.index_cast %add3A_766 : i32 to index
          %get3A_768 = tpu.vector_load %arg7[%get3A_767] {strides = array<i32>} : memref<12800xi32, #tpu.memory_space<vmem>>, vector<16xi32>,
          %get3A_769 = vector.shape_cast %get3A_768 : vector<16xi32> to vector<16xi32>
          %add3A_770 = arith.constant 16 : i32
          %add3A_771 = vector.broadcast %add3A_770 : i32 to vector<16xi32>
          %add3A_772 = arith.addi %iota3A, %add3A_771 : vector<16xi32>
          %mul3A_773 = arith.constant 28 : i32
          %mul3A_774 = vector.broadcast %mul3A_773 : i32 to vector<16xi32>
          %mul3A_775 = arith.muli %add3A_772, %mul3A_774 : vector<16xi32>
          %add3A_776 = arith.addi %get3A_769, %mul3A_775 : vector<16xi32>
          %add3A_777 = arith.constant 16 : i32
          %add3A_778 = arith.addi %mul3A_746, %add3A_777 : i32
          %swap3A_779 = arith.index_cast %add3A_778 : i32 to index
          %swap3A_780 = tpu.vector_load %arg6[%swap3A_779] {strides = array<i32>} : memref<26640xi32, #tpu.memory_space<vmem>>, vector<16xi32>,
          %swap3A_781 = vector.shape_cast %swap3A_780 : vector<16xi32> to vector<16xi32>
          %swap3A_782 = vector.shape_cast %add3A_776 : vector<16xi32> to vector<16xi32>
          tpu.vector_store %arg6[%swap3A_779], %swap3A_782 {strides = array<i32>} : memref<26640xi32, #tpu.memory_space<vmem>>, vector<16xi32>,
          %add3A_783 = arith.constant 32 : i32
          %add3A_784 = arith.addi %add3A_740, %add3A_783 : i32
          %get3A_785 = arith.index_cast %add3A_784 : i32 to index
          %get3A_786 = tpu.vector_load %arg7[%get3A_785] {strides = array<i32>} : memref<12800xi32, #tpu.memory_space<vmem>>, vector<16xi32>,
          %get3A_787 = vector.shape_cast %get3A_786 : vector<16xi32> to vector<16xi32>
          %add3A_788 = arith.constant 32 : i32
          %add3A_789 = vector.broadcast %add3A_788 : i32 to vector<16xi32>
          %add3A_790 = arith.addi %iota3A, %add3A_789 : vector<16xi32>
          %mul3A_791 = arith.constant 28 : i32
          %mul3A_792 = vector.broadcast %mul3A_791 : i32 to vector<16xi32>
          %mul3A_793 = arith.muli %add3A_790, %mul3A_792 : vector<16xi32>
          %add3A_794 = arith.addi %get3A_787, %mul3A_793 : vector<16xi32>
          %add3A_795 = arith.constant 32 : i32
          %add3A_796 = arith.addi %mul3A_746, %add3A_795 : i32
          %swap3A_797 = arith.index_cast %add3A_796 : i32 to index
          %swap3A_798 = tpu.vector_load %arg6[%swap3A_797] {strides = array<i32>} : memref<26640xi32, #tpu.memory_space<vmem>>, vector<16xi32>,
          %swap3A_799 = vector.shape_cast %swap3A_798 : vector<16xi32> to vector<16xi32>
          %swap3A_800 = vector.shape_cast %add3A_794 : vector<16xi32> to vector<16xi32>
          tpu.vector_store %arg6[%swap3A_797], %swap3A_800 {strides = array<i32>} : memref<26640xi32, #tpu.memory_space<vmem>>, vector<16xi32>,
          %add3A_801 = arith.constant 48 : i32
          %add3A_802 = arith.addi %add3A_740, %add3A_801 : i32
          %get3A_803 = arith.index_cast %add3A_802 : i32 to index
          %get3A_804 = tpu.vector_load %arg7[%get3A_803] {strides = array<i32>} : memref<12800xi32, #tpu.memory_space<vmem>>, vector<16xi32>,
          %get3A_805 = vector.shape_cast %get3A_804 : vector<16xi32> to vector<16xi32>
          %add3A_806 = arith.constant 48 : i32
          %add3A_807 = vector.broadcast %add3A_806 : i32 to vector<16xi32>
          %add3A_808 = arith.addi %iota3A, %add3A_807 : vector<16xi32>
          %mul3A_809 = arith.constant 28 : i32
          %mul3A_810 = vector.broadcast %mul3A_809 : i32 to vector<16xi32>
          %mul3A_811 = arith.muli %add3A_808, %mul3A_810 : vector<16xi32>
          %add3A_812 = arith.addi %get3A_805, %mul3A_811 : vector<16xi32>
          %add3A_813 = arith.constant 48 : i32
          %add3A_814 = arith.addi %mul3A_746, %add3A_813 : i32
          %swap3A_815 = arith.index_cast %add3A_814 : i32 to index
          %swap3A_816 = tpu.vector_load %arg6[%swap3A_815] {strides = array<i32>} : memref<26640xi32, #tpu.memory_space<vmem>>, vector<16xi32>,
          %swap3A_817 = vector.shape_cast %swap3A_816 : vector<16xi32> to vector<16xi32>
          %swap3A_818 = vector.shape_cast %add3A_812 : vector<16xi32> to vector<16xi32>
          tpu.vector_store %arg6[%swap3A_815], %swap3A_818 {strides = array<i32>} : memref<26640xi32, #tpu.memory_space<vmem>>, vector<16xi32>,
          %add3A_819 = arith.constant 64 : i32
          %add3A_820 = arith.addi %add3A_740, %add3A_819 : i32
          %get3A_821 = arith.index_cast %add3A_820 : i32 to index
          %get3A_822 = tpu.vector_load %arg7[%get3A_821] {strides = array<i32>} : memref<12800xi32, #tpu.memory_space<vmem>>, vector<16xi32>,
          %get3A_823 = vector.shape_cast %get3A_822 : vector<16xi32> to vector<16xi32>
          %add3A_824 = arith.constant 64 : i32
          %add3A_825 = vector.broadcast %add3A_824 : i32 to vector<16xi32>
          %add3A_826 = arith.addi %iota3A, %add3A_825 : vector<16xi32>
          %mul3A_827 = arith.constant 28 : i32
          %mul3A_828 = vector.broadcast %mul3A_827 : i32 to vector<16xi32>
          %mul3A_829 = arith.muli %add3A_826, %mul3A_828 : vector<16xi32>
          %add3A_830 = arith.addi %get3A_823, %mul3A_829 : vector<16xi32>
          %add3A_831 = arith.constant 64 : i32
          %add3A_832 = arith.addi %mul3A_746, %add3A_831 : i32
          %swap3A_833 = arith.index_cast %add3A_832 : i32 to index
          %swap3A_834 = tpu.vector_load %arg6[%swap3A_833] {strides = array<i32>} : memref<26640xi32, #tpu.memory_space<vmem>>, vector<16xi32>,
          %swap3A_835 = vector.shape_cast %swap3A_834 : vector<16xi32> to vector<16xi32>
          %swap3A_836 = vector.shape_cast %add3A_830 : vector<16xi32> to vector<16xi32>
          tpu.vector_store %arg6[%swap3A_833], %swap3A_836 {strides = array<i32>} : memref<26640xi32, #tpu.memory_space<vmem>>, vector<16xi32>,
          %add3A_837 = arith.constant 80 : i32
          %add3A_838 = arith.addi %add3A_740, %add3A_837 : i32
          %get3A_839 = arith.index_cast %add3A_838 : i32 to index
          %get3A_840 = tpu.vector_load %arg7[%get3A_839] {strides = array<i32>} : memref<12800xi32, #tpu.memory_space<vmem>>, vector<16xi32>,
          %get3A_841 = vector.shape_cast %get3A_840 : vector<16xi32> to vector<16xi32>
          %add3A_842 = arith.constant 80 : i32
          %add3A_843 = vector.broadcast %add3A_842 : i32 to vector<16xi32>
          %add3A_844 = arith.addi %iota3A, %add3A_843 : vector<16xi32>
          %mul3A_845 = arith.constant 28 : i32
          %mul3A_846 = vector.broadcast %mul3A_845 : i32 to vector<16xi32>
          %mul3A_847 = arith.muli %add3A_844, %mul3A_846 : vector<16xi32>
          %add3A_848 = arith.addi %get3A_841, %mul3A_847 : vector<16xi32>
          %add3A_849 = arith.constant 80 : i32
          %add3A_850 = arith.addi %mul3A_746, %add3A_849 : i32
          %swap3A_851 = arith.index_cast %add3A_850 : i32 to index
          %swap3A_852 = tpu.vector_load %arg6[%swap3A_851] {strides = array<i32>} : memref<26640xi32, #tpu.memory_space<vmem>>, vector<16xi32>,
          %swap3A_853 = vector.shape_cast %swap3A_852 : vector<16xi32> to vector<16xi32>
          %swap3A_854 = vector.shape_cast %add3A_848 : vector<16xi32> to vector<16xi32>
          tpu.vector_store %arg6[%swap3A_851], %swap3A_854 {strides = array<i32>} : memref<26640xi32, #tpu.memory_space<vmem>>, vector<16xi32>,
        } else {
        }
        %mul3A_120 = arith.constant 4 : i32
        %mul3A_121 = arith.muli %scan3A_105, %mul3A_120 : i32
        %add3A_122 = arith.constant 0 : i32
        %add3A_123 = arith.addi %mul3A_121, %add3A_122 : i32
        %mul3A_124 = arith.constant 96 : i32
        %mul3A_125 = arith.muli %add3A_123, %mul3A_124 : i32
        %dma_wait3A_126 = arith.constant 0 : i32
        %dma_wait3A_127 = arith.constant 0 : i32
        %dma_wait3A_128 = arith.constant 0 : i32
        %dma_wait3A_129 = tpu.memref_slice %arg11[%dma_wait3A_126, %dma_wait3A_127, %dma_wait3A_128] : memref<4x104x128xf32, #tpu.memory_space<vmem>> -> memref<1x96x128xf32, #tpu.memory_space<vmem>>
        %dma_wait3A_130 = tpu.memref_squeeze %dma_wait3A_129 : memref<1x96x128xf32, #tpu.memory_space<vmem>> -> memref<96x128xf32, #tpu.memory_space<vmem>>
        %dma_wait3A_131 = tpu.memref_slice %arg6[%mul3A_125] : memref<26640xi32, #tpu.memory_space<vmem>> -> memref<96xi32, #tpu.memory_space<vmem>>
        %dma_wait3A_132 = arith.constant 0 : i32
        %dma_wait3A_133 = arith.constant 0 : i32
        %dma_wait3A_134 = tpu.memref_slice %arg12[%dma_wait3A_132, %dma_wait3A_133] : memref<2912x128xf32, #tpu.memory_space<vmem_shared>> -> memref<2912x128xf32, #tpu.memory_space<vmem_shared>>
        tpu.wait_indirect_dma semaphore(%arg13 : memref<!tpu.dma_semaphore, #tpu.memory_space<semaphore_mem>>) src(%dma_wait3A_134 : memref<2912x128xf32, #tpu.memory_space<vmem_shared>>) dst(%dma_wait3A_130 : memref<96x128xf32, #tpu.memory_space<vmem>>)
        %add3A_135 = arith.addi %mul3A_0, %add3A_123 : i32
        %dma_start3A_136 = arith.constant 0 : i32
        %dma_start3A_137 = arith.constant 0 : i32
        %dma_start3A_138 = arith.constant 0 : i32
        %dma_start3A_139 = tpu.memref_slice %arg11[%dma_start3A_136, %dma_start3A_137, %dma_start3A_138] : memref<4x104x128xf32, #tpu.memory_space<vmem>> -> memref<1x96x128xf32, #tpu.memory_space<vmem>>
        %dma_start3A_140 = tpu.memref_squeeze %dma_start3A_139 : memref<1x96x128xf32, #tpu.memory_space<vmem>> -> memref<96x128xf32, #tpu.memory_space<vmem>>
        %dma_start3A_141 = arith.constant 104 : i32
        %dma_start3A_142 = arith.constant 0 : i32
        %dma_start3A_143 = tpu.memref_slice %arg5[%add3A_135, %dma_start3A_141, %dma_start3A_142] : memref<4096x200x128xf32, #tpu.memory_space<hbm>> -> memref<1x96x128xf32, #tpu.memory_space<hbm>>
        %dma_start3A_144 = tpu.memref_squeeze %dma_start3A_143 : memref<1x96x128xf32, #tpu.memory_space<hbm>> -> memref<96x128xf32, #tpu.memory_space<hbm>>
        %dma_start3A_145 = arith.constant 104 : i32
        %dma_start3A_146 = arith.constant 0 : i32
        %dma_start3A_147 = tpu.memref_slice %arg5[%add3A_135, %dma_start3A_145, %dma_start3A_146] : memref<4096x200x128xf32, #tpu.memory_space<hbm>> -> memref<1x96x128xf32, #tpu.memory_space<hbm>>
        %dma_start3A_148 = tpu.memref_squeeze %dma_start3A_147 : memref<1x96x128xf32, #tpu.memory_space<hbm>> -> memref<96x128xf32, #tpu.memory_space<hbm>>
        %dma_start3A_149 = arith.constant 0 : i32
        %dma_start3A_150 = arith.constant 0 : i32
        %dma_start3A_151 = tpu.memref_slice %arg11[%dma_start3A_136, %dma_start3A_149, %dma_start3A_150] : memref<4x104x128xf32, #tpu.memory_space<vmem>> -> memref<1x96x128xf32, #tpu.memory_space<vmem>>
        %dma_start3A_152 = tpu.memref_squeeze %dma_start3A_151 : memref<1x96x128xf32, #tpu.memory_space<vmem>> -> memref<96x128xf32, #tpu.memory_space<vmem>>
        tpu.enqueue_dma source(%dma_start3A_152 : memref<96x128xf32, #tpu.memory_space<vmem>>) target(%dma_start3A_148 : memref<96x128xf32, #tpu.memory_space<hbm>>) target_semaphore(%arg17 : memref<!tpu.dma_semaphore, #tpu.memory_space<semaphore_mem>>)
        %gt3A = arith.constant 0 : i32
        %gt3A_153 = arith.cmpi sgt, %scan3A_105, %gt3A : i32
        %convert_element_type3A_154 = arith.extui %gt3A_153 : i1 to i32
        %cond3A_155 = arith.constant 0 : i32
        %cond3A_156 = arith.cmpi ne, %convert_element_type3A_154, %cond3A_155 : i32
        scf.if %cond3A_156 {
          %sub3A_345 = arith.constant 1 : i32
          %sub3A_346 = arith.subi %add3A_123, %sub3A_345 : i32
          %add3A_347 = arith.addi %mul3A_0, %sub3A_346 : i32
          %dma_wait3A_348 = arith.constant 3 : i32
          %dma_wait3A_349 = arith.constant 0 : i32
          %dma_wait3A_350 = arith.constant 0 : i32
          %dma_wait3A_351 = tpu.memref_slice %arg11[%dma_wait3A_348, %dma_wait3A_349, %dma_wait3A_350] : memref<4x104x128xf32, #tpu.memory_space<vmem>> -> memref<1x96x128xf32, #tpu.memory_space<vmem>>
          %dma_wait3A_352 = tpu.memref_squeeze %dma_wait3A_351 : memref<1x96x128xf32, #tpu.memory_space<vmem>> -> memref<96x128xf32, #tpu.memory_space<vmem>>
          %dma_wait3A_353 = arith.constant 104 : i32
          %dma_wait3A_354 = arith.constant 0 : i32
          %dma_wait3A_355 = tpu.memref_slice %arg5[%add3A_347, %dma_wait3A_353, %dma_wait3A_354] : memref<4096x200x128xf32, #tpu.memory_space<hbm>> -> memref<1x96x128xf32, #tpu.memory_space<hbm>>
          %dma_wait3A_356 = tpu.memref_squeeze %dma_wait3A_355 : memref<1x96x128xf32, #tpu.memory_space<hbm>> -> memref<96x128xf32, #tpu.memory_space<hbm>>
          %dma_wait3A_357 = arith.constant 104 : i32
          %dma_wait3A_358 = arith.constant 0 : i32
          %dma_wait3A_359 = tpu.memref_slice %arg5[%add3A_347, %dma_wait3A_357, %dma_wait3A_358] : memref<4096x200x128xf32, #tpu.memory_space<hbm>> -> memref<1x96x128xf32, #tpu.memory_space<hbm>>
          %dma_wait3A_360 = tpu.memref_squeeze %dma_wait3A_359 : memref<1x96x128xf32, #tpu.memory_space<hbm>> -> memref<96x128xf32, #tpu.memory_space<hbm>>
          %dma_wait3A_361 = arith.constant 0 : i32
          %dma_wait3A_362 = arith.constant 0 : i32
          %dma_wait3A_363 = tpu.memref_slice %arg11[%dma_wait3A_348, %dma_wait3A_361, %dma_wait3A_362] : memref<4x104x128xf32, #tpu.memory_space<vmem>> -> memref<1x96x128xf32, #tpu.memory_space<vmem>>
          %dma_wait3A_364 = tpu.memref_squeeze %dma_wait3A_363 : memref<1x96x128xf32, #tpu.memory_space<vmem>> -> memref<96x128xf32, #tpu.memory_space<vmem>>
          tpu.wait_dma2 semaphore(%arg20 : memref<!tpu.dma_semaphore, #tpu.memory_space<semaphore_mem>>) src(%dma_wait3A_364 : memref<96x128xf32, #tpu.memory_space<vmem>>) dst(%dma_wait3A_360 : memref<96x128xf32, #tpu.memory_space<hbm>>)
        } else {
        }
        %add3A_157 = arith.constant 4 : i32
        %add3A_158 = arith.addi %add3A_123, %add3A_157 : i32
        %sub3A = arith.constant 1 : i32
        %sub3A_159 = arith.subi %add3A_158, %sub3A : i32
        %mul3A_160 = arith.constant 96 : i32
        %mul3A_161 = arith.muli %sub3A_159, %mul3A_160 : i32
        %dma_start3A_162 = arith.constant 3 : i32
        %dma_start3A_163 = arith.constant 0 : i32
        %dma_start3A_164 = arith.constant 0 : i32
        %dma_start3A_165 = tpu.memref_slice %arg11[%dma_start3A_162, %dma_start3A_163, %dma_start3A_164] : memref<4x104x128xf32, #tpu.memory_space<vmem>> -> memref<1x96x128xf32, #tpu.memory_space<vmem>>
        %dma_start3A_166 = tpu.memref_squeeze %dma_start3A_165 : memref<1x96x128xf32, #tpu.memory_space<vmem>> -> memref<96x128xf32, #tpu.memory_space<vmem>>
        %dma_start3A_167 = tpu.memref_slice %arg6[%mul3A_161] : memref<26640xi32, #tpu.memory_space<vmem>> -> memref<96xi32, #tpu.memory_space<vmem>>
        %dma_start3A_168 = arith.constant 0 : i32
        %dma_start3A_169 = arith.constant 0 : i32
        %dma_start3A_170 = tpu.memref_slice %arg12[%dma_start3A_168, %dma_start3A_169] : memref<2912x128xf32, #tpu.memory_space<vmem_shared>> -> memref<2912x128xf32, #tpu.memory_space<vmem_shared>>
        tpu.enqueue_indirect_dma source(%dma_start3A_170 : memref<2912x128xf32, #tpu.memory_space<vmem_shared>>) target(%dma_start3A_166 : memref<96x128xf32, #tpu.memory_space<vmem>>) offsets(%dma_start3A_167 : memref<96xi32, #tpu.memory_space<vmem>>) semaphore(%arg16 : memref<!tpu.dma_semaphore, #tpu.memory_space<semaphore_mem>>)
        %mul3A_171 = arith.constant 4 : i32
        %mul3A_172 = arith.muli %scan3A_105, %mul3A_171 : i32
        %add3A_173 = arith.constant 1 : i32
        %add3A_174 = arith.addi %mul3A_172, %add3A_173 : i32
        %mul3A_175 = arith.constant 96 : i32
        %mul3A_176 = arith.muli %add3A_174, %mul3A_175 : i32
        %dma_wait3A_177 = arith.constant 1 : i32
        %dma_wait3A_178 = arith.constant 0 : i32
        %dma_wait3A_179 = arith.constant 0 : i32
        %dma_wait3A_180 = tpu.memref_slice %arg11[%dma_wait3A_177, %dma_wait3A_178, %dma_wait3A_179] : memref<4x104x128xf32, #tpu.memory_space<vmem>> -> memref<1x96x128xf32, #tpu.memory_space<vmem>>
        %dma_wait3A_181 = tpu.memref_squeeze %dma_wait3A_180 : memref<1x96x128xf32, #tpu.memory_space<vmem>> -> memref<96x128xf32, #tpu.memory_space<vmem>>
        %dma_wait3A_182 = tpu.memref_slice %arg6[%mul3A_176] : memref<26640xi32, #tpu.memory_space<vmem>> -> memref<96xi32, #tpu.memory_space<vmem>>
        %dma_wait3A_183 = arith.constant 0 : i32
        %dma_wait3A_184 = arith.constant 0 : i32
        %dma_wait3A_185 = tpu.memref_slice %arg12[%dma_wait3A_183, %dma_wait3A_184] : memref<2912x128xf32, #tpu.memory_space<vmem_shared>> -> memref<2912x128xf32, #tpu.memory_space<vmem_shared>>
        tpu.wait_indirect_dma semaphore(%arg14 : memref<!tpu.dma_semaphore, #tpu.memory_space<semaphore_mem>>) src(%dma_wait3A_185 : memref<2912x128xf32, #tpu.memory_space<vmem_shared>>) dst(%dma_wait3A_181 : memref<96x128xf32, #tpu.memory_space<vmem>>)
        %add3A_186 = arith.addi %mul3A_0, %add3A_174 : i32
        %dma_start3A_187 = arith.constant 1 : i32
        %dma_start3A_188 = arith.constant 0 : i32
        %dma_start3A_189 = arith.constant 0 : i32
        %dma_start3A_190 = tpu.memref_slice %arg11[%dma_start3A_187, %dma_start3A_188, %dma_start3A_189] : memref<4x104x128xf32, #tpu.memory_space<vmem>> -> memref<1x96x128xf32, #tpu.memory_space<vmem>>
        %dma_start3A_191 = tpu.memref_squeeze %dma_start3A_190 : memref<1x96x128xf32, #tpu.memory_space<vmem>> -> memref<96x128xf32, #tpu.memory_space<vmem>>
        %dma_start3A_192 = arith.constant 104 : i32
        %dma_start3A_193 = arith.constant 0 : i32
        %dma_start3A_194 = tpu.memref_slice %arg5[%add3A_186, %dma_start3A_192, %dma_start3A_193] : memref<4096x200x128xf32, #tpu.memory_space<hbm>> -> memref<1x96x128xf32, #tpu.memory_space<hbm>>
        %dma_start3A_195 = tpu.memref_squeeze %dma_start3A_194 : memref<1x96x128xf32, #tpu.memory_space<hbm>> -> memref<96x128xf32, #tpu.memory_space<hbm>>
        %dma_start3A_196 = arith.constant 104 : i32
        %dma_start3A_197 = arith.constant 0 : i32
        %dma_start3A_198 = tpu.memref_slice %arg5[%add3A_186, %dma_start3A_196, %dma_start3A_197] : memref<4096x200x128xf32, #tpu.memory_space<hbm>> -> memref<1x96x128xf32, #tpu.memory_space<hbm>>
        %dma_start3A_199 = tpu.memref_squeeze %dma_start3A_198 : memref<1x96x128xf32, #tpu.memory_space<hbm>> -> memref<96x128xf32, #tpu.memory_space<hbm>>
        %dma_start3A_200 = arith.constant 0 : i32
        %dma_start3A_201 = arith.constant 0 : i32
        %dma_start3A_202 = tpu.memref_slice %arg11[%dma_start3A_187, %dma_start3A_200, %dma_start3A_201] : memref<4x104x128xf32, #tpu.memory_space<vmem>> -> memref<1x96x128xf32, #tpu.memory_space<vmem>>
        %dma_start3A_203 = tpu.memref_squeeze %dma_start3A_202 : memref<1x96x128xf32, #tpu.memory_space<vmem>> -> memref<96x128xf32, #tpu.memory_space<vmem>>
        tpu.enqueue_dma source(%dma_start3A_203 : memref<96x128xf32, #tpu.memory_space<vmem>>) target(%dma_start3A_199 : memref<96x128xf32, #tpu.memory_space<hbm>>) target_semaphore(%arg18 : memref<!tpu.dma_semaphore, #tpu.memory_space<semaphore_mem>>)
        %sub3A_204 = arith.constant 1 : i32
        %sub3A_205 = arith.subi %add3A_174, %sub3A_204 : i32
        %add3A_206 = arith.addi %mul3A_0, %sub3A_205 : i32
        %dma_wait3A_207 = arith.constant 0 : i32
        %dma_wait3A_208 = arith.constant 0 : i32
        %dma_wait3A_209 = arith.constant 0 : i32
        %dma_wait3A_210 = tpu.memref_slice %arg11[%dma_wait3A_207, %dma_wait3A_208, %dma_wait3A_209] : memref<4x104x128xf32, #tpu.memory_space<vmem>> -> memref<1x96x128xf32, #tpu.memory_space<vmem>>
        %dma_wait3A_211 = tpu.memref_squeeze %dma_wait3A_210 : memref<1x96x128xf32, #tpu.memory_space<vmem>> -> memref<96x128xf32, #tpu.memory_space<vmem>>
        %dma_wait3A_212 = arith.constant 104 : i32
        %dma_wait3A_213 = arith.constant 0 : i32
        %dma_wait3A_214 = tpu.memref_slice %arg5[%add3A_206, %dma_wait3A_212, %dma_wait3A_213] : memref<4096x200x128xf32, #tpu.memory_space<hbm>> -> memref<1x96x128xf32, #tpu.memory_space<hbm>>
        %dma_wait3A_215 = tpu.memref_squeeze %dma_wait3A_214 : memref<1x96x128xf32, #tpu.memory_space<hbm>> -> memref<96x128xf32, #tpu.memory_space<hbm>>
        %dma_wait3A_216 = arith.constant 104 : i32
        %dma_wait3A_217 = arith.constant 0 : i32
        %dma_wait3A_218 = tpu.memref_slice %arg5[%add3A_206, %dma_wait3A_216, %dma_wait3A_217] : memref<4096x200x128xf32, #tpu.memory_space<hbm>> -> memref<1x96x128xf32, #tpu.memory_space<hbm>>
        %dma_wait3A_219 = tpu.memref_squeeze %dma_wait3A_218 : memref<1x96x128xf32, #tpu.memory_space<hbm>> -> memref<96x128xf32, #tpu.memory_space<hbm>>
        %dma_wait3A_220 = arith.constant 0 : i32
        %dma_wait3A_221 = arith.constant 0 : i32
        %dma_wait3A_222 = tpu.memref_slice %arg11[%dma_wait3A_207, %dma_wait3A_220, %dma_wait3A_221] : memref<4x104x128xf32, #tpu.memory_space<vmem>> -> memref<1x96x128xf32, #tpu.memory_space<vmem>>
        %dma_wait3A_223 = tpu.memref_squeeze %dma_wait3A_222 : memref<1x96x128xf32, #tpu.memory_space<vmem>> -> memref<96x128xf32, #tpu.memory_space<vmem>>
        tpu.wait_dma2 semaphore(%arg17 : memref<!tpu.dma_semaphore, #tpu.memory_space<semaphore_mem>>) src(%dma_wait3A_223 : memref<96x128xf32, #tpu.memory_space<vmem>>) dst(%dma_wait3A_219 : memref<96x128xf32, #tpu.memory_space<hbm>>)
        %lt3A_224 = arith.constant 63 : i32
        %lt3A_225 = arith.cmpi slt, %scan3A_105, %lt3A_224 : i32
        %convert_element_type3A_226 = arith.extui %lt3A_225 : i1 to i32
        %cond3A_227 = arith.constant 0 : i32
        %cond3A_228 = arith.cmpi ne, %convert_element_type3A_226, %cond3A_227 : i32
        scf.if %cond3A_228 {
          %add3A_345 = arith.constant 4 : i32
          %add3A_346 = arith.addi %add3A_174, %add3A_345 : i32
          %sub3A_347 = arith.constant 1 : i32
          %sub3A_348 = arith.subi %add3A_346, %sub3A_347 : i32
          %mul3A_349 = arith.constant 96 : i32
          %mul3A_350 = arith.muli %sub3A_348, %mul3A_349 : i32
          %dma_start3A_351 = arith.constant 0 : i32
          %dma_start3A_352 = arith.constant 0 : i32
          %dma_start3A_353 = arith.constant 0 : i32
          %dma_start3A_354 = tpu.memref_slice %arg11[%dma_start3A_351, %dma_start3A_352, %dma_start3A_353] : memref<4x104x128xf32, #tpu.memory_space<vmem>> -> memref<1x96x128xf32, #tpu.memory_space<vmem>>
          %dma_start3A_355 = tpu.memref_squeeze %dma_start3A_354 : memref<1x96x128xf32, #tpu.memory_space<vmem>> -> memref<96x128xf32, #tpu.memory_space<vmem>>
          %dma_start3A_356 = tpu.memref_slice %arg6[%mul3A_350] : memref<26640xi32, #tpu.memory_space<vmem>> -> memref<96xi32, #tpu.memory_space<vmem>>
          %dma_start3A_357 = arith.constant 0 : i32
          %dma_start3A_358 = arith.constant 0 : i32
          %dma_start3A_359 = tpu.memref_slice %arg12[%dma_start3A_357, %dma_start3A_358] : memref<2912x128xf32, #tpu.memory_space<vmem_shared>> -> memref<2912x128xf32, #tpu.memory_space<vmem_shared>>
          tpu.enqueue_indirect_dma source(%dma_start3A_359 : memref<2912x128xf32, #tpu.memory_space<vmem_shared>>) target(%dma_start3A_355 : memref<96x128xf32, #tpu.memory_space<vmem>>) offsets(%dma_start3A_356 : memref<96xi32, #tpu.memory_space<vmem>>) semaphore(%arg13 : memref<!tpu.dma_semaphore, #tpu.memory_space<semaphore_mem>>)
        } else {
        }
        %mul3A_229 = arith.constant 4 : i32
        %mul3A_230 = arith.muli %scan3A_105, %mul3A_229 : i32
        %add3A_231 = arith.constant 2 : i32
        %add3A_232 = arith.addi %mul3A_230, %add3A_231 : i32
        %mul3A_233 = arith.constant 96 : i32
        %mul3A_234 = arith.muli %add3A_232, %mul3A_233 : i32
        %dma_wait3A_235 = arith.constant 2 : i32
        %dma_wait3A_236 = arith.constant 0 : i32
        %dma_wait3A_237 = arith.constant 0 : i32
        %dma_wait3A_238 = tpu.memref_slice %arg11[%dma_wait3A_235, %dma_wait3A_236, %dma_wait3A_237] : memref<4x104x128xf32, #tpu.memory_space<vmem>> -> memref<1x96x128xf32, #tpu.memory_space<vmem>>
        %dma_wait3A_239 = tpu.memref_squeeze %dma_wait3A_238 : memref<1x96x128xf32, #tpu.memory_space<vmem>> -> memref<96x128xf32, #tpu.memory_space<vmem>>
        %dma_wait3A_240 = tpu.memref_slice %arg6[%mul3A_234] : memref<26640xi32, #tpu.memory_space<vmem>> -> memref<96xi32, #tpu.memory_space<vmem>>
        %dma_wait3A_241 = arith.constant 0 : i32
        %dma_wait3A_242 = arith.constant 0 : i32
        %dma_wait3A_243 = tpu.memref_slice %arg12[%dma_wait3A_241, %dma_wait3A_242] : memref<2912x128xf32, #tpu.memory_space<vmem_shared>> -> memref<2912x128xf32, #tpu.memory_space<vmem_shared>>
        tpu.wait_indirect_dma semaphore(%arg15 : memref<!tpu.dma_semaphore, #tpu.memory_space<semaphore_mem>>) src(%dma_wait3A_243 : memref<2912x128xf32, #tpu.memory_space<vmem_shared>>) dst(%dma_wait3A_239 : memref<96x128xf32, #tpu.memory_space<vmem>>)
        %add3A_244 = arith.addi %mul3A_0, %add3A_232 : i32
        %dma_start3A_245 = arith.constant 2 : i32
        %dma_start3A_246 = arith.constant 0 : i32
        %dma_start3A_247 = arith.constant 0 : i32
        %dma_start3A_248 = tpu.memref_slice %arg11[%dma_start3A_245, %dma_start3A_246, %dma_start3A_247] : memref<4x104x128xf32, #tpu.memory_space<vmem>> -> memref<1x96x128xf32, #tpu.memory_space<vmem>>
        %dma_start3A_249 = tpu.memref_squeeze %dma_start3A_248 : memref<1x96x128xf32, #tpu.memory_space<vmem>> -> memref<96x128xf32, #tpu.memory_space<vmem>>
        %dma_start3A_250 = arith.constant 104 : i32
        %dma_start3A_251 = arith.constant 0 : i32
        %dma_start3A_252 = tpu.memref_slice %arg5[%add3A_244, %dma_start3A_250, %dma_start3A_251] : memref<4096x200x128xf32, #tpu.memory_space<hbm>> -> memref<1x96x128xf32, #tpu.memory_space<hbm>>
        %dma_start3A_253 = tpu.memref_squeeze %dma_start3A_252 : memref<1x96x128xf32, #tpu.memory_space<hbm>> -> memref<96x128xf32, #tpu.memory_space<hbm>>
        %dma_start3A_254 = arith.constant 104 : i32
        %dma_start3A_255 = arith.constant 0 : i32
        %dma_start3A_256 = tpu.memref_slice %arg5[%add3A_244, %dma_start3A_254, %dma_start3A_255] : memref<4096x200x128xf32, #tpu.memory_space<hbm>> -> memref<1x96x128xf32, #tpu.memory_space<hbm>>
        %dma_start3A_257 = tpu.memref_squeeze %dma_start3A_256 : memref<1x96x128xf32, #tpu.memory_space<hbm>> -> memref<96x128xf32, #tpu.memory_space<hbm>>
        %dma_start3A_258 = arith.constant 0 : i32
        %dma_start3A_259 = arith.constant 0 : i32
        %dma_start3A_260 = tpu.memref_slice %arg11[%dma_start3A_245, %dma_start3A_258, %dma_start3A_259] : memref<4x104x128xf32, #tpu.memory_space<vmem>> -> memref<1x96x128xf32, #tpu.memory_space<vmem>>
        %dma_start3A_261 = tpu.memref_squeeze %dma_start3A_260 : memref<1x96x128xf32, #tpu.memory_space<vmem>> -> memref<96x128xf32, #tpu.memory_space<vmem>>
        tpu.enqueue_dma source(%dma_start3A_261 : memref<96x128xf32, #tpu.memory_space<vmem>>) target(%dma_start3A_257 : memref<96x128xf32, #tpu.memory_space<hbm>>) target_semaphore(%arg19 : memref<!tpu.dma_semaphore, #tpu.memory_space<semaphore_mem>>)
        %sub3A_262 = arith.constant 1 : i32
        %sub3A_263 = arith.subi %add3A_232, %sub3A_262 : i32
        %add3A_264 = arith.addi %mul3A_0, %sub3A_263 : i32
        %dma_wait3A_265 = arith.constant 1 : i32
        %dma_wait3A_266 = arith.constant 0 : i32
        %dma_wait3A_267 = arith.constant 0 : i32
        %dma_wait3A_268 = tpu.memref_slice %arg11[%dma_wait3A_265, %dma_wait3A_266, %dma_wait3A_267] : memref<4x104x128xf32, #tpu.memory_space<vmem>> -> memref<1x96x128xf32, #tpu.memory_space<vmem>>
        %dma_wait3A_269 = tpu.memref_squeeze %dma_wait3A_268 : memref<1x96x128xf32, #tpu.memory_space<vmem>> -> memref<96x128xf32, #tpu.memory_space<vmem>>
        %dma_wait3A_270 = arith.constant 104 : i32
        %dma_wait3A_271 = arith.constant 0 : i32
        %dma_wait3A_272 = tpu.memref_slice %arg5[%add3A_264, %dma_wait3A_270, %dma_wait3A_271] : memref<4096x200x128xf32, #tpu.memory_space<hbm>> -> memref<1x96x128xf32, #tpu.memory_space<hbm>>
        %dma_wait3A_273 = tpu.memref_squeeze %dma_wait3A_272 : memref<1x96x128xf32, #tpu.memory_space<hbm>> -> memref<96x128xf32, #tpu.memory_space<hbm>>
        %dma_wait3A_274 = arith.constant 104 : i32
        %dma_wait3A_275 = arith.constant 0 : i32
        %dma_wait3A_276 = tpu.memref_slice %arg5[%add3A_264, %dma_wait3A_274, %dma_wait3A_275] : memref<4096x200x128xf32, #tpu.memory_space<hbm>> -> memref<1x96x128xf32, #tpu.memory_space<hbm>>
        %dma_wait3A_277 = tpu.memref_squeeze %dma_wait3A_276 : memref<1x96x128xf32, #tpu.memory_space<hbm>> -> memref<96x128xf32, #tpu.memory_space<hbm>>
        %dma_wait3A_278 = arith.constant 0 : i32
        %dma_wait3A_279 = arith.constant 0 : i32
        %dma_wait3A_280 = tpu.memref_slice %arg11[%dma_wait3A_265, %dma_wait3A_278, %dma_wait3A_279] : memref<4x104x128xf32, #tpu.memory_space<vmem>> -> memref<1x96x128xf32, #tpu.memory_space<vmem>>
        %dma_wait3A_281 = tpu.memref_squeeze %dma_wait3A_280 : memref<1x96x128xf32, #tpu.memory_space<vmem>> -> memref<96x128xf32, #tpu.memory_space<vmem>>
        tpu.wait_dma2 semaphore(%arg18 : memref<!tpu.dma_semaphore, #tpu.memory_space<semaphore_mem>>) src(%dma_wait3A_281 : memref<96x128xf32, #tpu.memory_space<vmem>>) dst(%dma_wait3A_277 : memref<96x128xf32, #tpu.memory_space<hbm>>)
        %lt3A_282 = arith.constant 63 : i32
        %lt3A_283 = arith.cmpi slt, %scan3A_105, %lt3A_282 : i32
        %convert_element_type3A_284 = arith.extui %lt3A_283 : i1 to i32
        %cond3A_285 = arith.constant 0 : i32
        %cond3A_286 = arith.cmpi ne, %convert_element_type3A_284, %cond3A_285 : i32
        scf.if %cond3A_286 {
          %add3A_345 = arith.constant 4 : i32
          %add3A_346 = arith.addi %add3A_232, %add3A_345 : i32
          %sub3A_347 = arith.constant 1 : i32
          %sub3A_348 = arith.subi %add3A_346, %sub3A_347 : i32
          %mul3A_349 = arith.constant 96 : i32
          %mul3A_350 = arith.muli %sub3A_348, %mul3A_349 : i32
          %dma_start3A_351 = arith.constant 1 : i32
          %dma_start3A_352 = arith.constant 0 : i32
          %dma_start3A_353 = arith.constant 0 : i32
          %dma_start3A_354 = tpu.memref_slice %arg11[%dma_start3A_351, %dma_start3A_352, %dma_start3A_353] : memref<4x104x128xf32, #tpu.memory_space<vmem>> -> memref<1x96x128xf32, #tpu.memory_space<vmem>>
          %dma_start3A_355 = tpu.memref_squeeze %dma_start3A_354 : memref<1x96x128xf32, #tpu.memory_space<vmem>> -> memref<96x128xf32, #tpu.memory_space<vmem>>
          %dma_start3A_356 = tpu.memref_slice %arg6[%mul3A_350] : memref<26640xi32, #tpu.memory_space<vmem>> -> memref<96xi32, #tpu.memory_space<vmem>>
          %dma_start3A_357 = arith.constant 0 : i32
          %dma_start3A_358 = arith.constant 0 : i32
          %dma_start3A_359 = tpu.memref_slice %arg12[%dma_start3A_357, %dma_start3A_358] : memref<2912x128xf32, #tpu.memory_space<vmem_shared>> -> memref<2912x128xf32, #tpu.memory_space<vmem_shared>>
          tpu.enqueue_indirect_dma source(%dma_start3A_359 : memref<2912x128xf32, #tpu.memory_space<vmem_shared>>) target(%dma_start3A_355 : memref<96x128xf32, #tpu.memory_space<vmem>>) offsets(%dma_start3A_356 : memref<96xi32, #tpu.memory_space<vmem>>) semaphore(%arg14 : memref<!tpu.dma_semaphore, #tpu.memory_space<semaphore_mem>>)
        } else {
        }
        %mul3A_287 = arith.constant 4 : i32
        %mul3A_288 = arith.muli %scan3A_105, %mul3A_287 : i32
        %add3A_289 = arith.constant 3 : i32
        %add3A_290 = arith.addi %mul3A_288, %add3A_289 : i32
        %mul3A_291 = arith.constant 96 : i32
        %mul3A_292 = arith.muli %add3A_290, %mul3A_291 : i32
        %dma_wait3A_293 = arith.constant 3 : i32
        %dma_wait3A_294 = arith.constant 0 : i32
        %dma_wait3A_295 = arith.constant 0 : i32
        %dma_wait3A_296 = tpu.memref_slice %arg11[%dma_wait3A_293, %dma_wait3A_294, %dma_wait3A_295] : memref<4x104x128xf32, #tpu.memory_space<vmem>> -> memref<1x96x128xf32, #tpu.memory_space<vmem>>
        %dma_wait3A_297 = tpu.memref_squeeze %dma_wait3A_296 : memref<1x96x128xf32, #tpu.memory_space<vmem>> -> memref<96x128xf32, #tpu.memory_space<vmem>>
        %dma_wait3A_298 = tpu.memref_slice %arg6[%mul3A_292] : memref<26640xi32, #tpu.memory_space<vmem>> -> memref<96xi32, #tpu.memory_space<vmem>>
        %dma_wait3A_299 = arith.constant 0 : i32
        %dma_wait3A_300 = arith.constant 0 : i32
        %dma_wait3A_301 = tpu.memref_slice %arg12[%dma_wait3A_299, %dma_wait3A_300] : memref<2912x128xf32, #tpu.memory_space<vmem_shared>> -> memref<2912x128xf32, #tpu.memory_space<vmem_shared>>
        tpu.wait_indirect_dma semaphore(%arg16 : memref<!tpu.dma_semaphore, #tpu.memory_space<semaphore_mem>>) src(%dma_wait3A_301 : memref<2912x128xf32, #tpu.memory_space<vmem_shared>>) dst(%dma_wait3A_297 : memref<96x128xf32, #tpu.memory_space<vmem>>)
        %add3A_302 = arith.addi %mul3A_0, %add3A_290 : i32
        %dma_start3A_303 = arith.constant 3 : i32
        %dma_start3A_304 = arith.constant 0 : i32
        %dma_start3A_305 = arith.constant 0 : i32
        %dma_start3A_306 = tpu.memref_slice %arg11[%dma_start3A_303, %dma_start3A_304, %dma_start3A_305] : memref<4x104x128xf32, #tpu.memory_space<vmem>> -> memref<1x96x128xf32, #tpu.memory_space<vmem>>
        %dma_start3A_307 = tpu.memref_squeeze %dma_start3A_306 : memref<1x96x128xf32, #tpu.memory_space<vmem>> -> memref<96x128xf32, #tpu.memory_space<vmem>>
        %dma_start3A_308 = arith.constant 104 : i32
        %dma_start3A_309 = arith.constant 0 : i32
        %dma_start3A_310 = tpu.memref_slice %arg5[%add3A_302, %dma_start3A_308, %dma_start3A_309] : memref<4096x200x128xf32, #tpu.memory_space<hbm>> -> memref<1x96x128xf32, #tpu.memory_space<hbm>>
        %dma_start3A_311 = tpu.memref_squeeze %dma_start3A_310 : memref<1x96x128xf32, #tpu.memory_space<hbm>> -> memref<96x128xf32, #tpu.memory_space<hbm>>
        %dma_start3A_312 = arith.constant 104 : i32
        %dma_start3A_313 = arith.constant 0 : i32
        %dma_start3A_314 = tpu.memref_slice %arg5[%add3A_302, %dma_start3A_312, %dma_start3A_313] : memref<4096x200x128xf32, #tpu.memory_space<hbm>> -> memref<1x96x128xf32, #tpu.memory_space<hbm>>
        %dma_start3A_315 = tpu.memref_squeeze %dma_start3A_314 : memref<1x96x128xf32, #tpu.memory_space<hbm>> -> memref<96x128xf32, #tpu.memory_space<hbm>>
        %dma_start3A_316 = arith.constant 0 : i32
        %dma_start3A_317 = arith.constant 0 : i32
        %dma_start3A_318 = tpu.memref_slice %arg11[%dma_start3A_303, %dma_start3A_316, %dma_start3A_317] : memref<4x104x128xf32, #tpu.memory_space<vmem>> -> memref<1x96x128xf32, #tpu.memory_space<vmem>>
        %dma_start3A_319 = tpu.memref_squeeze %dma_start3A_318 : memref<1x96x128xf32, #tpu.memory_space<vmem>> -> memref<96x128xf32, #tpu.memory_space<vmem>>
        tpu.enqueue_dma source(%dma_start3A_319 : memref<96x128xf32, #tpu.memory_space<vmem>>) target(%dma_start3A_315 : memref<96x128xf32, #tpu.memory_space<hbm>>) target_semaphore(%arg20 : memref<!tpu.dma_semaphore, #tpu.memory_space<semaphore_mem>>)
        %sub3A_320 = arith.constant 1 : i32
        %sub3A_321 = arith.subi %add3A_290, %sub3A_320 : i32
        %add3A_322 = arith.addi %mul3A_0, %sub3A_321 : i32
        %dma_wait3A_323 = arith.constant 2 : i32
        %dma_wait3A_324 = arith.constant 0 : i32
        %dma_wait3A_325 = arith.constant 0 : i32
        %dma_wait3A_326 = tpu.memref_slice %arg11[%dma_wait3A_323, %dma_wait3A_324, %dma_wait3A_325] : memref<4x104x128xf32, #tpu.memory_space<vmem>> -> memref<1x96x128xf32, #tpu.memory_space<vmem>>
        %dma_wait3A_327 = tpu.memref_squeeze %dma_wait3A_326 : memref<1x96x128xf32, #tpu.memory_space<vmem>> -> memref<96x128xf32, #tpu.memory_space<vmem>>
        %dma_wait3A_328 = arith.constant 104 : i32
        %dma_wait3A_329 = arith.constant 0 : i32
        %dma_wait3A_330 = tpu.memref_slice %arg5[%add3A_322, %dma_wait3A_328, %dma_wait3A_329] : memref<4096x200x128xf32, #tpu.memory_space<hbm>> -> memref<1x96x128xf32, #tpu.memory_space<hbm>>
        %dma_wait3A_331 = tpu.memref_squeeze %dma_wait3A_330 : memref<1x96x128xf32, #tpu.memory_space<hbm>> -> memref<96x128xf32, #tpu.memory_space<hbm>>
        %dma_wait3A_332 = arith.constant 104 : i32
        %dma_wait3A_333 = arith.constant 0 : i32
        %dma_wait3A_334 = tpu.memref_slice %arg5[%add3A_322, %dma_wait3A_332, %dma_wait3A_333] : memref<4096x200x128xf32, #tpu.memory_space<hbm>> -> memref<1x96x128xf32, #tpu.memory_space<hbm>>
        %dma_wait3A_335 = tpu.memref_squeeze %dma_wait3A_334 : memref<1x96x128xf32, #tpu.memory_space<hbm>> -> memref<96x128xf32, #tpu.memory_space<hbm>>
        %dma_wait3A_336 = arith.constant 0 : i32
        %dma_wait3A_337 = arith.constant 0 : i32
        %dma_wait3A_338 = tpu.memref_slice %arg11[%dma_wait3A_323, %dma_wait3A_336, %dma_wait3A_337] : memref<4x104x128xf32, #tpu.memory_space<vmem>> -> memref<1x96x128xf32, #tpu.memory_space<vmem>>
        %dma_wait3A_339 = tpu.memref_squeeze %dma_wait3A_338 : memref<1x96x128xf32, #tpu.memory_space<vmem>> -> memref<96x128xf32, #tpu.memory_space<vmem>>
        tpu.wait_dma2 semaphore(%arg19 : memref<!tpu.dma_semaphore, #tpu.memory_space<semaphore_mem>>) src(%dma_wait3A_339 : memref<96x128xf32, #tpu.memory_space<vmem>>) dst(%dma_wait3A_335 : memref<96x128xf32, #tpu.memory_space<hbm>>)
        %lt3A_340 = arith.constant 63 : i32
        %lt3A_341 = arith.cmpi slt, %scan3A_105, %lt3A_340 : i32
        %convert_element_type3A_342 = arith.extui %lt3A_341 : i1 to i32
        %cond3A_343 = arith.constant 0 : i32
        %cond3A_344 = arith.cmpi ne, %convert_element_type3A_342, %cond3A_343 : i32
        scf.if %cond3A_344 {
          %add3A_345 = arith.constant 4 : i32
          %add3A_346 = arith.addi %add3A_290, %add3A_345 : i32
          %sub3A_347 = arith.constant 1 : i32
          %sub3A_348 = arith.subi %add3A_346, %sub3A_347 : i32
          %mul3A_349 = arith.constant 96 : i32
          %mul3A_350 = arith.muli %sub3A_348, %mul3A_349 : i32
          %dma_start3A_351 = arith.constant 2 : i32
          %dma_start3A_352 = arith.constant 0 : i32
          %dma_start3A_353 = arith.constant 0 : i32
          %dma_start3A_354 = tpu.memref_slice %arg11[%dma_start3A_351, %dma_start3A_352, %dma_start3A_353] : memref<4x104x128xf32, #tpu.memory_space<vmem>> -> memref<1x96x128xf32, #tpu.memory_space<vmem>>
          %dma_start3A_355 = tpu.memref_squeeze %dma_start3A_354 : memref<1x96x128xf32, #tpu.memory_space<vmem>> -> memref<96x128xf32, #tpu.memory_space<vmem>>
          %dma_start3A_356 = tpu.memref_slice %arg6[%mul3A_350] : memref<26640xi32, #tpu.memory_space<vmem>> -> memref<96xi32, #tpu.memory_space<vmem>>
          %dma_start3A_357 = arith.constant 0 : i32
          %dma_start3A_358 = arith.constant 0 : i32
          %dma_start3A_359 = tpu.memref_slice %arg12[%dma_start3A_357, %dma_start3A_358] : memref<2912x128xf32, #tpu.memory_space<vmem_shared>> -> memref<2912x128xf32, #tpu.memory_space<vmem_shared>>
          tpu.enqueue_indirect_dma source(%dma_start3A_359 : memref<2912x128xf32, #tpu.memory_space<vmem_shared>>) target(%dma_start3A_355 : memref<96x128xf32, #tpu.memory_space<vmem>>) offsets(%dma_start3A_356 : memref<96xi32, #tpu.memory_space<vmem>>) semaphore(%arg15 : memref<!tpu.dma_semaphore, #tpu.memory_space<semaphore_mem>>)
        } else {
        }
      }
      %scan3A_85 = arith.constant 64 : i32
      %add3A_86 = arith.constant 255 : i32
      %add3A_87 = arith.addi %mul3A_0, %add3A_86 : i32
      %dma_wait3A_88 = arith.constant 3 : i32
      %dma_wait3A_89 = arith.constant 0 : i32
      %dma_wait3A_90 = arith.constant 0 : i32
      %dma_wait3A_91 = tpu.memref_slice %arg11[%dma_wait3A_88, %dma_wait3A_89, %dma_wait3A_90] : memref<4x104x128xf32, #tpu.memory_space<vmem>> -> memref<1x96x128xf32, #tpu.memory_space<vmem>>
      %dma_wait3A_92 = tpu.memref_squeeze %dma_wait3A_91 : memref<1x96x128xf32, #tpu.memory_space<vmem>> -> memref<96x128xf32, #tpu.memory_space<vmem>>
      %dma_wait3A_93 = arith.constant 104 : i32
      %dma_wait3A_94 = arith.constant 0 : i32
      %dma_wait3A_95 = tpu.memref_slice %arg5[%add3A_87, %dma_wait3A_93, %dma_wait3A_94] : memref<4096x200x128xf32, #tpu.memory_space<hbm>> -> memref<1x96x128xf32, #tpu.memory_space<hbm>>
      %dma_wait3A_96 = tpu.memref_squeeze %dma_wait3A_95 : memref<1x96x128xf32, #tpu.memory_space<hbm>> -> memref<96x128xf32, #tpu.memory_space<hbm>>
      %dma_wait3A_97 = arith.constant 104 : i32
      %dma_wait3A_98 = arith.constant 0 : i32
      %dma_wait3A_99 = tpu.memref_slice %arg5[%add3A_87, %dma_wait3A_97, %dma_wait3A_98] : memref<4096x200x128xf32, #tpu.memory_space<hbm>> -> memref<1x96x128xf32, #tpu.memory_space<hbm>>
      %dma_wait3A_100 = tpu.memref_squeeze %dma_wait3A_99 : memref<1x96x128xf32, #tpu.memory_space<hbm>> -> memref<96x128xf32, #tpu.memory_space<hbm>>
      %dma_wait3A_101 = arith.constant 0 : i32
      %dma_wait3A_102 = arith.constant 0 : i32
      %dma_wait3A_103 = tpu.memref_slice %arg11[%dma_wait3A_88, %dma_wait3A_101, %dma_wait3A_102] : memref<4x104x128xf32, #tpu.memory_space<vmem>> -> memref<1x96x128xf32, #tpu.memory_space<vmem>>
      %dma_wait3A_104 = tpu.memref_squeeze %dma_wait3A_103 : memref<1x96x128xf32, #tpu.memory_space<vmem>> -> memref<96x128xf32, #tpu.memory_space<vmem>>
      tpu.wait_dma2 semaphore(%arg20 : memref<!tpu.dma_semaphore, #tpu.memory_space<semaphore_mem>>) src(%dma_wait3A_104 : memref<96x128xf32, #tpu.memory_space<vmem>>) dst(%dma_wait3A_100 : memref<96x128xf32, #tpu.memory_space<hbm>>)
    } else {
    }
    return
  }
}

</mosaic_0001>

<sc_bundles>
// kernel: kernel.3.cloned.1.call-start
scs
__scs_entry_jumppad:
0x0: {  	(pc) =	sbr.rel $0x88, $3  }
0x1: {  	(tag) =	ssettag $0x0;
	lr =	simm.s32 $0x1  }
0x2: {  	[smem:$0x3F9F] =	sst lr;
	_ =	strace $0xD0000000  }
0x3: {  	_ = 	snop  }
0x4: {  	_ = 	snop  }
0x5: {  	_ = 	snop  }
0x6: {  	_ = 	snop  }
0x7: {  	_ = 	snop  }
__scs_overlays_trampoline_lowered:
0x8: {  	[smem:$0x3FAE] =	sst s0  }
0x9: {  	[smem:$0x3FAF] =	sst s1  }
0xa: {  	[smem:$0x3FB0] =	sst s2  }
0xb: {  	[smem:$0x3FB1] =	sst s3  }
0xc: {  	[smem:$0x3FB2] =	sst s4  }
0xd: {  	[smem:$0x3FB3] =	sst s5  }
0xe: {  	[smem:$0x3FB4] =	sst s6  }
0xf: {  	[smem:$0x3FB5] =	sst s7  }
0x10: {  	[smem:$0x3FB6] =	sst s8  }
0x11: {  	[smem:$0x3FB7] =	sst s9;
	s0 =	simm.s32 @!p0 $0x0  }
0x12: {  	s1 =	sld [smem:$0x3F9D];
	s0 =	simm.s32 @p0 $0x1  }
0x13: {  	[smem:$0x3FB8] =	sst s0;
	s0 =	simm.s32 @!p1 $0x0  }
0x14: {  	s2 =	sld [smem:$0x3F9C];
	s0 =	simm.s32 @p1 $0x1  }
0x15: {  	[smem:$0x3FB9] =	sst s0;
	s0 =	simm.s32 @!p2 $0x0  }
0x16: {  	s3 =	sld [smem:$0x3FDB];
	s0 =	simm.s32 @p2 $0x1  }
0x17: {  	s4 =	simm.s32 $0x1BF5;
	[smem:$0x3FBB] =	sst s0  }
0x18: {  	s0 =	sld [smem:$0x3F9E];
	_ =	swait.ge [sflag:s4], $0x0  }
0x19: {  	s7 =	sld [smem:$0x3F9F]  }
0x1a: {  	s8 =	sadd.s32 $0xFFFFE003, lr  }
0x1b: {  	s9 =	sadd.s32 $0xFFFFFEF7, lr;
	s5 =	simm.s32 $0xFFFFFFFF;
	p2 =	slt.u32 s8, $0xFFFFF086  }
0x1c: {  	p1 =	slt.u32 s9, $0xF7A;
	s5 =	simm.s32 @!p2 $0x0  }
0x1d: {  	s5 =	simm.s32 @p1 $0x1;
	p0 =	seq.s32 s7, s2  }
0x1e: {  	s7 =	smul.u32 @!p0 $0xF7A, s2;
	p2 =	seq.s32 @!p0 s5, $0x0  }
0x1f: {  	s9 =	smul.u32 $0xF7A, s1;
	s8 =	simm.s32 @!p0 $0x1BF5;
	p2 =	por !p2, p0  }
0x20: {  	[sflag:s8] =	ssyncset.s32 @!p0 $0xFFFFF086;
	s6 =	sadd.s32 @!p0 s3, s7;
	s7 =	simm.s32 @!p0 $0x108  }
0x21: {  	s3 =	sadd.s32 s3, s9;
	s6 =	sadd.s32 @!p0 $0x88, s6;
	s7 =	simm.s32 @p2 $0x1082  }
0x22: {  	[simem:s7], [sflag:s8] =	dma.local @!p0 [hbm:s6], $0xF7A  }
0x23: {  	s9 =	sor.u32 $0xD0000000, s2;
	s6 =	simm.s32 $0x108;
	_ =	swait.ge @!p0 [sflag:s8], $0x0  }
0x24: {  	s3 =	sadd.s32 $0x88, s3;
	s6 =	simm.s32 @!p1 $0x1082;
	[sflag:s4] =	ssyncset.s32 $0xFFFFF086  }
0x25: {  	[simem:s6], [sflag:s4] =	dma.local [hbm:s3], $0xF7A  }
0x26: {  	[smem:$0x3F9F] =	sst s1;
	(tag) =	ssettag s2;
	_ =	strace s9  }
0x27: {  	s1 =	sld [smem:$0x3FAF]  }
0x28: {  	s2 =	sld [smem:$0x3FB0]  }
0x29: {  	s4 =	sld [smem:$0x3FB2]  }
0x2a: {  	p0 =	seq.s32 s5, $0x0;
	s5 =	sld [smem:$0x3FB3]  }
0x2b: {  	s6 =	sld [smem:$0x3FB4]  }
0x2c: {  	s7 =	sld [smem:$0x3FB5]  }
0x2d: {  	s3 =	simm.s32 $0x108;
	s8 =	sld [smem:$0x3FB6]  }
0x2e: {  	s3 =	simm.s32 @!p0 $0x1082;
	s9 =	sld [smem:$0x3FB7]  }
0x2f: {  	lr =	sadd.s32 s0, s3;
	s0 =	sld [smem:$0x3FAE]  }
0x30: {  	s3 =	sld [smem:$0x3FB1]  }
0x31: {  	[smem:$0x3FBA] =	sst s10  }
0x32: {  	s10 =	sld [smem:$0x3FB8];
	_ =	sdelay $0x3  }
0x33: {  	p0 =	seq.s32 s10, $0x1;
	s10 =	sld [smem:$0x3FBA];
	_ =	sdelay $0x3  }
0x34: {  	[smem:$0x3FBA] =	sst s10  }
0x35: {  	s10 =	sld [smem:$0x3FB9];
	_ =	sdelay $0x3  }
0x36: {  	p1 =	seq.s32 s10, $0x1;
	s10 =	sld [smem:$0x3FBA];
	_ =	sdelay $0x3  }
0x37: {  	[smem:$0x3FBA] =	sst s10  }
0x38: {  	s10 =	sld [smem:$0x3FBB]  }
0x39: {  	_ = 	snop;
	(pc) =	sbr.ind lr, $3  }
0x3a: {  	_ = 	snop  }
0x3b: {  	_ = 	snop  }
0x3c: {  	p2 =	seq.s32 s10, $0x1;
	s10 =	sld [smem:$0x3FBA]  }
0x3d: {  	_ =	shalt  }
0x3e: {  	_ =	shalt  }
0x3f: {  	_ =	shalt  }
0x40: {  	_ =	shalt  }
0x41: {  	_ =	shalt  }
0x42: {  	_ =	shalt  }
0x43: {  	_ =	shalt  }
0x44: {  	_ =	shalt  }
0x45: {  	_ =	shalt  }
0x46: {  	_ =	shalt  }
0x47: {  	_ =	shalt  }
0x48: {  	_ =	shalt  }
0x49: {  	_ =	shalt  }
0x4a: {  	_ =	shalt  }
0x4b: {  	_ =	shalt  }
0x4c: {  	_ =	shalt  }
0x4d: {  	_ =	shalt  }
0x4e: {  	_ =	shalt  }
0x4f: {  	_ =	shalt  }
0x50: {  	_ =	shalt  }
0x51: {  	_ =	shalt  }
0x52: {  	_ =	shalt  }
0x53: {  	_ =	shalt  }
0x54: {  	_ =	shalt  }
0x55: {  	_ =	shalt  }
0x56: {  	_ =	shalt  }
0x57: {  	_ =	shalt  }
0x58: {  	_ =	shalt  }
0x59: {  	_ =	shalt  }
0x5a: {  	_ =	shalt  }
0x5b: {  	_ =	shalt  }
0x5c: {  	_ =	shalt  }
0x5d: {  	_ =	shalt  }
0x5e: {  	_ =	shalt  }
0x5f: {  	_ =	shalt  }
0x60: {  	_ =	shalt  }
0x61: {  	_ =	shalt  }
0x62: {  	_ =	shalt  }
0x63: {  	_ =	shalt  }
0x64: {  	_ =	shalt  }
0x65: {  	_ =	shalt  }
0x66: {  	_ =	shalt  }
0x67: {  	_ =	shalt  }
0x68: {  	_ =	shalt  }
0x69: {  	_ =	shalt  }
0x6a: {  	_ =	shalt  }
0x6b: {  	_ =	shalt  }
0x6c: {  	_ =	shalt  }
0x6d: {  	_ =	shalt  }
0x6e: {  	_ =	shalt  }
0x6f: {  	_ =	shalt  }
0x70: {  	_ =	shalt  }
0x71: {  	_ =	shalt  }
0x72: {  	_ =	shalt  }
0x73: {  	_ =	shalt  }
0x74: {  	_ =	shalt  }
0x75: {  	_ =	shalt  }
0x76: {  	_ =	shalt  }
0x77: {  	_ =	shalt  }
0x78: {  	_ =	shalt  }
0x79: {  	_ =	shalt  }
0x7a: {  	_ =	shalt  }
0x7b: {  	_ =	shalt  }
0x7c: {  	_ =	shalt  }
0x7d: {  	_ =	shalt  }
0x7e: {  	_ =	shalt  }
0x7f: {  	_ =	shalt  }
0x80: {  	_ =	shalt  }
0x81: {  	_ =	shalt  }
0x82: {  	_ =	shalt  }
0x83: {  	_ =	shalt  }
0x84: {  	_ =	shalt  }
0x85: {  	_ =	shalt  }
0x86: {  	_ =	shalt  }
0x87: {  	_ =	shalt  }
.Lfunc_end0:
.L_simem_size_0:
called_computation_lowered:
.L_overlay_start_0:
0x88: {  	s2 =	sld [smem:$0x3FD9]  }
0x89: {  	s3 =	sld [smem:$0x3FFE];
	_ =	sdelay $0x1  }
0x8a: {  	s1 =	srdreg.scid  }
0x8b: {  	s0 =	sand.u32 $0x1, s1  }
0x8c: {  	s17 =	sshll.u32 s0, $0xA;
	s2 =	sadd.s32 s3, s2  }
0x8d: {  	s2 =	sadd.s32 s2, s17  }
0x8e: {  	[smem:$0x3FC6] =	sst s2  }
0x8f: {  	_ = 	snop  }
0x90: {  	s2 =	sld [smem:$0x3FC8]  }
0x91: {  	s18 =	sld [smem:$0x3FD0];
	(tm) =	ssettm $0x1  }
0x92: {  	s4 =	sld [smem:$0x3FFB];
	_ =	sdelay $0x3  }
0x93: {  	_ =	strace s4  }
0x94: {  	s4 =	sld [smem:$0x3FFC];
	_ =	sdelay $0x3  }
0x95: {  	_ =	strace s4  }
0x96: {  	s4 =	sld [smem:$0x3FFD];
	_ =	sdelay $0x3  }
0x97: {  	_ =	strace s4  }
0x98: {  	_ =	strace $0x8FFFFFFF  }
0x99: {  	s19 =	sld [smem:$0x3FDB];
	_ =	sdelay $0x1  }
0x9a: {  	s5 =	simm.s32 $_scs_section_size  }
0x9b: {  	s6 =	simm.s32 $_size__tile_overlayer_lowered;
	s7 =	simm.s32 $_tile_overlayer_lowered  }
0x9c: {  	s22 =	simm.s32 $0x1BFF;
	s21 =	sshll.u32 s7, $0x1;
	s4 =	sadd.s32 s5, s19  }
0x9d: {  	s8 =	simm.s32 $0x0;
	s20 =	sshll.u32 s6, $0x1;
	s6 =	sadd.s32 s21, s4  }
0x9e: {  	[timem:s8], [sflag:s22] =	dma.local [hbm:s6], s20  }
0x9f: {  	_ =	swait.ge [sflag:s22], s20  }
0xa0: {  	s5 =	ssub.s32 $0x0, s20;
	[sflag:s22] =	ssyncset.done $0x0  }
0xa1: {  	[sflag:s22] =	ssyncadd.s32 s5;
	_ =	sdelay $0x1  }
0xa2: {  	s23 =	simm.s32 $0x1B8B  }
0xa3: {  	_ =	swait.ge [sflag:s23], $0x1  }
0xa4: {  	[sflag:s23] =	ssyncset.done $0x0  }
0xa5: {  	s25 =	simm.s32 $0x1B8E;
	s24 =	sld [smem:$0x3FFE];
	[sflag:s23] =	ssyncadd.s32 $0xFFFFFFFF  }
0xa6: {  	s26 =	simm.s32 $execute0_lowered;
	[smem:$0x3FD2] =	sst s25  }
0xa7: {  	s6 =	sshll.u32 s26, $0x1;
	_ =	strace $0x80000046;
	[dreg:$0x1] =	wrdreg $0xFFFFFFFF  }
0xa8: {  	s28 =	simm.s32 $_size_execute0_lowered;
	s4 =	sadd.s32 s4, s6;
	[dreg:$0x0] =	wrdreg $0x0  }
0xa9: {  	s6 =	sshll.u32 s28, $0x1;
	[dreg:$0x2] =	wrdreg s4  }
0xaa: {  	[dreg:$0x3] =	wrdreg s6  }
0xab: {  	[dreg:$0x4] =	wrdreg $0xC0  }
0xac: {  	_ =	task [dreg:s8], $0x5FFFF  }
0xad: {  	[dreg:$0x1] =	wrdreg $0xFFFFFFFF  }
0xae: {  	[dreg:$0x0] =	wrdreg $0x60  }
0xaf: {  	[dreg:$0x2] =	wrdreg s24  }
0xb0: {  	[dreg:$0x3] =	wrdreg s2  }
0xb1: {  	[dreg:$0x4] =	wrdreg s18  }
0xb2: {  	[dreg:$0x5] =	wrdreg $0x19A800  }
0xb3: {  	[dreg:$0x6] =	wrdreg $0x9  }
0xb4: {  	_ =	task.clear_ibuf [dreg:s8], $0x7FFFF;
	_ =	strace $0x90000046  }
0xb5: {  	s29 =	simm.s32 $0x9;
	_ =	strace $0x80000048  }
0xb6: {  	_ =	swait.ge [sflag:s29], $0x1  }
0xb7: {  	[sflag:s29] =	ssyncadd.s32 $0xFFFFFFFF  }
0xb8: {  	_ =	strace $0x90000048  }
0xb9: {  	_ =	sfence  }
0xba: {  	s30 =	sld [smem:$0x0];
	_ =	sdelay $0x2  }
0xbb: {  	s31 =	sshll.u32 s1, $0xD;
	s1 =	sshrl.u32 s1, $0x2  }
0xbc: {  	s3 =	sand.u32 $0x4000, s31;
	s1 =	sadd.s32 s1, s30  }
0xbd: {  	s0 =	sor.u32 s3, s0;
	s1 =	sshll.u32 s1, $0x11  }
0xbe: {  	s0 =	sor.u32 s1, s0  }
0xbf: {  	s0 =	sadd.s32 $0x8F2B, s0  }
0xc0: {  	[sflag:s0] =	ssyncadd.remote.s32 $0x1  }
0xc1: {  	_ =	sfence.sel $0xFFFF  }
0xc2: {  	[dreg:$0x0] =	wrdreg $0xFFFFFFFF;
	(pc) =	sbr.abs _section_cstart, $3  }
0xc3: {  	[dreg:$0x1] =	wrdreg $0xFFFFFFFF  }
0xc4: {  	_ =	task.clear_ibuf [dreg:s8], $0x2FFFF;
	_ =	strace $0x9FFFFFFF  }
0xc5: {  	(tm) =	ssettm $0x7FFFFFFF  }
tec
execute0_lowered:
.L_overlay_start_1:
0x0: {  	(tag) =	ssettag $0x1  }
0x1: {  	s0 =	rddreg [dreg:$0x0]  }
0x2: {  	s1 =	rddreg [dreg:$0x2]  }
0x3: {  	s2 =	rddreg [dreg:$0x3];
	s10 =	stileid.u32  }
0x4: {  	s4 =	simm.s32 $0x0;
	s3 =	srdreg.scid;
	s6 =	smul.u32 $0x1900, s10  }
0x5: {  	s28 =	simm.s32 $0x60;
	s29 =	simm.s32 $0xCA80;
	s9 =	smul.u32 $0x1C000, s10  }
0x6: {  	s30 =	simm.s32 $0xFE80;
	s31 =	simm.s32 $0x16680;
	s13 =	smul.u32 $0xC800, s10  }
0x7: {  	[smem:$0x7FF] =	sst s4;
	s3 =	sand.u32 $0x1, s3;
	s17 =	smul.u32 $0x300, s10  }
0x8: {  	s7 =	sadd.s32 $0x600, s0;
	s0 =	sadd.s32 $0x19600, s0;
	s19 =	smul.u32 $0x15000, s10  }
0x9: {  	s14 =	sshll.u32 s10, $0x7;
	s22 =	smul.u32 $0xC8000, s10;
	p1 =	sgt.u32 s10, $0xC  }
0xa: {  	s10 =	simm.s32 $0x6;
	_ =	strace $0x80000047;
	s5 =	ssub.s32 $0x2, s3  }
0xb: {  	p0 =	seq.s32 s3, $0x1;
	s8 =	sshrl.u32 s5, $0x1;
	s16 =	sadd.s32 s7, s6  }
0xc: {  	s12 =	sshrl.u32 s9, $0x2;
	s9 =	sadd.s32 s0, s14;
	s6 =	sshrl.u32 s13, $0x3  }
0xd: {  	s3 =	sshrl.u32 s17, $0x3;
	s20 =	sshrl.u32 s19, $0x2;
	s25 =	sadd.s32 s22, s1  }
0xe: {  	s22 =	simm.s32 $0xA;
	s1 =	simm.s32 $0x7;
	[dreg:$0x6] =	wrdreg s9  }
0xf: {  	s8 =	ssub.s32 s5, s8;
	s15 =	sadd.s32 s12, s2;
	[dreg:$0xf] =	wrdreg s25  }
0x10: {  	s6 =	sadd.s32 s7, s6;
	s21 =	sadd.s32 s20, s2;
	[dreg:$0x5] =	wrdreg s15  }
0x11: {  	s0 =	sadd.s32 s0, s3;
	s26 =	sadd.s32 $0x640, s16;
	[dreg:$0xa] =	wrdreg s21  }
0x12: {  	s3 =	simm.s32 $0x1;
	s18 =	sadd.s32 $0x1C00, s15;
	[dreg:$0x10] =	wrdreg s26  }
0x13: {  	s7 =	simm.s32 $0x2;
	s11 =	sadd.s32 $0x3800, s15;
	[dreg:$0x7] =	wrdreg s18  }
0x14: {  	s9 =	simm.s32 $0x3;
	s5 =	sadd.s32 $0x5400, s15;
	[dreg:$0x8] =	wrdreg s11  }
0x15: {  	s20 =	simm.s32 $0x0;
	s6 =	sadd.s32 $0x320, s6;
	[dreg:$0x9] =	wrdreg s5  }
0x16: {  	s0 =	sadd.s32 $0x680, s0;
	s23 =	sadd.s32 $0x1C00, s21;
	[dreg:$0xb] =	wrdreg s6  }
.Ltmp0:
0x17: {  	v0 =	vlaneseq.u32;
	s24 =	sadd.s32 $0x3800, s21;
	[dreg:$0xc] =	wrdreg s0;
	(pc) =	sbr.rel .LBB2_1-.Ltmp0, $4  }
0x18: {  	v0 =	vmul.u32 $0x1C, v0;
	s21 =	simm.s32 $0x6880;
	s26 =	simm.s32 $0x9A80;
	[dreg:$0xd] =	wrdreg s23  }
0x19: {  	[dreg:$0xe] =	wrdreg s24;
	s24 =	smax.u32 s8, $0x1;
	s0 =	sadd.s32 $0x1F80, s25  }
0x1a: {  	v1 =	vadd.s32 $0x1C0, v0;
	v2 =	vadd.s32 $0x380, v0;
	v3 =	vadd.s32 $0x540, v0;
	s25 =	simm.s32 $0x9;
	s8 =	simm.s32 $0x5;
	s6 =	simm.s32 $0x4  }
0x1b: {  	v4 =	vadd.s32 $0x700, v0;
	v5 =	vadd.s32 $0x8C0, v0;
	v6 =	vadd.s32 $0xA80, v0;
	s23 =	simm.s32 $0x68;
	[dreg:$0x11] =	wrdreg s0;
	s0 =	simm.s32 $0x13280  }
.LBB2_51:
0x1c: {  	s5 =	simm.s32 $0x8  }
0x1d: {  	_ =	swait.ge [sflag:s5], $0x3000  }
0x1e: {  	[sflag:s5] =	ssyncset.done $0x0  }
0x1f: {  	[sflag:s5] =	ssyncadd.s32 $0xFFFFD000  }
.LBB2_52:
0x20: {  	s20 =	sadd.s32 $0x1, s20  }
0x21: {  	p2 =	sne.s32 s20, s24  }
.Ltmp1:
0x22: {  	_ = 	snop;
	(pc) =	sbr.rel @!p2 .LBB2_53-.Ltmp1, $1  }
0x23: {  	_ =	sdelay $0x3  }
.LBB2_1:
.Ltmp2:
0x24: {  	(pc) =	sbr.rel @!p0 .LBB2_2-.Ltmp2, $2  }
0x25: {  	_ =	sdelay $0x2  }
0x26: {  	[tilespmem:s21], [sflag:$0x9] =	stream.linear.gather [hbm4b:s16+s4], $0x1900, $0x38;
	[tilespmem:$0x1F580] =	vst v63  }
0x27: {  	s5 =	simm.s32 $0x0;
	s11 =	rddreg [dreg:$0xc];
	s12 =	simm.s32 $0xB680  }
0x28: {  	[tilespmem:s12], [sflag:$0xA] =	stream.linear.gather [hbm4b:s11+s5], $0x400, $0x38;
	[tilespmem:$0x1F580] =	vst v63  }
0x29: {  	_ =	swait.ge [sflag:s22], $0x400  }
0x2a: {  	[sflag:s22] =	ssyncset.done $0x0  }
0x2b: {  	[sflag:s22] =	ssyncadd.s32 $0xFFFFFC00  }
0x2c: {  	s19 =	simm.s32 $0xBA80;
	s18 =	rddreg [dreg:$0x1]  }
0x2d: {  	[tilespmem:s19], [sflag:$0xA] =	stream.linear.gather [hbm4b:s18+s5], $0xE00, $0x38;
	[tilespmem:$0x1F580] =	vst v63  }
0x2e: {  	_ =	swait.ge [sflag:s22], $0xE00  }
0x2f: {  	[sflag:s22] =	ssyncset.done $0x0  }
0x30: {  	[sflag:s22] =	ssyncadd.s32 $0xFFFFF200  }
0x31: {  	v13 =	vld [tilespmem:$0xB680]  }
0x32: {  	v12 =	vld [tilespmem:$0xB690]  }
0x33: {  	v11 =	vld [tilespmem:$0xB6A0]  }
0x34: {  	v10 =	vld [tilespmem:$0xB6B0]  }
0x35: {  	v9 =	vld [tilespmem:$0xB6C0]  }
0x36: {  	v8 =	vld [tilespmem:$0xB6D0]  }
0x37: {  	v7 =	vld [tilespmem:$0xB6E0]  }
0x38: {  	s12 =	simm.s32 $0x0;
	v14 =	vld [tilespmem:$0xB6F0]  }
0x39: {  	v16 =	vld [tilespmem:s12+$0xBAF0]  }
0x3a: {  	v20 =	vld [tilespmem:s12+$0xBA80]  }
0x3b: {  	v21 =	vld [tilespmem:s12+$0xBA90]  }
0x3c: {  	v19 =	vld [tilespmem:s12+$0xBAA0]  }
0x3d: {  	v18 =	vld [tilespmem:s12+$0xBAB0]  }
0x3e: {  	v15 =	vld [tilespmem:s12+$0xBAC0];
	v22 =	vadd.f32 v16, v14  }
0x3f: {  	v16 =	vld [tilespmem:s12+$0xBAD0];
	v20 =	vadd.f32 v20, v13  }
0x40: {  	s13 =	simm.s32 $0x400;
	s11 =	simm.s32 $0x80;
	v17 =	vld [tilespmem:s12+$0xBAE0];
	v21 =	vadd.f32 v21, v12;
	[tilespmem:s12+$0x9AF0] =	vst v22  }
.LBB2_31:
0x41: {  	p2 =	sne.s32 s13, $0x3600;
	v22 =	vld [tilespmem:s11+$0xBAF0];
	[tilespmem:s12+$0x9A80] =	vst v20;
	v19 =	vadd.f32 v19, v11  }
0x42: {  	v20 =	vld [tilespmem:s11+$0xBA80];
	[tilespmem:s12+$0x9A90] =	vst v21;
	v18 =	vadd.f32 v18, v10  }
0x43: {  	v21 =	vld [tilespmem:s11+$0xBA90];
	[tilespmem:s12+$0x9AA0] =	vst v19;
	v15 =	vadd.f32 v15, v9  }
.Ltmp3:
0x44: {  	v19 =	vld [tilespmem:s11+$0xBAA0];
	[tilespmem:s12+$0x9AB0] =	vst v18;
	v16 =	vadd.f32 v16, v8;
	(pc) =	sbr.rel @p2 .LBB2_31-.Ltmp3, $4  }
0x45: {  	v18 =	vld [tilespmem:s11+$0xBAB0];
	[tilespmem:s12+$0x9AC0] =	vst v15;
	v17 =	vadd.f32 v17, v7  }
0x46: {  	v15 =	vld [tilespmem:s11+$0xBAC0];
	v22 =	vadd.f32 v22, v14;
	[tilespmem:s12+$0x9AD0] =	vst v16  }
0x47: {  	v20 =	vadd.f32 v20, v13;
	v16 =	vld [tilespmem:s11+$0xBAD0];
	[tilespmem:s12+$0x9AE0] =	vst v17;
	s12 =	smov.u32 s11  }
0x48: {  	s11 =	sshra.s32 s13, $0x2;
	s13 =	sadd.s32 $0x200, s13;
	v21 =	vadd.f32 v21, v12;
	v17 =	vld [tilespmem:s12+$0xBAE0];
	[tilespmem:s12+$0x9AF0] =	vst v22  }
0x49: {  	v22 =	vld [tilespmem:s11+$0xBAF0];
	[tilespmem:s12+$0x9A80] =	vst v20;
	v19 =	vadd.f32 v19, v11  }
0x4a: {  	v20 =	vld [tilespmem:s11+$0xBA80];
	[tilespmem:s12+$0x9A90] =	vst v21;
	v18 =	vadd.f32 v18, v10  }
0x4b: {  	v21 =	vld [tilespmem:s11+$0xBA90];
	[tilespmem:s12+$0x9AA0] =	vst v19;
	v15 =	vadd.f32 v15, v9  }
0x4c: {  	v19 =	vld [tilespmem:s11+$0xBAA0];
	[tilespmem:s12+$0x9AB0] =	vst v18;
	v16 =	vadd.f32 v16, v8  }
0x4d: {  	v18 =	vld [tilespmem:s11+$0xBAB0];
	[tilespmem:s12+$0x9AC0] =	vst v15;
	v17 =	vadd.f32 v17, v7  }
0x4e: {  	v15 =	vld [tilespmem:s11+$0xBAC0];
	[tilespmem:s12+$0x9AD0] =	vst v16;
	v14 =	vadd.f32 v22, v14  }
0x4f: {  	v16 =	vld [tilespmem:s11+$0xBAD0];
	[tilespmem:s12+$0x9AE0] =	vst v17;
	v13 =	vadd.f32 v20, v13  }
0x50: {  	v17 =	vld [tilespmem:s11+$0xBAE0];
	v12 =	vadd.f32 v21, v12;
	[tilespmem:s11+$0x9AF0] =	vst v14  }
0x51: {  	[tilespmem:s11+$0x9A80] =	vst v13;
	v11 =	vadd.f32 v19, v11  }
0x52: {  	[tilespmem:s11+$0x9A90] =	vst v12;
	v10 =	vadd.f32 v18, v10  }
0x53: {  	[tilespmem:s11+$0x9AA0] =	vst v11;
	v9 =	vadd.f32 v15, v9  }
0x54: {  	[tilespmem:s11+$0x9AB0] =	vst v10;
	v8 =	vadd.f32 v16, v8  }
0x55: {  	[tilespmem:s11+$0x9AC0] =	vst v9;
	v7 =	vadd.f32 v17, v7  }
0x56: {  	[tilespmem:s11+$0x9AD0] =	vst v8  }
0x57: {  	[tilespmem:s11+$0x9AE0] =	vst v7  }
0x58: {  	v13 =	vld [tilespmem:$0xB700]  }
0x59: {  	v12 =	vld [tilespmem:$0xB710]  }
0x5a: {  	v11 =	vld [tilespmem:$0xB720]  }
0x5b: {  	v10 =	vld [tilespmem:$0xB730]  }
0x5c: {  	v9 =	vld [tilespmem:$0xB740]  }
0x5d: {  	v8 =	vld [tilespmem:$0xB750]  }
0x5e: {  	v7 =	vld [tilespmem:$0xB760]  }
0x5f: {  	s12 =	simm.s32 $0x0;
	v14 =	vld [tilespmem:$0xB770]  }
0x60: {  	v16 =	vld [tilespmem:s12+$0xBAF0]  }
0x61: {  	v20 =	vld [tilespmem:s12+$0xBA80]  }
0x62: {  	v21 =	vld [tilespmem:s12+$0xBA90]  }
0x63: {  	v19 =	vld [tilespmem:s12+$0xBAA0]  }
0x64: {  	v18 =	vld [tilespmem:s12+$0xBAB0]  }
0x65: {  	v15 =	vld [tilespmem:s12+$0xBAC0];
	v22 =	vadd.f32 v16, v14  }
0x66: {  	v16 =	vld [tilespmem:s12+$0xBAD0];
	v20 =	vadd.f32 v20, v13  }
0x67: {  	s13 =	simm.s32 $0x400;
	s11 =	simm.s32 $0x80;
	v17 =	vld [tilespmem:s12+$0xBAE0];
	v21 =	vadd.f32 v21, v12;
	[tilespmem:s12+$0xA8F0] =	vst v22  }
.LBB2_33:
0x68: {  	p2 =	sne.s32 s13, $0x3600;
	v22 =	vld [tilespmem:s11+$0xBAF0];
	[tilespmem:s12+$0xA880] =	vst v20;
	v19 =	vadd.f32 v19, v11  }
0x69: {  	v20 =	vld [tilespmem:s11+$0xBA80];
	[tilespmem:s12+$0xA890] =	vst v21;
	v18 =	vadd.f32 v18, v10  }
0x6a: {  	v21 =	vld [tilespmem:s11+$0xBA90];
	[tilespmem:s12+$0xA8A0] =	vst v19;
	v15 =	vadd.f32 v15, v9  }
.Ltmp4:
0x6b: {  	v19 =	vld [tilespmem:s11+$0xBAA0];
	[tilespmem:s12+$0xA8B0] =	vst v18;
	v16 =	vadd.f32 v16, v8;
	(pc) =	sbr.rel @p2 .LBB2_33-.Ltmp4, $4  }
0x6c: {  	v18 =	vld [tilespmem:s11+$0xBAB0];
	[tilespmem:s12+$0xA8C0] =	vst v15;
	v17 =	vadd.f32 v17, v7  }
0x6d: {  	v15 =	vld [tilespmem:s11+$0xBAC0];
	v22 =	vadd.f32 v22, v14;
	[tilespmem:s12+$0xA8D0] =	vst v16  }
0x6e: {  	v20 =	vadd.f32 v20, v13;
	v16 =	vld [tilespmem:s11+$0xBAD0];
	[tilespmem:s12+$0xA8E0] =	vst v17;
	s12 =	smov.u32 s11  }
0x6f: {  	s11 =	sshra.s32 s13, $0x2;
	s13 =	sadd.s32 $0x200, s13;
	v21 =	vadd.f32 v21, v12;
	v17 =	vld [tilespmem:s12+$0xBAE0];
	[tilespmem:s12+$0xA8F0] =	vst v22  }
0x70: {  	v22 =	vld [tilespmem:s11+$0xBAF0];
	[tilespmem:s12+$0xA880] =	vst v20;
	v19 =	vadd.f32 v19, v11  }
0x71: {  	v20 =	vld [tilespmem:s11+$0xBA80];
	[tilespmem:s12+$0xA890] =	vst v21;
	v18 =	vadd.f32 v18, v10  }
0x72: {  	v21 =	vld [tilespmem:s11+$0xBA90];
	[tilespmem:s12+$0xA8A0] =	vst v19;
	v15 =	vadd.f32 v15, v9  }
0x73: {  	v19 =	vld [tilespmem:s11+$0xBAA0];
	[tilespmem:s12+$0xA8B0] =	vst v18;
	v16 =	vadd.f32 v16, v8  }
0x74: {  	v18 =	vld [tilespmem:s11+$0xBAB0];
	[tilespmem:s12+$0xA8C0] =	vst v15;
	v17 =	vadd.f32 v17, v7  }
0x75: {  	v15 =	vld [tilespmem:s11+$0xBAC0];
	[tilespmem:s12+$0xA8D0] =	vst v16;
	v14 =	vadd.f32 v22, v14  }
0x76: {  	v16 =	vld [tilespmem:s11+$0xBAD0];
	[tilespmem:s12+$0xA8E0] =	vst v17;
	v13 =	vadd.f32 v20, v13  }
0x77: {  	v17 =	vld [tilespmem:s11+$0xBAE0];
	v12 =	vadd.f32 v21, v12;
	[tilespmem:s11+$0xA8F0] =	vst v14  }
0x78: {  	[tilespmem:s11+$0xA880] =	vst v13;
	v11 =	vadd.f32 v19, v11  }
0x79: {  	[tilespmem:s11+$0xA890] =	vst v12;
	v10 =	vadd.f32 v18, v10  }
0x7a: {  	[tilespmem:s11+$0xA8A0] =	vst v11;
	v9 =	vadd.f32 v15, v9  }
0x7b: {  	[tilespmem:s11+$0xA8B0] =	vst v10;
	v8 =	vadd.f32 v16, v8  }
0x7c: {  	[tilespmem:s11+$0xA8C0] =	vst v9;
	v7 =	vadd.f32 v17, v7  }
0x7d: {  	[tilespmem:s11+$0xA8D0] =	vst v8  }
0x7e: {  	s5 =	rddreg [dreg:$0xa];
	[tilespmem:s11+$0xA8E0] =	vst v7  }
0x7f: {  	[spmem:s5] =	stream.linear.scatter [tilespmem:s26], [sflag:$0xA], $0x1C00, $0x38;
	[tilespmem:$0x1F580] =	vst v63  }
0x80: {  	_ =	swait.ge [sflag:s22], $0x1C00  }
0x81: {  	[sflag:s22] =	ssyncset.done $0x0  }
0x82: {  	[sflag:s22] =	ssyncadd.s32 $0xFFFFE400  }
0x83: {  	v13 =	vld [tilespmem:$0xB780]  }
0x84: {  	v12 =	vld [tilespmem:$0xB790]  }
0x85: {  	v11 =	vld [tilespmem:$0xB7A0]  }
0x86: {  	v10 =	vld [tilespmem:$0xB7B0]  }
0x87: {  	v9 =	vld [tilespmem:$0xB7C0]  }
0x88: {  	v8 =	vld [tilespmem:$0xB7D0]  }
0x89: {  	v7 =	vld [tilespmem:$0xB7E0]  }
0x8a: {  	s12 =	simm.s32 $0x0;
	v14 =	vld [tilespmem:$0xB7F0]  }
0x8b: {  	v16 =	vld [tilespmem:s12+$0xBAF0]  }
0x8c: {  	v20 =	vld [tilespmem:s12+$0xBA80]  }
0x8d: {  	v21 =	vld [tilespmem:s12+$0xBA90]  }
0x8e: {  	v19 =	vld [tilespmem:s12+$0xBAA0]  }
0x8f: {  	v18 =	vld [tilespmem:s12+$0xBAB0]  }
0x90: {  	v15 =	vld [tilespmem:s12+$0xBAC0];
	v22 =	vadd.f32 v16, v14  }
0x91: {  	v16 =	vld [tilespmem:s12+$0xBAD0];
	v20 =	vadd.f32 v20, v13  }
0x92: {  	s13 =	simm.s32 $0x400;
	s11 =	simm.s32 $0x80;
	v17 =	vld [tilespmem:s12+$0xBAE0];
	v21 =	vadd.f32 v21, v12;
	[tilespmem:s12+$0x9AF0] =	vst v22  }
.LBB2_35:
0x93: {  	p2 =	sne.s32 s13, $0x3600;
	v22 =	vld [tilespmem:s11+$0xBAF0];
	[tilespmem:s12+$0x9A80] =	vst v20;
	v19 =	vadd.f32 v19, v11  }
0x94: {  	v20 =	vld [tilespmem:s11+$0xBA80];
	[tilespmem:s12+$0x9A90] =	vst v21;
	v18 =	vadd.f32 v18, v10  }
0x95: {  	v21 =	vld [tilespmem:s11+$0xBA90];
	[tilespmem:s12+$0x9AA0] =	vst v19;
	v15 =	vadd.f32 v15, v9  }
.Ltmp5:
0x96: {  	v19 =	vld [tilespmem:s11+$0xBAA0];
	[tilespmem:s12+$0x9AB0] =	vst v18;
	v16 =	vadd.f32 v16, v8;
	(pc) =	sbr.rel @p2 .LBB2_35-.Ltmp5, $4  }
0x97: {  	v18 =	vld [tilespmem:s11+$0xBAB0];
	[tilespmem:s12+$0x9AC0] =	vst v15;
	v17 =	vadd.f32 v17, v7  }
0x98: {  	v15 =	vld [tilespmem:s11+$0xBAC0];
	v22 =	vadd.f32 v22, v14;
	[tilespmem:s12+$0x9AD0] =	vst v16  }
0x99: {  	v20 =	vadd.f32 v20, v13;
	v16 =	vld [tilespmem:s11+$0xBAD0];
	[tilespmem:s12+$0x9AE0] =	vst v17;
	s12 =	smov.u32 s11  }
0x9a: {  	s11 =	sshra.s32 s13, $0x2;
	s13 =	sadd.s32 $0x200, s13;
	v21 =	vadd.f32 v21, v12;
	v17 =	vld [tilespmem:s12+$0xBAE0];
	[tilespmem:s12+$0x9AF0] =	vst v22  }
0x9b: {  	v22 =	vld [tilespmem:s11+$0xBAF0];
	[tilespmem:s12+$0x9A80] =	vst v20;
	v19 =	vadd.f32 v19, v11  }
0x9c: {  	v20 =	vld [tilespmem:s11+$0xBA80];
	[tilespmem:s12+$0x9A90] =	vst v21;
	v18 =	vadd.f32 v18, v10  }
0x9d: {  	v21 =	vld [tilespmem:s11+$0xBA90];
	[tilespmem:s12+$0x9AA0] =	vst v19;
	v15 =	vadd.f32 v15, v9  }
0x9e: {  	v19 =	vld [tilespmem:s11+$0xBAA0];
	[tilespmem:s12+$0x9AB0] =	vst v18;
	v16 =	vadd.f32 v16, v8  }
0x9f: {  	v18 =	vld [tilespmem:s11+$0xBAB0];
	[tilespmem:s12+$0x9AC0] =	vst v15;
	v17 =	vadd.f32 v17, v7  }
0xa0: {  	v15 =	vld [tilespmem:s11+$0xBAC0];
	[tilespmem:s12+$0x9AD0] =	vst v16;
	v14 =	vadd.f32 v22, v14  }
0xa1: {  	v16 =	vld [tilespmem:s11+$0xBAD0];
	[tilespmem:s12+$0x9AE0] =	vst v17;
	v13 =	vadd.f32 v20, v13  }
0xa2: {  	v17 =	vld [tilespmem:s11+$0xBAE0];
	v12 =	vadd.f32 v21, v12;
	[tilespmem:s11+$0x9AF0] =	vst v14  }
0xa3: {  	[tilespmem:s11+$0x9A80] =	vst v13;
	v11 =	vadd.f32 v19, v11  }
0xa4: {  	[tilespmem:s11+$0x9A90] =	vst v12;
	v10 =	vadd.f32 v18, v10  }
0xa5: {  	[tilespmem:s11+$0x9AA0] =	vst v11;
	v9 =	vadd.f32 v15, v9  }
0xa6: {  	[tilespmem:s11+$0x9AB0] =	vst v10;
	v8 =	vadd.f32 v16, v8  }
0xa7: {  	[tilespmem:s11+$0x9AC0] =	vst v9;
	v7 =	vadd.f32 v17, v7  }
0xa8: {  	[tilespmem:s11+$0x9AD0] =	vst v8  }
0xa9: {  	[tilespmem:s11+$0x9AE0] =	vst v7  }
0xaa: {  	v13 =	vld [tilespmem:$0xB800]  }
0xab: {  	v12 =	vld [tilespmem:$0xB810]  }
0xac: {  	v11 =	vld [tilespmem:$0xB820]  }
0xad: {  	v10 =	vld [tilespmem:$0xB830]  }
0xae: {  	v9 =	vld [tilespmem:$0xB840]  }
0xaf: {  	v8 =	vld [tilespmem:$0xB850]  }
0xb0: {  	v7 =	vld [tilespmem:$0xB860]  }
0xb1: {  	s12 =	simm.s32 $0x0;
	v14 =	vld [tilespmem:$0xB870]  }
0xb2: {  	v16 =	vld [tilespmem:s12+$0xBAF0]  }
0xb3: {  	v20 =	vld [tilespmem:s12+$0xBA80]  }
0xb4: {  	v21 =	vld [tilespmem:s12+$0xBA90]  }
0xb5: {  	v19 =	vld [tilespmem:s12+$0xBAA0]  }
0xb6: {  	v18 =	vld [tilespmem:s12+$0xBAB0]  }
0xb7: {  	v15 =	vld [tilespmem:s12+$0xBAC0];
	v22 =	vadd.f32 v16, v14  }
0xb8: {  	v16 =	vld [tilespmem:s12+$0xBAD0];
	v20 =	vadd.f32 v20, v13  }
0xb9: {  	s13 =	simm.s32 $0x400;
	s11 =	simm.s32 $0x80;
	v17 =	vld [tilespmem:s12+$0xBAE0];
	v21 =	vadd.f32 v21, v12;
	[tilespmem:s12+$0xA8F0] =	vst v22  }
.LBB2_37:
0xba: {  	p2 =	sne.s32 s13, $0x3600;
	v22 =	vld [tilespmem:s11+$0xBAF0];
	[tilespmem:s12+$0xA880] =	vst v20;
	v19 =	vadd.f32 v19, v11  }
0xbb: {  	v20 =	vld [tilespmem:s11+$0xBA80];
	[tilespmem:s12+$0xA890] =	vst v21;
	v18 =	vadd.f32 v18, v10  }
0xbc: {  	v21 =	vld [tilespmem:s11+$0xBA90];
	[tilespmem:s12+$0xA8A0] =	vst v19;
	v15 =	vadd.f32 v15, v9  }
.Ltmp6:
0xbd: {  	v19 =	vld [tilespmem:s11+$0xBAA0];
	[tilespmem:s12+$0xA8B0] =	vst v18;
	v16 =	vadd.f32 v16, v8;
	(pc) =	sbr.rel @p2 .LBB2_37-.Ltmp6, $4  }
0xbe: {  	v18 =	vld [tilespmem:s11+$0xBAB0];
	[tilespmem:s12+$0xA8C0] =	vst v15;
	v17 =	vadd.f32 v17, v7  }
0xbf: {  	v15 =	vld [tilespmem:s11+$0xBAC0];
	v22 =	vadd.f32 v22, v14;
	[tilespmem:s12+$0xA8D0] =	vst v16  }
0xc0: {  	v20 =	vadd.f32 v20, v13;
	v16 =	vld [tilespmem:s11+$0xBAD0];
	[tilespmem:s12+$0xA8E0] =	vst v17;
	s12 =	smov.u32 s11  }
0xc1: {  	s11 =	sshra.s32 s13, $0x2;
	s13 =	sadd.s32 $0x200, s13;
	v21 =	vadd.f32 v21, v12;
	v17 =	vld [tilespmem:s12+$0xBAE0];
	[tilespmem:s12+$0xA8F0] =	vst v22  }
0xc2: {  	v22 =	vld [tilespmem:s11+$0xBAF0];
	[tilespmem:s12+$0xA880] =	vst v20;
	v19 =	vadd.f32 v19, v11  }
0xc3: {  	v20 =	vld [tilespmem:s11+$0xBA80];
	[tilespmem:s12+$0xA890] =	vst v21;
	v18 =	vadd.f32 v18, v10  }
0xc4: {  	v21 =	vld [tilespmem:s11+$0xBA90];
	[tilespmem:s12+$0xA8A0] =	vst v19;
	v15 =	vadd.f32 v15, v9  }
0xc5: {  	v19 =	vld [tilespmem:s11+$0xBAA0];
	[tilespmem:s12+$0xA8B0] =	vst v18;
	v16 =	vadd.f32 v16, v8  }
0xc6: {  	v18 =	vld [tilespmem:s11+$0xBAB0];
	[tilespmem:s12+$0xA8C0] =	vst v15;
	v17 =	vadd.f32 v17, v7  }
0xc7: {  	v15 =	vld [tilespmem:s11+$0xBAC0];
	[tilespmem:s12+$0xA8D0] =	vst v16;
	v14 =	vadd.f32 v22, v14  }
0xc8: {  	v16 =	vld [tilespmem:s11+$0xBAD0];
	[tilespmem:s12+$0xA8E0] =	vst v17;
	v13 =	vadd.f32 v20, v13  }
0xc9: {  	v17 =	vld [tilespmem:s11+$0xBAE0];
	v12 =	vadd.f32 v21, v12;
	[tilespmem:s11+$0xA8F0] =	vst v14  }
0xca: {  	[tilespmem:s11+$0xA880] =	vst v13;
	v11 =	vadd.f32 v19, v11  }
0xcb: {  	[tilespmem:s11+$0xA890] =	vst v12;
	v10 =	vadd.f32 v18, v10  }
0xcc: {  	[tilespmem:s11+$0xA8A0] =	vst v11;
	v9 =	vadd.f32 v15, v9  }
0xcd: {  	[tilespmem:s11+$0xA8B0] =	vst v10;
	v8 =	vadd.f32 v16, v8  }
0xce: {  	[tilespmem:s11+$0xA8C0] =	vst v9;
	v7 =	vadd.f32 v17, v7  }
0xcf: {  	[tilespmem:s11+$0xA8D0] =	vst v8  }
0xd0: {  	s5 =	rddreg [dreg:$0xd];
	[tilespmem:s11+$0xA8E0] =	vst v7  }
0xd1: {  	[spmem:s5] =	stream.linear.scatter [tilespmem:s26], [sflag:$0xA], $0x1C00, $0x38;
	[tilespmem:$0x1F580] =	vst v63  }
0xd2: {  	_ =	swait.ge [sflag:s22], $0x1C00  }
0xd3: {  	[sflag:s22] =	ssyncset.done $0x0  }
0xd4: {  	[sflag:s22] =	ssyncadd.s32 $0xFFFFE400  }
0xd5: {  	v13 =	vld [tilespmem:$0xB880]  }
0xd6: {  	v12 =	vld [tilespmem:$0xB890]  }
0xd7: {  	v11 =	vld [tilespmem:$0xB8A0]  }
0xd8: {  	v10 =	vld [tilespmem:$0xB8B0]  }
0xd9: {  	v9 =	vld [tilespmem:$0xB8C0]  }
0xda: {  	v8 =	vld [tilespmem:$0xB8D0]  }
0xdb: {  	v7 =	vld [tilespmem:$0xB8E0]  }
0xdc: {  	s12 =	simm.s32 $0x0;
	v14 =	vld [tilespmem:$0xB8F0]  }
0xdd: {  	v16 =	vld [tilespmem:s12+$0xBAF0]  }
0xde: {  	v20 =	vld [tilespmem:s12+$0xBA80]  }
0xdf: {  	v21 =	vld [tilespmem:s12+$0xBA90]  }
0xe0: {  	v19 =	vld [tilespmem:s12+$0xBAA0]  }
0xe1: {  	v18 =	vld [tilespmem:s12+$0xBAB0]  }
0xe2: {  	v15 =	vld [tilespmem:s12+$0xBAC0];
	v22 =	vadd.f32 v16, v14  }
0xe3: {  	v16 =	vld [tilespmem:s12+$0xBAD0];
	v20 =	vadd.f32 v20, v13  }
0xe4: {  	s13 =	simm.s32 $0x400;
	s11 =	simm.s32 $0x80;
	v17 =	vld [tilespmem:s12+$0xBAE0];
	v21 =	vadd.f32 v21, v12;
	[tilespmem:s12+$0x9AF0] =	vst v22  }
.LBB2_39:
0xe5: {  	p2 =	sne.s32 s13, $0x3600;
	v22 =	vld [tilespmem:s11+$0xBAF0];
	[tilespmem:s12+$0x9A80] =	vst v20;
	v19 =	vadd.f32 v19, v11  }
0xe6: {  	v20 =	vld [tilespmem:s11+$0xBA80];
	[tilespmem:s12+$0x9A90] =	vst v21;
	v18 =	vadd.f32 v18, v10  }
0xe7: {  	v21 =	vld [tilespmem:s11+$0xBA90];
	[tilespmem:s12+$0x9AA0] =	vst v19;
	v15 =	vadd.f32 v15, v9  }
.Ltmp7:
0xe8: {  	v19 =	vld [tilespmem:s11+$0xBAA0];
	[tilespmem:s12+$0x9AB0] =	vst v18;
	v16 =	vadd.f32 v16, v8;
	(pc) =	sbr.rel @p2 .LBB2_39-.Ltmp7, $4  }
0xe9: {  	v18 =	vld [tilespmem:s11+$0xBAB0];
	[tilespmem:s12+$0x9AC0] =	vst v15;
	v17 =	vadd.f32 v17, v7  }
0xea: {  	v15 =	vld [tilespmem:s11+$0xBAC0];
	v22 =	vadd.f32 v22, v14;
	[tilespmem:s12+$0x9AD0] =	vst v16  }
0xeb: {  	v20 =	vadd.f32 v20, v13;
	v16 =	vld [tilespmem:s11+$0xBAD0];
	[tilespmem:s12+$0x9AE0] =	vst v17;
	s12 =	smov.u32 s11  }
0xec: {  	s11 =	sshra.s32 s13, $0x2;
	s13 =	sadd.s32 $0x200, s13;
	v21 =	vadd.f32 v21, v12;
	v17 =	vld [tilespmem:s12+$0xBAE0];
	[tilespmem:s12+$0x9AF0] =	vst v22  }
0xed: {  	v22 =	vld [tilespmem:s11+$0xBAF0];
	[tilespmem:s12+$0x9A80] =	vst v20;
	v19 =	vadd.f32 v19, v11  }
0xee: {  	v20 =	vld [tilespmem:s11+$0xBA80];
	[tilespmem:s12+$0x9A90] =	vst v21;
	v18 =	vadd.f32 v18, v10  }
0xef: {  	v21 =	vld [tilespmem:s11+$0xBA90];
	[tilespmem:s12+$0x9AA0] =	vst v19;
	v15 =	vadd.f32 v15, v9  }
0xf0: {  	v19 =	vld [tilespmem:s11+$0xBAA0];
	[tilespmem:s12+$0x9AB0] =	vst v18;
	v16 =	vadd.f32 v16, v8  }
0xf1: {  	v18 =	vld [tilespmem:s11+$0xBAB0];
	[tilespmem:s12+$0x9AC0] =	vst v15;
	v17 =	vadd.f32 v17, v7  }
0xf2: {  	v15 =	vld [tilespmem:s11+$0xBAC0];
	[tilespmem:s12+$0x9AD0] =	vst v16;
	v14 =	vadd.f32 v22, v14  }
0xf3: {  	v16 =	vld [tilespmem:s11+$0xBAD0];
	[tilespmem:s12+$0x9AE0] =	vst v17;
	v13 =	vadd.f32 v20, v13  }
0xf4: {  	v17 =	vld [tilespmem:s11+$0xBAE0];
	v12 =	vadd.f32 v21, v12;
	[tilespmem:s11+$0x9AF0] =	vst v14  }
0xf5: {  	[tilespmem:s11+$0x9A80] =	vst v13;
	v11 =	vadd.f32 v19, v11  }
0xf6: {  	[tilespmem:s11+$0x9A90] =	vst v12;
	v10 =	vadd.f32 v18, v10  }
0xf7: {  	[tilespmem:s11+$0x9AA0] =	vst v11;
	v9 =	vadd.f32 v15, v9  }
0xf8: {  	[tilespmem:s11+$0x9AB0] =	vst v10;
	v8 =	vadd.f32 v16, v8  }
0xf9: {  	[tilespmem:s11+$0x9AC0] =	vst v9;
	v7 =	vadd.f32 v17, v7  }
0xfa: {  	[tilespmem:s11+$0x9AD0] =	vst v8  }
0xfb: {  	[tilespmem:s11+$0x9AE0] =	vst v7  }
0xfc: {  	v13 =	vld [tilespmem:$0xB900]  }
0xfd: {  	v12 =	vld [tilespmem:$0xB910]  }
0xfe: {  	v11 =	vld [tilespmem:$0xB920]  }
0xff: {  	v10 =	vld [tilespmem:$0xB930]  }
0x100: {  	v9 =	vld [tilespmem:$0xB940]  }
0x101: {  	v8 =	vld [tilespmem:$0xB950]  }
0x102: {  	v7 =	vld [tilespmem:$0xB960]  }
0x103: {  	s12 =	simm.s32 $0x0;
	v14 =	vld [tilespmem:$0xB970]  }
0x104: {  	v16 =	vld [tilespmem:s12+$0xBAF0]  }
0x105: {  	v20 =	vld [tilespmem:s12+$0xBA80]  }
0x106: {  	v21 =	vld [tilespmem:s12+$0xBA90]  }
0x107: {  	v19 =	vld [tilespmem:s12+$0xBAA0]  }
0x108: {  	v18 =	vld [tilespmem:s12+$0xBAB0]  }
0x109: {  	v15 =	vld [tilespmem:s12+$0xBAC0];
	v22 =	vadd.f32 v16, v14  }
0x10a: {  	v16 =	vld [tilespmem:s12+$0xBAD0];
	v20 =	vadd.f32 v20, v13  }
0x10b: {  	s13 =	simm.s32 $0x400;
	s11 =	simm.s32 $0x80;
	v17 =	vld [tilespmem:s12+$0xBAE0];
	v21 =	vadd.f32 v21, v12;
	[tilespmem:s12+$0xA8F0] =	vst v22  }
.LBB2_41:
0x10c: {  	p2 =	sne.s32 s13, $0x3600;
	v22 =	vld [tilespmem:s11+$0xBAF0];
	[tilespmem:s12+$0xA880] =	vst v20;
	v19 =	vadd.f32 v19, v11  }
0x10d: {  	v20 =	vld [tilespmem:s11+$0xBA80];
	[tilespmem:s12+$0xA890] =	vst v21;
	v18 =	vadd.f32 v18, v10  }
0x10e: {  	v21 =	vld [tilespmem:s11+$0xBA90];
	[tilespmem:s12+$0xA8A0] =	vst v19;
	v15 =	vadd.f32 v15, v9  }
.Ltmp8:
0x10f: {  	v19 =	vld [tilespmem:s11+$0xBAA0];
	[tilespmem:s12+$0xA8B0] =	vst v18;
	v16 =	vadd.f32 v16, v8;
	(pc) =	sbr.rel @p2 .LBB2_41-.Ltmp8, $4  }
0x110: {  	v18 =	vld [tilespmem:s11+$0xBAB0];
	[tilespmem:s12+$0xA8C0] =	vst v15;
	v17 =	vadd.f32 v17, v7  }
0x111: {  	v15 =	vld [tilespmem:s11+$0xBAC0];
	v22 =	vadd.f32 v22, v14;
	[tilespmem:s12+$0xA8D0] =	vst v16  }
0x112: {  	v20 =	vadd.f32 v20, v13;
	v16 =	vld [tilespmem:s11+$0xBAD0];
	[tilespmem:s12+$0xA8E0] =	vst v17;
	s12 =	smov.u32 s11  }
0x113: {  	s11 =	sshra.s32 s13, $0x2;
	s13 =	sadd.s32 $0x200, s13;
	v21 =	vadd.f32 v21, v12;
	v17 =	vld [tilespmem:s12+$0xBAE0];
	[tilespmem:s12+$0xA8F0] =	vst v22  }
0x114: {  	v22 =	vld [tilespmem:s11+$0xBAF0];
	[tilespmem:s12+$0xA880] =	vst v20;
	v19 =	vadd.f32 v19, v11  }
0x115: {  	v20 =	vld [tilespmem:s11+$0xBA80];
	[tilespmem:s12+$0xA890] =	vst v21;
	v18 =	vadd.f32 v18, v10  }
0x116: {  	v21 =	vld [tilespmem:s11+$0xBA90];
	[tilespmem:s12+$0xA8A0] =	vst v19;
	v15 =	vadd.f32 v15, v9  }
0x117: {  	v19 =	vld [tilespmem:s11+$0xBAA0];
	[tilespmem:s12+$0xA8B0] =	vst v18;
	v16 =	vadd.f32 v16, v8  }
0x118: {  	v18 =	vld [tilespmem:s11+$0xBAB0];
	[tilespmem:s12+$0xA8C0] =	vst v15;
	v17 =	vadd.f32 v17, v7  }
0x119: {  	v15 =	vld [tilespmem:s11+$0xBAC0];
	[tilespmem:s12+$0xA8D0] =	vst v16;
	v14 =	vadd.f32 v22, v14  }
0x11a: {  	v16 =	vld [tilespmem:s11+$0xBAD0];
	[tilespmem:s12+$0xA8E0] =	vst v17;
	v13 =	vadd.f32 v20, v13  }
0x11b: {  	v17 =	vld [tilespmem:s11+$0xBAE0];
	v12 =	vadd.f32 v21, v12;
	[tilespmem:s11+$0xA8F0] =	vst v14  }
0x11c: {  	[tilespmem:s11+$0xA880] =	vst v13;
	v61 =	vadd.f32 v19, v11  }
0x11d: {  	[tilespmem:s11+$0xA890] =	vst v12;
	v62 =	vadd.f32 v18, v10  }
0x11e: {  	[tilespmem:s11+$0xA8A0] =	vst v61;
	v63 =	vadd.f32 v15, v9  }
0x11f: {  	[tilespmem:s11+$0xA8B0] =	vst v62;
	v8 =	vadd.f32 v16, v8  }
0x120: {  	[tilespmem:s11+$0xA8C0] =	vst v63;
	v7 =	vadd.f32 v17, v7  }
0x121: {  	[tilespmem:s11+$0xA8D0] =	vst v8  }
0x122: {  	s5 =	rddreg [dreg:$0xe];
	[tilespmem:s11+$0xA8E0] =	vst v7  }
0x123: {  	[spmem:s5] =	stream.linear.scatter [tilespmem:s26], [sflag:$0xA], $0x1C00, $0x38;
	[tilespmem:$0x1F580] =	vst v63  }
0x124: {  	_ =	swait.ge [sflag:s22], $0x1C00  }
0x125: {  	[sflag:s22] =	ssyncset.done $0x0  }
0x126: {  	[sflag:s22] =	ssyncadd.s32 $0xFFFFE400  }
0x127: {  	_ =	swait.ge [sflag:s25], $0x1900  }
0x128: {  	[sflag:s25] =	ssyncset.done $0x0  }
0x129: {  	s19 =	simm.s32 $0xB8;
	[sflag:s25] =	ssyncadd.s32 $0xFFFFE700  }
0x12a: {  	v7 =	vld [tilespmem:s19+$0x6830];
	_ =	sdelay $0x4  }
0x12b: {  	s13 =	simm.s32 $0x30;
	v7 =	vadd.s32 v0, v7  }
0x12c: {  	[tilespmem:s13+$0xFFFFFFD0] =	vst v7  }
0x12d: {  	v7 =	vld [tilespmem:s19+$0x6840];
	_ =	sdelay $0x4  }
0x12e: {  	v7 =	vadd.s32 v1, v7  }
0x12f: {  	[tilespmem:s13+$0xFFFFFFE0] =	vst v7  }
0x130: {  	v7 =	vld [tilespmem:s19+$0x6850];
	_ =	sdelay $0x4  }
0x131: {  	v7 =	vadd.s32 v2, v7  }
0x132: {  	[tilespmem:s13+$0xFFFFFFF0] =	vst v7  }
0x133: {  	v7 =	vld [tilespmem:s19+$0x6860];
	_ =	sdelay $0x4  }
0x134: {  	v7 =	vadd.s32 v3, v7  }
0x135: {  	[tilespmem:s13+$0x0] =	vst v7  }
0x136: {  	v7 =	vld [tilespmem:s19+$0x6870];
	_ =	sdelay $0x4  }
0x137: {  	v7 =	vadd.s32 v4, v7  }
0x138: {  	[tilespmem:s13+$0x10] =	vst v7  }
0x139: {  	v7 =	vld [tilespmem:s19+$0x6880];
	_ =	sdelay $0x4  }
0x13a: {  	v7 =	vadd.s32 v5, v7  }
0x13b: {  	s12 =	simm.s32 $0x920;
	s11 =	simm.s32 $0x180;
	[tilespmem:s13+$0x20] =	vst v7  }
.LBB2_43:
0x13c: {  	p2 =	sne.s32 s12, $0x63C0;
	v7 =	vld [tilespmem:s11+$0x6830];
	_ =	sdelay $0x4  }
0x13d: {  	s13 =	sadd.s32 $0x60, s13;
	v7 =	vadd.s32 v0, v7  }
0x13e: {  	[tilespmem:s13+$0xFFFFFFD0] =	vst v7  }
0x13f: {  	v7 =	vld [tilespmem:s11+$0x6840];
	_ =	sdelay $0x4  }
0x140: {  	v7 =	vadd.s32 v1, v7  }
0x141: {  	[tilespmem:s13+$0xFFFFFFE0] =	vst v7  }
0x142: {  	v7 =	vld [tilespmem:s11+$0x6850];
	_ =	sdelay $0x4  }
0x143: {  	v7 =	vadd.s32 v2, v7  }
0x144: {  	[tilespmem:s13+$0xFFFFFFF0] =	vst v7  }
0x145: {  	v7 =	vld [tilespmem:s11+$0x6860];
	_ =	sdelay $0x4  }
0x146: {  	v7 =	vadd.s32 v3, v7  }
0x147: {  	[tilespmem:s13+$0x0] =	vst v7  }
0x148: {  	v7 =	vld [tilespmem:s11+$0x6870];
	_ =	sdelay $0x4  }
0x149: {  	v7 =	vadd.s32 v4, v7  }
0x14a: {  	[tilespmem:s13+$0x10] =	vst v7  }
0x14b: {  	v7 =	vld [tilespmem:s11+$0x6880];
	_ =	sdelay $0x1  }
.Ltmp9:
0x14c: {  	(pc) =	sbr.rel @p2 .LBB2_43-.Ltmp9, $3  }
0x14d: {  	_ =	sdelay $0x1  }
0x14e: {  	v7 =	vadd.s32 v5, v7  }
0x14f: {  	s11 =	sshra.s32 s12, $0x2;
	s12 =	sadd.s32 $0x320, s12;
	[tilespmem:s13+$0x20] =	vst v7  }
0x150: {  	v7 =	vld [tilespmem:s11+$0x6830];
	_ =	sdelay $0x4  }
0x151: {  	s5 =	sadd.s32 $0x60, s13;
	v7 =	vadd.s32 v0, v7  }
0x152: {  	[tilespmem:s5+$0xFFFFFFD0] =	vst v7  }
0x153: {  	v7 =	vld [tilespmem:s11+$0x6840];
	_ =	sdelay $0x4  }
0x154: {  	v7 =	vadd.s32 v1, v7  }
0x155: {  	[tilespmem:s5+$0xFFFFFFE0] =	vst v7  }
0x156: {  	v7 =	vld [tilespmem:s11+$0x6850];
	_ =	sdelay $0x4  }
0x157: {  	v7 =	vadd.s32 v2, v7  }
0x158: {  	[tilespmem:s5+$0xFFFFFFF0] =	vst v7  }
0x159: {  	v7 =	vld [tilespmem:s11+$0x6860];
	_ =	sdelay $0x4  }
0x15a: {  	v7 =	vadd.s32 v3, v7  }
0x15b: {  	[tilespmem:s5+$0x0] =	vst v7  }
0x15c: {  	v7 =	vld [tilespmem:s11+$0x6870];
	_ =	sdelay $0x4  }
0x15d: {  	v7 =	vadd.s32 v4, v7  }
0x15e: {  	[tilespmem:s5+$0x10] =	vst v7  }
0x15f: {  	v7 =	vld [tilespmem:s11+$0x6880];
	_ =	sdelay $0x4  }
0x160: {  	v7 =	vadd.s32 v5, v7  }
0x161: {  	s15 =	simm.s32 $0x0;
	s17 =	rddreg [dreg:$0xb];
	s18 =	simm.s32 $0x8180;
	[tilespmem:s5+$0x20] =	vst v7  }
0x162: {  	[tilespmem:s18], [sflag:$0x9] =	stream.linear.gather [hbm4b:s17+s15], $0x1900, $0x38;
	[tilespmem:$0x1F580] =	vst v63  }
0x163: {  	[bflag:$0x0] =	sbarrier.arrive $0xFFFF  }
0x164: {  	[tilespmem:s29], [sflag:$0x1] =	stream.indirect.gather [spmem:s2], $0x80, s15, s28, $0xb8;
	[tilespmem:$0x1F580] =	vst v63  }
0x165: {  	_ = 	snop  }
0x166: {  	[tilespmem:s30], [sflag:$0x2] =	stream.indirect.gather [spmem:s2], $0x80, s28, s28, $0xb8;
	[tilespmem:$0x1F580] =	vst v63  }
0x167: {  	s19 =	simm.s32 $0xC0;
	s17 =	rddreg [dreg:$0x11]  }
0x168: {  	[tilespmem:s0], [sflag:$0x3] =	stream.indirect.gather [spmem:s2], $0x80, s19, s28, $0xb8;
	[tilespmem:$0x1F580] =	vst v63  }
0x169: {  	s18 =	rddreg [dreg:$0x10];
	s19 =	simm.s32 $0x0  }
.LBB2_45:
0x16a: {  	s11 =	sand.u32 $0x7, s19  }
0x16b: {  	p2 =	sne.s32 s11, $0x0  }
0x16c: {  	p3 =	sgt.u32 @!p2 s19, $0x37  }
0x16d: {  	p2 =	por p2, p3  }
.Ltmp10:
0x16e: {  	_ = 	snop;
	(pc) =	sbr.rel @p2 .LBB2_47-.Ltmp10, $1  }
0x16f: {  	_ =	sdelay $0x3  }
0x170: {  	p2 =	seq.s32 s15, $0x12000  }
0x171: {  	s5 =	sshll.u32 @!p2 s19, $0x1C  }
0x172: {  	_ =	swait.ge [sflag:s25], $0x1900;
	s5 =	sshra.s32 @!p2 s5, $0x1F  }
0x173: {  	[sflag:s25] =	ssyncset.done $0x0;
	s5 =	sand.u32 @!p2 $0x1900, s5  }
0x174: {  	s12 =	simm.s32 @!p2 $0x0;
	[sflag:s25] =	ssyncadd.s32 $0xFFFFE700;
	s5 =	sadd.s32 @!p2 $0x6880, s5  }
0x175: {  	[tilespmem:s5], [sflag:$0x9] =	stream.linear.gather @!p2 [hbm4b:s18+s12], $0x1900, $0x38;
	[tilespmem:$0x1F580] =	vst v63  }
.LBB2_48:
0x176: {  	s5 =	sand.u32 $0x8, s19;
	s11 =	smul.u32 $0xC80, s11  }
0x177: {  	p2 =	seq.s32 s5, $0x0;
	s5 =	simm.s32 $0x1900  }
0x178: {  	s5 =	simm.s32 @!p2 $0x0;
	s11 =	sshrl.u32 s11, $0x2  }
0x179: {  	s11 =	sadd.s32 s11, s5  }
0x17a: {  	v7 =	vld [tilespmem:s11+$0x68E8];
	_ =	sdelay $0x4  }
0x17b: {  	s12 =	sshra.s32 s15, $0x2;
	v7 =	vadd.s32 v0, v7  }
0x17c: {  	[tilespmem:s12+$0xC00] =	vst v7  }
0x17d: {  	v7 =	vld [tilespmem:s11+$0x68F8];
	_ =	sdelay $0x4  }
0x17e: {  	v7 =	vadd.s32 v1, v7  }
0x17f: {  	[tilespmem:s12+$0xC10] =	vst v7  }
0x180: {  	v7 =	vld [tilespmem:s11+$0x6908];
	_ =	sdelay $0x4  }
0x181: {  	v7 =	vadd.s32 v2, v7  }
0x182: {  	[tilespmem:s12+$0xC20] =	vst v7  }
0x183: {  	v7 =	vld [tilespmem:s11+$0x6918];
	_ =	sdelay $0x4  }
0x184: {  	v7 =	vadd.s32 v3, v7  }
0x185: {  	[tilespmem:s12+$0xC30] =	vst v7  }
0x186: {  	v7 =	vld [tilespmem:s11+$0x6928];
	_ =	sdelay $0x4  }
0x187: {  	v7 =	vadd.s32 v4, v7  }
0x188: {  	[tilespmem:s12+$0xC40] =	vst v7  }
0x189: {  	v7 =	vld [tilespmem:s11+$0x6938];
	_ =	sdelay $0x4  }
0x18a: {  	v7 =	vadd.s32 v5, v7  }
0x18b: {  	[tilespmem:s12+$0xC50] =	vst v7  }
0x18c: {  	v7 =	vld [tilespmem:s11+$0x69B0];
	_ =	sdelay $0x4  }
0x18d: {  	v7 =	vadd.s32 v0, v7  }
0x18e: {  	[tilespmem:s12+$0xC60] =	vst v7  }
0x18f: {  	v7 =	vld [tilespmem:s11+$0x69C0];
	_ =	sdelay $0x4  }
0x190: {  	v7 =	vadd.s32 v1, v7  }
0x191: {  	[tilespmem:s12+$0xC70] =	vst v7  }
0x192: {  	v7 =	vld [tilespmem:s11+$0x69D0];
	_ =	sdelay $0x4  }
0x193: {  	v7 =	vadd.s32 v2, v7  }
0x194: {  	[tilespmem:s12+$0xC80] =	vst v7  }
0x195: {  	v7 =	vld [tilespmem:s11+$0x69E0];
	_ =	sdelay $0x4  }
0x196: {  	v7 =	vadd.s32 v3, v7  }
0x197: {  	[tilespmem:s12+$0xC90] =	vst v7  }
0x198: {  	v7 =	vld [tilespmem:s11+$0x69F0];
	_ =	sdelay $0x4  }
0x199: {  	v7 =	vadd.s32 v4, v7  }
0x19a: {  	[tilespmem:s12+$0xCA0] =	vst v7  }
0x19b: {  	v7 =	vld [tilespmem:s11+$0x6A00];
	_ =	sdelay $0x4  }
0x19c: {  	v7 =	vadd.s32 v5, v7  }
0x19d: {  	[tilespmem:s12+$0xCB0] =	vst v7  }
0x19e: {  	v7 =	vld [tilespmem:s11+$0x6A78];
	_ =	sdelay $0x4  }
0x19f: {  	v7 =	vadd.s32 v0, v7  }
0x1a0: {  	[tilespmem:s12+$0xCC0] =	vst v7  }
0x1a1: {  	v7 =	vld [tilespmem:s11+$0x6A88];
	_ =	sdelay $0x4  }
0x1a2: {  	v7 =	vadd.s32 v1, v7  }
0x1a3: {  	[tilespmem:s12+$0xCD0] =	vst v7  }
0x1a4: {  	v7 =	vld [tilespmem:s11+$0x6A98];
	_ =	sdelay $0x4  }
0x1a5: {  	v7 =	vadd.s32 v2, v7  }
0x1a6: {  	[tilespmem:s12+$0xCE0] =	vst v7  }
0x1a7: {  	v7 =	vld [tilespmem:s11+$0x6AA8];
	_ =	sdelay $0x4  }
0x1a8: {  	v7 =	vadd.s32 v3, v7  }
0x1a9: {  	[tilespmem:s12+$0xCF0] =	vst v7  }
0x1aa: {  	v7 =	vld [tilespmem:s11+$0x6AB8];
	_ =	sdelay $0x4  }
0x1ab: {  	v7 =	vadd.s32 v4, v7  }
0x1ac: {  	[tilespmem:s12+$0xD00] =	vst v7  }
0x1ad: {  	v7 =	vld [tilespmem:s11+$0x6AC8];
	_ =	sdelay $0x4  }
0x1ae: {  	v7 =	vadd.s32 v5, v7  }
0x1af: {  	[tilespmem:s12+$0xD10] =	vst v7  }
0x1b0: {  	v7 =	vld [tilespmem:s11+$0x6B40];
	_ =	sdelay $0x4  }
0x1b1: {  	v7 =	vadd.s32 v0, v7  }
0x1b2: {  	[tilespmem:s12+$0xD20] =	vst v7  }
0x1b3: {  	v7 =	vld [tilespmem:s11+$0x6B50];
	_ =	sdelay $0x4  }
0x1b4: {  	v7 =	vadd.s32 v1, v7  }
0x1b5: {  	[tilespmem:s12+$0xD30] =	vst v7  }
0x1b6: {  	v7 =	vld [tilespmem:s11+$0x6B60];
	_ =	sdelay $0x4  }
0x1b7: {  	v7 =	vadd.s32 v2, v7  }
0x1b8: {  	[tilespmem:s12+$0xD40] =	vst v7  }
0x1b9: {  	v7 =	vld [tilespmem:s11+$0x6B70];
	_ =	sdelay $0x4  }
0x1ba: {  	v7 =	vadd.s32 v3, v7  }
0x1bb: {  	[tilespmem:s12+$0xD50] =	vst v7  }
0x1bc: {  	v7 =	vld [tilespmem:s11+$0x6B80];
	_ =	sdelay $0x4  }
0x1bd: {  	v7 =	vadd.s32 v4, v7  }
0x1be: {  	[tilespmem:s12+$0xD60] =	vst v7  }
0x1bf: {  	v7 =	vld [tilespmem:s11+$0x6B90];
	_ =	sdelay $0x4  }
0x1c0: {  	v7 =	vadd.s32 v5, v7  }
0x1c1: {  	[tilespmem:s12+$0xD70] =	vst v7  }
.LBB2_49:
0x1c2: {  	_ =	swait.ge [sflag:s3], $0x3000  }
0x1c3: {  	[sflag:s3] =	ssyncset.done $0x0  }
0x1c4: {  	s5 =	sadd.s32 $0xFFFFE700, s17;
	p2 =	seq.s32 s15, $0x0;
	[sflag:s3] =	ssyncadd.s32 $0xFFFFD000  }
0x1c5: {  	[hbm4b:s5+s4] =	stream.linear.scatter [tilespmem:s29], [sflag:$0x5], $0x3000, $0x38;
	[tilespmem:$0x1F580] =	vst v63  }
0x1c6: {  	s5 =	simm.s32 @!p2 $0x8  }
0x1c7: {  	_ =	swait.ge @!p2 [sflag:s5], $0x3000  }
0x1c8: {  	s11 =	sshra.s32 s15, $0x2;
	[sflag:s5] =	ssyncset.done @!p2 $0x0  }
0x1c9: {  	s12 =	sadd.s32 $0x120, s11;
	[sflag:s5] =	ssyncadd.s32 @!p2 $0xFFFFD000  }
0x1ca: {  	[tilespmem:s31], [sflag:$0x4] =	stream.indirect.gather [spmem:s2], $0x80, s12, s28, $0xb8;
	[tilespmem:$0x1F580] =	vst v63  }
0x1cb: {  	_ =	swait.ge [sflag:s7], $0x3000  }
0x1cc: {  	[sflag:s7] =	ssyncset.done $0x0  }
0x1cd: {  	s13 =	sadd.s32 $0xFFFFF380, s17;
	[sflag:s7] =	ssyncadd.s32 $0xFFFFD000  }
0x1ce: {  	[hbm4b:s13+s4] =	stream.linear.scatter [tilespmem:s30], [sflag:$0x6], $0x3000, $0x38;
	[tilespmem:$0x1F580] =	vst v63  }
0x1cf: {  	p2 =	seq.s32 s15, $0x17A00;
	_ =	swait.ge [sflag:s8], $0x3000  }
0x1d0: {  	s5 =	sshra.s32 @!p2 s15, $0x2;
	s14 =	simm.s32 @!p2 $0xCA80;
	[sflag:s8] =	ssyncset.done $0x0  }
0x1d1: {  	s12 =	sadd.s32 @!p2 $0x180, s5;
	s13 =	simm.s32 @!p2 $0x60;
	[sflag:s8] =	ssyncadd.s32 $0xFFFFD000  }
0x1d2: {  	[tilespmem:s14], [sflag:$0x1] =	stream.indirect.gather @!p2 [spmem:s2], $0x80, s12, s13, $0xb8;
	[tilespmem:$0x1F580] =	vst v63  }
0x1d3: {  	_ =	swait.ge [sflag:s9], $0x3000  }
0x1d4: {  	[sflag:s9] =	ssyncset.done $0x0  }
0x1d5: {  	[sflag:s9] =	ssyncadd.s32 $0xFFFFD000  }
0x1d6: {  	[hbm4b:s17+s4] =	stream.linear.scatter [tilespmem:s0], [sflag:$0x7], $0x3000, $0x38;
	[tilespmem:$0x1F580] =	vst v63  }
0x1d7: {  	_ =	swait.ge [sflag:s10], $0x3000  }
0x1d8: {  	[sflag:s10] =	ssyncset.done $0x0  }
0x1d9: {  	s5 =	sadd.s32 @!p2 $0x1E0, s5;
	s12 =	simm.s32 @!p2 $0xFE80;
	[sflag:s10] =	ssyncadd.s32 $0xFFFFD000  }
0x1da: {  	[tilespmem:s12], [sflag:$0x2] =	stream.indirect.gather @!p2 [spmem:s2], $0x80, s5, s13, $0xb8;
	[tilespmem:$0x1F580] =	vst v63  }
0x1db: {  	_ =	swait.ge [sflag:s6], $0x3000  }
0x1dc: {  	[sflag:s6] =	ssyncset.done $0x0  }
.Ltmp11:
0x1dd: {  	s14 =	sadd.s32 $0xC80, s17;
	[sflag:s6] =	ssyncadd.s32 $0xFFFFD000;
	(pc) =	sbr.rel @p2 .LBB2_51-.Ltmp11, $4  }
0x1de: {  	[hbm4b:s14+s4] =	stream.linear.scatter [tilespmem:s31], [sflag:$0x8], $0x3000, $0x38;
	[tilespmem:$0x1F580] =	vst v63  }
0x1df: {  	_ =	swait.ge [sflag:s1], $0x3000  }
0x1e0: {  	[sflag:s1] =	ssyncset.done $0x0  }
0x1e1: {  	[sflag:s1] =	ssyncadd.s32 $0xFFFFD000  }
.Ltmp12:
0x1e2: {  	(pc) =	sbr.rel .LBB2_45-.Ltmp12, $4  }
0x1e3: {  	_ = 	snop  }
0x1e4: {  	s5 =	sadd.s32 $0x240, s11;
	s19 =	sadd.s32 $0x1, s19  }
0x1e5: {  	s15 =	sadd.s32 $0x600, s15;
	s18 =	sadd.s32 $0x64, s18;
	s17 =	sadd.s32 $0x3200, s17  }
0x1e6: {  	[tilespmem:s0], [sflag:$0x3] =	stream.indirect.gather [spmem:s2], $0x80, s5, s28, $0xb8;
	[tilespmem:$0x1F580] =	vst v63  }
.LBB2_47:
0x1e7: {  	p2 =	sgt.u32 s19, $0x37  }
.Ltmp13:
0x1e8: {  	_ = 	snop;
	(pc) =	sbr.rel @p2 .LBB2_49-.Ltmp13, $4  }
.Ltmp14:
0x1e9: {  	_ = 	snop;
	(pc) =	sbr.rel @!p2 .LBB2_48-.Ltmp14, $4  }
0x1ea: {  	_ = 	snop  }
0x1eb: {  	_ = 	snop  }
0x1ec: {  	_ = 	snop  }
0x1ed: {  	_ = 	snop  }
.LBB2_2:
.Ltmp15:
0x1ee: {  	(pc) =	sbr.rel @p1 .LBB2_20-.Ltmp15, $1  }
0x1ef: {  	_ =	sdelay $0x3  }
0x1f0: {  	s11 =	simm.s32 $0x0;
	s5 =	rddreg [dreg:$0x6];
	s12 =	simm.s32 $0xB680  }
0x1f1: {  	[tilespmem:s12], [sflag:$0xA] =	stream.linear.gather [hbm4b:s5+s11], $0x400, $0x38;
	[tilespmem:$0x1F580] =	vst v63  }
0x1f2: {  	_ =	swait.ge [sflag:s22], $0x400  }
0x1f3: {  	[sflag:s22] =	ssyncset.done $0x0  }
0x1f4: {  	[sflag:s22] =	ssyncadd.s32 $0xFFFFFC00  }
0x1f5: {  	s21 =	simm.s32 $0xBA80;
	s19 =	rddreg [dreg:$0x1]  }
0x1f6: {  	[tilespmem:s21], [sflag:$0xA] =	stream.linear.gather [hbm4b:s19+s11], $0xE00, $0x38;
	[tilespmem:$0x1F580] =	vst v63  }
0x1f7: {  	_ =	swait.ge [sflag:s22], $0xE00  }
0x1f8: {  	[sflag:s22] =	ssyncset.done $0x0  }
0x1f9: {  	[sflag:s22] =	ssyncadd.s32 $0xFFFFF200  }
0x1fa: {  	v13 =	vld [tilespmem:$0xB680]  }
0x1fb: {  	v12 =	vld [tilespmem:$0xB690]  }
0x1fc: {  	v11 =	vld [tilespmem:$0xB6A0]  }
0x1fd: {  	v10 =	vld [tilespmem:$0xB6B0]  }
0x1fe: {  	v9 =	vld [tilespmem:$0xB6C0]  }
0x1ff: {  	v8 =	vld [tilespmem:$0xB6D0]  }
0x200: {  	v7 =	vld [tilespmem:$0xB6E0]  }
0x201: {  	s12 =	simm.s32 $0x0;
	v14 =	vld [tilespmem:$0xB6F0]  }
0x202: {  	v16 =	vld [tilespmem:s12+$0xBAF0]  }
0x203: {  	v20 =	vld [tilespmem:s12+$0xBA80]  }
0x204: {  	v21 =	vld [tilespmem:s12+$0xBA90]  }
0x205: {  	v19 =	vld [tilespmem:s12+$0xBAA0]  }
0x206: {  	v18 =	vld [tilespmem:s12+$0xBAB0]  }
0x207: {  	v15 =	vld [tilespmem:s12+$0xBAC0];
	v22 =	vadd.f32 v16, v14  }
0x208: {  	v16 =	vld [tilespmem:s12+$0xBAD0];
	v20 =	vadd.f32 v20, v13  }
0x209: {  	s13 =	simm.s32 $0x400;
	s11 =	simm.s32 $0x80;
	v17 =	vld [tilespmem:s12+$0xBAE0];
	v21 =	vadd.f32 v21, v12;
	[tilespmem:s12+$0x9AF0] =	vst v22  }
.LBB2_4:
0x20a: {  	p2 =	sne.s32 s13, $0x3600;
	v22 =	vld [tilespmem:s11+$0xBAF0];
	[tilespmem:s12+$0x9A80] =	vst v20;
	v19 =	vadd.f32 v19, v11  }
0x20b: {  	v20 =	vld [tilespmem:s11+$0xBA80];
	[tilespmem:s12+$0x9A90] =	vst v21;
	v18 =	vadd.f32 v18, v10  }
0x20c: {  	v21 =	vld [tilespmem:s11+$0xBA90];
	[tilespmem:s12+$0x9AA0] =	vst v19;
	v15 =	vadd.f32 v15, v9  }
.Ltmp16:
0x20d: {  	v19 =	vld [tilespmem:s11+$0xBAA0];
	[tilespmem:s12+$0x9AB0] =	vst v18;
	v16 =	vadd.f32 v16, v8;
	(pc) =	sbr.rel @p2 .LBB2_4-.Ltmp16, $4  }
0x20e: {  	v18 =	vld [tilespmem:s11+$0xBAB0];
	[tilespmem:s12+$0x9AC0] =	vst v15;
	v17 =	vadd.f32 v17, v7  }
0x20f: {  	v15 =	vld [tilespmem:s11+$0xBAC0];
	v22 =	vadd.f32 v22, v14;
	[tilespmem:s12+$0x9AD0] =	vst v16  }
0x210: {  	v20 =	vadd.f32 v20, v13;
	v16 =	vld [tilespmem:s11+$0xBAD0];
	[tilespmem:s12+$0x9AE0] =	vst v17;
	s12 =	smov.u32 s11  }
0x211: {  	s11 =	sshra.s32 s13, $0x2;
	s13 =	sadd.s32 $0x200, s13;
	v21 =	vadd.f32 v21, v12;
	v17 =	vld [tilespmem:s12+$0xBAE0];
	[tilespmem:s12+$0x9AF0] =	vst v22  }
0x212: {  	v22 =	vld [tilespmem:s11+$0xBAF0];
	[tilespmem:s12+$0x9A80] =	vst v20;
	v19 =	vadd.f32 v19, v11  }
0x213: {  	v20 =	vld [tilespmem:s11+$0xBA80];
	[tilespmem:s12+$0x9A90] =	vst v21;
	v18 =	vadd.f32 v18, v10  }
0x214: {  	v21 =	vld [tilespmem:s11+$0xBA90];
	[tilespmem:s12+$0x9AA0] =	vst v19;
	v15 =	vadd.f32 v15, v9  }
0x215: {  	v19 =	vld [tilespmem:s11+$0xBAA0];
	[tilespmem:s12+$0x9AB0] =	vst v18;
	v16 =	vadd.f32 v16, v8  }
0x216: {  	v18 =	vld [tilespmem:s11+$0xBAB0];
	[tilespmem:s12+$0x9AC0] =	vst v15;
	v17 =	vadd.f32 v17, v7  }
0x217: {  	v15 =	vld [tilespmem:s11+$0xBAC0];
	[tilespmem:s12+$0x9AD0] =	vst v16;
	v14 =	vadd.f32 v22, v14  }
0x218: {  	v16 =	vld [tilespmem:s11+$0xBAD0];
	[tilespmem:s12+$0x9AE0] =	vst v17;
	v13 =	vadd.f32 v20, v13  }
0x219: {  	v17 =	vld [tilespmem:s11+$0xBAE0];
	v12 =	vadd.f32 v21, v12;
	[tilespmem:s11+$0x9AF0] =	vst v14  }
0x21a: {  	[tilespmem:s11+$0x9A80] =	vst v13;
	v11 =	vadd.f32 v19, v11  }
0x21b: {  	[tilespmem:s11+$0x9A90] =	vst v12;
	v10 =	vadd.f32 v18, v10  }
0x21c: {  	[tilespmem:s11+$0x9AA0] =	vst v11;
	v9 =	vadd.f32 v15, v9  }
0x21d: {  	[tilespmem:s11+$0x9AB0] =	vst v10;
	v8 =	vadd.f32 v16, v8  }
0x21e: {  	[tilespmem:s11+$0x9AC0] =	vst v9;
	v7 =	vadd.f32 v17, v7  }
0x21f: {  	[tilespmem:s11+$0x9AD0] =	vst v8  }
0x220: {  	[tilespmem:s11+$0x9AE0] =	vst v7  }
0x221: {  	v13 =	vld [tilespmem:$0xB700]  }
0x222: {  	v12 =	vld [tilespmem:$0xB710]  }
0x223: {  	v11 =	vld [tilespmem:$0xB720]  }
0x224: {  	v10 =	vld [tilespmem:$0xB730]  }
0x225: {  	v9 =	vld [tilespmem:$0xB740]  }
0x226: {  	v8 =	vld [tilespmem:$0xB750]  }
0x227: {  	v7 =	vld [tilespmem:$0xB760]  }
0x228: {  	s12 =	simm.s32 $0x0;
	v14 =	vld [tilespmem:$0xB770]  }
0x229: {  	v16 =	vld [tilespmem:s12+$0xBAF0]  }
0x22a: {  	v20 =	vld [tilespmem:s12+$0xBA80]  }
0x22b: {  	v21 =	vld [tilespmem:s12+$0xBA90]  }
0x22c: {  	v19 =	vld [tilespmem:s12+$0xBAA0]  }
0x22d: {  	v18 =	vld [tilespmem:s12+$0xBAB0]  }
0x22e: {  	v15 =	vld [tilespmem:s12+$0xBAC0];
	v22 =	vadd.f32 v16, v14  }
0x22f: {  	v16 =	vld [tilespmem:s12+$0xBAD0];
	v20 =	vadd.f32 v20, v13  }
0x230: {  	s13 =	simm.s32 $0x400;
	s11 =	simm.s32 $0x80;
	v17 =	vld [tilespmem:s12+$0xBAE0];
	v21 =	vadd.f32 v21, v12;
	[tilespmem:s12+$0xA8F0] =	vst v22  }
.LBB2_6:
0x231: {  	p2 =	sne.s32 s13, $0x3600;
	v22 =	vld [tilespmem:s11+$0xBAF0];
	[tilespmem:s12+$0xA880] =	vst v20;
	v19 =	vadd.f32 v19, v11  }
0x232: {  	v20 =	vld [tilespmem:s11+$0xBA80];
	[tilespmem:s12+$0xA890] =	vst v21;
	v18 =	vadd.f32 v18, v10  }
0x233: {  	v21 =	vld [tilespmem:s11+$0xBA90];
	[tilespmem:s12+$0xA8A0] =	vst v19;
	v15 =	vadd.f32 v15, v9  }
.Ltmp17:
0x234: {  	v19 =	vld [tilespmem:s11+$0xBAA0];
	[tilespmem:s12+$0xA8B0] =	vst v18;
	v16 =	vadd.f32 v16, v8;
	(pc) =	sbr.rel @p2 .LBB2_6-.Ltmp17, $4  }
0x235: {  	v18 =	vld [tilespmem:s11+$0xBAB0];
	[tilespmem:s12+$0xA8C0] =	vst v15;
	v17 =	vadd.f32 v17, v7  }
0x236: {  	v15 =	vld [tilespmem:s11+$0xBAC0];
	v22 =	vadd.f32 v22, v14;
	[tilespmem:s12+$0xA8D0] =	vst v16  }
0x237: {  	v20 =	vadd.f32 v20, v13;
	v16 =	vld [tilespmem:s11+$0xBAD0];
	[tilespmem:s12+$0xA8E0] =	vst v17;
	s12 =	smov.u32 s11  }
0x238: {  	s11 =	sshra.s32 s13, $0x2;
	s13 =	sadd.s32 $0x200, s13;
	v21 =	vadd.f32 v21, v12;
	v17 =	vld [tilespmem:s12+$0xBAE0];
	[tilespmem:s12+$0xA8F0] =	vst v22  }
0x239: {  	v22 =	vld [tilespmem:s11+$0xBAF0];
	[tilespmem:s12+$0xA880] =	vst v20;
	v19 =	vadd.f32 v19, v11  }
0x23a: {  	v20 =	vld [tilespmem:s11+$0xBA80];
	[tilespmem:s12+$0xA890] =	vst v21;
	v18 =	vadd.f32 v18, v10  }
0x23b: {  	v21 =	vld [tilespmem:s11+$0xBA90];
	[tilespmem:s12+$0xA8A0] =	vst v19;
	v15 =	vadd.f32 v15, v9  }
0x23c: {  	v19 =	vld [tilespmem:s11+$0xBAA0];
	[tilespmem:s12+$0xA8B0] =	vst v18;
	v16 =	vadd.f32 v16, v8  }
0x23d: {  	v18 =	vld [tilespmem:s11+$0xBAB0];
	[tilespmem:s12+$0xA8C0] =	vst v15;
	v17 =	vadd.f32 v17, v7  }
0x23e: {  	v15 =	vld [tilespmem:s11+$0xBAC0];
	[tilespmem:s12+$0xA8D0] =	vst v16;
	v14 =	vadd.f32 v22, v14  }
0x23f: {  	v16 =	vld [tilespmem:s11+$0xBAD0];
	[tilespmem:s12+$0xA8E0] =	vst v17;
	v13 =	vadd.f32 v20, v13  }
0x240: {  	v17 =	vld [tilespmem:s11+$0xBAE0];
	v12 =	vadd.f32 v21, v12;
	[tilespmem:s11+$0xA8F0] =	vst v14  }
0x241: {  	[tilespmem:s11+$0xA880] =	vst v13;
	v11 =	vadd.f32 v19, v11  }
0x242: {  	[tilespmem:s11+$0xA890] =	vst v12;
	v10 =	vadd.f32 v18, v10  }
0x243: {  	[tilespmem:s11+$0xA8A0] =	vst v11;
	v9 =	vadd.f32 v15, v9  }
0x244: {  	[tilespmem:s11+$0xA8B0] =	vst v10;
	v8 =	vadd.f32 v16, v8  }
0x245: {  	[tilespmem:s11+$0xA8C0] =	vst v9;
	v7 =	vadd.f32 v17, v7  }
0x246: {  	[tilespmem:s11+$0xA8D0] =	vst v8  }
0x247: {  	s5 =	rddreg [dreg:$0x5];
	[tilespmem:s11+$0xA8E0] =	vst v7  }
0x248: {  	[spmem:s5] =	stream.linear.scatter [tilespmem:s26], [sflag:$0xA], $0x1C00, $0x38;
	[tilespmem:$0x1F580] =	vst v63  }
0x249: {  	_ =	swait.ge [sflag:s22], $0x1C00  }
0x24a: {  	[sflag:s22] =	ssyncset.done $0x0  }
0x24b: {  	[sflag:s22] =	ssyncadd.s32 $0xFFFFE400  }
0x24c: {  	v13 =	vld [tilespmem:$0xB780]  }
0x24d: {  	v12 =	vld [tilespmem:$0xB790]  }
0x24e: {  	v11 =	vld [tilespmem:$0xB7A0]  }
0x24f: {  	v10 =	vld [tilespmem:$0xB7B0]  }
0x250: {  	v9 =	vld [tilespmem:$0xB7C0]  }
0x251: {  	v8 =	vld [tilespmem:$0xB7D0]  }
0x252: {  	v7 =	vld [tilespmem:$0xB7E0]  }
0x253: {  	s12 =	simm.s32 $0x0;
	v14 =	vld [tilespmem:$0xB7F0]  }
0x254: {  	v16 =	vld [tilespmem:s12+$0xBAF0]  }
0x255: {  	v20 =	vld [tilespmem:s12+$0xBA80]  }
0x256: {  	v21 =	vld [tilespmem:s12+$0xBA90]  }
0x257: {  	v19 =	vld [tilespmem:s12+$0xBAA0]  }
0x258: {  	v18 =	vld [tilespmem:s12+$0xBAB0]  }
0x259: {  	v15 =	vld [tilespmem:s12+$0xBAC0];
	v22 =	vadd.f32 v16, v14  }
0x25a: {  	v16 =	vld [tilespmem:s12+$0xBAD0];
	v20 =	vadd.f32 v20, v13  }
0x25b: {  	s13 =	simm.s32 $0x400;
	s11 =	simm.s32 $0x80;
	v17 =	vld [tilespmem:s12+$0xBAE0];
	v21 =	vadd.f32 v21, v12;
	[tilespmem:s12+$0x9AF0] =	vst v22  }
.LBB2_8:
0x25c: {  	p2 =	sne.s32 s13, $0x3600;
	v22 =	vld [tilespmem:s11+$0xBAF0];
	[tilespmem:s12+$0x9A80] =	vst v20;
	v19 =	vadd.f32 v19, v11  }
0x25d: {  	v20 =	vld [tilespmem:s11+$0xBA80];
	[tilespmem:s12+$0x9A90] =	vst v21;
	v18 =	vadd.f32 v18, v10  }
0x25e: {  	v21 =	vld [tilespmem:s11+$0xBA90];
	[tilespmem:s12+$0x9AA0] =	vst v19;
	v15 =	vadd.f32 v15, v9  }
.Ltmp18:
0x25f: {  	v19 =	vld [tilespmem:s11+$0xBAA0];
	[tilespmem:s12+$0x9AB0] =	vst v18;
	v16 =	vadd.f32 v16, v8;
	(pc) =	sbr.rel @p2 .LBB2_8-.Ltmp18, $4  }
0x260: {  	v18 =	vld [tilespmem:s11+$0xBAB0];
	[tilespmem:s12+$0x9AC0] =	vst v15;
	v17 =	vadd.f32 v17, v7  }
0x261: {  	v15 =	vld [tilespmem:s11+$0xBAC0];
	v22 =	vadd.f32 v22, v14;
	[tilespmem:s12+$0x9AD0] =	vst v16  }
0x262: {  	v20 =	vadd.f32 v20, v13;
	v16 =	vld [tilespmem:s11+$0xBAD0];
	[tilespmem:s12+$0x9AE0] =	vst v17;
	s12 =	smov.u32 s11  }
0x263: {  	s11 =	sshra.s32 s13, $0x2;
	s13 =	sadd.s32 $0x200, s13;
	v21 =	vadd.f32 v21, v12;
	v17 =	vld [tilespmem:s12+$0xBAE0];
	[tilespmem:s12+$0x9AF0] =	vst v22  }
0x264: {  	v22 =	vld [tilespmem:s11+$0xBAF0];
	[tilespmem:s12+$0x9A80] =	vst v20;
	v19 =	vadd.f32 v19, v11  }
0x265: {  	v20 =	vld [tilespmem:s11+$0xBA80];
	[tilespmem:s12+$0x9A90] =	vst v21;
	v18 =	vadd.f32 v18, v10  }
0x266: {  	v21 =	vld [tilespmem:s11+$0xBA90];
	[tilespmem:s12+$0x9AA0] =	vst v19;
	v15 =	vadd.f32 v15, v9  }
0x267: {  	v19 =	vld [tilespmem:s11+$0xBAA0];
	[tilespmem:s12+$0x9AB0] =	vst v18;
	v16 =	vadd.f32 v16, v8  }
0x268: {  	v18 =	vld [tilespmem:s11+$0xBAB0];
	[tilespmem:s12+$0x9AC0] =	vst v15;
	v17 =	vadd.f32 v17, v7  }
0x269: {  	v15 =	vld [tilespmem:s11+$0xBAC0];
	[tilespmem:s12+$0x9AD0] =	vst v16;
	v14 =	vadd.f32 v22, v14  }
0x26a: {  	v16 =	vld [tilespmem:s11+$0xBAD0];
	[tilespmem:s12+$0x9AE0] =	vst v17;
	v13 =	vadd.f32 v20, v13  }
0x26b: {  	v17 =	vld [tilespmem:s11+$0xBAE0];
	v12 =	vadd.f32 v21, v12;
	[tilespmem:s11+$0x9AF0] =	vst v14  }
0x26c: {  	[tilespmem:s11+$0x9A80] =	vst v13;
	v11 =	vadd.f32 v19, v11  }
0x26d: {  	[tilespmem:s11+$0x9A90] =	vst v12;
	v10 =	vadd.f32 v18, v10  }
0x26e: {  	[tilespmem:s11+$0x9AA0] =	vst v11;
	v9 =	vadd.f32 v15, v9  }
0x26f: {  	[tilespmem:s11+$0x9AB0] =	vst v10;
	v8 =	vadd.f32 v16, v8  }
0x270: {  	[tilespmem:s11+$0x9AC0] =	vst v9;
	v7 =	vadd.f32 v17, v7  }
0x271: {  	[tilespmem:s11+$0x9AD0] =	vst v8  }
0x272: {  	[tilespmem:s11+$0x9AE0] =	vst v7  }
0x273: {  	v13 =	vld [tilespmem:$0xB800]  }
0x274: {  	v12 =	vld [tilespmem:$0xB810]  }
0x275: {  	v11 =	vld [tilespmem:$0xB820]  }
0x276: {  	v10 =	vld [tilespmem:$0xB830]  }
0x277: {  	v9 =	vld [tilespmem:$0xB840]  }
0x278: {  	v8 =	vld [tilespmem:$0xB850]  }
0x279: {  	v7 =	vld [tilespmem:$0xB860]  }
0x27a: {  	s12 =	simm.s32 $0x0;
	v14 =	vld [tilespmem:$0xB870]  }
0x27b: {  	v16 =	vld [tilespmem:s12+$0xBAF0]  }
0x27c: {  	v20 =	vld [tilespmem:s12+$0xBA80]  }
0x27d: {  	v21 =	vld [tilespmem:s12+$0xBA90]  }
0x27e: {  	v19 =	vld [tilespmem:s12+$0xBAA0]  }
0x27f: {  	v18 =	vld [tilespmem:s12+$0xBAB0]  }
0x280: {  	v15 =	vld [tilespmem:s12+$0xBAC0];
	v22 =	vadd.f32 v16, v14  }
0x281: {  	v16 =	vld [tilespmem:s12+$0xBAD0];
	v20 =	vadd.f32 v20, v13  }
0x282: {  	s13 =	simm.s32 $0x400;
	s11 =	simm.s32 $0x80;
	v17 =	vld [tilespmem:s12+$0xBAE0];
	v21 =	vadd.f32 v21, v12;
	[tilespmem:s12+$0xA8F0] =	vst v22  }
.LBB2_10:
0x283: {  	p2 =	sne.s32 s13, $0x3600;
	v22 =	vld [tilespmem:s11+$0xBAF0];
	[tilespmem:s12+$0xA880] =	vst v20;
	v19 =	vadd.f32 v19, v11  }
0x284: {  	v20 =	vld [tilespmem:s11+$0xBA80];
	[tilespmem:s12+$0xA890] =	vst v21;
	v18 =	vadd.f32 v18, v10  }
0x285: {  	v21 =	vld [tilespmem:s11+$0xBA90];
	[tilespmem:s12+$0xA8A0] =	vst v19;
	v15 =	vadd.f32 v15, v9  }
.Ltmp19:
0x286: {  	v19 =	vld [tilespmem:s11+$0xBAA0];
	[tilespmem:s12+$0xA8B0] =	vst v18;
	v16 =	vadd.f32 v16, v8;
	(pc) =	sbr.rel @p2 .LBB2_10-.Ltmp19, $4  }
0x287: {  	v18 =	vld [tilespmem:s11+$0xBAB0];
	[tilespmem:s12+$0xA8C0] =	vst v15;
	v17 =	vadd.f32 v17, v7  }
0x288: {  	v15 =	vld [tilespmem:s11+$0xBAC0];
	v22 =	vadd.f32 v22, v14;
	[tilespmem:s12+$0xA8D0] =	vst v16  }
0x289: {  	v20 =	vadd.f32 v20, v13;
	v16 =	vld [tilespmem:s11+$0xBAD0];
	[tilespmem:s12+$0xA8E0] =	vst v17;
	s12 =	smov.u32 s11  }
0x28a: {  	s11 =	sshra.s32 s13, $0x2;
	s13 =	sadd.s32 $0x200, s13;
	v21 =	vadd.f32 v21, v12;
	v17 =	vld [tilespmem:s12+$0xBAE0];
	[tilespmem:s12+$0xA8F0] =	vst v22  }
0x28b: {  	v22 =	vld [tilespmem:s11+$0xBAF0];
	[tilespmem:s12+$0xA880] =	vst v20;
	v19 =	vadd.f32 v19, v11  }
0x28c: {  	v20 =	vld [tilespmem:s11+$0xBA80];
	[tilespmem:s12+$0xA890] =	vst v21;
	v18 =	vadd.f32 v18, v10  }
0x28d: {  	v21 =	vld [tilespmem:s11+$0xBA90];
	[tilespmem:s12+$0xA8A0] =	vst v19;
	v15 =	vadd.f32 v15, v9  }
0x28e: {  	v19 =	vld [tilespmem:s11+$0xBAA0];
	[tilespmem:s12+$0xA8B0] =	vst v18;
	v16 =	vadd.f32 v16, v8  }
0x28f: {  	v18 =	vld [tilespmem:s11+$0xBAB0];
	[tilespmem:s12+$0xA8C0] =	vst v15;
	v17 =	vadd.f32 v17, v7  }
0x290: {  	v15 =	vld [tilespmem:s11+$0xBAC0];
	[tilespmem:s12+$0xA8D0] =	vst v16;
	v14 =	vadd.f32 v22, v14  }
0x291: {  	v16 =	vld [tilespmem:s11+$0xBAD0];
	[tilespmem:s12+$0xA8E0] =	vst v17;
	v13 =	vadd.f32 v20, v13  }
0x292: {  	v17 =	vld [tilespmem:s11+$0xBAE0];
	v12 =	vadd.f32 v21, v12;
	[tilespmem:s11+$0xA8F0] =	vst v14  }
0x293: {  	[tilespmem:s11+$0xA880] =	vst v13;
	v11 =	vadd.f32 v19, v11  }
0x294: {  	[tilespmem:s11+$0xA890] =	vst v12;
	v10 =	vadd.f32 v18, v10  }
0x295: {  	[tilespmem:s11+$0xA8A0] =	vst v11;
	v9 =	vadd.f32 v15, v9  }
0x296: {  	[tilespmem:s11+$0xA8B0] =	vst v10;
	v8 =	vadd.f32 v16, v8  }
0x297: {  	[tilespmem:s11+$0xA8C0] =	vst v9;
	v7 =	vadd.f32 v17, v7  }
0x298: {  	[tilespmem:s11+$0xA8D0] =	vst v8  }
0x299: {  	s5 =	rddreg [dreg:$0x7];
	[tilespmem:s11+$0xA8E0] =	vst v7  }
0x29a: {  	[spmem:s5] =	stream.linear.scatter [tilespmem:s26], [sflag:$0xA], $0x1C00, $0x38;
	[tilespmem:$0x1F580] =	vst v63  }
0x29b: {  	_ =	swait.ge [sflag:s22], $0x1C00  }
0x29c: {  	[sflag:s22] =	ssyncset.done $0x0  }
0x29d: {  	[sflag:s22] =	ssyncadd.s32 $0xFFFFE400  }
0x29e: {  	v13 =	vld [tilespmem:$0xB880]  }
0x29f: {  	v12 =	vld [tilespmem:$0xB890]  }
0x2a0: {  	v11 =	vld [tilespmem:$0xB8A0]  }
0x2a1: {  	v10 =	vld [tilespmem:$0xB8B0]  }
0x2a2: {  	v9 =	vld [tilespmem:$0xB8C0]  }
0x2a3: {  	v8 =	vld [tilespmem:$0xB8D0]  }
0x2a4: {  	v7 =	vld [tilespmem:$0xB8E0]  }
0x2a5: {  	s12 =	simm.s32 $0x0;
	v14 =	vld [tilespmem:$0xB8F0]  }
0x2a6: {  	v16 =	vld [tilespmem:s12+$0xBAF0]  }
0x2a7: {  	v20 =	vld [tilespmem:s12+$0xBA80]  }
0x2a8: {  	v21 =	vld [tilespmem:s12+$0xBA90]  }
0x2a9: {  	v19 =	vld [tilespmem:s12+$0xBAA0]  }
0x2aa: {  	v18 =	vld [tilespmem:s12+$0xBAB0]  }
0x2ab: {  	v15 =	vld [tilespmem:s12+$0xBAC0];
	v22 =	vadd.f32 v16, v14  }
0x2ac: {  	v16 =	vld [tilespmem:s12+$0xBAD0];
	v20 =	vadd.f32 v20, v13  }
0x2ad: {  	s13 =	simm.s32 $0x400;
	s11 =	simm.s32 $0x80;
	v17 =	vld [tilespmem:s12+$0xBAE0];
	v21 =	vadd.f32 v21, v12;
	[tilespmem:s12+$0x9AF0] =	vst v22  }
.LBB2_12:
0x2ae: {  	p2 =	sne.s32 s13, $0x3600;
	v22 =	vld [tilespmem:s11+$0xBAF0];
	[tilespmem:s12+$0x9A80] =	vst v20;
	v19 =	vadd.f32 v19, v11  }
0x2af: {  	v20 =	vld [tilespmem:s11+$0xBA80];
	[tilespmem:s12+$0x9A90] =	vst v21;
	v18 =	vadd.f32 v18, v10  }
0x2b0: {  	v21 =	vld [tilespmem:s11+$0xBA90];
	[tilespmem:s12+$0x9AA0] =	vst v19;
	v15 =	vadd.f32 v15, v9  }
.Ltmp20:
0x2b1: {  	v19 =	vld [tilespmem:s11+$0xBAA0];
	[tilespmem:s12+$0x9AB0] =	vst v18;
	v16 =	vadd.f32 v16, v8;
	(pc) =	sbr.rel @p2 .LBB2_12-.Ltmp20, $4  }
0x2b2: {  	v18 =	vld [tilespmem:s11+$0xBAB0];
	[tilespmem:s12+$0x9AC0] =	vst v15;
	v17 =	vadd.f32 v17, v7  }
0x2b3: {  	v15 =	vld [tilespmem:s11+$0xBAC0];
	v22 =	vadd.f32 v22, v14;
	[tilespmem:s12+$0x9AD0] =	vst v16  }
0x2b4: {  	v20 =	vadd.f32 v20, v13;
	v16 =	vld [tilespmem:s11+$0xBAD0];
	[tilespmem:s12+$0x9AE0] =	vst v17;
	s12 =	smov.u32 s11  }
0x2b5: {  	s11 =	sshra.s32 s13, $0x2;
	s13 =	sadd.s32 $0x200, s13;
	v21 =	vadd.f32 v21, v12;
	v17 =	vld [tilespmem:s12+$0xBAE0];
	[tilespmem:s12+$0x9AF0] =	vst v22  }
0x2b6: {  	v22 =	vld [tilespmem:s11+$0xBAF0];
	[tilespmem:s12+$0x9A80] =	vst v20;
	v19 =	vadd.f32 v19, v11  }
0x2b7: {  	v20 =	vld [tilespmem:s11+$0xBA80];
	[tilespmem:s12+$0x9A90] =	vst v21;
	v18 =	vadd.f32 v18, v10  }
0x2b8: {  	v21 =	vld [tilespmem:s11+$0xBA90];
	[tilespmem:s12+$0x9AA0] =	vst v19;
	v15 =	vadd.f32 v15, v9  }
0x2b9: {  	v19 =	vld [tilespmem:s11+$0xBAA0];
	[tilespmem:s12+$0x9AB0] =	vst v18;
	v16 =	vadd.f32 v16, v8  }
0x2ba: {  	v18 =	vld [tilespmem:s11+$0xBAB0];
	[tilespmem:s12+$0x9AC0] =	vst v15;
	v17 =	vadd.f32 v17, v7  }
0x2bb: {  	v15 =	vld [tilespmem:s11+$0xBAC0];
	[tilespmem:s12+$0x9AD0] =	vst v16;
	v14 =	vadd.f32 v22, v14  }
0x2bc: {  	v16 =	vld [tilespmem:s11+$0xBAD0];
	[tilespmem:s12+$0x9AE0] =	vst v17;
	v13 =	vadd.f32 v20, v13  }
0x2bd: {  	v17 =	vld [tilespmem:s11+$0xBAE0];
	v12 =	vadd.f32 v21, v12;
	[tilespmem:s11+$0x9AF0] =	vst v14  }
0x2be: {  	[tilespmem:s11+$0x9A80] =	vst v13;
	v11 =	vadd.f32 v19, v11  }
0x2bf: {  	[tilespmem:s11+$0x9A90] =	vst v12;
	v10 =	vadd.f32 v18, v10  }
0x2c0: {  	[tilespmem:s11+$0x9AA0] =	vst v11;
	v9 =	vadd.f32 v15, v9  }
0x2c1: {  	[tilespmem:s11+$0x9AB0] =	vst v10;
	v8 =	vadd.f32 v16, v8  }
0x2c2: {  	[tilespmem:s11+$0x9AC0] =	vst v9;
	v7 =	vadd.f32 v17, v7  }
0x2c3: {  	[tilespmem:s11+$0x9AD0] =	vst v8  }
0x2c4: {  	[tilespmem:s11+$0x9AE0] =	vst v7  }
0x2c5: {  	v13 =	vld [tilespmem:$0xB900]  }
0x2c6: {  	v12 =	vld [tilespmem:$0xB910]  }
0x2c7: {  	v11 =	vld [tilespmem:$0xB920]  }
0x2c8: {  	v10 =	vld [tilespmem:$0xB930]  }
0x2c9: {  	v9 =	vld [tilespmem:$0xB940]  }
0x2ca: {  	v8 =	vld [tilespmem:$0xB950]  }
0x2cb: {  	v7 =	vld [tilespmem:$0xB960]  }
0x2cc: {  	s12 =	simm.s32 $0x0;
	v14 =	vld [tilespmem:$0xB970]  }
0x2cd: {  	v16 =	vld [tilespmem:s12+$0xBAF0]  }
0x2ce: {  	v20 =	vld [tilespmem:s12+$0xBA80]  }
0x2cf: {  	v21 =	vld [tilespmem:s12+$0xBA90]  }
0x2d0: {  	v19 =	vld [tilespmem:s12+$0xBAA0]  }
0x2d1: {  	v18 =	vld [tilespmem:s12+$0xBAB0]  }
0x2d2: {  	v15 =	vld [tilespmem:s12+$0xBAC0];
	v22 =	vadd.f32 v16, v14  }
0x2d3: {  	v16 =	vld [tilespmem:s12+$0xBAD0];
	v20 =	vadd.f32 v20, v13  }
0x2d4: {  	s13 =	simm.s32 $0x400;
	s11 =	simm.s32 $0x80;
	v17 =	vld [tilespmem:s12+$0xBAE0];
	v21 =	vadd.f32 v21, v12;
	[tilespmem:s12+$0xA8F0] =	vst v22  }
.LBB2_14:
0x2d5: {  	p2 =	sne.s32 s13, $0x3600;
	v22 =	vld [tilespmem:s11+$0xBAF0];
	[tilespmem:s12+$0xA880] =	vst v20;
	v19 =	vadd.f32 v19, v11  }
0x2d6: {  	v20 =	vld [tilespmem:s11+$0xBA80];
	[tilespmem:s12+$0xA890] =	vst v21;
	v18 =	vadd.f32 v18, v10  }
0x2d7: {  	v21 =	vld [tilespmem:s11+$0xBA90];
	[tilespmem:s12+$0xA8A0] =	vst v19;
	v15 =	vadd.f32 v15, v9  }
.Ltmp21:
0x2d8: {  	v19 =	vld [tilespmem:s11+$0xBAA0];
	[tilespmem:s12+$0xA8B0] =	vst v18;
	v16 =	vadd.f32 v16, v8;
	(pc) =	sbr.rel @p2 .LBB2_14-.Ltmp21, $4  }
0x2d9: {  	v18 =	vld [tilespmem:s11+$0xBAB0];
	[tilespmem:s12+$0xA8C0] =	vst v15;
	v17 =	vadd.f32 v17, v7  }
0x2da: {  	v15 =	vld [tilespmem:s11+$0xBAC0];
	v22 =	vadd.f32 v22, v14;
	[tilespmem:s12+$0xA8D0] =	vst v16  }
0x2db: {  	v20 =	vadd.f32 v20, v13;
	v16 =	vld [tilespmem:s11+$0xBAD0];
	[tilespmem:s12+$0xA8E0] =	vst v17;
	s12 =	smov.u32 s11  }
0x2dc: {  	s11 =	sshra.s32 s13, $0x2;
	s13 =	sadd.s32 $0x200, s13;
	v21 =	vadd.f32 v21, v12;
	v17 =	vld [tilespmem:s12+$0xBAE0];
	[tilespmem:s12+$0xA8F0] =	vst v22  }
0x2dd: {  	v22 =	vld [tilespmem:s11+$0xBAF0];
	[tilespmem:s12+$0xA880] =	vst v20;
	v19 =	vadd.f32 v19, v11  }
0x2de: {  	v20 =	vld [tilespmem:s11+$0xBA80];
	[tilespmem:s12+$0xA890] =	vst v21;
	v18 =	vadd.f32 v18, v10  }
0x2df: {  	v21 =	vld [tilespmem:s11+$0xBA90];
	[tilespmem:s12+$0xA8A0] =	vst v19;
	v15 =	vadd.f32 v15, v9  }
0x2e0: {  	v19 =	vld [tilespmem:s11+$0xBAA0];
	[tilespmem:s12+$0xA8B0] =	vst v18;
	v16 =	vadd.f32 v16, v8  }
0x2e1: {  	v18 =	vld [tilespmem:s11+$0xBAB0];
	[tilespmem:s12+$0xA8C0] =	vst v15;
	v17 =	vadd.f32 v17, v7  }
0x2e2: {  	v15 =	vld [tilespmem:s11+$0xBAC0];
	[tilespmem:s12+$0xA8D0] =	vst v16;
	v14 =	vadd.f32 v22, v14  }
0x2e3: {  	v16 =	vld [tilespmem:s11+$0xBAD0];
	[tilespmem:s12+$0xA8E0] =	vst v17;
	v13 =	vadd.f32 v20, v13  }
0x2e4: {  	v17 =	vld [tilespmem:s11+$0xBAE0];
	v12 =	vadd.f32 v21, v12;
	[tilespmem:s11+$0xA8F0] =	vst v14  }
0x2e5: {  	[tilespmem:s11+$0xA880] =	vst v13;
	v11 =	vadd.f32 v19, v11  }
0x2e6: {  	[tilespmem:s11+$0xA890] =	vst v12;
	v10 =	vadd.f32 v18, v10  }
0x2e7: {  	[tilespmem:s11+$0xA8A0] =	vst v11;
	v9 =	vadd.f32 v15, v9  }
0x2e8: {  	[tilespmem:s11+$0xA8B0] =	vst v10;
	v8 =	vadd.f32 v16, v8  }
0x2e9: {  	[tilespmem:s11+$0xA8C0] =	vst v9;
	v7 =	vadd.f32 v17, v7  }
0x2ea: {  	[tilespmem:s11+$0xA8D0] =	vst v8  }
0x2eb: {  	s5 =	rddreg [dreg:$0x8];
	[tilespmem:s11+$0xA8E0] =	vst v7  }
0x2ec: {  	[spmem:s5] =	stream.linear.scatter [tilespmem:s26], [sflag:$0xA], $0x1C00, $0x38;
	[tilespmem:$0x1F580] =	vst v63  }
0x2ed: {  	_ =	swait.ge [sflag:s22], $0x1C00  }
0x2ee: {  	[sflag:s22] =	ssyncset.done $0x0  }
0x2ef: {  	[sflag:s22] =	ssyncadd.s32 $0xFFFFE400  }
0x2f0: {  	v13 =	vld [tilespmem:$0xB980]  }
0x2f1: {  	v12 =	vld [tilespmem:$0xB990]  }
0x2f2: {  	v11 =	vld [tilespmem:$0xB9A0]  }
0x2f3: {  	v10 =	vld [tilespmem:$0xB9B0]  }
0x2f4: {  	v9 =	vld [tilespmem:$0xB9C0]  }
0x2f5: {  	v8 =	vld [tilespmem:$0xB9D0]  }
0x2f6: {  	v7 =	vld [tilespmem:$0xB9E0]  }
0x2f7: {  	s12 =	simm.s32 $0x0;
	v14 =	vld [tilespmem:$0xB9F0]  }
0x2f8: {  	v16 =	vld [tilespmem:s12+$0xBAF0]  }
0x2f9: {  	v20 =	vld [tilespmem:s12+$0xBA80]  }
0x2fa: {  	v21 =	vld [tilespmem:s12+$0xBA90]  }
0x2fb: {  	v19 =	vld [tilespmem:s12+$0xBAA0]  }
0x2fc: {  	v18 =	vld [tilespmem:s12+$0xBAB0]  }
0x2fd: {  	v15 =	vld [tilespmem:s12+$0xBAC0];
	v22 =	vadd.f32 v16, v14  }
0x2fe: {  	v16 =	vld [tilespmem:s12+$0xBAD0];
	v20 =	vadd.f32 v20, v13  }
0x2ff: {  	s13 =	simm.s32 $0x400;
	s11 =	simm.s32 $0x80;
	v17 =	vld [tilespmem:s12+$0xBAE0];
	v21 =	vadd.f32 v21, v12;
	[tilespmem:s12+$0x9AF0] =	vst v22  }
.LBB2_16:
0x300: {  	p2 =	sne.s32 s13, $0x3600;
	v22 =	vld [tilespmem:s11+$0xBAF0];
	[tilespmem:s12+$0x9A80] =	vst v20;
	v19 =	vadd.f32 v19, v11  }
0x301: {  	v20 =	vld [tilespmem:s11+$0xBA80];
	[tilespmem:s12+$0x9A90] =	vst v21;
	v18 =	vadd.f32 v18, v10  }
0x302: {  	v21 =	vld [tilespmem:s11+$0xBA90];
	[tilespmem:s12+$0x9AA0] =	vst v19;
	v15 =	vadd.f32 v15, v9  }
.Ltmp22:
0x303: {  	v19 =	vld [tilespmem:s11+$0xBAA0];
	[tilespmem:s12+$0x9AB0] =	vst v18;
	v16 =	vadd.f32 v16, v8;
	(pc) =	sbr.rel @p2 .LBB2_16-.Ltmp22, $4  }
0x304: {  	v18 =	vld [tilespmem:s11+$0xBAB0];
	[tilespmem:s12+$0x9AC0] =	vst v15;
	v17 =	vadd.f32 v17, v7  }
0x305: {  	v15 =	vld [tilespmem:s11+$0xBAC0];
	v22 =	vadd.f32 v22, v14;
	[tilespmem:s12+$0x9AD0] =	vst v16  }
0x306: {  	v20 =	vadd.f32 v20, v13;
	v16 =	vld [tilespmem:s11+$0xBAD0];
	[tilespmem:s12+$0x9AE0] =	vst v17;
	s12 =	smov.u32 s11  }
0x307: {  	s11 =	sshra.s32 s13, $0x2;
	s13 =	sadd.s32 $0x200, s13;
	v21 =	vadd.f32 v21, v12;
	v17 =	vld [tilespmem:s12+$0xBAE0];
	[tilespmem:s12+$0x9AF0] =	vst v22  }
0x308: {  	v22 =	vld [tilespmem:s11+$0xBAF0];
	[tilespmem:s12+$0x9A80] =	vst v20;
	v19 =	vadd.f32 v19, v11  }
0x309: {  	v20 =	vld [tilespmem:s11+$0xBA80];
	[tilespmem:s12+$0x9A90] =	vst v21;
	v18 =	vadd.f32 v18, v10  }
0x30a: {  	v21 =	vld [tilespmem:s11+$0xBA90];
	[tilespmem:s12+$0x9AA0] =	vst v19;
	v15 =	vadd.f32 v15, v9  }
0x30b: {  	v19 =	vld [tilespmem:s11+$0xBAA0];
	[tilespmem:s12+$0x9AB0] =	vst v18;
	v16 =	vadd.f32 v16, v8  }
0x30c: {  	v18 =	vld [tilespmem:s11+$0xBAB0];
	[tilespmem:s12+$0x9AC0] =	vst v15;
	v17 =	vadd.f32 v17, v7  }
0x30d: {  	v15 =	vld [tilespmem:s11+$0xBAC0];
	[tilespmem:s12+$0x9AD0] =	vst v16;
	v14 =	vadd.f32 v22, v14  }
0x30e: {  	v16 =	vld [tilespmem:s11+$0xBAD0];
	[tilespmem:s12+$0x9AE0] =	vst v17;
	v13 =	vadd.f32 v20, v13  }
0x30f: {  	v17 =	vld [tilespmem:s11+$0xBAE0];
	v12 =	vadd.f32 v21, v12;
	[tilespmem:s11+$0x9AF0] =	vst v14  }
0x310: {  	[tilespmem:s11+$0x9A80] =	vst v13;
	v11 =	vadd.f32 v19, v11  }
0x311: {  	[tilespmem:s11+$0x9A90] =	vst v12;
	v10 =	vadd.f32 v18, v10  }
0x312: {  	[tilespmem:s11+$0x9AA0] =	vst v11;
	v9 =	vadd.f32 v15, v9  }
0x313: {  	[tilespmem:s11+$0x9AB0] =	vst v10;
	v8 =	vadd.f32 v16, v8  }
0x314: {  	[tilespmem:s11+$0x9AC0] =	vst v9;
	v7 =	vadd.f32 v17, v7  }
0x315: {  	[tilespmem:s11+$0x9AD0] =	vst v8  }
0x316: {  	[tilespmem:s11+$0x9AE0] =	vst v7  }
0x317: {  	v13 =	vld [tilespmem:$0xBA00]  }
0x318: {  	v12 =	vld [tilespmem:$0xBA10]  }
0x319: {  	v11 =	vld [tilespmem:$0xBA20]  }
0x31a: {  	v10 =	vld [tilespmem:$0xBA30]  }
0x31b: {  	v9 =	vld [tilespmem:$0xBA40]  }
0x31c: {  	v8 =	vld [tilespmem:$0xBA50]  }
0x31d: {  	v7 =	vld [tilespmem:$0xBA60]  }
0x31e: {  	s12 =	simm.s32 $0x0;
	v14 =	vld [tilespmem:$0xBA70]  }
0x31f: {  	v16 =	vld [tilespmem:s12+$0xBAF0]  }
0x320: {  	v20 =	vld [tilespmem:s12+$0xBA80]  }
0x321: {  	v21 =	vld [tilespmem:s12+$0xBA90]  }
0x322: {  	v19 =	vld [tilespmem:s12+$0xBAA0]  }
0x323: {  	v18 =	vld [tilespmem:s12+$0xBAB0]  }
0x324: {  	v15 =	vld [tilespmem:s12+$0xBAC0];
	v22 =	vadd.f32 v16, v14  }
0x325: {  	v16 =	vld [tilespmem:s12+$0xBAD0];
	v20 =	vadd.f32 v20, v13  }
0x326: {  	s13 =	simm.s32 $0x400;
	s11 =	simm.s32 $0x80;
	v17 =	vld [tilespmem:s12+$0xBAE0];
	v21 =	vadd.f32 v21, v12;
	[tilespmem:s12+$0xA8F0] =	vst v22  }
.LBB2_18:
0x327: {  	p2 =	sne.s32 s13, $0x3600;
	v22 =	vld [tilespmem:s11+$0xBAF0];
	[tilespmem:s12+$0xA880] =	vst v20;
	v19 =	vadd.f32 v19, v11  }
0x328: {  	v20 =	vld [tilespmem:s11+$0xBA80];
	[tilespmem:s12+$0xA890] =	vst v21;
	v18 =	vadd.f32 v18, v10  }
0x329: {  	v21 =	vld [tilespmem:s11+$0xBA90];
	[tilespmem:s12+$0xA8A0] =	vst v19;
	v15 =	vadd.f32 v15, v9  }
.Ltmp23:
0x32a: {  	v19 =	vld [tilespmem:s11+$0xBAA0];
	[tilespmem:s12+$0xA8B0] =	vst v18;
	v16 =	vadd.f32 v16, v8;
	(pc) =	sbr.rel @p2 .LBB2_18-.Ltmp23, $4  }
0x32b: {  	v18 =	vld [tilespmem:s11+$0xBAB0];
	[tilespmem:s12+$0xA8C0] =	vst v15;
	v17 =	vadd.f32 v17, v7  }
0x32c: {  	v15 =	vld [tilespmem:s11+$0xBAC0];
	v22 =	vadd.f32 v22, v14;
	[tilespmem:s12+$0xA8D0] =	vst v16  }
0x32d: {  	v20 =	vadd.f32 v20, v13;
	v16 =	vld [tilespmem:s11+$0xBAD0];
	[tilespmem:s12+$0xA8E0] =	vst v17;
	s12 =	smov.u32 s11  }
0x32e: {  	s11 =	sshra.s32 s13, $0x2;
	s13 =	sadd.s32 $0x200, s13;
	v21 =	vadd.f32 v21, v12;
	v17 =	vld [tilespmem:s12+$0xBAE0];
	[tilespmem:s12+$0xA8F0] =	vst v22  }
0x32f: {  	v22 =	vld [tilespmem:s11+$0xBAF0];
	[tilespmem:s12+$0xA880] =	vst v20;
	v19 =	vadd.f32 v19, v11  }
0x330: {  	v20 =	vld [tilespmem:s11+$0xBA80];
	[tilespmem:s12+$0xA890] =	vst v21;
	v18 =	vadd.f32 v18, v10  }
0x331: {  	v21 =	vld [tilespmem:s11+$0xBA90];
	[tilespmem:s12+$0xA8A0] =	vst v19;
	v15 =	vadd.f32 v15, v9  }
0x332: {  	v19 =	vld [tilespmem:s11+$0xBAA0];
	[tilespmem:s12+$0xA8B0] =	vst v18;
	v16 =	vadd.f32 v16, v8  }
0x333: {  	v18 =	vld [tilespmem:s11+$0xBAB0];
	[tilespmem:s12+$0xA8C0] =	vst v15;
	v17 =	vadd.f32 v17, v7  }
0x334: {  	v15 =	vld [tilespmem:s11+$0xBAC0];
	[tilespmem:s12+$0xA8D0] =	vst v16;
	v14 =	vadd.f32 v22, v14  }
0x335: {  	v16 =	vld [tilespmem:s11+$0xBAD0];
	[tilespmem:s12+$0xA8E0] =	vst v17;
	v13 =	vadd.f32 v20, v13  }
0x336: {  	v17 =	vld [tilespmem:s11+$0xBAE0];
	v12 =	vadd.f32 v21, v12;
	[tilespmem:s11+$0xA8F0] =	vst v14  }
0x337: {  	[tilespmem:s11+$0xA880] =	vst v13;
	v61 =	vadd.f32 v19, v11  }
0x338: {  	[tilespmem:s11+$0xA890] =	vst v12;
	v62 =	vadd.f32 v18, v10  }
0x339: {  	[tilespmem:s11+$0xA8A0] =	vst v61;
	v63 =	vadd.f32 v15, v9  }
0x33a: {  	[tilespmem:s11+$0xA8B0] =	vst v62;
	v8 =	vadd.f32 v16, v8  }
0x33b: {  	[tilespmem:s11+$0xA8C0] =	vst v63;
	v7 =	vadd.f32 v17, v7  }
0x33c: {  	[tilespmem:s11+$0xA8D0] =	vst v8  }
0x33d: {  	s5 =	rddreg [dreg:$0x9];
	[tilespmem:s11+$0xA8E0] =	vst v7  }
0x33e: {  	[spmem:s5] =	stream.linear.scatter [tilespmem:s26], [sflag:$0xA], $0x1C00, $0x38;
	[tilespmem:$0x1F580] =	vst v63  }
0x33f: {  	_ =	swait.ge [sflag:s22], $0x1C00  }
0x340: {  	[sflag:s22] =	ssyncset.done $0x0  }
0x341: {  	[sflag:s22] =	ssyncadd.s32 $0xFFFFE400  }
.LBB2_20:
0x342: {  	_ =	swait.ge [sflag:s25], $0x1900  }
0x343: {  	[sflag:s25] =	ssyncset.done $0x0  }
0x344: {  	s11 =	simm.s32 $0x0;
	[sflag:s25] =	ssyncadd.s32 $0xFFFFE700  }
0x345: {  	v7 =	vld [tilespmem:s11+$0x6880];
	_ =	sdelay $0x4  }
0x346: {  	s15 =	simm.s32 $0x30;
	v7 =	vadd.s32 v0, v7  }
0x347: {  	[tilespmem:s15+$0xFFFFFFD0] =	vst v7  }
0x348: {  	v7 =	vld [tilespmem:s11+$0x6890];
	_ =	sdelay $0x4  }
0x349: {  	v7 =	vadd.s32 v1, v7  }
0x34a: {  	[tilespmem:s15+$0xFFFFFFE0] =	vst v7  }
0x34b: {  	v7 =	vld [tilespmem:s11+$0x68A0];
	_ =	sdelay $0x4  }
0x34c: {  	v7 =	vadd.s32 v2, v7  }
0x34d: {  	[tilespmem:s15+$0xFFFFFFF0] =	vst v7  }
0x34e: {  	v7 =	vld [tilespmem:s11+$0x68B0];
	_ =	sdelay $0x4  }
0x34f: {  	v7 =	vadd.s32 v3, v7  }
0x350: {  	[tilespmem:s15+$0x0] =	vst v7  }
0x351: {  	v7 =	vld [tilespmem:s11+$0x68C0];
	_ =	sdelay $0x4  }
0x352: {  	v7 =	vadd.s32 v4, v7  }
0x353: {  	[tilespmem:s15+$0x10] =	vst v7  }
0x354: {  	v7 =	vld [tilespmem:s11+$0x68D0];
	_ =	sdelay $0x4  }
0x355: {  	v7 =	vadd.s32 v5, v7  }
0x356: {  	[tilespmem:s15+$0x20] =	vst v7  }
0x357: {  	v7 =	vld [tilespmem:s11+$0x68E0];
	_ =	sdelay $0x4  }
0x358: {  	s21 =	smov.u32 s24;
	v7 =	vadd.s32 v6, v7  }
0x359: {  	s24 =	smov.u32 s16;
	s13 =	simm.s32 $0xC8;
	s11 =	simm.s32 $0x640;
	[tilespmem:s15+$0x30] =	vst v7  }
.LBB2_21:
0x35a: {  	p2 =	sne.s32 s11, $0x60E0;
	v7 =	vld [tilespmem:s13+$0x6880];
	_ =	sdelay $0x4  }
0x35b: {  	s15 =	sadd.s32 $0x68, s15;
	v7 =	vadd.s32 v0, v7  }
0x35c: {  	[tilespmem:s15+$0xFFFFFFD0] =	vst v7  }
0x35d: {  	v7 =	vld [tilespmem:s13+$0x6890];
	_ =	sdelay $0x4  }
0x35e: {  	v7 =	vadd.s32 v1, v7  }
0x35f: {  	[tilespmem:s15+$0xFFFFFFE0] =	vst v7  }
0x360: {  	v7 =	vld [tilespmem:s13+$0x68A0];
	_ =	sdelay $0x4  }
0x361: {  	v7 =	vadd.s32 v2, v7  }
0x362: {  	[tilespmem:s15+$0xFFFFFFF0] =	vst v7  }
0x363: {  	v7 =	vld [tilespmem:s13+$0x68B0];
	_ =	sdelay $0x4  }
0x364: {  	v7 =	vadd.s32 v3, v7  }
0x365: {  	[tilespmem:s15+$0x0] =	vst v7  }
0x366: {  	v7 =	vld [tilespmem:s13+$0x68C0];
	_ =	sdelay $0x4  }
0x367: {  	v7 =	vadd.s32 v4, v7  }
0x368: {  	[tilespmem:s15+$0x10] =	vst v7  }
0x369: {  	v7 =	vld [tilespmem:s13+$0x68D0];
	_ =	sdelay $0x4  }
0x36a: {  	v7 =	vadd.s32 v5, v7  }
0x36b: {  	[tilespmem:s15+$0x20] =	vst v7  }
0x36c: {  	v7 =	vld [tilespmem:s13+$0x68E0];
	_ =	sdelay $0x1  }
.Ltmp24:
0x36d: {  	(pc) =	sbr.rel @p2 .LBB2_21-.Ltmp24, $3  }
0x36e: {  	_ =	sdelay $0x1  }
0x36f: {  	v7 =	vadd.s32 v6, v7  }
0x370: {  	s13 =	sshra.s32 s11, $0x2;
	s11 =	sadd.s32 $0x320, s11;
	[tilespmem:s15+$0x30] =	vst v7  }
0x371: {  	v7 =	vld [tilespmem:s13+$0x6880];
	_ =	sdelay $0x4  }
0x372: {  	s11 =	sadd.s32 $0x68, s15;
	v7 =	vadd.s32 v0, v7  }
0x373: {  	[tilespmem:s11+$0xFFFFFFD0] =	vst v7  }
0x374: {  	v7 =	vld [tilespmem:s13+$0x6890];
	_ =	sdelay $0x4  }
0x375: {  	v7 =	vadd.s32 v1, v7  }
0x376: {  	[tilespmem:s11+$0xFFFFFFE0] =	vst v7  }
0x377: {  	v7 =	vld [tilespmem:s13+$0x68A0];
	_ =	sdelay $0x4  }
0x378: {  	v7 =	vadd.s32 v2, v7  }
0x379: {  	[tilespmem:s11+$0xFFFFFFF0] =	vst v7  }
0x37a: {  	v7 =	vld [tilespmem:s13+$0x68B0];
	_ =	sdelay $0x4  }
0x37b: {  	v7 =	vadd.s32 v3, v7  }
0x37c: {  	[tilespmem:s11+$0x0] =	vst v7  }
0x37d: {  	v7 =	vld [tilespmem:s13+$0x68C0];
	_ =	sdelay $0x4  }
0x37e: {  	v7 =	vadd.s32 v4, v7  }
0x37f: {  	[tilespmem:s11+$0x10] =	vst v7  }
0x380: {  	v7 =	vld [tilespmem:s13+$0x68D0];
	_ =	sdelay $0x4  }
0x381: {  	v7 =	vadd.s32 v5, v7  }
0x382: {  	[tilespmem:s11+$0x20] =	vst v7  }
0x383: {  	v7 =	vld [tilespmem:s13+$0x68E0];
	_ =	sdelay $0x4  }
0x384: {  	v7 =	vadd.s32 v6, v7  }
0x385: {  	s26 =	simm.s32 $0x0;
	s5 =	rddreg [dreg:$0xb];
	s18 =	simm.s32 $0x8180;
	[tilespmem:s11+$0x30] =	vst v7  }
0x386: {  	[tilespmem:s18], [sflag:$0x9] =	stream.linear.gather [hbm4b:s5+s26], $0x1900, $0x38;
	[tilespmem:$0x1F580] =	vst v63  }
0x387: {  	[bflag:$0x0] =	sbarrier.arrive $0xFFFF  }
0x388: {  	[tilespmem:s29], [sflag:$0x1] =	stream.indirect.gather [spmem:s2], $0x80, s26, s23, $0xb8;
	[tilespmem:$0x1F580] =	vst v63  }
0x389: {  	_ = 	snop  }
0x38a: {  	[tilespmem:s30], [sflag:$0x2] =	stream.indirect.gather [spmem:s2], $0x80, s23, s23, $0xb8;
	[tilespmem:$0x1F580] =	vst v63  }
0x38b: {  	s19 =	simm.s32 $0xD0;
	s17 =	rddreg [dreg:$0xf]  }
0x38c: {  	[tilespmem:s0], [sflag:$0x3] =	stream.indirect.gather [spmem:s2], $0x80, s19, s23, $0xb8;
	[tilespmem:$0x1F580] =	vst v63  }
0x38d: {  	s15 =	simm.s32 $0x0;
	s18 =	rddreg [dreg:$0x10];
	s19 =	simm.s32 $0x0  }
.LBB2_23:
0x38e: {  	s12 =	sand.u32 $0x7, s19  }
0x38f: {  	p2 =	sne.s32 s12, $0x0  }
0x390: {  	p3 =	sgt.u32 @!p2 s19, $0x37  }
0x391: {  	p2 =	por p2, p3  }
.Ltmp25:
0x392: {  	_ = 	snop;
	(pc) =	sbr.rel @p2 .LBB2_25-.Ltmp25, $1  }
0x393: {  	_ =	sdelay $0x3  }
0x394: {  	p2 =	seq.s32 s15, $0x13800  }
0x395: {  	s11 =	sshll.u32 @!p2 s19, $0x1C  }
0x396: {  	_ =	swait.ge [sflag:s25], $0x1900;
	s11 =	sshra.s32 @!p2 s11, $0x1F  }
0x397: {  	[sflag:s25] =	ssyncset.done $0x0;
	s11 =	sand.u32 @!p2 $0x1900, s11  }
0x398: {  	s13 =	simm.s32 @!p2 $0x0;
	[sflag:s25] =	ssyncadd.s32 $0xFFFFE700;
	s11 =	sadd.s32 @!p2 $0x6880, s11  }
0x399: {  	[tilespmem:s11], [sflag:$0x9] =	stream.linear.gather @!p2 [hbm4b:s18+s13], $0x1900, $0x38;
	[tilespmem:$0x1F580] =	vst v63  }
.LBB2_26:
0x39a: {  	s11 =	sand.u32 $0x8, s19  }
0x39b: {  	s12 =	smul.u32 $0x320, s12;
	p2 =	seq.s32 s11, $0x0;
	s11 =	simm.s32 $0x1900  }
0x39c: {  	s11 =	simm.s32 @!p2 $0x0  }
0x39d: {  	s16 =	sadd.s32 s12, s11  }
0x39e: {  	s14 =	sand.u32 $0x60, s12;
	s13 =	sand.u32 $0x3F80, s16  }
0x39f: {  	s14 =	sor.u32 s14, s13  }
0x3a0: {  	v7 =	vld [tilespmem:s14+$0x6880];
	_ =	sdelay $0x4  }
0x3a1: {  	s13 =	sshra.s32 s15, $0x2;
	v7 =	vadd.s32 v0, v7  }
0x3a2: {  	[tilespmem:s13+$0xD00] =	vst v7  }
0x3a3: {  	v7 =	vld [tilespmem:s14+$0x6890];
	_ =	sdelay $0x4  }
0x3a4: {  	v7 =	vadd.s32 v1, v7  }
0x3a5: {  	[tilespmem:s13+$0xD10] =	vst v7  }
0x3a6: {  	v7 =	vld [tilespmem:s16+$0x68A0];
	_ =	sdelay $0x4  }
0x3a7: {  	v7 =	vadd.s32 v2, v7  }
0x3a8: {  	[tilespmem:s13+$0xD20] =	vst v7  }
0x3a9: {  	v7 =	vld [tilespmem:s16+$0x68B0];
	_ =	sdelay $0x4  }
0x3aa: {  	v7 =	vadd.s32 v3, v7  }
0x3ab: {  	[tilespmem:s13+$0xD30] =	vst v7  }
0x3ac: {  	v7 =	vld [tilespmem:s16+$0x68C0];
	_ =	sdelay $0x4  }
0x3ad: {  	v7 =	vadd.s32 v4, v7  }
0x3ae: {  	[tilespmem:s13+$0xD40] =	vst v7  }
0x3af: {  	v7 =	vld [tilespmem:s16+$0x68D0];
	_ =	sdelay $0x4  }
0x3b0: {  	v7 =	vadd.s32 v5, v7  }
0x3b1: {  	[tilespmem:s13+$0xD50] =	vst v7  }
0x3b2: {  	v7 =	vld [tilespmem:s16+$0x68E0];
	_ =	sdelay $0x2  }
0x3b3: {  	s14 =	sadd.s32 $0xC8, s12  }
0x3b4: {  	s16 =	sadd.s32 s14, s11  }
0x3b5: {  	s14 =	sand.u32 $0x68, s14;
	s5 =	sand.u32 $0x7F80, s16;
	v7 =	vadd.s32 v6, v7  }
0x3b6: {  	s5 =	sor.u32 s14, s5;
	[tilespmem:s13+$0xD60] =	vst v7  }
0x3b7: {  	v7 =	vld [tilespmem:s5+$0x6880];
	_ =	sdelay $0x4  }
0x3b8: {  	v7 =	vadd.s32 v0, v7  }
0x3b9: {  	[tilespmem:s13+$0xD68] =	vst v7  }
0x3ba: {  	v7 =	vld [tilespmem:s5+$0x6890];
	_ =	sdelay $0x4  }
0x3bb: {  	v7 =	vadd.s32 v1, v7  }
0x3bc: {  	[tilespmem:s13+$0xD78] =	vst v7  }
0x3bd: {  	v7 =	vld [tilespmem:s16+$0x68A0];
	_ =	sdelay $0x4  }
0x3be: {  	v7 =	vadd.s32 v2, v7  }
0x3bf: {  	[tilespmem:s13+$0xD88] =	vst v7  }
0x3c0: {  	v7 =	vld [tilespmem:s16+$0x68B0];
	_ =	sdelay $0x4  }
0x3c1: {  	v7 =	vadd.s32 v3, v7  }
0x3c2: {  	[tilespmem:s13+$0xD98] =	vst v7  }
0x3c3: {  	v7 =	vld [tilespmem:s16+$0x68C0];
	_ =	sdelay $0x4  }
0x3c4: {  	v7 =	vadd.s32 v4, v7  }
0x3c5: {  	[tilespmem:s13+$0xDA8] =	vst v7  }
0x3c6: {  	v7 =	vld [tilespmem:s16+$0x68D0];
	_ =	sdelay $0x4  }
0x3c7: {  	v7 =	vadd.s32 v5, v7  }
0x3c8: {  	[tilespmem:s13+$0xDB8] =	vst v7  }
0x3c9: {  	v7 =	vld [tilespmem:s16+$0x68E0];
	_ =	sdelay $0x2  }
0x3ca: {  	s5 =	sadd.s32 $0x190, s12  }
0x3cb: {  	s14 =	sadd.s32 s5, s11  }
0x3cc: {  	s5 =	sand.u32 $0x70, s5;
	s16 =	sand.u32 $0x7F80, s14;
	v7 =	vadd.s32 v6, v7  }
0x3cd: {  	s5 =	sor.u32 s5, s16;
	[tilespmem:s13+$0xDC8] =	vst v7  }
0x3ce: {  	v7 =	vld [tilespmem:s5+$0x6880];
	_ =	sdelay $0x4  }
0x3cf: {  	v7 =	vadd.s32 v0, v7  }
0x3d0: {  	[tilespmem:s13+$0xDD0] =	vst v7  }
0x3d1: {  	v7 =	vld [tilespmem:s14+$0x6890];
	_ =	sdelay $0x4  }
0x3d2: {  	v7 =	vadd.s32 v1, v7  }
0x3d3: {  	[tilespmem:s13+$0xDE0] =	vst v7  }
0x3d4: {  	v7 =	vld [tilespmem:s14+$0x68A0];
	_ =	sdelay $0x4  }
0x3d5: {  	v7 =	vadd.s32 v2, v7  }
0x3d6: {  	[tilespmem:s13+$0xDF0] =	vst v7  }
0x3d7: {  	v7 =	vld [tilespmem:s14+$0x68B0];
	_ =	sdelay $0x2  }
0x3d8: {  	s16 =	sadd.s32 $0xD00, s26  }
0x3d9: {  	s5 =	sand.u32 $0xFF80, s16;
	s16 =	sand.u32 $0x60, s26  }
0x3da: {  	s5 =	sor.u32 s16, s5;
	v7 =	vadd.s32 v3, v7  }
0x3db: {  	[tilespmem:s5+$0x100] =	vst v7  }
0x3dc: {  	v7 =	vld [tilespmem:s14+$0x68C0];
	_ =	sdelay $0x4  }
0x3dd: {  	v7 =	vadd.s32 v4, v7  }
0x3de: {  	[tilespmem:s13+$0xE10] =	vst v7  }
0x3df: {  	v7 =	vld [tilespmem:s14+$0x68D0];
	_ =	sdelay $0x4  }
0x3e0: {  	v7 =	vadd.s32 v5, v7  }
0x3e1: {  	[tilespmem:s13+$0xE20] =	vst v7  }
0x3e2: {  	v7 =	vld [tilespmem:s14+$0x68E0];
	_ =	sdelay $0x2  }
0x3e3: {  	s14 =	sadd.s32 $0x258, s12  }
0x3e4: {  	s11 =	sadd.s32 s14, s11  }
0x3e5: {  	s5 =	sand.u32 $0x78, s14;
	s16 =	sand.u32 $0x7F80, s11;
	v7 =	vadd.s32 v6, v7  }
0x3e6: {  	s5 =	sor.u32 s5, s16;
	[tilespmem:s13+$0xE30] =	vst v7  }
0x3e7: {  	v7 =	vld [tilespmem:s5+$0x6880];
	_ =	sdelay $0x4  }
0x3e8: {  	v7 =	vadd.s32 v0, v7  }
0x3e9: {  	[tilespmem:s13+$0xE38] =	vst v7  }
0x3ea: {  	v7 =	vld [tilespmem:s11+$0x6890];
	_ =	sdelay $0x4  }
0x3eb: {  	v7 =	vadd.s32 v1, v7  }
0x3ec: {  	[tilespmem:s13+$0xE48] =	vst v7  }
0x3ed: {  	v7 =	vld [tilespmem:s11+$0x68A0];
	_ =	sdelay $0x4  }
0x3ee: {  	v7 =	vadd.s32 v2, v7  }
0x3ef: {  	[tilespmem:s13+$0xE58] =	vst v7  }
0x3f0: {  	v7 =	vld [tilespmem:s11+$0x68B0];
	_ =	sdelay $0x4  }
0x3f1: {  	v7 =	vadd.s32 v3, v7  }
0x3f2: {  	[tilespmem:s13+$0xE68] =	vst v7  }
0x3f3: {  	v7 =	vld [tilespmem:s11+$0x68C0];
	_ =	sdelay $0x4  }
0x3f4: {  	v7 =	vadd.s32 v4, v7  }
0x3f5: {  	[tilespmem:s13+$0xE78] =	vst v7  }
0x3f6: {  	v7 =	vld [tilespmem:s11+$0x68D0];
	_ =	sdelay $0x4  }
0x3f7: {  	v7 =	vadd.s32 v5, v7  }
0x3f8: {  	[tilespmem:s13+$0xE88] =	vst v7  }
0x3f9: {  	v7 =	vld [tilespmem:s11+$0x68E0];
	_ =	sdelay $0x4  }
0x3fa: {  	v7 =	vadd.s32 v6, v7  }
0x3fb: {  	[tilespmem:s13+$0xE98] =	vst v7  }
.LBB2_27:
0x3fc: {  	_ =	swait.ge [sflag:s3], $0x3400  }
0x3fd: {  	p2 =	seq.s32 s15, $0x0;
	[sflag:s3] =	ssyncset.done $0x0  }
0x3fe: {  	s5 =	simm.s32 @!p2 $0x8;
	[sflag:s3] =	ssyncadd.s32 $0xFFFFCC00  }
0x3ff: {  	[hbm4b:s17+s4] =	stream.linear.scatter [tilespmem:s29], [sflag:$0x5], $0x3400, $0x38;
	[tilespmem:$0x1F580] =	vst v63  }
0x400: {  	_ =	swait.ge @!p2 [sflag:s5], $0x3400  }
0x401: {  	s11 =	sshra.s32 s15, $0x2;
	[sflag:s5] =	ssyncset.done @!p2 $0x0  }
0x402: {  	s12 =	sadd.s32 $0x138, s11;
	[sflag:s5] =	ssyncadd.s32 @!p2 $0xFFFFCC00  }
0x403: {  	[tilespmem:s31], [sflag:$0x4] =	stream.indirect.gather [spmem:s2], $0x80, s12, s23, $0xb8;
	[tilespmem:$0x1F580] =	vst v63  }
0x404: {  	_ =	swait.ge [sflag:s7], $0x3400  }
0x405: {  	[sflag:s7] =	ssyncset.done $0x0  }
0x406: {  	s13 =	sadd.s32 $0xC80, s17;
	[sflag:s7] =	ssyncadd.s32 $0xFFFFCC00  }
0x407: {  	[hbm4b:s13+s4] =	stream.linear.scatter [tilespmem:s30], [sflag:$0x6], $0x3400, $0x38;
	[tilespmem:$0x1F580] =	vst v63  }
0x408: {  	p2 =	seq.s32 s15, $0x19980;
	_ =	swait.ge [sflag:s8], $0x3400  }
0x409: {  	s5 =	sshra.s32 @!p2 s15, $0x2;
	s14 =	simm.s32 @!p2 $0xCA80;
	[sflag:s8] =	ssyncset.done $0x0  }
0x40a: {  	s12 =	sadd.s32 @!p2 $0x1A0, s5;
	s13 =	simm.s32 @!p2 $0x68;
	[sflag:s8] =	ssyncadd.s32 $0xFFFFCC00  }
0x40b: {  	[tilespmem:s14], [sflag:$0x1] =	stream.indirect.gather @!p2 [spmem:s2], $0x80, s12, s13, $0xb8;
	[tilespmem:$0x1F580] =	vst v63  }
0x40c: {  	_ =	swait.ge [sflag:s9], $0x3400  }
0x40d: {  	[sflag:s9] =	ssyncset.done $0x0  }
0x40e: {  	s14 =	sadd.s32 $0x1900, s17;
	[sflag:s9] =	ssyncadd.s32 $0xFFFFCC00  }
0x40f: {  	[hbm4b:s14+s4] =	stream.linear.scatter [tilespmem:s0], [sflag:$0x7], $0x3400, $0x38;
	[tilespmem:$0x1F580] =	vst v63  }
0x410: {  	_ =	swait.ge [sflag:s10], $0x3400  }
0x411: {  	[sflag:s10] =	ssyncset.done $0x0  }
0x412: {  	s5 =	sadd.s32 @!p2 $0x208, s5;
	s12 =	simm.s32 @!p2 $0xFE80;
	[sflag:s10] =	ssyncadd.s32 $0xFFFFCC00  }
0x413: {  	[tilespmem:s12], [sflag:$0x2] =	stream.indirect.gather @!p2 [spmem:s2], $0x80, s5, s13, $0xb8;
	[tilespmem:$0x1F580] =	vst v63  }
0x414: {  	_ =	swait.ge [sflag:s6], $0x3400  }
0x415: {  	[sflag:s6] =	ssyncset.done $0x0  }
.Ltmp26:
0x416: {  	s16 =	sadd.s32 $0x2580, s17;
	[sflag:s6] =	ssyncadd.s32 $0xFFFFCC00;
	(pc) =	sbr.rel @p2 .LBB2_29-.Ltmp26, $4  }
0x417: {  	[hbm4b:s16+s4] =	stream.linear.scatter [tilespmem:s31], [sflag:$0x8], $0x3400, $0x38;
	[tilespmem:$0x1F580] =	vst v63  }
0x418: {  	_ =	swait.ge [sflag:s1], $0x3400  }
0x419: {  	[sflag:s1] =	ssyncset.done $0x0  }
0x41a: {  	[sflag:s1] =	ssyncadd.s32 $0xFFFFCC00  }
.Ltmp27:
0x41b: {  	(pc) =	sbr.rel .LBB2_23-.Ltmp27, $4  }
0x41c: {  	_ = 	snop  }
0x41d: {  	s5 =	sadd.s32 $0x270, s11;
	s19 =	sadd.s32 $0x1, s19;
	s15 =	sadd.s32 $0x680, s15  }
0x41e: {  	s18 =	sadd.s32 $0x64, s18;
	s17 =	sadd.s32 $0x3200, s17;
	s26 =	sadd.s32 $0x1A0, s26  }
0x41f: {  	[tilespmem:s0], [sflag:$0x3] =	stream.indirect.gather [spmem:s2], $0x80, s5, s23, $0xb8;
	[tilespmem:$0x1F580] =	vst v63  }
.LBB2_25:
0x420: {  	p2 =	sgt.u32 s19, $0x37  }
.Ltmp28:
0x421: {  	_ = 	snop;
	(pc) =	sbr.rel @p2 .LBB2_27-.Ltmp28, $4  }
.Ltmp29:
0x422: {  	_ = 	snop;
	(pc) =	sbr.rel @!p2 .LBB2_26-.Ltmp29, $4  }
0x423: {  	_ = 	snop  }
0x424: {  	_ = 	snop  }
0x425: {  	_ = 	snop  }
0x426: {  	_ = 	snop  }
.LBB2_29:
.Ltmp30:
0x427: {  	(pc) =	sbr.rel .LBB2_52-.Ltmp30, $4  }
0x428: {  	s5 =	simm.s32 $0x8  }
0x429: {  	_ =	swait.ge [sflag:s5], $0x3400  }
0x42a: {  	s16 =	smov.u32 s24;
	s24 =	smov.u32 s21;
	[sflag:s5] =	ssyncset.done $0x0  }
0x42b: {  	s21 =	simm.s32 $0x6880;
	s26 =	simm.s32 $0x9A80;
	[sflag:s5] =	ssyncadd.s32 $0xFFFFCC00  }
.LBB2_53:
0x42c: {  	_ =	sfence.sel $0x180000  }
0x42d: {  	[bflag:$0x0] =	sbarrier.arrive $0xFFFF  }
0x42e: {  	_ =	strace $0x90000047  }
0x42f: {  	s0 =	stileid.u32;
	[bflag:$0x2] =	sbarrier.arrive $0xFFFF  }
0x430: {  	p0 =	sne.s32 s0, $0x0;
	s0 =	rddreg [dreg:$0x4]  }
0x431: {  	s0 =	sadd.s32 @!p0 $0x100000, s0  }
0x432: {  	[sflag:s0] =	ssyncadd.tile.s32 @!p0 $0x1;
	_ =	shalt  }
.Lfunc_end2:
_tile_overlayer_lowered:
.L_overlay_start_2:
0x433: {  	(tag) =	ssettag $0x2  }
0x434: {  	s0 =	rddreg [dreg:$0x0];
	s2 =	stileid.u32  }
0x435: {  	s1 =	rddreg [dreg:$0x1];
	p0 =	sne.s32 s2, $0x0  }
0x436: {  	s3 =	rddreg [dreg:$0x2];
	[bflag:$0x3] =	sbarrier.arrive $0xFFFF;
	s2 =	simm.s32 @!p0 $0x1C0A  }
0x437: {  	[timem:s3], [sflag:s2] =	dma.local @!p0 [hbm:s0], s1  }
0x438: {  	s0 =	simm.s32 @!p0 $0xA  }
0x439: {  	_ =	swait.ge @!p0 [sflag:s0], s1  }
0x43a: {  	s1 =	ssub.s32 @!p0 $0x0, s1;
	[sflag:s0] =	ssyncset.done @!p0 $0x0  }
0x43b: {  	[sflag:s0] =	ssyncadd.s32 @!p0 s1  }
0x43c: {  	[bflag:$0x3] =	sbarrier.arrive $0xFFFF  }
0x43d: {  	_ =	shalt  }

</sc_bundles>
